<compile_context>
chip_gen: v7x
topology: tpu7x:2x2x1
jax: 0.10.2.dev20260603
libtpu: 0.0.44.dev20260713+nightly
codegen_flags: <defaults>
</compile_context>

<pallas_src>
import jax
import jax.numpy as jnp
from jax import lax
from jax.experimental import pallas as pl
from jax.experimental.pallas import tpu as pltpu
from jax.experimental.pallas import tpu_sc as plsc

NC, NS, L = 2, 16, 16
NW = NC * NS
B = 16384
NEG = 50
DIM = 64
NT = 1000
NTP = 1024
NPAIR = DIM // 2
TWORDS = NPAIR * NTP
REP_OFF = TWORDS + 8
BPW = B // NW
C = 128
NCHUNK = BPW // C


def _rsqrt(x, iters=2):
    i = lax.bitcast_convert_type(x, jnp.int32)
    i = jnp.int32(0x5F3759DF) - lax.shift_right_logical(i, 1)
    y = lax.bitcast_convert_type(i, jnp.float32)
    for _ in range(iters):
        y = y * (1.5 - 0.5 * x * y * y)
    return y


_GATHER_DNUMS = lax.GatherDimensionNumbers(
    offset_dims=(), collapsed_slice_dims=(0,), start_index_map=(0,))


def _lane_gather(vec, idx):
    return lax.gather(vec, idx[:, None], _GATHER_DNUMS, (1,),
                      mode=lax.GatherScatterMode.PROMISE_IN_BOUNDS)


def _unpack_lo(w):
    return lax.bitcast_convert_type(lax.shift_left(w, 16), jnp.float32)


def _unpack_hi(w):
    return lax.bitcast_convert_type(w, jnp.float32)


def _sc_kernel(ttb_hbm, ent_hbm, et_hbm, table_hbm, out_hbm,
               ttb_v, inv_t_v, idx_v, rows_v, et_v, out_v, sem):
    wid = lax.axis_index("s") * NC + lax.axis_index("c")

    pltpu.sync_copy(ttb_hbm, ttb_v)

    def tnorm_body(cb, _):
        acc = jnp.zeros((L,), jnp.float32)
        for j2 in range(NPAIR):
            w = ttb_v[pl.ds(j2 * NTP + cb * L, L)]
            lo = _unpack_lo(w)
            hi = _unpack_hi(w)
            acc = acc + lo * lo + hi * hi
        inv_t_v[pl.ds(cb * L, L)] = _rsqrt(jnp.maximum(acc, 1e-24), 3)
        return 0
    lax.fori_loop(0, NTP // L, tnorm_body, 0)

    lane_consts = [jnp.full((L,), i, jnp.int32) for i in range(L)]
    rep_off = jnp.where(jnp.bitwise_and(lax.iota(jnp.int32, L), 1) == 1,
                        jnp.int32(REP_OFF), jnp.int32(0))

    def chunk_body(cnk, _):
        base = wid * BPW + cnk * C
        pltpu.sync_copy(ent_hbm.at[pl.ds(base, C)], idx_v)
        pltpu.sync_copy(et_hbm.at[pl.ds(base * NEG, C * NEG)],
                        et_v.at[pl.ds(0, C * NEG)])
        cp = pltpu.async_copy(table_hbm.at[idx_v], rows_v, sem)
        et_v[pl.ds(C * NEG, L)] = jnp.zeros((L,), jnp.int32)
        cp.wait()

        def b_body(b, _):
            ev = [rows_v[b, pl.ds(k * L, L)] for k in range(DIM // L)]
            sq = ev[0] * ev[0] + ev[1] * ev[1] + ev[2] * ev[2] + ev[3] * ev[3]
            tot = _lane_gather(plsc.cumsum(sq), lane_consts[L - 1])
            inv_e_b = _rsqrt(jnp.maximum(tot, 1e-24), 3)

            off = b * NEG
            tvecs = [et_v[pl.ds(off + g * L, L)] for g in range(4)]
            tadrs = [tv + rep_off for tv in tvecs]
            acc_e = [jnp.zeros((L,), jnp.float32) for _ in range(4)]
            acc_o = [jnp.zeros((L,), jnp.float32) for _ in range(4)]
            for j2 in range(NPAIR):
                e_even = _lane_gather(ev[j2 // 8], lane_consts[(2 * j2) % L])
                e_odd = _lane_gather(ev[j2 // 8], lane_consts[(2 * j2 + 1) % L])
                for g in range(4):
                    w = plsc.load_gather(ttb_v, [tadrs[g] + (j2 * NTP)])
                    acc_e[g] = acc_e[g] + _unpack_lo(w) * e_even
                    acc_o[g] = acc_o[g] + _unpack_hi(w) * e_odd
            for g in range(4):
                itv = plsc.load_gather(inv_t_v, [tvecs[g]])
                d = (acc_e[g] + acc_o[g]) * itv * inv_e_b
                s = jnp.maximum(2.0 - 2.0 * d, 0.0)
                out_v[pl.ds(off + g * L, L)] = s * _rsqrt(
                    jnp.maximum(s, 1e-30))
            return 0
        lax.fori_loop(0, C, b_body, 0)

        pltpu.sync_copy(out_v.at[pl.ds(0, C * NEG)],
                        out_hbm.at[pl.ds(base * NEG, C * NEG)])
        return 0
    lax.fori_loop(0, NCHUNK, chunk_body, 0)


def kernel(ent, ent_type, batch_type, ent_table, type_table):
    tt = jnp.pad(type_table.astype(jnp.float32).T, ((0, 0), (0, NTP - NT)))
    ttb1 = lax.bitcast_convert_type(
        tt.astype(jnp.bfloat16).reshape(NPAIR, 2, NTP).transpose(0, 2, 1),
        jnp.int32).reshape(-1)
    ttb = jnp.concatenate(
        [ttb1, jnp.zeros((8,), jnp.int32), ttb1])
    ent_i = ent.astype(jnp.int32)
    et_flat = ent_type.astype(jnp.int32).reshape(-1)

    mesh = plsc.VectorSubcoreMesh(core_axis_name="c", subcore_axis_name="s",
                                  num_cores=NC, num_subcores=NS)
    run = pl.kernel(
        _sc_kernel,
        out_type=jax.ShapeDtypeStruct((B * NEG,), jnp.float32),
        mesh=mesh,
        compiler_params=pltpu.CompilerParams(needs_layout_passes=False,
                                             use_tc_tiling_on_sc=False),
        scratch_types=[
            pltpu.VMEM((2 * TWORDS + 8,), jnp.int32),
            pltpu.VMEM((NTP,), jnp.float32),
            pltpu.VMEM((C,), jnp.int32),
            pltpu.VMEM((C, DIM), jnp.float32),
            pltpu.VMEM((C * NEG + L,), jnp.int32),
            pltpu.VMEM((C * NEG + L,), jnp.float32),
            pltpu.SemaphoreType.DMA,
        ],
    )
    out = run(ttb, ent_i, et_flat, ent_table.astype(jnp.float32))
    return out.reshape(B, NEG)

# --- scband reference (transcript-rebuilt; emitter-appended) ---
"""Pipeline reference for scband-type-model-transe-9509057593806 (READ-ONLY COPY).

The authoritative reference and input builder live on the scoring server;
editing this copy changes nothing except your own understanding.
"""

import jax, jax.numpy as jnp
import numpy as np

NUM_ENT = 1000000
NUM_TYPE = 1000
DIM = 64
BATCH = 16384
NEG = 50

def _l2_normalize(x, eps=1e-12):
    # matches torch.nn.functional.normalize(p=2, dim=-1)
    norm = jnp.linalg.norm(x, ord=2, axis=-1, keepdims=True)
    return x / jnp.maximum(norm, eps)

def setup_inputs(seed: int = 0) -> dict:
    key = jax.random.key(seed)
    k1, k2, k3, k4 = jax.random.split(key, 4)
    ent = jax.random.randint(k1, (BATCH,), 0, NUM_ENT, dtype=jnp.int64 if jax.config.read('jax_enable_x64') else jnp.int32)
    ent_type = jax.random.randint(k2, (BATCH, NEG), 0, NUM_TYPE, dtype=jnp.int64 if jax.config.read('jax_enable_x64') else jnp.int32)
    ent_table = jax.random.normal(k3, (NUM_ENT, DIM), dtype=jnp.float32)
    type_table = jax.random.normal(k4, (NUM_TYPE, DIM), dtype=jnp.float32)
    return {"ent": ent, "ent_type": ent_type, "batch_type": 1, "ent_table": ent_table, "type_table": type_table}

def reference(ent, ent_type, batch_type, ent_table, type_table):
    # batch_type != SINGLE path (negative-sampling branch)
    bs, neg = ent_type.shape
    ent_e = jnp.take(ent_table, ent, axis=0)[:, None, :]              # [B, 1, d]
    type_e = jnp.take(type_table, ent_type.reshape(-1), axis=0)
    type_e = type_e.reshape(bs, neg, -1)                               # [B, neg, d]
    ent_e = _l2_normalize(ent_e)
    type_e = _l2_normalize(type_e)
    diff = ent_e - type_e
    score = jnp.sqrt(jnp.sum(diff * diff, axis=-1))                    # torch.norm(p=2, dim=-1)
    return score

if False:  # reference __main__ guard neutralized (emitter)
    out = reference(**setup_inputs())
    print(out.shape, out.dtype)

if __name__ == "__main__":
    import jax
    _d = setup_inputs()
    print(jax.jit(kernel)(*tuple(_d.values())))

</pallas_src>

<mosaic_0001>
#map = affine_map<(d0, d1) -> (0)>
#map1 = affine_map<(d0, d1) -> (0, 0)>
module attributes {stable_mosaic.version = 14 : i64} {
  func.func @_sc_kernel(%arg0: i32, %arg1: i32, %arg2: memref<65544xi32, #tpu.memory_space<hbm>>, %arg3: memref<16384xi32, #tpu.memory_space<hbm>>, %arg4: memref<819200xi32, #tpu.memory_space<hbm>>, %arg5: memref<1000000x64xf32, #tpu.memory_space<hbm>>, %arg6: memref<819200xf32, #tpu.memory_space<hbm>>, %arg7: memref<65544xi32, #tpu.memory_space<vmem>>, %arg8: memref<1024xf32, #tpu.memory_space<vmem>>, %arg9: memref<128xi32, #tpu.memory_space<vmem>>, %arg10: memref<128x64xf32, #tpu.memory_space<vmem>>, %arg11: memref<6416xi32, #tpu.memory_space<vmem>>, %arg12: memref<6416xf32, #tpu.memory_space<vmem>>, %arg13: memref<!tpu.dma_semaphore, #tpu.memory_space<semaphore_mem>>) attributes {dimension_semantics = [#tpu.dimension_semantics<core_parallel>, #tpu.dimension_semantics<subcore_parallel>], iteration_bounds = array<i64: 2, 16>, scalar_prefetch = 0 : i64, scratch_operands = 7 : i64, tpu.core_type = #tpu.core_type<sc_vector_subcore>, window_params = [{transform_indices = #map}, {transform_indices = #map}, {transform_indices = #map}, {transform_indices = #map1}, {transform_indices = #map}]} {
    %mul3A = arith.constant 2 : i32
    %mul3A_0 = arith.muli %arg1, %mul3A : i32
    %add3A = arith.addi %mul3A_0, %arg0 : i32
    "tpu.region"() ({
      %run_scoped3A = tpu.sem_alloc : memref<!tpu.dma_semaphore, #tpu.memory_space<semaphore_mem>>
      tpu.enqueue_dma source(%arg2 : memref<65544xi32, #tpu.memory_space<hbm>>) target(%arg7 : memref<65544xi32, #tpu.memory_space<vmem>>) target_semaphore(%run_scoped3A : memref<!tpu.dma_semaphore, #tpu.memory_space<semaphore_mem>>)
      tpu.wait_dma2 semaphore(%run_scoped3A : memref<!tpu.dma_semaphore, #tpu.memory_space<semaphore_mem>>) src(%arg2 : memref<65544xi32, #tpu.memory_space<hbm>>) dst(%arg7 : memref<65544xi32, #tpu.memory_space<vmem>>)
      tpu.yield
    }) : () -> ()
    %scan3A = arith.constant 0 : i32
    %scan3A_1 = arith.constant 0 : i32
    %scan3A_2 = arith.constant 64 : i32
    %scan3A_3 = arith.addi %scan3A_1, %scan3A_2 : i32
    %scan3A_4 = arith.constant 1 : i32
    %scan3A_5 = scf.for %scan3A_52 = %scan3A_1 to %scan3A_3 step %scan3A_4 iter_args(%scan3A_53 = %scan3A) -> (i32)  : i32 {
      %broadcast_in_dim3A_54 = arith.constant 0.000000e+00 : f32
      %broadcast_in_dim3A_55 = vector.broadcast %broadcast_in_dim3A_54 : f32 to vector<16xf32>
      %mul3A_56 = arith.constant 16 : i32
      %mul3A_57 = arith.muli %scan3A_52, %mul3A_56 : i32
      %add3A_58 = arith.constant 0 : i32
      %add3A_59 = arith.addi %add3A_58, %mul3A_57 : i32
      %get3A = arith.index_cast %add3A_59 : i32 to index
      %get3A_60 = tpu.vector_load %arg7[%get3A] {strides = array<i32>} : memref<65544xi32, #tpu.memory_space<vmem>>, vector<16xi32>,
      %shift_left3A = arith.constant 16 : i32
      %shift_left3A_61 = vector.broadcast %shift_left3A : i32 to vector<16xi32>
      %shift_left3A_62 = arith.shli %get3A_60, %shift_left3A_61 : vector<16xi32>
      %bitcast_convert_type3A = tpu.bitcast %shift_left3A_62 : vector<16xi32> -> vector<16xf32>
      %bitcast_convert_type3A_63 = tpu.bitcast %get3A_60 : vector<16xi32> -> vector<16xf32>
      %mul3A_64 = arith.mulf %bitcast_convert_type3A, %bitcast_convert_type3A : vector<16xf32>
      %add3A_65 = arith.addf %broadcast_in_dim3A_55, %mul3A_64 : vector<16xf32>
      %mul3A_66 = arith.mulf %bitcast_convert_type3A_63, %bitcast_convert_type3A_63 : vector<16xf32>
      %add3A_67 = arith.addf %add3A_65, %mul3A_66 : vector<16xf32>
      %mul3A_68 = arith.constant 16 : i32
      %mul3A_69 = arith.muli %scan3A_52, %mul3A_68 : i32
      %add3A_70 = arith.constant 1024 : i32
      %add3A_71 = arith.addi %add3A_70, %mul3A_69 : i32
      %get3A_72 = arith.index_cast %add3A_71 : i32 to index
      %get3A_73 = tpu.vector_load %arg7[%get3A_72] {strides = array<i32>} : memref<65544xi32, #tpu.memory_space<vmem>>, vector<16xi32>,
      %shift_left3A_74 = arith.constant 16 : i32
      %shift_left3A_75 = vector.broadcast %shift_left3A_74 : i32 to vector<16xi32>
      %shift_left3A_76 = arith.shli %get3A_73, %shift_left3A_75 : vector<16xi32>
      %bitcast_convert_type3A_77 = tpu.bitcast %shift_left3A_76 : vector<16xi32> -> vector<16xf32>
      %bitcast_convert_type3A_78 = tpu.bitcast %get3A_73 : vector<16xi32> -> vector<16xf32>
      %mul3A_79 = arith.mulf %bitcast_convert_type3A_77, %bitcast_convert_type3A_77 : vector<16xf32>
      %add3A_80 = arith.addf %add3A_67, %mul3A_79 : vector<16xf32>
      %mul3A_81 = arith.mulf %bitcast_convert_type3A_78, %bitcast_convert_type3A_78 : vector<16xf32>
      %add3A_82 = arith.addf %add3A_80, %mul3A_81 : vector<16xf32>
      %mul3A_83 = arith.constant 16 : i32
      %mul3A_84 = arith.muli %scan3A_52, %mul3A_83 : i32
      %add3A_85 = arith.constant 2048 : i32
      %add3A_86 = arith.addi %add3A_85, %mul3A_84 : i32
      %get3A_87 = arith.index_cast %add3A_86 : i32 to index
      %get3A_88 = tpu.vector_load %arg7[%get3A_87] {strides = array<i32>} : memref<65544xi32, #tpu.memory_space<vmem>>, vector<16xi32>,
      %shift_left3A_89 = arith.constant 16 : i32
      %shift_left3A_90 = vector.broadcast %shift_left3A_89 : i32 to vector<16xi32>
      %shift_left3A_91 = arith.shli %get3A_88, %shift_left3A_90 : vector<16xi32>
      %bitcast_convert_type3A_92 = tpu.bitcast %shift_left3A_91 : vector<16xi32> -> vector<16xf32>
      %bitcast_convert_type3A_93 = tpu.bitcast %get3A_88 : vector<16xi32> -> vector<16xf32>
      %mul3A_94 = arith.mulf %bitcast_convert_type3A_92, %bitcast_convert_type3A_92 : vector<16xf32>
      %add3A_95 = arith.addf %add3A_82, %mul3A_94 : vector<16xf32>
      %mul3A_96 = arith.mulf %bitcast_convert_type3A_93, %bitcast_convert_type3A_93 : vector<16xf32>
      %add3A_97 = arith.addf %add3A_95, %mul3A_96 : vector<16xf32>
      %mul3A_98 = arith.constant 16 : i32
      %mul3A_99 = arith.muli %scan3A_52, %mul3A_98 : i32
      %add3A_100 = arith.constant 3072 : i32
      %add3A_101 = arith.addi %add3A_100, %mul3A_99 : i32
      %get3A_102 = arith.index_cast %add3A_101 : i32 to index
      %get3A_103 = tpu.vector_load %arg7[%get3A_102] {strides = array<i32>} : memref<65544xi32, #tpu.memory_space<vmem>>, vector<16xi32>,
      %shift_left3A_104 = arith.constant 16 : i32
      %shift_left3A_105 = vector.broadcast %shift_left3A_104 : i32 to vector<16xi32>
      %shift_left3A_106 = arith.shli %get3A_103, %shift_left3A_105 : vector<16xi32>
      %bitcast_convert_type3A_107 = tpu.bitcast %shift_left3A_106 : vector<16xi32> -> vector<16xf32>
      %bitcast_convert_type3A_108 = tpu.bitcast %get3A_103 : vector<16xi32> -> vector<16xf32>
      %mul3A_109 = arith.mulf %bitcast_convert_type3A_107, %bitcast_convert_type3A_107 : vector<16xf32>
      %add3A_110 = arith.addf %add3A_97, %mul3A_109 : vector<16xf32>
      %mul3A_111 = arith.mulf %bitcast_convert_type3A_108, %bitcast_convert_type3A_108 : vector<16xf32>
      %add3A_112 = arith.addf %add3A_110, %mul3A_111 : vector<16xf32>
      %mul3A_113 = arith.constant 16 : i32
      %mul3A_114 = arith.muli %scan3A_52, %mul3A_113 : i32
      %add3A_115 = arith.constant 4096 : i32
      %add3A_116 = arith.addi %add3A_115, %mul3A_114 : i32
      %get3A_117 = arith.index_cast %add3A_116 : i32 to index
      %get3A_118 = tpu.vector_load %arg7[%get3A_117] {strides = array<i32>} : memref<65544xi32, #tpu.memory_space<vmem>>, vector<16xi32>,
      %shift_left3A_119 = arith.constant 16 : i32
      %shift_left3A_120 = vector.broadcast %shift_left3A_119 : i32 to vector<16xi32>
      %shift_left3A_121 = arith.shli %get3A_118, %shift_left3A_120 : vector<16xi32>
      %bitcast_convert_type3A_122 = tpu.bitcast %shift_left3A_121 : vector<16xi32> -> vector<16xf32>
      %bitcast_convert_type3A_123 = tpu.bitcast %get3A_118 : vector<16xi32> -> vector<16xf32>
      %mul3A_124 = arith.mulf %bitcast_convert_type3A_122, %bitcast_convert_type3A_122 : vector<16xf32>
      %add3A_125 = arith.addf %add3A_112, %mul3A_124 : vector<16xf32>
      %mul3A_126 = arith.mulf %bitcast_convert_type3A_123, %bitcast_convert_type3A_123 : vector<16xf32>
      %add3A_127 = arith.addf %add3A_125, %mul3A_126 : vector<16xf32>
      %mul3A_128 = arith.constant 16 : i32
      %mul3A_129 = arith.muli %scan3A_52, %mul3A_128 : i32
      %add3A_130 = arith.constant 5120 : i32
      %add3A_131 = arith.addi %add3A_130, %mul3A_129 : i32
      %get3A_132 = arith.index_cast %add3A_131 : i32 to index
      %get3A_133 = tpu.vector_load %arg7[%get3A_132] {strides = array<i32>} : memref<65544xi32, #tpu.memory_space<vmem>>, vector<16xi32>,
      %shift_left3A_134 = arith.constant 16 : i32
      %shift_left3A_135 = vector.broadcast %shift_left3A_134 : i32 to vector<16xi32>
      %shift_left3A_136 = arith.shli %get3A_133, %shift_left3A_135 : vector<16xi32>
      %bitcast_convert_type3A_137 = tpu.bitcast %shift_left3A_136 : vector<16xi32> -> vector<16xf32>
      %bitcast_convert_type3A_138 = tpu.bitcast %get3A_133 : vector<16xi32> -> vector<16xf32>
      %mul3A_139 = arith.mulf %bitcast_convert_type3A_137, %bitcast_convert_type3A_137 : vector<16xf32>
      %add3A_140 = arith.addf %add3A_127, %mul3A_139 : vector<16xf32>
      %mul3A_141 = arith.mulf %bitcast_convert_type3A_138, %bitcast_convert_type3A_138 : vector<16xf32>
      %add3A_142 = arith.addf %add3A_140, %mul3A_141 : vector<16xf32>
      %mul3A_143 = arith.constant 16 : i32
      %mul3A_144 = arith.muli %scan3A_52, %mul3A_143 : i32
      %add3A_145 = arith.constant 6144 : i32
      %add3A_146 = arith.addi %add3A_145, %mul3A_144 : i32
      %get3A_147 = arith.index_cast %add3A_146 : i32 to index
      %get3A_148 = tpu.vector_load %arg7[%get3A_147] {strides = array<i32>} : memref<65544xi32, #tpu.memory_space<vmem>>, vector<16xi32>,
      %shift_left3A_149 = arith.constant 16 : i32
      %shift_left3A_150 = vector.broadcast %shift_left3A_149 : i32 to vector<16xi32>
      %shift_left3A_151 = arith.shli %get3A_148, %shift_left3A_150 : vector<16xi32>
      %bitcast_convert_type3A_152 = tpu.bitcast %shift_left3A_151 : vector<16xi32> -> vector<16xf32>
      %bitcast_convert_type3A_153 = tpu.bitcast %get3A_148 : vector<16xi32> -> vector<16xf32>
      %mul3A_154 = arith.mulf %bitcast_convert_type3A_152, %bitcast_convert_type3A_152 : vector<16xf32>
      %add3A_155 = arith.addf %add3A_142, %mul3A_154 : vector<16xf32>
      %mul3A_156 = arith.mulf %bitcast_convert_type3A_153, %bitcast_convert_type3A_153 : vector<16xf32>
      %add3A_157 = arith.addf %add3A_155, %mul3A_156 : vector<16xf32>
      %mul3A_158 = arith.constant 16 : i32
      %mul3A_159 = arith.muli %scan3A_52, %mul3A_158 : i32
      %add3A_160 = arith.constant 7168 : i32
      %add3A_161 = arith.addi %add3A_160, %mul3A_159 : i32
      %get3A_162 = arith.index_cast %add3A_161 : i32 to index
      %get3A_163 = tpu.vector_load %arg7[%get3A_162] {strides = array<i32>} : memref<65544xi32, #tpu.memory_space<vmem>>, vector<16xi32>,
      %shift_left3A_164 = arith.constant 16 : i32
      %shift_left3A_165 = vector.broadcast %shift_left3A_164 : i32 to vector<16xi32>
      %shift_left3A_166 = arith.shli %get3A_163, %shift_left3A_165 : vector<16xi32>
      %bitcast_convert_type3A_167 = tpu.bitcast %shift_left3A_166 : vector<16xi32> -> vector<16xf32>
      %bitcast_convert_type3A_168 = tpu.bitcast %get3A_163 : vector<16xi32> -> vector<16xf32>
      %mul3A_169 = arith.mulf %bitcast_convert_type3A_167, %bitcast_convert_type3A_167 : vector<16xf32>
      %add3A_170 = arith.addf %add3A_157, %mul3A_169 : vector<16xf32>
      %mul3A_171 = arith.mulf %bitcast_convert_type3A_168, %bitcast_convert_type3A_168 : vector<16xf32>
      %add3A_172 = arith.addf %add3A_170, %mul3A_171 : vector<16xf32>
      %mul3A_173 = arith.constant 16 : i32
      %mul3A_174 = arith.muli %scan3A_52, %mul3A_173 : i32
      %add3A_175 = arith.constant 8192 : i32
      %add3A_176 = arith.addi %add3A_175, %mul3A_174 : i32
      %get3A_177 = arith.index_cast %add3A_176 : i32 to index
      %get3A_178 = tpu.vector_load %arg7[%get3A_177] {strides = array<i32>} : memref<65544xi32, #tpu.memory_space<vmem>>, vector<16xi32>,
      %shift_left3A_179 = arith.constant 16 : i32
      %shift_left3A_180 = vector.broadcast %shift_left3A_179 : i32 to vector<16xi32>
      %shift_left3A_181 = arith.shli %get3A_178, %shift_left3A_180 : vector<16xi32>
      %bitcast_convert_type3A_182 = tpu.bitcast %shift_left3A_181 : vector<16xi32> -> vector<16xf32>
      %bitcast_convert_type3A_183 = tpu.bitcast %get3A_178 : vector<16xi32> -> vector<16xf32>
      %mul3A_184 = arith.mulf %bitcast_convert_type3A_182, %bitcast_convert_type3A_182 : vector<16xf32>
      %add3A_185 = arith.addf %add3A_172, %mul3A_184 : vector<16xf32>
      %mul3A_186 = arith.mulf %bitcast_convert_type3A_183, %bitcast_convert_type3A_183 : vector<16xf32>
      %add3A_187 = arith.addf %add3A_185, %mul3A_186 : vector<16xf32>
      %mul3A_188 = arith.constant 16 : i32
      %mul3A_189 = arith.muli %scan3A_52, %mul3A_188 : i32
      %add3A_190 = arith.constant 9216 : i32
      %add3A_191 = arith.addi %add3A_190, %mul3A_189 : i32
      %get3A_192 = arith.index_cast %add3A_191 : i32 to index
      %get3A_193 = tpu.vector_load %arg7[%get3A_192] {strides = array<i32>} : memref<65544xi32, #tpu.memory_space<vmem>>, vector<16xi32>,
      %shift_left3A_194 = arith.constant 16 : i32
      %shift_left3A_195 = vector.broadcast %shift_left3A_194 : i32 to vector<16xi32>
      %shift_left3A_196 = arith.shli %get3A_193, %shift_left3A_195 : vector<16xi32>
      %bitcast_convert_type3A_197 = tpu.bitcast %shift_left3A_196 : vector<16xi32> -> vector<16xf32>
      %bitcast_convert_type3A_198 = tpu.bitcast %get3A_193 : vector<16xi32> -> vector<16xf32>
      %mul3A_199 = arith.mulf %bitcast_convert_type3A_197, %bitcast_convert_type3A_197 : vector<16xf32>
      %add3A_200 = arith.addf %add3A_187, %mul3A_199 : vector<16xf32>
      %mul3A_201 = arith.mulf %bitcast_convert_type3A_198, %bitcast_convert_type3A_198 : vector<16xf32>
      %add3A_202 = arith.addf %add3A_200, %mul3A_201 : vector<16xf32>
      %mul3A_203 = arith.constant 16 : i32
      %mul3A_204 = arith.muli %scan3A_52, %mul3A_203 : i32
      %add3A_205 = arith.constant 10240 : i32
      %add3A_206 = arith.addi %add3A_205, %mul3A_204 : i32
      %get3A_207 = arith.index_cast %add3A_206 : i32 to index
      %get3A_208 = tpu.vector_load %arg7[%get3A_207] {strides = array<i32>} : memref<65544xi32, #tpu.memory_space<vmem>>, vector<16xi32>,
      %shift_left3A_209 = arith.constant 16 : i32
      %shift_left3A_210 = vector.broadcast %shift_left3A_209 : i32 to vector<16xi32>
      %shift_left3A_211 = arith.shli %get3A_208, %shift_left3A_210 : vector<16xi32>
      %bitcast_convert_type3A_212 = tpu.bitcast %shift_left3A_211 : vector<16xi32> -> vector<16xf32>
      %bitcast_convert_type3A_213 = tpu.bitcast %get3A_208 : vector<16xi32> -> vector<16xf32>
      %mul3A_214 = arith.mulf %bitcast_convert_type3A_212, %bitcast_convert_type3A_212 : vector<16xf32>
      %add3A_215 = arith.addf %add3A_202, %mul3A_214 : vector<16xf32>
      %mul3A_216 = arith.mulf %bitcast_convert_type3A_213, %bitcast_convert_type3A_213 : vector<16xf32>
      %add3A_217 = arith.addf %add3A_215, %mul3A_216 : vector<16xf32>
      %mul3A_218 = arith.constant 16 : i32
      %mul3A_219 = arith.muli %scan3A_52, %mul3A_218 : i32
      %add3A_220 = arith.constant 11264 : i32
      %add3A_221 = arith.addi %add3A_220, %mul3A_219 : i32
      %get3A_222 = arith.index_cast %add3A_221 : i32 to index
      %get3A_223 = tpu.vector_load %arg7[%get3A_222] {strides = array<i32>} : memref<65544xi32, #tpu.memory_space<vmem>>, vector<16xi32>,
      %shift_left3A_224 = arith.constant 16 : i32
      %shift_left3A_225 = vector.broadcast %shift_left3A_224 : i32 to vector<16xi32>
      %shift_left3A_226 = arith.shli %get3A_223, %shift_left3A_225 : vector<16xi32>
      %bitcast_convert_type3A_227 = tpu.bitcast %shift_left3A_226 : vector<16xi32> -> vector<16xf32>
      %bitcast_convert_type3A_228 = tpu.bitcast %get3A_223 : vector<16xi32> -> vector<16xf32>
      %mul3A_229 = arith.mulf %bitcast_convert_type3A_227, %bitcast_convert_type3A_227 : vector<16xf32>
      %add3A_230 = arith.addf %add3A_217, %mul3A_229 : vector<16xf32>
      %mul3A_231 = arith.mulf %bitcast_convert_type3A_228, %bitcast_convert_type3A_228 : vector<16xf32>
      %add3A_232 = arith.addf %add3A_230, %mul3A_231 : vector<16xf32>
      %mul3A_233 = arith.constant 16 : i32
      %mul3A_234 = arith.muli %scan3A_52, %mul3A_233 : i32
      %add3A_235 = arith.constant 12288 : i32
      %add3A_236 = arith.addi %add3A_235, %mul3A_234 : i32
      %get3A_237 = arith.index_cast %add3A_236 : i32 to index
      %get3A_238 = tpu.vector_load %arg7[%get3A_237] {strides = array<i32>} : memref<65544xi32, #tpu.memory_space<vmem>>, vector<16xi32>,
      %shift_left3A_239 = arith.constant 16 : i32
      %shift_left3A_240 = vector.broadcast %shift_left3A_239 : i32 to vector<16xi32>
      %shift_left3A_241 = arith.shli %get3A_238, %shift_left3A_240 : vector<16xi32>
      %bitcast_convert_type3A_242 = tpu.bitcast %shift_left3A_241 : vector<16xi32> -> vector<16xf32>
      %bitcast_convert_type3A_243 = tpu.bitcast %get3A_238 : vector<16xi32> -> vector<16xf32>
      %mul3A_244 = arith.mulf %bitcast_convert_type3A_242, %bitcast_convert_type3A_242 : vector<16xf32>
      %add3A_245 = arith.addf %add3A_232, %mul3A_244 : vector<16xf32>
      %mul3A_246 = arith.mulf %bitcast_convert_type3A_243, %bitcast_convert_type3A_243 : vector<16xf32>
      %add3A_247 = arith.addf %add3A_245, %mul3A_246 : vector<16xf32>
      %mul3A_248 = arith.constant 16 : i32
      %mul3A_249 = arith.muli %scan3A_52, %mul3A_248 : i32
      %add3A_250 = arith.constant 13312 : i32
      %add3A_251 = arith.addi %add3A_250, %mul3A_249 : i32
      %get3A_252 = arith.index_cast %add3A_251 : i32 to index
      %get3A_253 = tpu.vector_load %arg7[%get3A_252] {strides = array<i32>} : memref<65544xi32, #tpu.memory_space<vmem>>, vector<16xi32>,
      %shift_left3A_254 = arith.constant 16 : i32
      %shift_left3A_255 = vector.broadcast %shift_left3A_254 : i32 to vector<16xi32>
      %shift_left3A_256 = arith.shli %get3A_253, %shift_left3A_255 : vector<16xi32>
      %bitcast_convert_type3A_257 = tpu.bitcast %shift_left3A_256 : vector<16xi32> -> vector<16xf32>
      %bitcast_convert_type3A_258 = tpu.bitcast %get3A_253 : vector<16xi32> -> vector<16xf32>
      %mul3A_259 = arith.mulf %bitcast_convert_type3A_257, %bitcast_convert_type3A_257 : vector<16xf32>
      %add3A_260 = arith.addf %add3A_247, %mul3A_259 : vector<16xf32>
      %mul3A_261 = arith.mulf %bitcast_convert_type3A_258, %bitcast_convert_type3A_258 : vector<16xf32>
      %add3A_262 = arith.addf %add3A_260, %mul3A_261 : vector<16xf32>
      %mul3A_263 = arith.constant 16 : i32
      %mul3A_264 = arith.muli %scan3A_52, %mul3A_263 : i32
      %add3A_265 = arith.constant 14336 : i32
      %add3A_266 = arith.addi %add3A_265, %mul3A_264 : i32
      %get3A_267 = arith.index_cast %add3A_266 : i32 to index
      %get3A_268 = tpu.vector_load %arg7[%get3A_267] {strides = array<i32>} : memref<65544xi32, #tpu.memory_space<vmem>>, vector<16xi32>,
      %shift_left3A_269 = arith.constant 16 : i32
      %shift_left3A_270 = vector.broadcast %shift_left3A_269 : i32 to vector<16xi32>
      %shift_left3A_271 = arith.shli %get3A_268, %shift_left3A_270 : vector<16xi32>
      %bitcast_convert_type3A_272 = tpu.bitcast %shift_left3A_271 : vector<16xi32> -> vector<16xf32>
      %bitcast_convert_type3A_273 = tpu.bitcast %get3A_268 : vector<16xi32> -> vector<16xf32>
      %mul3A_274 = arith.mulf %bitcast_convert_type3A_272, %bitcast_convert_type3A_272 : vector<16xf32>
      %add3A_275 = arith.addf %add3A_262, %mul3A_274 : vector<16xf32>
      %mul3A_276 = arith.mulf %bitcast_convert_type3A_273, %bitcast_convert_type3A_273 : vector<16xf32>
      %add3A_277 = arith.addf %add3A_275, %mul3A_276 : vector<16xf32>
      %mul3A_278 = arith.constant 16 : i32
      %mul3A_279 = arith.muli %scan3A_52, %mul3A_278 : i32
      %add3A_280 = arith.constant 15360 : i32
      %add3A_281 = arith.addi %add3A_280, %mul3A_279 : i32
      %get3A_282 = arith.index_cast %add3A_281 : i32 to index
      %get3A_283 = tpu.vector_load %arg7[%get3A_282] {strides = array<i32>} : memref<65544xi32, #tpu.memory_space<vmem>>, vector<16xi32>,
      %shift_left3A_284 = arith.constant 16 : i32
      %shift_left3A_285 = vector.broadcast %shift_left3A_284 : i32 to vector<16xi32>
      %shift_left3A_286 = arith.shli %get3A_283, %shift_left3A_285 : vector<16xi32>
      %bitcast_convert_type3A_287 = tpu.bitcast %shift_left3A_286 : vector<16xi32> -> vector<16xf32>
      %bitcast_convert_type3A_288 = tpu.bitcast %get3A_283 : vector<16xi32> -> vector<16xf32>
      %mul3A_289 = arith.mulf %bitcast_convert_type3A_287, %bitcast_convert_type3A_287 : vector<16xf32>
      %add3A_290 = arith.addf %add3A_277, %mul3A_289 : vector<16xf32>
      %mul3A_291 = arith.mulf %bitcast_convert_type3A_288, %bitcast_convert_type3A_288 : vector<16xf32>
      %add3A_292 = arith.addf %add3A_290, %mul3A_291 : vector<16xf32>
      %mul3A_293 = arith.constant 16 : i32
      %mul3A_294 = arith.muli %scan3A_52, %mul3A_293 : i32
      %add3A_295 = arith.constant 16384 : i32
      %add3A_296 = arith.addi %add3A_295, %mul3A_294 : i32
      %get3A_297 = arith.index_cast %add3A_296 : i32 to index
      %get3A_298 = tpu.vector_load %arg7[%get3A_297] {strides = array<i32>} : memref<65544xi32, #tpu.memory_space<vmem>>, vector<16xi32>,
      %shift_left3A_299 = arith.constant 16 : i32
      %shift_left3A_300 = vector.broadcast %shift_left3A_299 : i32 to vector<16xi32>
      %shift_left3A_301 = arith.shli %get3A_298, %shift_left3A_300 : vector<16xi32>
      %bitcast_convert_type3A_302 = tpu.bitcast %shift_left3A_301 : vector<16xi32> -> vector<16xf32>
      %bitcast_convert_type3A_303 = tpu.bitcast %get3A_298 : vector<16xi32> -> vector<16xf32>
      %mul3A_304 = arith.mulf %bitcast_convert_type3A_302, %bitcast_convert_type3A_302 : vector<16xf32>
      %add3A_305 = arith.addf %add3A_292, %mul3A_304 : vector<16xf32>
      %mul3A_306 = arith.mulf %bitcast_convert_type3A_303, %bitcast_convert_type3A_303 : vector<16xf32>
      %add3A_307 = arith.addf %add3A_305, %mul3A_306 : vector<16xf32>
      %mul3A_308 = arith.constant 16 : i32
      %mul3A_309 = arith.muli %scan3A_52, %mul3A_308 : i32
      %add3A_310 = arith.constant 17408 : i32
      %add3A_311 = arith.addi %add3A_310, %mul3A_309 : i32
      %get3A_312 = arith.index_cast %add3A_311 : i32 to index
      %get3A_313 = tpu.vector_load %arg7[%get3A_312] {strides = array<i32>} : memref<65544xi32, #tpu.memory_space<vmem>>, vector<16xi32>,
      %shift_left3A_314 = arith.constant 16 : i32
      %shift_left3A_315 = vector.broadcast %shift_left3A_314 : i32 to vector<16xi32>
      %shift_left3A_316 = arith.shli %get3A_313, %shift_left3A_315 : vector<16xi32>
      %bitcast_convert_type3A_317 = tpu.bitcast %shift_left3A_316 : vector<16xi32> -> vector<16xf32>
      %bitcast_convert_type3A_318 = tpu.bitcast %get3A_313 : vector<16xi32> -> vector<16xf32>
      %mul3A_319 = arith.mulf %bitcast_convert_type3A_317, %bitcast_convert_type3A_317 : vector<16xf32>
      %add3A_320 = arith.addf %add3A_307, %mul3A_319 : vector<16xf32>
      %mul3A_321 = arith.mulf %bitcast_convert_type3A_318, %bitcast_convert_type3A_318 : vector<16xf32>
      %add3A_322 = arith.addf %add3A_320, %mul3A_321 : vector<16xf32>
      %mul3A_323 = arith.constant 16 : i32
      %mul3A_324 = arith.muli %scan3A_52, %mul3A_323 : i32
      %add3A_325 = arith.constant 18432 : i32
      %add3A_326 = arith.addi %add3A_325, %mul3A_324 : i32
      %get3A_327 = arith.index_cast %add3A_326 : i32 to index
      %get3A_328 = tpu.vector_load %arg7[%get3A_327] {strides = array<i32>} : memref<65544xi32, #tpu.memory_space<vmem>>, vector<16xi32>,
      %shift_left3A_329 = arith.constant 16 : i32
      %shift_left3A_330 = vector.broadcast %shift_left3A_329 : i32 to vector<16xi32>
      %shift_left3A_331 = arith.shli %get3A_328, %shift_left3A_330 : vector<16xi32>
      %bitcast_convert_type3A_332 = tpu.bitcast %shift_left3A_331 : vector<16xi32> -> vector<16xf32>
      %bitcast_convert_type3A_333 = tpu.bitcast %get3A_328 : vector<16xi32> -> vector<16xf32>
      %mul3A_334 = arith.mulf %bitcast_convert_type3A_332, %bitcast_convert_type3A_332 : vector<16xf32>
      %add3A_335 = arith.addf %add3A_322, %mul3A_334 : vector<16xf32>
      %mul3A_336 = arith.mulf %bitcast_convert_type3A_333, %bitcast_convert_type3A_333 : vector<16xf32>
      %add3A_337 = arith.addf %add3A_335, %mul3A_336 : vector<16xf32>
      %mul3A_338 = arith.constant 16 : i32
      %mul3A_339 = arith.muli %scan3A_52, %mul3A_338 : i32
      %add3A_340 = arith.constant 19456 : i32
      %add3A_341 = arith.addi %add3A_340, %mul3A_339 : i32
      %get3A_342 = arith.index_cast %add3A_341 : i32 to index
      %get3A_343 = tpu.vector_load %arg7[%get3A_342] {strides = array<i32>} : memref<65544xi32, #tpu.memory_space<vmem>>, vector<16xi32>,
      %shift_left3A_344 = arith.constant 16 : i32
      %shift_left3A_345 = vector.broadcast %shift_left3A_344 : i32 to vector<16xi32>
      %shift_left3A_346 = arith.shli %get3A_343, %shift_left3A_345 : vector<16xi32>
      %bitcast_convert_type3A_347 = tpu.bitcast %shift_left3A_346 : vector<16xi32> -> vector<16xf32>
      %bitcast_convert_type3A_348 = tpu.bitcast %get3A_343 : vector<16xi32> -> vector<16xf32>
      %mul3A_349 = arith.mulf %bitcast_convert_type3A_347, %bitcast_convert_type3A_347 : vector<16xf32>
      %add3A_350 = arith.addf %add3A_337, %mul3A_349 : vector<16xf32>
      %mul3A_351 = arith.mulf %bitcast_convert_type3A_348, %bitcast_convert_type3A_348 : vector<16xf32>
      %add3A_352 = arith.addf %add3A_350, %mul3A_351 : vector<16xf32>
      %mul3A_353 = arith.constant 16 : i32
      %mul3A_354 = arith.muli %scan3A_52, %mul3A_353 : i32
      %add3A_355 = arith.constant 20480 : i32
      %add3A_356 = arith.addi %add3A_355, %mul3A_354 : i32
      %get3A_357 = arith.index_cast %add3A_356 : i32 to index
      %get3A_358 = tpu.vector_load %arg7[%get3A_357] {strides = array<i32>} : memref<65544xi32, #tpu.memory_space<vmem>>, vector<16xi32>,
      %shift_left3A_359 = arith.constant 16 : i32
      %shift_left3A_360 = vector.broadcast %shift_left3A_359 : i32 to vector<16xi32>
      %shift_left3A_361 = arith.shli %get3A_358, %shift_left3A_360 : vector<16xi32>
      %bitcast_convert_type3A_362 = tpu.bitcast %shift_left3A_361 : vector<16xi32> -> vector<16xf32>
      %bitcast_convert_type3A_363 = tpu.bitcast %get3A_358 : vector<16xi32> -> vector<16xf32>
      %mul3A_364 = arith.mulf %bitcast_convert_type3A_362, %bitcast_convert_type3A_362 : vector<16xf32>
      %add3A_365 = arith.addf %add3A_352, %mul3A_364 : vector<16xf32>
      %mul3A_366 = arith.mulf %bitcast_convert_type3A_363, %bitcast_convert_type3A_363 : vector<16xf32>
      %add3A_367 = arith.addf %add3A_365, %mul3A_366 : vector<16xf32>
      %mul3A_368 = arith.constant 16 : i32
      %mul3A_369 = arith.muli %scan3A_52, %mul3A_368 : i32
      %add3A_370 = arith.constant 21504 : i32
      %add3A_371 = arith.addi %add3A_370, %mul3A_369 : i32
      %get3A_372 = arith.index_cast %add3A_371 : i32 to index
      %get3A_373 = tpu.vector_load %arg7[%get3A_372] {strides = array<i32>} : memref<65544xi32, #tpu.memory_space<vmem>>, vector<16xi32>,
      %shift_left3A_374 = arith.constant 16 : i32
      %shift_left3A_375 = vector.broadcast %shift_left3A_374 : i32 to vector<16xi32>
      %shift_left3A_376 = arith.shli %get3A_373, %shift_left3A_375 : vector<16xi32>
      %bitcast_convert_type3A_377 = tpu.bitcast %shift_left3A_376 : vector<16xi32> -> vector<16xf32>
      %bitcast_convert_type3A_378 = tpu.bitcast %get3A_373 : vector<16xi32> -> vector<16xf32>
      %mul3A_379 = arith.mulf %bitcast_convert_type3A_377, %bitcast_convert_type3A_377 : vector<16xf32>
      %add3A_380 = arith.addf %add3A_367, %mul3A_379 : vector<16xf32>
      %mul3A_381 = arith.mulf %bitcast_convert_type3A_378, %bitcast_convert_type3A_378 : vector<16xf32>
      %add3A_382 = arith.addf %add3A_380, %mul3A_381 : vector<16xf32>
      %mul3A_383 = arith.constant 16 : i32
      %mul3A_384 = arith.muli %scan3A_52, %mul3A_383 : i32
      %add3A_385 = arith.constant 22528 : i32
      %add3A_386 = arith.addi %add3A_385, %mul3A_384 : i32
      %get3A_387 = arith.index_cast %add3A_386 : i32 to index
      %get3A_388 = tpu.vector_load %arg7[%get3A_387] {strides = array<i32>} : memref<65544xi32, #tpu.memory_space<vmem>>, vector<16xi32>,
      %shift_left3A_389 = arith.constant 16 : i32
      %shift_left3A_390 = vector.broadcast %shift_left3A_389 : i32 to vector<16xi32>
      %shift_left3A_391 = arith.shli %get3A_388, %shift_left3A_390 : vector<16xi32>
      %bitcast_convert_type3A_392 = tpu.bitcast %shift_left3A_391 : vector<16xi32> -> vector<16xf32>
      %bitcast_convert_type3A_393 = tpu.bitcast %get3A_388 : vector<16xi32> -> vector<16xf32>
      %mul3A_394 = arith.mulf %bitcast_convert_type3A_392, %bitcast_convert_type3A_392 : vector<16xf32>
      %add3A_395 = arith.addf %add3A_382, %mul3A_394 : vector<16xf32>
      %mul3A_396 = arith.mulf %bitcast_convert_type3A_393, %bitcast_convert_type3A_393 : vector<16xf32>
      %add3A_397 = arith.addf %add3A_395, %mul3A_396 : vector<16xf32>
      %mul3A_398 = arith.constant 16 : i32
      %mul3A_399 = arith.muli %scan3A_52, %mul3A_398 : i32
      %add3A_400 = arith.constant 23552 : i32
      %add3A_401 = arith.addi %add3A_400, %mul3A_399 : i32
      %get3A_402 = arith.index_cast %add3A_401 : i32 to index
      %get3A_403 = tpu.vector_load %arg7[%get3A_402] {strides = array<i32>} : memref<65544xi32, #tpu.memory_space<vmem>>, vector<16xi32>,
      %shift_left3A_404 = arith.constant 16 : i32
      %shift_left3A_405 = vector.broadcast %shift_left3A_404 : i32 to vector<16xi32>
      %shift_left3A_406 = arith.shli %get3A_403, %shift_left3A_405 : vector<16xi32>
      %bitcast_convert_type3A_407 = tpu.bitcast %shift_left3A_406 : vector<16xi32> -> vector<16xf32>
      %bitcast_convert_type3A_408 = tpu.bitcast %get3A_403 : vector<16xi32> -> vector<16xf32>
      %mul3A_409 = arith.mulf %bitcast_convert_type3A_407, %bitcast_convert_type3A_407 : vector<16xf32>
      %add3A_410 = arith.addf %add3A_397, %mul3A_409 : vector<16xf32>
      %mul3A_411 = arith.mulf %bitcast_convert_type3A_408, %bitcast_convert_type3A_408 : vector<16xf32>
      %add3A_412 = arith.addf %add3A_410, %mul3A_411 : vector<16xf32>
      %mul3A_413 = arith.constant 16 : i32
      %mul3A_414 = arith.muli %scan3A_52, %mul3A_413 : i32
      %add3A_415 = arith.constant 24576 : i32
      %add3A_416 = arith.addi %add3A_415, %mul3A_414 : i32
      %get3A_417 = arith.index_cast %add3A_416 : i32 to index
      %get3A_418 = tpu.vector_load %arg7[%get3A_417] {strides = array<i32>} : memref<65544xi32, #tpu.memory_space<vmem>>, vector<16xi32>,
      %shift_left3A_419 = arith.constant 16 : i32
      %shift_left3A_420 = vector.broadcast %shift_left3A_419 : i32 to vector<16xi32>
      %shift_left3A_421 = arith.shli %get3A_418, %shift_left3A_420 : vector<16xi32>
      %bitcast_convert_type3A_422 = tpu.bitcast %shift_left3A_421 : vector<16xi32> -> vector<16xf32>
      %bitcast_convert_type3A_423 = tpu.bitcast %get3A_418 : vector<16xi32> -> vector<16xf32>
      %mul3A_424 = arith.mulf %bitcast_convert_type3A_422, %bitcast_convert_type3A_422 : vector<16xf32>
      %add3A_425 = arith.addf %add3A_412, %mul3A_424 : vector<16xf32>
      %mul3A_426 = arith.mulf %bitcast_convert_type3A_423, %bitcast_convert_type3A_423 : vector<16xf32>
      %add3A_427 = arith.addf %add3A_425, %mul3A_426 : vector<16xf32>
      %mul3A_428 = arith.constant 16 : i32
      %mul3A_429 = arith.muli %scan3A_52, %mul3A_428 : i32
      %add3A_430 = arith.constant 25600 : i32
      %add3A_431 = arith.addi %add3A_430, %mul3A_429 : i32
      %get3A_432 = arith.index_cast %add3A_431 : i32 to index
      %get3A_433 = tpu.vector_load %arg7[%get3A_432] {strides = array<i32>} : memref<65544xi32, #tpu.memory_space<vmem>>, vector<16xi32>,
      %shift_left3A_434 = arith.constant 16 : i32
      %shift_left3A_435 = vector.broadcast %shift_left3A_434 : i32 to vector<16xi32>
      %shift_left3A_436 = arith.shli %get3A_433, %shift_left3A_435 : vector<16xi32>
      %bitcast_convert_type3A_437 = tpu.bitcast %shift_left3A_436 : vector<16xi32> -> vector<16xf32>
      %bitcast_convert_type3A_438 = tpu.bitcast %get3A_433 : vector<16xi32> -> vector<16xf32>
      %mul3A_439 = arith.mulf %bitcast_convert_type3A_437, %bitcast_convert_type3A_437 : vector<16xf32>
      %add3A_440 = arith.addf %add3A_427, %mul3A_439 : vector<16xf32>
      %mul3A_441 = arith.mulf %bitcast_convert_type3A_438, %bitcast_convert_type3A_438 : vector<16xf32>
      %add3A_442 = arith.addf %add3A_440, %mul3A_441 : vector<16xf32>
      %mul3A_443 = arith.constant 16 : i32
      %mul3A_444 = arith.muli %scan3A_52, %mul3A_443 : i32
      %add3A_445 = arith.constant 26624 : i32
      %add3A_446 = arith.addi %add3A_445, %mul3A_444 : i32
      %get3A_447 = arith.index_cast %add3A_446 : i32 to index
      %get3A_448 = tpu.vector_load %arg7[%get3A_447] {strides = array<i32>} : memref<65544xi32, #tpu.memory_space<vmem>>, vector<16xi32>,
      %shift_left3A_449 = arith.constant 16 : i32
      %shift_left3A_450 = vector.broadcast %shift_left3A_449 : i32 to vector<16xi32>
      %shift_left3A_451 = arith.shli %get3A_448, %shift_left3A_450 : vector<16xi32>
      %bitcast_convert_type3A_452 = tpu.bitcast %shift_left3A_451 : vector<16xi32> -> vector<16xf32>
      %bitcast_convert_type3A_453 = tpu.bitcast %get3A_448 : vector<16xi32> -> vector<16xf32>
      %mul3A_454 = arith.mulf %bitcast_convert_type3A_452, %bitcast_convert_type3A_452 : vector<16xf32>
      %add3A_455 = arith.addf %add3A_442, %mul3A_454 : vector<16xf32>
      %mul3A_456 = arith.mulf %bitcast_convert_type3A_453, %bitcast_convert_type3A_453 : vector<16xf32>
      %add3A_457 = arith.addf %add3A_455, %mul3A_456 : vector<16xf32>
      %mul3A_458 = arith.constant 16 : i32
      %mul3A_459 = arith.muli %scan3A_52, %mul3A_458 : i32
      %add3A_460 = arith.constant 27648 : i32
      %add3A_461 = arith.addi %add3A_460, %mul3A_459 : i32
      %get3A_462 = arith.index_cast %add3A_461 : i32 to index
      %get3A_463 = tpu.vector_load %arg7[%get3A_462] {strides = array<i32>} : memref<65544xi32, #tpu.memory_space<vmem>>, vector<16xi32>,
      %shift_left3A_464 = arith.constant 16 : i32
      %shift_left3A_465 = vector.broadcast %shift_left3A_464 : i32 to vector<16xi32>
      %shift_left3A_466 = arith.shli %get3A_463, %shift_left3A_465 : vector<16xi32>
      %bitcast_convert_type3A_467 = tpu.bitcast %shift_left3A_466 : vector<16xi32> -> vector<16xf32>
      %bitcast_convert_type3A_468 = tpu.bitcast %get3A_463 : vector<16xi32> -> vector<16xf32>
      %mul3A_469 = arith.mulf %bitcast_convert_type3A_467, %bitcast_convert_type3A_467 : vector<16xf32>
      %add3A_470 = arith.addf %add3A_457, %mul3A_469 : vector<16xf32>
      %mul3A_471 = arith.mulf %bitcast_convert_type3A_468, %bitcast_convert_type3A_468 : vector<16xf32>
      %add3A_472 = arith.addf %add3A_470, %mul3A_471 : vector<16xf32>
      %mul3A_473 = arith.constant 16 : i32
      %mul3A_474 = arith.muli %scan3A_52, %mul3A_473 : i32
      %add3A_475 = arith.constant 28672 : i32
      %add3A_476 = arith.addi %add3A_475, %mul3A_474 : i32
      %get3A_477 = arith.index_cast %add3A_476 : i32 to index
      %get3A_478 = tpu.vector_load %arg7[%get3A_477] {strides = array<i32>} : memref<65544xi32, #tpu.memory_space<vmem>>, vector<16xi32>,
      %shift_left3A_479 = arith.constant 16 : i32
      %shift_left3A_480 = vector.broadcast %shift_left3A_479 : i32 to vector<16xi32>
      %shift_left3A_481 = arith.shli %get3A_478, %shift_left3A_480 : vector<16xi32>
      %bitcast_convert_type3A_482 = tpu.bitcast %shift_left3A_481 : vector<16xi32> -> vector<16xf32>
      %bitcast_convert_type3A_483 = tpu.bitcast %get3A_478 : vector<16xi32> -> vector<16xf32>
      %mul3A_484 = arith.mulf %bitcast_convert_type3A_482, %bitcast_convert_type3A_482 : vector<16xf32>
      %add3A_485 = arith.addf %add3A_472, %mul3A_484 : vector<16xf32>
      %mul3A_486 = arith.mulf %bitcast_convert_type3A_483, %bitcast_convert_type3A_483 : vector<16xf32>
      %add3A_487 = arith.addf %add3A_485, %mul3A_486 : vector<16xf32>
      %mul3A_488 = arith.constant 16 : i32
      %mul3A_489 = arith.muli %scan3A_52, %mul3A_488 : i32
      %add3A_490 = arith.constant 29696 : i32
      %add3A_491 = arith.addi %add3A_490, %mul3A_489 : i32
      %get3A_492 = arith.index_cast %add3A_491 : i32 to index
      %get3A_493 = tpu.vector_load %arg7[%get3A_492] {strides = array<i32>} : memref<65544xi32, #tpu.memory_space<vmem>>, vector<16xi32>,
      %shift_left3A_494 = arith.constant 16 : i32
      %shift_left3A_495 = vector.broadcast %shift_left3A_494 : i32 to vector<16xi32>
      %shift_left3A_496 = arith.shli %get3A_493, %shift_left3A_495 : vector<16xi32>
      %bitcast_convert_type3A_497 = tpu.bitcast %shift_left3A_496 : vector<16xi32> -> vector<16xf32>
      %bitcast_convert_type3A_498 = tpu.bitcast %get3A_493 : vector<16xi32> -> vector<16xf32>
      %mul3A_499 = arith.mulf %bitcast_convert_type3A_497, %bitcast_convert_type3A_497 : vector<16xf32>
      %add3A_500 = arith.addf %add3A_487, %mul3A_499 : vector<16xf32>
      %mul3A_501 = arith.mulf %bitcast_convert_type3A_498, %bitcast_convert_type3A_498 : vector<16xf32>
      %add3A_502 = arith.addf %add3A_500, %mul3A_501 : vector<16xf32>
      %mul3A_503 = arith.constant 16 : i32
      %mul3A_504 = arith.muli %scan3A_52, %mul3A_503 : i32
      %add3A_505 = arith.constant 30720 : i32
      %add3A_506 = arith.addi %add3A_505, %mul3A_504 : i32
      %get3A_507 = arith.index_cast %add3A_506 : i32 to index
      %get3A_508 = tpu.vector_load %arg7[%get3A_507] {strides = array<i32>} : memref<65544xi32, #tpu.memory_space<vmem>>, vector<16xi32>,
      %shift_left3A_509 = arith.constant 16 : i32
      %shift_left3A_510 = vector.broadcast %shift_left3A_509 : i32 to vector<16xi32>
      %shift_left3A_511 = arith.shli %get3A_508, %shift_left3A_510 : vector<16xi32>
      %bitcast_convert_type3A_512 = tpu.bitcast %shift_left3A_511 : vector<16xi32> -> vector<16xf32>
      %bitcast_convert_type3A_513 = tpu.bitcast %get3A_508 : vector<16xi32> -> vector<16xf32>
      %mul3A_514 = arith.mulf %bitcast_convert_type3A_512, %bitcast_convert_type3A_512 : vector<16xf32>
      %add3A_515 = arith.addf %add3A_502, %mul3A_514 : vector<16xf32>
      %mul3A_516 = arith.mulf %bitcast_convert_type3A_513, %bitcast_convert_type3A_513 : vector<16xf32>
      %add3A_517 = arith.addf %add3A_515, %mul3A_516 : vector<16xf32>
      %mul3A_518 = arith.constant 16 : i32
      %mul3A_519 = arith.muli %scan3A_52, %mul3A_518 : i32
      %add3A_520 = arith.constant 31744 : i32
      %add3A_521 = arith.addi %add3A_520, %mul3A_519 : i32
      %get3A_522 = arith.index_cast %add3A_521 : i32 to index
      %get3A_523 = tpu.vector_load %arg7[%get3A_522] {strides = array<i32>} : memref<65544xi32, #tpu.memory_space<vmem>>, vector<16xi32>,
      %shift_left3A_524 = arith.constant 16 : i32
      %shift_left3A_525 = vector.broadcast %shift_left3A_524 : i32 to vector<16xi32>
      %shift_left3A_526 = arith.shli %get3A_523, %shift_left3A_525 : vector<16xi32>
      %bitcast_convert_type3A_527 = tpu.bitcast %shift_left3A_526 : vector<16xi32> -> vector<16xf32>
      %bitcast_convert_type3A_528 = tpu.bitcast %get3A_523 : vector<16xi32> -> vector<16xf32>
      %mul3A_529 = arith.mulf %bitcast_convert_type3A_527, %bitcast_convert_type3A_527 : vector<16xf32>
      %add3A_530 = arith.addf %add3A_517, %mul3A_529 : vector<16xf32>
      %mul3A_531 = arith.mulf %bitcast_convert_type3A_528, %bitcast_convert_type3A_528 : vector<16xf32>
      %add3A_532 = arith.addf %add3A_530, %mul3A_531 : vector<16xf32>
      %max3A = arith.constant 1.000000e-24 : f32
      %max3A_533 = vector.broadcast %max3A : f32 to vector<16xf32>
      %max3A_534 = arith.maximumf %add3A_532, %max3A_533 : vector<16xf32>
      %bitcast_convert_type3A_535 = tpu.bitcast %max3A_534 : vector<16xf32> -> vector<16xi32>
      %shift_right_logical3A = arith.constant 1 : i32
      %shift_right_logical3A_536 = vector.broadcast %shift_right_logical3A : i32 to vector<16xi32>
      %shift_right_logical3A_537 = arith.shrui %bitcast_convert_type3A_535, %shift_right_logical3A_536 : vector<16xi32>
      %sub3A = arith.constant 1597463007 : i32
      %sub3A_538 = vector.broadcast %sub3A : i32 to vector<16xi32>
      %sub3A_539 = arith.subi %sub3A_538, %shift_right_logical3A_537 : vector<16xi32>
      %bitcast_convert_type3A_540 = tpu.bitcast %sub3A_539 : vector<16xi32> -> vector<16xf32>
      %mul3A_541 = arith.constant 5.000000e-01 : f32
      %mul3A_542 = vector.broadcast %mul3A_541 : f32 to vector<16xf32>
      %mul3A_543 = arith.mulf %mul3A_542, %max3A_534 : vector<16xf32>
      %mul3A_544 = arith.mulf %mul3A_543, %bitcast_convert_type3A_540 : vector<16xf32>
      %mul3A_545 = arith.mulf %mul3A_544, %bitcast_convert_type3A_540 : vector<16xf32>
      %sub3A_546 = arith.constant 1.500000e+00 : f32
      %sub3A_547 = vector.broadcast %sub3A_546 : f32 to vector<16xf32>
      %sub3A_548 = arith.subf %sub3A_547, %mul3A_545 : vector<16xf32>
      %mul3A_549 = arith.mulf %bitcast_convert_type3A_540, %sub3A_548 : vector<16xf32>
      %mul3A_550 = arith.constant 5.000000e-01 : f32
      %mul3A_551 = vector.broadcast %mul3A_550 : f32 to vector<16xf32>
      %mul3A_552 = arith.mulf %mul3A_551, %max3A_534 : vector<16xf32>
      %mul3A_553 = arith.mulf %mul3A_552, %mul3A_549 : vector<16xf32>
      %mul3A_554 = arith.mulf %mul3A_553, %mul3A_549 : vector<16xf32>
      %sub3A_555 = arith.constant 1.500000e+00 : f32
      %sub3A_556 = vector.broadcast %sub3A_555 : f32 to vector<16xf32>
      %sub3A_557 = arith.subf %sub3A_556, %mul3A_554 : vector<16xf32>
      %mul3A_558 = arith.mulf %mul3A_549, %sub3A_557 : vector<16xf32>
      %mul3A_559 = arith.constant 5.000000e-01 : f32
      %mul3A_560 = vector.broadcast %mul3A_559 : f32 to vector<16xf32>
      %mul3A_561 = arith.mulf %mul3A_560, %max3A_534 : vector<16xf32>
      %mul3A_562 = arith.mulf %mul3A_561, %mul3A_558 : vector<16xf32>
      %mul3A_563 = arith.mulf %mul3A_562, %mul3A_558 : vector<16xf32>
      %sub3A_564 = arith.constant 1.500000e+00 : f32
      %sub3A_565 = vector.broadcast %sub3A_564 : f32 to vector<16xf32>
      %sub3A_566 = arith.subf %sub3A_565, %mul3A_563 : vector<16xf32>
      %mul3A_567 = arith.mulf %mul3A_558, %sub3A_566 : vector<16xf32>
      %mul3A_568 = arith.constant 16 : i32
      %mul3A_569 = arith.muli %scan3A_52, %mul3A_568 : i32
      %swap3A = arith.index_cast %mul3A_569 : i32 to index
      %swap3A_570 = tpu.vector_load %arg8[%swap3A] {strides = array<i32>} : memref<1024xf32, #tpu.memory_space<vmem>>, vector<16xf32>,
      tpu.vector_store %arg8[%swap3A], %mul3A_567 {strides = array<i32>} : memref<1024xf32, #tpu.memory_space<vmem>>, vector<16xf32>,
      %scan3A_571 = arith.constant 0 : i32
      scf.yield %scan3A_571 : i32
    }
    %scan3A_6 = arith.constant 64 : i32
    %broadcast_in_dim3A = arith.constant 0 : i32
    %broadcast_in_dim3A_7 = vector.broadcast %broadcast_in_dim3A : i32 to vector<16xi32>
    %broadcast_in_dim3A_8 = arith.constant 1 : i32
    %broadcast_in_dim3A_9 = vector.broadcast %broadcast_in_dim3A_8 : i32 to vector<16xi32>
    %broadcast_in_dim3A_10 = arith.constant 2 : i32
    %broadcast_in_dim3A_11 = vector.broadcast %broadcast_in_dim3A_10 : i32 to vector<16xi32>
    %broadcast_in_dim3A_12 = arith.constant 3 : i32
    %broadcast_in_dim3A_13 = vector.broadcast %broadcast_in_dim3A_12 : i32 to vector<16xi32>
    %broadcast_in_dim3A_14 = arith.constant 4 : i32
    %broadcast_in_dim3A_15 = vector.broadcast %broadcast_in_dim3A_14 : i32 to vector<16xi32>
    %broadcast_in_dim3A_16 = arith.constant 5 : i32
    %broadcast_in_dim3A_17 = vector.broadcast %broadcast_in_dim3A_16 : i32 to vector<16xi32>
    %broadcast_in_dim3A_18 = arith.constant 6 : i32
    %broadcast_in_dim3A_19 = vector.broadcast %broadcast_in_dim3A_18 : i32 to vector<16xi32>
    %broadcast_in_dim3A_20 = arith.constant 7 : i32
    %broadcast_in_dim3A_21 = vector.broadcast %broadcast_in_dim3A_20 : i32 to vector<16xi32>
    %broadcast_in_dim3A_22 = arith.constant 8 : i32
    %broadcast_in_dim3A_23 = vector.broadcast %broadcast_in_dim3A_22 : i32 to vector<16xi32>
    %broadcast_in_dim3A_24 = arith.constant 9 : i32
    %broadcast_in_dim3A_25 = vector.broadcast %broadcast_in_dim3A_24 : i32 to vector<16xi32>
    %broadcast_in_dim3A_26 = arith.constant 10 : i32
    %broadcast_in_dim3A_27 = vector.broadcast %broadcast_in_dim3A_26 : i32 to vector<16xi32>
    %broadcast_in_dim3A_28 = arith.constant 11 : i32
    %broadcast_in_dim3A_29 = vector.broadcast %broadcast_in_dim3A_28 : i32 to vector<16xi32>
    %broadcast_in_dim3A_30 = arith.constant 12 : i32
    %broadcast_in_dim3A_31 = vector.broadcast %broadcast_in_dim3A_30 : i32 to vector<16xi32>
    %broadcast_in_dim3A_32 = arith.constant 13 : i32
    %broadcast_in_dim3A_33 = vector.broadcast %broadcast_in_dim3A_32 : i32 to vector<16xi32>
    %broadcast_in_dim3A_34 = arith.constant 14 : i32
    %broadcast_in_dim3A_35 = vector.broadcast %broadcast_in_dim3A_34 : i32 to vector<16xi32>
    %broadcast_in_dim3A_36 = arith.constant 15 : i32
    %broadcast_in_dim3A_37 = vector.broadcast %broadcast_in_dim3A_36 : i32 to vector<16xi32>
    %iota3A = tpu.iota {dimensions = array<i32: 0>} : vector<16xi32>
    %and3A = arith.constant 1 : i32
    %and3A_38 = vector.broadcast %and3A : i32 to vector<16xi32>
    %and3A_39 = arith.andi %iota3A, %and3A_38 : vector<16xi32>
    %eq3A = arith.constant 1 : i32
    %eq3A_40 = vector.broadcast %eq3A : i32 to vector<16xi32>
    %eq3A_41 = arith.cmpi eq, %and3A_39, %eq3A_40 : vector<16xi32>
    %jit3A = arith.constant 32776 : i32
    %jit3A_42 = arith.constant 0 : i32
    %broadcast_in_dim3A_43 = vector.broadcast %jit3A : i32 to vector<16xi32>
    %broadcast_in_dim3A_44 = vector.broadcast %jit3A_42 : i32 to vector<16xi32>
    %select_n3A = arith.select %eq3A_41, %broadcast_in_dim3A_43, %broadcast_in_dim3A_44 : vector<16xi1>, vector<16xi32>
    %scan3A_45 = arith.constant 0 : i32
    %scan3A_46 = arith.constant 0 : i32
    %scan3A_47 = arith.constant 4 : i32
    %scan3A_48 = arith.addi %scan3A_46, %scan3A_47 : i32
    %scan3A_49 = arith.constant 1 : i32
    %scan3A_50 = scf.for %scan3A_52 = %scan3A_46 to %scan3A_48 step %scan3A_49 iter_args(%scan3A_53 = %scan3A_45) -> (i32)  : i32 {
      %mul3A_54 = arith.constant 512 : i32
      %mul3A_55 = arith.muli %add3A, %mul3A_54 : i32
      %mul3A_56 = arith.constant 128 : i32
      %mul3A_57 = arith.muli %scan3A_52, %mul3A_56 : i32
      %add3A_58 = arith.addi %mul3A_55, %mul3A_57 : i32
      "tpu.region"() ({
        %run_scoped3A = tpu.sem_alloc : memref<!tpu.dma_semaphore, #tpu.memory_space<semaphore_mem>>
        %dma_start3A_78 = tpu.memref_slice %arg3[%add3A_58] : memref<16384xi32, #tpu.memory_space<hbm>> -> memref<128xi32, #tpu.memory_space<hbm>>
        %dma_start3A_79 = tpu.memref_slice %arg3[%add3A_58] : memref<16384xi32, #tpu.memory_space<hbm>> -> memref<128xi32, #tpu.memory_space<hbm>>
        tpu.enqueue_dma source(%dma_start3A_79 : memref<128xi32, #tpu.memory_space<hbm>>) target(%arg9 : memref<128xi32, #tpu.memory_space<vmem>>) target_semaphore(%run_scoped3A : memref<!tpu.dma_semaphore, #tpu.memory_space<semaphore_mem>>)
        %dma_wait3A_80 = tpu.memref_slice %arg3[%add3A_58] : memref<16384xi32, #tpu.memory_space<hbm>> -> memref<128xi32, #tpu.memory_space<hbm>>
        %dma_wait3A_81 = tpu.memref_slice %arg3[%add3A_58] : memref<16384xi32, #tpu.memory_space<hbm>> -> memref<128xi32, #tpu.memory_space<hbm>>
        tpu.wait_dma2 semaphore(%run_scoped3A : memref<!tpu.dma_semaphore, #tpu.memory_space<semaphore_mem>>) src(%dma_wait3A_81 : memref<128xi32, #tpu.memory_space<hbm>>) dst(%arg9 : memref<128xi32, #tpu.memory_space<vmem>>)
        tpu.yield
      }) : () -> ()
      %mul3A_59 = arith.constant 50 : i32
      %mul3A_60 = arith.muli %add3A_58, %mul3A_59 : i32
      "tpu.region"() ({
        %run_scoped3A = tpu.sem_alloc : memref<!tpu.dma_semaphore, #tpu.memory_space<semaphore_mem>>
        %dma_start3A_78 = arith.constant 0 : i32
        %dma_start3A_79 = tpu.memref_slice %arg11[%dma_start3A_78] : memref<6416xi32, #tpu.memory_space<vmem>> -> memref<6400xi32, #tpu.memory_space<vmem>>
        %dma_start3A_80 = tpu.memref_slice %arg4[%mul3A_60] : memref<819200xi32, #tpu.memory_space<hbm>> -> memref<6400xi32, #tpu.memory_space<hbm>>
        %dma_start3A_81 = arith.constant 0 : i32
        %dma_start3A_82 = tpu.memref_slice %arg11[%dma_start3A_81] : memref<6416xi32, #tpu.memory_space<vmem>> -> memref<6400xi32, #tpu.memory_space<vmem>>
        %dma_start3A_83 = tpu.memref_slice %arg4[%mul3A_60] : memref<819200xi32, #tpu.memory_space<hbm>> -> memref<6400xi32, #tpu.memory_space<hbm>>
        tpu.enqueue_dma source(%dma_start3A_83 : memref<6400xi32, #tpu.memory_space<hbm>>) target(%dma_start3A_82 : memref<6400xi32, #tpu.memory_space<vmem>>) target_semaphore(%run_scoped3A : memref<!tpu.dma_semaphore, #tpu.memory_space<semaphore_mem>>)
        %dma_wait3A_84 = arith.constant 0 : i32
        %dma_wait3A_85 = tpu.memref_slice %arg11[%dma_wait3A_84] : memref<6416xi32, #tpu.memory_space<vmem>> -> memref<6400xi32, #tpu.memory_space<vmem>>
        %dma_wait3A_86 = tpu.memref_slice %arg4[%mul3A_60] : memref<819200xi32, #tpu.memory_space<hbm>> -> memref<6400xi32, #tpu.memory_space<hbm>>
        %dma_wait3A_87 = arith.constant 0 : i32
        %dma_wait3A_88 = tpu.memref_slice %arg11[%dma_wait3A_87] : memref<6416xi32, #tpu.memory_space<vmem>> -> memref<6400xi32, #tpu.memory_space<vmem>>
        %dma_wait3A_89 = tpu.memref_slice %arg4[%mul3A_60] : memref<819200xi32, #tpu.memory_space<hbm>> -> memref<6400xi32, #tpu.memory_space<hbm>>
        tpu.wait_dma2 semaphore(%run_scoped3A : memref<!tpu.dma_semaphore, #tpu.memory_space<semaphore_mem>>) src(%dma_wait3A_89 : memref<6400xi32, #tpu.memory_space<hbm>>) dst(%dma_wait3A_88 : memref<6400xi32, #tpu.memory_space<vmem>>)
        tpu.yield
      }) : () -> ()
      %dma_start3A = arith.constant 0 : i32
      %dma_start3A_61 = arith.constant 0 : i32
      %dma_start3A_62 = tpu.memref_slice %arg5[%dma_start3A, %dma_start3A_61] : memref<1000000x64xf32, #tpu.memory_space<hbm>> -> memref<1000000x64xf32, #tpu.memory_space<hbm>>
      tpu.enqueue_indirect_dma source(%dma_start3A_62 : memref<1000000x64xf32, #tpu.memory_space<hbm>>) target(%arg10 : memref<128x64xf32, #tpu.memory_space<vmem>>) offsets(%arg9 : memref<128xi32, #tpu.memory_space<vmem>>) semaphore(%arg13 : memref<!tpu.dma_semaphore, #tpu.memory_space<semaphore_mem>>)
      %broadcast_in_dim3A_63 = arith.constant 0 : i32
      %broadcast_in_dim3A_64 = vector.broadcast %broadcast_in_dim3A_63 : i32 to vector<16xi32>
      %swap3A = arith.constant 6400 : index
      %swap3A_65 = tpu.vector_load %arg11[%swap3A] {strides = array<i32>} : memref<6416xi32, #tpu.memory_space<vmem>>, vector<16xi32>,
      tpu.vector_store %arg11[%swap3A], %broadcast_in_dim3A_64 {strides = array<i32>} : memref<6416xi32, #tpu.memory_space<vmem>>, vector<16xi32>,
      %dma_wait3A = arith.constant 0 : i32
      %dma_wait3A_66 = arith.constant 0 : i32
      %dma_wait3A_67 = tpu.memref_slice %arg5[%dma_wait3A, %dma_wait3A_66] : memref<1000000x64xf32, #tpu.memory_space<hbm>> -> memref<1000000x64xf32, #tpu.memory_space<hbm>>
      tpu.wait_indirect_dma semaphore(%arg13 : memref<!tpu.dma_semaphore, #tpu.memory_space<semaphore_mem>>) src(%dma_wait3A_67 : memref<1000000x64xf32, #tpu.memory_space<hbm>>) dst(%arg10 : memref<128x64xf32, #tpu.memory_space<vmem>>)
      %scan3A_68 = arith.constant 0 : i32
      %scan3A_69 = arith.constant 0 : i32
      %scan3A_70 = arith.constant 128 : i32
      %scan3A_71 = arith.addi %scan3A_69, %scan3A_70 : i32
      %scan3A_72 = arith.constant 1 : i32
      %scan3A_73 = scf.for %scan3A_78 = %scan3A_69 to %scan3A_71 step %scan3A_72 iter_args(%scan3A_79 = %scan3A_68) -> (i32)  : i32 {
        %get3A = arith.index_cast %scan3A_78 : i32 to index
        %get3A_80 = arith.constant 0 : index
        %get3A_81 = tpu.vector_load %arg10[%get3A, %get3A_80] {strides = array<i32>} : memref<128x64xf32, #tpu.memory_space<vmem>>, vector<16xf32>,
        %get3A_82 = arith.index_cast %scan3A_78 : i32 to index
        %get3A_83 = arith.constant 16 : index
        %get3A_84 = tpu.vector_load %arg10[%get3A_82, %get3A_83] {strides = array<i32>} : memref<128x64xf32, #tpu.memory_space<vmem>>, vector<16xf32>,
        %get3A_85 = arith.index_cast %scan3A_78 : i32 to index
        %get3A_86 = arith.constant 32 : index
        %get3A_87 = tpu.vector_load %arg10[%get3A_85, %get3A_86] {strides = array<i32>} : memref<128x64xf32, #tpu.memory_space<vmem>>, vector<16xf32>,
        %get3A_88 = arith.index_cast %scan3A_78 : i32 to index
        %get3A_89 = arith.constant 48 : index
        %get3A_90 = tpu.vector_load %arg10[%get3A_88, %get3A_89] {strides = array<i32>} : memref<128x64xf32, #tpu.memory_space<vmem>>, vector<16xf32>,
        %mul3A_91 = arith.mulf %get3A_81, %get3A_81 : vector<16xf32>
        %mul3A_92 = arith.mulf %get3A_84, %get3A_84 : vector<16xf32>
        %add3A_93 = arith.addf %mul3A_91, %mul3A_92 : vector<16xf32>
        %mul3A_94 = arith.mulf %get3A_87, %get3A_87 : vector<16xf32>
        %add3A_95 = arith.addf %add3A_93, %mul3A_94 : vector<16xf32>
        %mul3A_96 = arith.mulf %get3A_90, %get3A_90 : vector<16xf32>
        %add3A_97 = arith.addf %add3A_95, %mul3A_96 : vector<16xf32>
        %broadcast_in_dim3A_98 = arith.constant true
        %broadcast_in_dim3A_99 = vector.broadcast %broadcast_in_dim3A_98 : i1 to vector<16xi1>
        %masked_cumsum3A = tpu.scan <sum>, %add3A_97 masked %broadcast_in_dim3A_99 : vector<16xf32>, vector<16xi1> -> vector<16xf32>
        %broadcast_in_dim3A_100 = vector.shape_cast %broadcast_in_dim3A_37 : vector<16xi32> to vector<16x1xi32>
        %gather3A = vector.shape_cast %broadcast_in_dim3A_100 : vector<16x1xi32> to vector<16xi32>
        %gather3A_101 = tpu.dynamic_gather %masked_cumsum3A[%gather3A] in [0] : vector<16xf32>, vector<16xi32> -> vector<16xf32>
        %max3A = arith.constant 1.000000e-24 : f32
        %max3A_102 = vector.broadcast %max3A : f32 to vector<16xf32>
        %max3A_103 = arith.maximumf %gather3A_101, %max3A_102 : vector<16xf32>
        %bitcast_convert_type3A = tpu.bitcast %max3A_103 : vector<16xf32> -> vector<16xi32>
        %shift_right_logical3A = arith.constant 1 : i32
        %shift_right_logical3A_104 = vector.broadcast %shift_right_logical3A : i32 to vector<16xi32>
        %shift_right_logical3A_105 = arith.shrui %bitcast_convert_type3A, %shift_right_logical3A_104 : vector<16xi32>
        %sub3A = arith.constant 1597463007 : i32
        %sub3A_106 = vector.broadcast %sub3A : i32 to vector<16xi32>
        %sub3A_107 = arith.subi %sub3A_106, %shift_right_logical3A_105 : vector<16xi32>
        %bitcast_convert_type3A_108 = tpu.bitcast %sub3A_107 : vector<16xi32> -> vector<16xf32>
        %mul3A_109 = arith.constant 5.000000e-01 : f32
        %mul3A_110 = vector.broadcast %mul3A_109 : f32 to vector<16xf32>
        %mul3A_111 = arith.mulf %mul3A_110, %max3A_103 : vector<16xf32>
        %mul3A_112 = arith.mulf %mul3A_111, %bitcast_convert_type3A_108 : vector<16xf32>
        %mul3A_113 = arith.mulf %mul3A_112, %bitcast_convert_type3A_108 : vector<16xf32>
        %sub3A_114 = arith.constant 1.500000e+00 : f32
        %sub3A_115 = vector.broadcast %sub3A_114 : f32 to vector<16xf32>
        %sub3A_116 = arith.subf %sub3A_115, %mul3A_113 : vector<16xf32>
        %mul3A_117 = arith.mulf %bitcast_convert_type3A_108, %sub3A_116 : vector<16xf32>
        %mul3A_118 = arith.constant 5.000000e-01 : f32
        %mul3A_119 = vector.broadcast %mul3A_118 : f32 to vector<16xf32>
        %mul3A_120 = arith.mulf %mul3A_119, %max3A_103 : vector<16xf32>
        %mul3A_121 = arith.mulf %mul3A_120, %mul3A_117 : vector<16xf32>
        %mul3A_122 = arith.mulf %mul3A_121, %mul3A_117 : vector<16xf32>
        %sub3A_123 = arith.constant 1.500000e+00 : f32
        %sub3A_124 = vector.broadcast %sub3A_123 : f32 to vector<16xf32>
        %sub3A_125 = arith.subf %sub3A_124, %mul3A_122 : vector<16xf32>
        %mul3A_126 = arith.mulf %mul3A_117, %sub3A_125 : vector<16xf32>
        %mul3A_127 = arith.constant 5.000000e-01 : f32
        %mul3A_128 = vector.broadcast %mul3A_127 : f32 to vector<16xf32>
        %mul3A_129 = arith.mulf %mul3A_128, %max3A_103 : vector<16xf32>
        %mul3A_130 = arith.mulf %mul3A_129, %mul3A_126 : vector<16xf32>
        %mul3A_131 = arith.mulf %mul3A_130, %mul3A_126 : vector<16xf32>
        %sub3A_132 = arith.constant 1.500000e+00 : f32
        %sub3A_133 = vector.broadcast %sub3A_132 : f32 to vector<16xf32>
        %sub3A_134 = arith.subf %sub3A_133, %mul3A_131 : vector<16xf32>
        %mul3A_135 = arith.mulf %mul3A_126, %sub3A_134 : vector<16xf32>
        %mul3A_136 = arith.constant 50 : i32
        %mul3A_137 = arith.muli %scan3A_78, %mul3A_136 : i32
        %add3A_138 = arith.constant 0 : i32
        %add3A_139 = arith.addi %mul3A_137, %add3A_138 : i32
        %get3A_140 = arith.index_cast %add3A_139 : i32 to index
        %get3A_141 = tpu.vector_load %arg11[%get3A_140] {strides = array<i32>} : memref<6416xi32, #tpu.memory_space<vmem>>, vector<16xi32>,
        %add3A_142 = arith.constant 16 : i32
        %add3A_143 = arith.addi %mul3A_137, %add3A_142 : i32
        %get3A_144 = arith.index_cast %add3A_143 : i32 to index
        %get3A_145 = tpu.vector_load %arg11[%get3A_144] {strides = array<i32>} : memref<6416xi32, #tpu.memory_space<vmem>>, vector<16xi32>,
        %add3A_146 = arith.constant 32 : i32
        %add3A_147 = arith.addi %mul3A_137, %add3A_146 : i32
        %get3A_148 = arith.index_cast %add3A_147 : i32 to index
        %get3A_149 = tpu.vector_load %arg11[%get3A_148] {strides = array<i32>} : memref<6416xi32, #tpu.memory_space<vmem>>, vector<16xi32>,
        %add3A_150 = arith.constant 48 : i32
        %add3A_151 = arith.addi %mul3A_137, %add3A_150 : i32
        %get3A_152 = arith.index_cast %add3A_151 : i32 to index
        %get3A_153 = tpu.vector_load %arg11[%get3A_152] {strides = array<i32>} : memref<6416xi32, #tpu.memory_space<vmem>>, vector<16xi32>,
        %add3A_154 = arith.addi %get3A_141, %select_n3A : vector<16xi32>
        %add3A_155 = arith.addi %get3A_145, %select_n3A : vector<16xi32>
        %add3A_156 = arith.addi %get3A_149, %select_n3A : vector<16xi32>
        %add3A_157 = arith.addi %get3A_153, %select_n3A : vector<16xi32>
        %broadcast_in_dim3A_158 = arith.constant 0.000000e+00 : f32
        %broadcast_in_dim3A_159 = vector.broadcast %broadcast_in_dim3A_158 : f32 to vector<16xf32>
        %broadcast_in_dim3A_160 = arith.constant 0.000000e+00 : f32
        %broadcast_in_dim3A_161 = vector.broadcast %broadcast_in_dim3A_160 : f32 to vector<16xf32>
        %broadcast_in_dim3A_162 = arith.constant 0.000000e+00 : f32
        %broadcast_in_dim3A_163 = vector.broadcast %broadcast_in_dim3A_162 : f32 to vector<16xf32>
        %broadcast_in_dim3A_164 = arith.constant 0.000000e+00 : f32
        %broadcast_in_dim3A_165 = vector.broadcast %broadcast_in_dim3A_164 : f32 to vector<16xf32>
        %broadcast_in_dim3A_166 = arith.constant 0.000000e+00 : f32
        %broadcast_in_dim3A_167 = vector.broadcast %broadcast_in_dim3A_166 : f32 to vector<16xf32>
        %broadcast_in_dim3A_168 = arith.constant 0.000000e+00 : f32
        %broadcast_in_dim3A_169 = vector.broadcast %broadcast_in_dim3A_168 : f32 to vector<16xf32>
        %broadcast_in_dim3A_170 = arith.constant 0.000000e+00 : f32
        %broadcast_in_dim3A_171 = vector.broadcast %broadcast_in_dim3A_170 : f32 to vector<16xf32>
        %broadcast_in_dim3A_172 = arith.constant 0.000000e+00 : f32
        %broadcast_in_dim3A_173 = vector.broadcast %broadcast_in_dim3A_172 : f32 to vector<16xf32>
        %broadcast_in_dim3A_174 = vector.shape_cast %broadcast_in_dim3A_7 : vector<16xi32> to vector<16x1xi32>
        %gather3A_175 = vector.shape_cast %broadcast_in_dim3A_174 : vector<16x1xi32> to vector<16xi32>
        %gather3A_176 = tpu.dynamic_gather %get3A_81[%gather3A_175] in [0] : vector<16xf32>, vector<16xi32> -> vector<16xf32>
        %broadcast_in_dim3A_177 = vector.shape_cast %broadcast_in_dim3A_9 : vector<16xi32> to vector<16x1xi32>
        %gather3A_178 = vector.shape_cast %broadcast_in_dim3A_177 : vector<16x1xi32> to vector<16xi32>
        %gather3A_179 = tpu.dynamic_gather %get3A_81[%gather3A_178] in [0] : vector<16xf32>, vector<16xi32> -> vector<16xf32>
        %add3A_180 = arith.constant 0 : i32
        %add3A_181 = vector.broadcast %add3A_180 : i32 to vector<16xi32>
        %add3A_182 = arith.addi %add3A_154, %add3A_181 : vector<16xi32>
        %gather3A_183 = tpu.vector_load_idx %arg7[%add3A_182] : memref<65544xi32, #tpu.memory_space<vmem>>[vector<16xi32>], vector<16xi32>,
        %shift_left3A = arith.constant 16 : i32
        %shift_left3A_184 = vector.broadcast %shift_left3A : i32 to vector<16xi32>
        %shift_left3A_185 = arith.shli %gather3A_183, %shift_left3A_184 : vector<16xi32>
        %bitcast_convert_type3A_186 = tpu.bitcast %shift_left3A_185 : vector<16xi32> -> vector<16xf32>
        %mul3A_187 = arith.mulf %bitcast_convert_type3A_186, %gather3A_176 : vector<16xf32>
        %add3A_188 = arith.addf %broadcast_in_dim3A_159, %mul3A_187 : vector<16xf32>
        %bitcast_convert_type3A_189 = tpu.bitcast %gather3A_183 : vector<16xi32> -> vector<16xf32>
        %mul3A_190 = arith.mulf %bitcast_convert_type3A_189, %gather3A_179 : vector<16xf32>
        %add3A_191 = arith.addf %broadcast_in_dim3A_167, %mul3A_190 : vector<16xf32>
        %add3A_192 = arith.constant 0 : i32
        %add3A_193 = vector.broadcast %add3A_192 : i32 to vector<16xi32>
        %add3A_194 = arith.addi %add3A_155, %add3A_193 : vector<16xi32>
        %gather3A_195 = tpu.vector_load_idx %arg7[%add3A_194] : memref<65544xi32, #tpu.memory_space<vmem>>[vector<16xi32>], vector<16xi32>,
        %shift_left3A_196 = arith.constant 16 : i32
        %shift_left3A_197 = vector.broadcast %shift_left3A_196 : i32 to vector<16xi32>
        %shift_left3A_198 = arith.shli %gather3A_195, %shift_left3A_197 : vector<16xi32>
        %bitcast_convert_type3A_199 = tpu.bitcast %shift_left3A_198 : vector<16xi32> -> vector<16xf32>
        %mul3A_200 = arith.mulf %bitcast_convert_type3A_199, %gather3A_176 : vector<16xf32>
        %add3A_201 = arith.addf %broadcast_in_dim3A_161, %mul3A_200 : vector<16xf32>
        %bitcast_convert_type3A_202 = tpu.bitcast %gather3A_195 : vector<16xi32> -> vector<16xf32>
        %mul3A_203 = arith.mulf %bitcast_convert_type3A_202, %gather3A_179 : vector<16xf32>
        %add3A_204 = arith.addf %broadcast_in_dim3A_169, %mul3A_203 : vector<16xf32>
        %add3A_205 = arith.constant 0 : i32
        %add3A_206 = vector.broadcast %add3A_205 : i32 to vector<16xi32>
        %add3A_207 = arith.addi %add3A_156, %add3A_206 : vector<16xi32>
        %gather3A_208 = tpu.vector_load_idx %arg7[%add3A_207] : memref<65544xi32, #tpu.memory_space<vmem>>[vector<16xi32>], vector<16xi32>,
        %shift_left3A_209 = arith.constant 16 : i32
        %shift_left3A_210 = vector.broadcast %shift_left3A_209 : i32 to vector<16xi32>
        %shift_left3A_211 = arith.shli %gather3A_208, %shift_left3A_210 : vector<16xi32>
        %bitcast_convert_type3A_212 = tpu.bitcast %shift_left3A_211 : vector<16xi32> -> vector<16xf32>
        %mul3A_213 = arith.mulf %bitcast_convert_type3A_212, %gather3A_176 : vector<16xf32>
        %add3A_214 = arith.addf %broadcast_in_dim3A_163, %mul3A_213 : vector<16xf32>
        %bitcast_convert_type3A_215 = tpu.bitcast %gather3A_208 : vector<16xi32> -> vector<16xf32>
        %mul3A_216 = arith.mulf %bitcast_convert_type3A_215, %gather3A_179 : vector<16xf32>
        %add3A_217 = arith.addf %broadcast_in_dim3A_171, %mul3A_216 : vector<16xf32>
        %add3A_218 = arith.constant 0 : i32
        %add3A_219 = vector.broadcast %add3A_218 : i32 to vector<16xi32>
        %add3A_220 = arith.addi %add3A_157, %add3A_219 : vector<16xi32>
        %gather3A_221 = tpu.vector_load_idx %arg7[%add3A_220] : memref<65544xi32, #tpu.memory_space<vmem>>[vector<16xi32>], vector<16xi32>,
        %shift_left3A_222 = arith.constant 16 : i32
        %shift_left3A_223 = vector.broadcast %shift_left3A_222 : i32 to vector<16xi32>
        %shift_left3A_224 = arith.shli %gather3A_221, %shift_left3A_223 : vector<16xi32>
        %bitcast_convert_type3A_225 = tpu.bitcast %shift_left3A_224 : vector<16xi32> -> vector<16xf32>
        %mul3A_226 = arith.mulf %bitcast_convert_type3A_225, %gather3A_176 : vector<16xf32>
        %add3A_227 = arith.addf %broadcast_in_dim3A_165, %mul3A_226 : vector<16xf32>
        %bitcast_convert_type3A_228 = tpu.bitcast %gather3A_221 : vector<16xi32> -> vector<16xf32>
        %mul3A_229 = arith.mulf %bitcast_convert_type3A_228, %gather3A_179 : vector<16xf32>
        %add3A_230 = arith.addf %broadcast_in_dim3A_173, %mul3A_229 : vector<16xf32>
        %broadcast_in_dim3A_231 = vector.shape_cast %broadcast_in_dim3A_11 : vector<16xi32> to vector<16x1xi32>
        %gather3A_232 = vector.shape_cast %broadcast_in_dim3A_231 : vector<16x1xi32> to vector<16xi32>
        %gather3A_233 = tpu.dynamic_gather %get3A_81[%gather3A_232] in [0] : vector<16xf32>, vector<16xi32> -> vector<16xf32>
        %broadcast_in_dim3A_234 = vector.shape_cast %broadcast_in_dim3A_13 : vector<16xi32> to vector<16x1xi32>
        %gather3A_235 = vector.shape_cast %broadcast_in_dim3A_234 : vector<16x1xi32> to vector<16xi32>
        %gather3A_236 = tpu.dynamic_gather %get3A_81[%gather3A_235] in [0] : vector<16xf32>, vector<16xi32> -> vector<16xf32>
        %add3A_237 = arith.constant 1024 : i32
        %add3A_238 = vector.broadcast %add3A_237 : i32 to vector<16xi32>
        %add3A_239 = arith.addi %add3A_154, %add3A_238 : vector<16xi32>
        %gather3A_240 = tpu.vector_load_idx %arg7[%add3A_239] : memref<65544xi32, #tpu.memory_space<vmem>>[vector<16xi32>], vector<16xi32>,
        %shift_left3A_241 = arith.constant 16 : i32
        %shift_left3A_242 = vector.broadcast %shift_left3A_241 : i32 to vector<16xi32>
        %shift_left3A_243 = arith.shli %gather3A_240, %shift_left3A_242 : vector<16xi32>
        %bitcast_convert_type3A_244 = tpu.bitcast %shift_left3A_243 : vector<16xi32> -> vector<16xf32>
        %mul3A_245 = arith.mulf %bitcast_convert_type3A_244, %gather3A_233 : vector<16xf32>
        %add3A_246 = arith.addf %add3A_188, %mul3A_245 : vector<16xf32>
        %bitcast_convert_type3A_247 = tpu.bitcast %gather3A_240 : vector<16xi32> -> vector<16xf32>
        %mul3A_248 = arith.mulf %bitcast_convert_type3A_247, %gather3A_236 : vector<16xf32>
        %add3A_249 = arith.addf %add3A_191, %mul3A_248 : vector<16xf32>
        %add3A_250 = arith.constant 1024 : i32
        %add3A_251 = vector.broadcast %add3A_250 : i32 to vector<16xi32>
        %add3A_252 = arith.addi %add3A_155, %add3A_251 : vector<16xi32>
        %gather3A_253 = tpu.vector_load_idx %arg7[%add3A_252] : memref<65544xi32, #tpu.memory_space<vmem>>[vector<16xi32>], vector<16xi32>,
        %shift_left3A_254 = arith.constant 16 : i32
        %shift_left3A_255 = vector.broadcast %shift_left3A_254 : i32 to vector<16xi32>
        %shift_left3A_256 = arith.shli %gather3A_253, %shift_left3A_255 : vector<16xi32>
        %bitcast_convert_type3A_257 = tpu.bitcast %shift_left3A_256 : vector<16xi32> -> vector<16xf32>
        %mul3A_258 = arith.mulf %bitcast_convert_type3A_257, %gather3A_233 : vector<16xf32>
        %add3A_259 = arith.addf %add3A_201, %mul3A_258 : vector<16xf32>
        %bitcast_convert_type3A_260 = tpu.bitcast %gather3A_253 : vector<16xi32> -> vector<16xf32>
        %mul3A_261 = arith.mulf %bitcast_convert_type3A_260, %gather3A_236 : vector<16xf32>
        %add3A_262 = arith.addf %add3A_204, %mul3A_261 : vector<16xf32>
        %add3A_263 = arith.constant 1024 : i32
        %add3A_264 = vector.broadcast %add3A_263 : i32 to vector<16xi32>
        %add3A_265 = arith.addi %add3A_156, %add3A_264 : vector<16xi32>
        %gather3A_266 = tpu.vector_load_idx %arg7[%add3A_265] : memref<65544xi32, #tpu.memory_space<vmem>>[vector<16xi32>], vector<16xi32>,
        %shift_left3A_267 = arith.constant 16 : i32
        %shift_left3A_268 = vector.broadcast %shift_left3A_267 : i32 to vector<16xi32>
        %shift_left3A_269 = arith.shli %gather3A_266, %shift_left3A_268 : vector<16xi32>
        %bitcast_convert_type3A_270 = tpu.bitcast %shift_left3A_269 : vector<16xi32> -> vector<16xf32>
        %mul3A_271 = arith.mulf %bitcast_convert_type3A_270, %gather3A_233 : vector<16xf32>
        %add3A_272 = arith.addf %add3A_214, %mul3A_271 : vector<16xf32>
        %bitcast_convert_type3A_273 = tpu.bitcast %gather3A_266 : vector<16xi32> -> vector<16xf32>
        %mul3A_274 = arith.mulf %bitcast_convert_type3A_273, %gather3A_236 : vector<16xf32>
        %add3A_275 = arith.addf %add3A_217, %mul3A_274 : vector<16xf32>
        %add3A_276 = arith.constant 1024 : i32
        %add3A_277 = vector.broadcast %add3A_276 : i32 to vector<16xi32>
        %add3A_278 = arith.addi %add3A_157, %add3A_277 : vector<16xi32>
        %gather3A_279 = tpu.vector_load_idx %arg7[%add3A_278] : memref<65544xi32, #tpu.memory_space<vmem>>[vector<16xi32>], vector<16xi32>,
        %shift_left3A_280 = arith.constant 16 : i32
        %shift_left3A_281 = vector.broadcast %shift_left3A_280 : i32 to vector<16xi32>
        %shift_left3A_282 = arith.shli %gather3A_279, %shift_left3A_281 : vector<16xi32>
        %bitcast_convert_type3A_283 = tpu.bitcast %shift_left3A_282 : vector<16xi32> -> vector<16xf32>
        %mul3A_284 = arith.mulf %bitcast_convert_type3A_283, %gather3A_233 : vector<16xf32>
        %add3A_285 = arith.addf %add3A_227, %mul3A_284 : vector<16xf32>
        %bitcast_convert_type3A_286 = tpu.bitcast %gather3A_279 : vector<16xi32> -> vector<16xf32>
        %mul3A_287 = arith.mulf %bitcast_convert_type3A_286, %gather3A_236 : vector<16xf32>
        %add3A_288 = arith.addf %add3A_230, %mul3A_287 : vector<16xf32>
        %broadcast_in_dim3A_289 = vector.shape_cast %broadcast_in_dim3A_15 : vector<16xi32> to vector<16x1xi32>
        %gather3A_290 = vector.shape_cast %broadcast_in_dim3A_289 : vector<16x1xi32> to vector<16xi32>
        %gather3A_291 = tpu.dynamic_gather %get3A_81[%gather3A_290] in [0] : vector<16xf32>, vector<16xi32> -> vector<16xf32>
        %broadcast_in_dim3A_292 = vector.shape_cast %broadcast_in_dim3A_17 : vector<16xi32> to vector<16x1xi32>
        %gather3A_293 = vector.shape_cast %broadcast_in_dim3A_292 : vector<16x1xi32> to vector<16xi32>
        %gather3A_294 = tpu.dynamic_gather %get3A_81[%gather3A_293] in [0] : vector<16xf32>, vector<16xi32> -> vector<16xf32>
        %add3A_295 = arith.constant 2048 : i32
        %add3A_296 = vector.broadcast %add3A_295 : i32 to vector<16xi32>
        %add3A_297 = arith.addi %add3A_154, %add3A_296 : vector<16xi32>
        %gather3A_298 = tpu.vector_load_idx %arg7[%add3A_297] : memref<65544xi32, #tpu.memory_space<vmem>>[vector<16xi32>], vector<16xi32>,
        %shift_left3A_299 = arith.constant 16 : i32
        %shift_left3A_300 = vector.broadcast %shift_left3A_299 : i32 to vector<16xi32>
        %shift_left3A_301 = arith.shli %gather3A_298, %shift_left3A_300 : vector<16xi32>
        %bitcast_convert_type3A_302 = tpu.bitcast %shift_left3A_301 : vector<16xi32> -> vector<16xf32>
        %mul3A_303 = arith.mulf %bitcast_convert_type3A_302, %gather3A_291 : vector<16xf32>
        %add3A_304 = arith.addf %add3A_246, %mul3A_303 : vector<16xf32>
        %bitcast_convert_type3A_305 = tpu.bitcast %gather3A_298 : vector<16xi32> -> vector<16xf32>
        %mul3A_306 = arith.mulf %bitcast_convert_type3A_305, %gather3A_294 : vector<16xf32>
        %add3A_307 = arith.addf %add3A_249, %mul3A_306 : vector<16xf32>
        %add3A_308 = arith.constant 2048 : i32
        %add3A_309 = vector.broadcast %add3A_308 : i32 to vector<16xi32>
        %add3A_310 = arith.addi %add3A_155, %add3A_309 : vector<16xi32>
        %gather3A_311 = tpu.vector_load_idx %arg7[%add3A_310] : memref<65544xi32, #tpu.memory_space<vmem>>[vector<16xi32>], vector<16xi32>,
        %shift_left3A_312 = arith.constant 16 : i32
        %shift_left3A_313 = vector.broadcast %shift_left3A_312 : i32 to vector<16xi32>
        %shift_left3A_314 = arith.shli %gather3A_311, %shift_left3A_313 : vector<16xi32>
        %bitcast_convert_type3A_315 = tpu.bitcast %shift_left3A_314 : vector<16xi32> -> vector<16xf32>
        %mul3A_316 = arith.mulf %bitcast_convert_type3A_315, %gather3A_291 : vector<16xf32>
        %add3A_317 = arith.addf %add3A_259, %mul3A_316 : vector<16xf32>
        %bitcast_convert_type3A_318 = tpu.bitcast %gather3A_311 : vector<16xi32> -> vector<16xf32>
        %mul3A_319 = arith.mulf %bitcast_convert_type3A_318, %gather3A_294 : vector<16xf32>
        %add3A_320 = arith.addf %add3A_262, %mul3A_319 : vector<16xf32>
        %add3A_321 = arith.constant 2048 : i32
        %add3A_322 = vector.broadcast %add3A_321 : i32 to vector<16xi32>
        %add3A_323 = arith.addi %add3A_156, %add3A_322 : vector<16xi32>
        %gather3A_324 = tpu.vector_load_idx %arg7[%add3A_323] : memref<65544xi32, #tpu.memory_space<vmem>>[vector<16xi32>], vector<16xi32>,
        %shift_left3A_325 = arith.constant 16 : i32
        %shift_left3A_326 = vector.broadcast %shift_left3A_325 : i32 to vector<16xi32>
        %shift_left3A_327 = arith.shli %gather3A_324, %shift_left3A_326 : vector<16xi32>
        %bitcast_convert_type3A_328 = tpu.bitcast %shift_left3A_327 : vector<16xi32> -> vector<16xf32>
        %mul3A_329 = arith.mulf %bitcast_convert_type3A_328, %gather3A_291 : vector<16xf32>
        %add3A_330 = arith.addf %add3A_272, %mul3A_329 : vector<16xf32>
        %bitcast_convert_type3A_331 = tpu.bitcast %gather3A_324 : vector<16xi32> -> vector<16xf32>
        %mul3A_332 = arith.mulf %bitcast_convert_type3A_331, %gather3A_294 : vector<16xf32>
        %add3A_333 = arith.addf %add3A_275, %mul3A_332 : vector<16xf32>
        %add3A_334 = arith.constant 2048 : i32
        %add3A_335 = vector.broadcast %add3A_334 : i32 to vector<16xi32>
        %add3A_336 = arith.addi %add3A_157, %add3A_335 : vector<16xi32>
        %gather3A_337 = tpu.vector_load_idx %arg7[%add3A_336] : memref<65544xi32, #tpu.memory_space<vmem>>[vector<16xi32>], vector<16xi32>,
        %shift_left3A_338 = arith.constant 16 : i32
        %shift_left3A_339 = vector.broadcast %shift_left3A_338 : i32 to vector<16xi32>
        %shift_left3A_340 = arith.shli %gather3A_337, %shift_left3A_339 : vector<16xi32>
        %bitcast_convert_type3A_341 = tpu.bitcast %shift_left3A_340 : vector<16xi32> -> vector<16xf32>
        %mul3A_342 = arith.mulf %bitcast_convert_type3A_341, %gather3A_291 : vector<16xf32>
        %add3A_343 = arith.addf %add3A_285, %mul3A_342 : vector<16xf32>
        %bitcast_convert_type3A_344 = tpu.bitcast %gather3A_337 : vector<16xi32> -> vector<16xf32>
        %mul3A_345 = arith.mulf %bitcast_convert_type3A_344, %gather3A_294 : vector<16xf32>
        %add3A_346 = arith.addf %add3A_288, %mul3A_345 : vector<16xf32>
        %broadcast_in_dim3A_347 = vector.shape_cast %broadcast_in_dim3A_19 : vector<16xi32> to vector<16x1xi32>
        %gather3A_348 = vector.shape_cast %broadcast_in_dim3A_347 : vector<16x1xi32> to vector<16xi32>
        %gather3A_349 = tpu.dynamic_gather %get3A_81[%gather3A_348] in [0] : vector<16xf32>, vector<16xi32> -> vector<16xf32>
        %broadcast_in_dim3A_350 = vector.shape_cast %broadcast_in_dim3A_21 : vector<16xi32> to vector<16x1xi32>
        %gather3A_351 = vector.shape_cast %broadcast_in_dim3A_350 : vector<16x1xi32> to vector<16xi32>
        %gather3A_352 = tpu.dynamic_gather %get3A_81[%gather3A_351] in [0] : vector<16xf32>, vector<16xi32> -> vector<16xf32>
        %add3A_353 = arith.constant 3072 : i32
        %add3A_354 = vector.broadcast %add3A_353 : i32 to vector<16xi32>
        %add3A_355 = arith.addi %add3A_154, %add3A_354 : vector<16xi32>
        %gather3A_356 = tpu.vector_load_idx %arg7[%add3A_355] : memref<65544xi32, #tpu.memory_space<vmem>>[vector<16xi32>], vector<16xi32>,
        %shift_left3A_357 = arith.constant 16 : i32
        %shift_left3A_358 = vector.broadcast %shift_left3A_357 : i32 to vector<16xi32>
        %shift_left3A_359 = arith.shli %gather3A_356, %shift_left3A_358 : vector<16xi32>
        %bitcast_convert_type3A_360 = tpu.bitcast %shift_left3A_359 : vector<16xi32> -> vector<16xf32>
        %mul3A_361 = arith.mulf %bitcast_convert_type3A_360, %gather3A_349 : vector<16xf32>
        %add3A_362 = arith.addf %add3A_304, %mul3A_361 : vector<16xf32>
        %bitcast_convert_type3A_363 = tpu.bitcast %gather3A_356 : vector<16xi32> -> vector<16xf32>
        %mul3A_364 = arith.mulf %bitcast_convert_type3A_363, %gather3A_352 : vector<16xf32>
        %add3A_365 = arith.addf %add3A_307, %mul3A_364 : vector<16xf32>
        %add3A_366 = arith.constant 3072 : i32
        %add3A_367 = vector.broadcast %add3A_366 : i32 to vector<16xi32>
        %add3A_368 = arith.addi %add3A_155, %add3A_367 : vector<16xi32>
        %gather3A_369 = tpu.vector_load_idx %arg7[%add3A_368] : memref<65544xi32, #tpu.memory_space<vmem>>[vector<16xi32>], vector<16xi32>,
        %shift_left3A_370 = arith.constant 16 : i32
        %shift_left3A_371 = vector.broadcast %shift_left3A_370 : i32 to vector<16xi32>
        %shift_left3A_372 = arith.shli %gather3A_369, %shift_left3A_371 : vector<16xi32>
        %bitcast_convert_type3A_373 = tpu.bitcast %shift_left3A_372 : vector<16xi32> -> vector<16xf32>
        %mul3A_374 = arith.mulf %bitcast_convert_type3A_373, %gather3A_349 : vector<16xf32>
        %add3A_375 = arith.addf %add3A_317, %mul3A_374 : vector<16xf32>
        %bitcast_convert_type3A_376 = tpu.bitcast %gather3A_369 : vector<16xi32> -> vector<16xf32>
        %mul3A_377 = arith.mulf %bitcast_convert_type3A_376, %gather3A_352 : vector<16xf32>
        %add3A_378 = arith.addf %add3A_320, %mul3A_377 : vector<16xf32>
        %add3A_379 = arith.constant 3072 : i32
        %add3A_380 = vector.broadcast %add3A_379 : i32 to vector<16xi32>
        %add3A_381 = arith.addi %add3A_156, %add3A_380 : vector<16xi32>
        %gather3A_382 = tpu.vector_load_idx %arg7[%add3A_381] : memref<65544xi32, #tpu.memory_space<vmem>>[vector<16xi32>], vector<16xi32>,
        %shift_left3A_383 = arith.constant 16 : i32
        %shift_left3A_384 = vector.broadcast %shift_left3A_383 : i32 to vector<16xi32>
        %shift_left3A_385 = arith.shli %gather3A_382, %shift_left3A_384 : vector<16xi32>
        %bitcast_convert_type3A_386 = tpu.bitcast %shift_left3A_385 : vector<16xi32> -> vector<16xf32>
        %mul3A_387 = arith.mulf %bitcast_convert_type3A_386, %gather3A_349 : vector<16xf32>
        %add3A_388 = arith.addf %add3A_330, %mul3A_387 : vector<16xf32>
        %bitcast_convert_type3A_389 = tpu.bitcast %gather3A_382 : vector<16xi32> -> vector<16xf32>
        %mul3A_390 = arith.mulf %bitcast_convert_type3A_389, %gather3A_352 : vector<16xf32>
        %add3A_391 = arith.addf %add3A_333, %mul3A_390 : vector<16xf32>
        %add3A_392 = arith.constant 3072 : i32
        %add3A_393 = vector.broadcast %add3A_392 : i32 to vector<16xi32>
        %add3A_394 = arith.addi %add3A_157, %add3A_393 : vector<16xi32>
        %gather3A_395 = tpu.vector_load_idx %arg7[%add3A_394] : memref<65544xi32, #tpu.memory_space<vmem>>[vector<16xi32>], vector<16xi32>,
        %shift_left3A_396 = arith.constant 16 : i32
        %shift_left3A_397 = vector.broadcast %shift_left3A_396 : i32 to vector<16xi32>
        %shift_left3A_398 = arith.shli %gather3A_395, %shift_left3A_397 : vector<16xi32>
        %bitcast_convert_type3A_399 = tpu.bitcast %shift_left3A_398 : vector<16xi32> -> vector<16xf32>
        %mul3A_400 = arith.mulf %bitcast_convert_type3A_399, %gather3A_349 : vector<16xf32>
        %add3A_401 = arith.addf %add3A_343, %mul3A_400 : vector<16xf32>
        %bitcast_convert_type3A_402 = tpu.bitcast %gather3A_395 : vector<16xi32> -> vector<16xf32>
        %mul3A_403 = arith.mulf %bitcast_convert_type3A_402, %gather3A_352 : vector<16xf32>
        %add3A_404 = arith.addf %add3A_346, %mul3A_403 : vector<16xf32>
        %broadcast_in_dim3A_405 = vector.shape_cast %broadcast_in_dim3A_23 : vector<16xi32> to vector<16x1xi32>
        %gather3A_406 = vector.shape_cast %broadcast_in_dim3A_405 : vector<16x1xi32> to vector<16xi32>
        %gather3A_407 = tpu.dynamic_gather %get3A_81[%gather3A_406] in [0] : vector<16xf32>, vector<16xi32> -> vector<16xf32>
        %broadcast_in_dim3A_408 = vector.shape_cast %broadcast_in_dim3A_25 : vector<16xi32> to vector<16x1xi32>
        %gather3A_409 = vector.shape_cast %broadcast_in_dim3A_408 : vector<16x1xi32> to vector<16xi32>
        %gather3A_410 = tpu.dynamic_gather %get3A_81[%gather3A_409] in [0] : vector<16xf32>, vector<16xi32> -> vector<16xf32>
        %add3A_411 = arith.constant 4096 : i32
        %add3A_412 = vector.broadcast %add3A_411 : i32 to vector<16xi32>
        %add3A_413 = arith.addi %add3A_154, %add3A_412 : vector<16xi32>
        %gather3A_414 = tpu.vector_load_idx %arg7[%add3A_413] : memref<65544xi32, #tpu.memory_space<vmem>>[vector<16xi32>], vector<16xi32>,
        %shift_left3A_415 = arith.constant 16 : i32
        %shift_left3A_416 = vector.broadcast %shift_left3A_415 : i32 to vector<16xi32>
        %shift_left3A_417 = arith.shli %gather3A_414, %shift_left3A_416 : vector<16xi32>
        %bitcast_convert_type3A_418 = tpu.bitcast %shift_left3A_417 : vector<16xi32> -> vector<16xf32>
        %mul3A_419 = arith.mulf %bitcast_convert_type3A_418, %gather3A_407 : vector<16xf32>
        %add3A_420 = arith.addf %add3A_362, %mul3A_419 : vector<16xf32>
        %bitcast_convert_type3A_421 = tpu.bitcast %gather3A_414 : vector<16xi32> -> vector<16xf32>
        %mul3A_422 = arith.mulf %bitcast_convert_type3A_421, %gather3A_410 : vector<16xf32>
        %add3A_423 = arith.addf %add3A_365, %mul3A_422 : vector<16xf32>
        %add3A_424 = arith.constant 4096 : i32
        %add3A_425 = vector.broadcast %add3A_424 : i32 to vector<16xi32>
        %add3A_426 = arith.addi %add3A_155, %add3A_425 : vector<16xi32>
        %gather3A_427 = tpu.vector_load_idx %arg7[%add3A_426] : memref<65544xi32, #tpu.memory_space<vmem>>[vector<16xi32>], vector<16xi32>,
        %shift_left3A_428 = arith.constant 16 : i32
        %shift_left3A_429 = vector.broadcast %shift_left3A_428 : i32 to vector<16xi32>
        %shift_left3A_430 = arith.shli %gather3A_427, %shift_left3A_429 : vector<16xi32>
        %bitcast_convert_type3A_431 = tpu.bitcast %shift_left3A_430 : vector<16xi32> -> vector<16xf32>
        %mul3A_432 = arith.mulf %bitcast_convert_type3A_431, %gather3A_407 : vector<16xf32>
        %add3A_433 = arith.addf %add3A_375, %mul3A_432 : vector<16xf32>
        %bitcast_convert_type3A_434 = tpu.bitcast %gather3A_427 : vector<16xi32> -> vector<16xf32>
        %mul3A_435 = arith.mulf %bitcast_convert_type3A_434, %gather3A_410 : vector<16xf32>
        %add3A_436 = arith.addf %add3A_378, %mul3A_435 : vector<16xf32>
        %add3A_437 = arith.constant 4096 : i32
        %add3A_438 = vector.broadcast %add3A_437 : i32 to vector<16xi32>
        %add3A_439 = arith.addi %add3A_156, %add3A_438 : vector<16xi32>
        %gather3A_440 = tpu.vector_load_idx %arg7[%add3A_439] : memref<65544xi32, #tpu.memory_space<vmem>>[vector<16xi32>], vector<16xi32>,
        %shift_left3A_441 = arith.constant 16 : i32
        %shift_left3A_442 = vector.broadcast %shift_left3A_441 : i32 to vector<16xi32>
        %shift_left3A_443 = arith.shli %gather3A_440, %shift_left3A_442 : vector<16xi32>
        %bitcast_convert_type3A_444 = tpu.bitcast %shift_left3A_443 : vector<16xi32> -> vector<16xf32>
        %mul3A_445 = arith.mulf %bitcast_convert_type3A_444, %gather3A_407 : vector<16xf32>
        %add3A_446 = arith.addf %add3A_388, %mul3A_445 : vector<16xf32>
        %bitcast_convert_type3A_447 = tpu.bitcast %gather3A_440 : vector<16xi32> -> vector<16xf32>
        %mul3A_448 = arith.mulf %bitcast_convert_type3A_447, %gather3A_410 : vector<16xf32>
        %add3A_449 = arith.addf %add3A_391, %mul3A_448 : vector<16xf32>
        %add3A_450 = arith.constant 4096 : i32
        %add3A_451 = vector.broadcast %add3A_450 : i32 to vector<16xi32>
        %add3A_452 = arith.addi %add3A_157, %add3A_451 : vector<16xi32>
        %gather3A_453 = tpu.vector_load_idx %arg7[%add3A_452] : memref<65544xi32, #tpu.memory_space<vmem>>[vector<16xi32>], vector<16xi32>,
        %shift_left3A_454 = arith.constant 16 : i32
        %shift_left3A_455 = vector.broadcast %shift_left3A_454 : i32 to vector<16xi32>
        %shift_left3A_456 = arith.shli %gather3A_453, %shift_left3A_455 : vector<16xi32>
        %bitcast_convert_type3A_457 = tpu.bitcast %shift_left3A_456 : vector<16xi32> -> vector<16xf32>
        %mul3A_458 = arith.mulf %bitcast_convert_type3A_457, %gather3A_407 : vector<16xf32>
        %add3A_459 = arith.addf %add3A_401, %mul3A_458 : vector<16xf32>
        %bitcast_convert_type3A_460 = tpu.bitcast %gather3A_453 : vector<16xi32> -> vector<16xf32>
        %mul3A_461 = arith.mulf %bitcast_convert_type3A_460, %gather3A_410 : vector<16xf32>
        %add3A_462 = arith.addf %add3A_404, %mul3A_461 : vector<16xf32>
        %broadcast_in_dim3A_463 = vector.shape_cast %broadcast_in_dim3A_27 : vector<16xi32> to vector<16x1xi32>
        %gather3A_464 = vector.shape_cast %broadcast_in_dim3A_463 : vector<16x1xi32> to vector<16xi32>
        %gather3A_465 = tpu.dynamic_gather %get3A_81[%gather3A_464] in [0] : vector<16xf32>, vector<16xi32> -> vector<16xf32>
        %broadcast_in_dim3A_466 = vector.shape_cast %broadcast_in_dim3A_29 : vector<16xi32> to vector<16x1xi32>
        %gather3A_467 = vector.shape_cast %broadcast_in_dim3A_466 : vector<16x1xi32> to vector<16xi32>
        %gather3A_468 = tpu.dynamic_gather %get3A_81[%gather3A_467] in [0] : vector<16xf32>, vector<16xi32> -> vector<16xf32>
        %add3A_469 = arith.constant 5120 : i32
        %add3A_470 = vector.broadcast %add3A_469 : i32 to vector<16xi32>
        %add3A_471 = arith.addi %add3A_154, %add3A_470 : vector<16xi32>
        %gather3A_472 = tpu.vector_load_idx %arg7[%add3A_471] : memref<65544xi32, #tpu.memory_space<vmem>>[vector<16xi32>], vector<16xi32>,
        %shift_left3A_473 = arith.constant 16 : i32
        %shift_left3A_474 = vector.broadcast %shift_left3A_473 : i32 to vector<16xi32>
        %shift_left3A_475 = arith.shli %gather3A_472, %shift_left3A_474 : vector<16xi32>
        %bitcast_convert_type3A_476 = tpu.bitcast %shift_left3A_475 : vector<16xi32> -> vector<16xf32>
        %mul3A_477 = arith.mulf %bitcast_convert_type3A_476, %gather3A_465 : vector<16xf32>
        %add3A_478 = arith.addf %add3A_420, %mul3A_477 : vector<16xf32>
        %bitcast_convert_type3A_479 = tpu.bitcast %gather3A_472 : vector<16xi32> -> vector<16xf32>
        %mul3A_480 = arith.mulf %bitcast_convert_type3A_479, %gather3A_468 : vector<16xf32>
        %add3A_481 = arith.addf %add3A_423, %mul3A_480 : vector<16xf32>
        %add3A_482 = arith.constant 5120 : i32
        %add3A_483 = vector.broadcast %add3A_482 : i32 to vector<16xi32>
        %add3A_484 = arith.addi %add3A_155, %add3A_483 : vector<16xi32>
        %gather3A_485 = tpu.vector_load_idx %arg7[%add3A_484] : memref<65544xi32, #tpu.memory_space<vmem>>[vector<16xi32>], vector<16xi32>,
        %shift_left3A_486 = arith.constant 16 : i32
        %shift_left3A_487 = vector.broadcast %shift_left3A_486 : i32 to vector<16xi32>
        %shift_left3A_488 = arith.shli %gather3A_485, %shift_left3A_487 : vector<16xi32>
        %bitcast_convert_type3A_489 = tpu.bitcast %shift_left3A_488 : vector<16xi32> -> vector<16xf32>
        %mul3A_490 = arith.mulf %bitcast_convert_type3A_489, %gather3A_465 : vector<16xf32>
        %add3A_491 = arith.addf %add3A_433, %mul3A_490 : vector<16xf32>
        %bitcast_convert_type3A_492 = tpu.bitcast %gather3A_485 : vector<16xi32> -> vector<16xf32>
        %mul3A_493 = arith.mulf %bitcast_convert_type3A_492, %gather3A_468 : vector<16xf32>
        %add3A_494 = arith.addf %add3A_436, %mul3A_493 : vector<16xf32>
        %add3A_495 = arith.constant 5120 : i32
        %add3A_496 = vector.broadcast %add3A_495 : i32 to vector<16xi32>
        %add3A_497 = arith.addi %add3A_156, %add3A_496 : vector<16xi32>
        %gather3A_498 = tpu.vector_load_idx %arg7[%add3A_497] : memref<65544xi32, #tpu.memory_space<vmem>>[vector<16xi32>], vector<16xi32>,
        %shift_left3A_499 = arith.constant 16 : i32
        %shift_left3A_500 = vector.broadcast %shift_left3A_499 : i32 to vector<16xi32>
        %shift_left3A_501 = arith.shli %gather3A_498, %shift_left3A_500 : vector<16xi32>
        %bitcast_convert_type3A_502 = tpu.bitcast %shift_left3A_501 : vector<16xi32> -> vector<16xf32>
        %mul3A_503 = arith.mulf %bitcast_convert_type3A_502, %gather3A_465 : vector<16xf32>
        %add3A_504 = arith.addf %add3A_446, %mul3A_503 : vector<16xf32>
        %bitcast_convert_type3A_505 = tpu.bitcast %gather3A_498 : vector<16xi32> -> vector<16xf32>
        %mul3A_506 = arith.mulf %bitcast_convert_type3A_505, %gather3A_468 : vector<16xf32>
        %add3A_507 = arith.addf %add3A_449, %mul3A_506 : vector<16xf32>
        %add3A_508 = arith.constant 5120 : i32
        %add3A_509 = vector.broadcast %add3A_508 : i32 to vector<16xi32>
        %add3A_510 = arith.addi %add3A_157, %add3A_509 : vector<16xi32>
        %gather3A_511 = tpu.vector_load_idx %arg7[%add3A_510] : memref<65544xi32, #tpu.memory_space<vmem>>[vector<16xi32>], vector<16xi32>,
        %shift_left3A_512 = arith.constant 16 : i32
        %shift_left3A_513 = vector.broadcast %shift_left3A_512 : i32 to vector<16xi32>
        %shift_left3A_514 = arith.shli %gather3A_511, %shift_left3A_513 : vector<16xi32>
        %bitcast_convert_type3A_515 = tpu.bitcast %shift_left3A_514 : vector<16xi32> -> vector<16xf32>
        %mul3A_516 = arith.mulf %bitcast_convert_type3A_515, %gather3A_465 : vector<16xf32>
        %add3A_517 = arith.addf %add3A_459, %mul3A_516 : vector<16xf32>
        %bitcast_convert_type3A_518 = tpu.bitcast %gather3A_511 : vector<16xi32> -> vector<16xf32>
        %mul3A_519 = arith.mulf %bitcast_convert_type3A_518, %gather3A_468 : vector<16xf32>
        %add3A_520 = arith.addf %add3A_462, %mul3A_519 : vector<16xf32>
        %broadcast_in_dim3A_521 = vector.shape_cast %broadcast_in_dim3A_31 : vector<16xi32> to vector<16x1xi32>
        %gather3A_522 = vector.shape_cast %broadcast_in_dim3A_521 : vector<16x1xi32> to vector<16xi32>
        %gather3A_523 = tpu.dynamic_gather %get3A_81[%gather3A_522] in [0] : vector<16xf32>, vector<16xi32> -> vector<16xf32>
        %broadcast_in_dim3A_524 = vector.shape_cast %broadcast_in_dim3A_33 : vector<16xi32> to vector<16x1xi32>
        %gather3A_525 = vector.shape_cast %broadcast_in_dim3A_524 : vector<16x1xi32> to vector<16xi32>
        %gather3A_526 = tpu.dynamic_gather %get3A_81[%gather3A_525] in [0] : vector<16xf32>, vector<16xi32> -> vector<16xf32>
        %add3A_527 = arith.constant 6144 : i32
        %add3A_528 = vector.broadcast %add3A_527 : i32 to vector<16xi32>
        %add3A_529 = arith.addi %add3A_154, %add3A_528 : vector<16xi32>
        %gather3A_530 = tpu.vector_load_idx %arg7[%add3A_529] : memref<65544xi32, #tpu.memory_space<vmem>>[vector<16xi32>], vector<16xi32>,
        %shift_left3A_531 = arith.constant 16 : i32
        %shift_left3A_532 = vector.broadcast %shift_left3A_531 : i32 to vector<16xi32>
        %shift_left3A_533 = arith.shli %gather3A_530, %shift_left3A_532 : vector<16xi32>
        %bitcast_convert_type3A_534 = tpu.bitcast %shift_left3A_533 : vector<16xi32> -> vector<16xf32>
        %mul3A_535 = arith.mulf %bitcast_convert_type3A_534, %gather3A_523 : vector<16xf32>
        %add3A_536 = arith.addf %add3A_478, %mul3A_535 : vector<16xf32>
        %bitcast_convert_type3A_537 = tpu.bitcast %gather3A_530 : vector<16xi32> -> vector<16xf32>
        %mul3A_538 = arith.mulf %bitcast_convert_type3A_537, %gather3A_526 : vector<16xf32>
        %add3A_539 = arith.addf %add3A_481, %mul3A_538 : vector<16xf32>
        %add3A_540 = arith.constant 6144 : i32
        %add3A_541 = vector.broadcast %add3A_540 : i32 to vector<16xi32>
        %add3A_542 = arith.addi %add3A_155, %add3A_541 : vector<16xi32>
        %gather3A_543 = tpu.vector_load_idx %arg7[%add3A_542] : memref<65544xi32, #tpu.memory_space<vmem>>[vector<16xi32>], vector<16xi32>,
        %shift_left3A_544 = arith.constant 16 : i32
        %shift_left3A_545 = vector.broadcast %shift_left3A_544 : i32 to vector<16xi32>
        %shift_left3A_546 = arith.shli %gather3A_543, %shift_left3A_545 : vector<16xi32>
        %bitcast_convert_type3A_547 = tpu.bitcast %shift_left3A_546 : vector<16xi32> -> vector<16xf32>
        %mul3A_548 = arith.mulf %bitcast_convert_type3A_547, %gather3A_523 : vector<16xf32>
        %add3A_549 = arith.addf %add3A_491, %mul3A_548 : vector<16xf32>
        %bitcast_convert_type3A_550 = tpu.bitcast %gather3A_543 : vector<16xi32> -> vector<16xf32>
        %mul3A_551 = arith.mulf %bitcast_convert_type3A_550, %gather3A_526 : vector<16xf32>
        %add3A_552 = arith.addf %add3A_494, %mul3A_551 : vector<16xf32>
        %add3A_553 = arith.constant 6144 : i32
        %add3A_554 = vector.broadcast %add3A_553 : i32 to vector<16xi32>
        %add3A_555 = arith.addi %add3A_156, %add3A_554 : vector<16xi32>
        %gather3A_556 = tpu.vector_load_idx %arg7[%add3A_555] : memref<65544xi32, #tpu.memory_space<vmem>>[vector<16xi32>], vector<16xi32>,
        %shift_left3A_557 = arith.constant 16 : i32
        %shift_left3A_558 = vector.broadcast %shift_left3A_557 : i32 to vector<16xi32>
        %shift_left3A_559 = arith.shli %gather3A_556, %shift_left3A_558 : vector<16xi32>
        %bitcast_convert_type3A_560 = tpu.bitcast %shift_left3A_559 : vector<16xi32> -> vector<16xf32>
        %mul3A_561 = arith.mulf %bitcast_convert_type3A_560, %gather3A_523 : vector<16xf32>
        %add3A_562 = arith.addf %add3A_504, %mul3A_561 : vector<16xf32>
        %bitcast_convert_type3A_563 = tpu.bitcast %gather3A_556 : vector<16xi32> -> vector<16xf32>
        %mul3A_564 = arith.mulf %bitcast_convert_type3A_563, %gather3A_526 : vector<16xf32>
        %add3A_565 = arith.addf %add3A_507, %mul3A_564 : vector<16xf32>
        %add3A_566 = arith.constant 6144 : i32
        %add3A_567 = vector.broadcast %add3A_566 : i32 to vector<16xi32>
        %add3A_568 = arith.addi %add3A_157, %add3A_567 : vector<16xi32>
        %gather3A_569 = tpu.vector_load_idx %arg7[%add3A_568] : memref<65544xi32, #tpu.memory_space<vmem>>[vector<16xi32>], vector<16xi32>,
        %shift_left3A_570 = arith.constant 16 : i32
        %shift_left3A_571 = vector.broadcast %shift_left3A_570 : i32 to vector<16xi32>
        %shift_left3A_572 = arith.shli %gather3A_569, %shift_left3A_571 : vector<16xi32>
        %bitcast_convert_type3A_573 = tpu.bitcast %shift_left3A_572 : vector<16xi32> -> vector<16xf32>
        %mul3A_574 = arith.mulf %bitcast_convert_type3A_573, %gather3A_523 : vector<16xf32>
        %add3A_575 = arith.addf %add3A_517, %mul3A_574 : vector<16xf32>
        %bitcast_convert_type3A_576 = tpu.bitcast %gather3A_569 : vector<16xi32> -> vector<16xf32>
        %mul3A_577 = arith.mulf %bitcast_convert_type3A_576, %gather3A_526 : vector<16xf32>
        %add3A_578 = arith.addf %add3A_520, %mul3A_577 : vector<16xf32>
        %broadcast_in_dim3A_579 = vector.shape_cast %broadcast_in_dim3A_35 : vector<16xi32> to vector<16x1xi32>
        %gather3A_580 = vector.shape_cast %broadcast_in_dim3A_579 : vector<16x1xi32> to vector<16xi32>
        %gather3A_581 = tpu.dynamic_gather %get3A_81[%gather3A_580] in [0] : vector<16xf32>, vector<16xi32> -> vector<16xf32>
        %broadcast_in_dim3A_582 = vector.shape_cast %broadcast_in_dim3A_37 : vector<16xi32> to vector<16x1xi32>
        %gather3A_583 = vector.shape_cast %broadcast_in_dim3A_582 : vector<16x1xi32> to vector<16xi32>
        %gather3A_584 = tpu.dynamic_gather %get3A_81[%gather3A_583] in [0] : vector<16xf32>, vector<16xi32> -> vector<16xf32>
        %add3A_585 = arith.constant 7168 : i32
        %add3A_586 = vector.broadcast %add3A_585 : i32 to vector<16xi32>
        %add3A_587 = arith.addi %add3A_154, %add3A_586 : vector<16xi32>
        %gather3A_588 = tpu.vector_load_idx %arg7[%add3A_587] : memref<65544xi32, #tpu.memory_space<vmem>>[vector<16xi32>], vector<16xi32>,
        %shift_left3A_589 = arith.constant 16 : i32
        %shift_left3A_590 = vector.broadcast %shift_left3A_589 : i32 to vector<16xi32>
        %shift_left3A_591 = arith.shli %gather3A_588, %shift_left3A_590 : vector<16xi32>
        %bitcast_convert_type3A_592 = tpu.bitcast %shift_left3A_591 : vector<16xi32> -> vector<16xf32>
        %mul3A_593 = arith.mulf %bitcast_convert_type3A_592, %gather3A_581 : vector<16xf32>
        %add3A_594 = arith.addf %add3A_536, %mul3A_593 : vector<16xf32>
        %bitcast_convert_type3A_595 = tpu.bitcast %gather3A_588 : vector<16xi32> -> vector<16xf32>
        %mul3A_596 = arith.mulf %bitcast_convert_type3A_595, %gather3A_584 : vector<16xf32>
        %add3A_597 = arith.addf %add3A_539, %mul3A_596 : vector<16xf32>
        %add3A_598 = arith.constant 7168 : i32
        %add3A_599 = vector.broadcast %add3A_598 : i32 to vector<16xi32>
        %add3A_600 = arith.addi %add3A_155, %add3A_599 : vector<16xi32>
        %gather3A_601 = tpu.vector_load_idx %arg7[%add3A_600] : memref<65544xi32, #tpu.memory_space<vmem>>[vector<16xi32>], vector<16xi32>,
        %shift_left3A_602 = arith.constant 16 : i32
        %shift_left3A_603 = vector.broadcast %shift_left3A_602 : i32 to vector<16xi32>
        %shift_left3A_604 = arith.shli %gather3A_601, %shift_left3A_603 : vector<16xi32>
        %bitcast_convert_type3A_605 = tpu.bitcast %shift_left3A_604 : vector<16xi32> -> vector<16xf32>
        %mul3A_606 = arith.mulf %bitcast_convert_type3A_605, %gather3A_581 : vector<16xf32>
        %add3A_607 = arith.addf %add3A_549, %mul3A_606 : vector<16xf32>
        %bitcast_convert_type3A_608 = tpu.bitcast %gather3A_601 : vector<16xi32> -> vector<16xf32>
        %mul3A_609 = arith.mulf %bitcast_convert_type3A_608, %gather3A_584 : vector<16xf32>
        %add3A_610 = arith.addf %add3A_552, %mul3A_609 : vector<16xf32>
        %add3A_611 = arith.constant 7168 : i32
        %add3A_612 = vector.broadcast %add3A_611 : i32 to vector<16xi32>
        %add3A_613 = arith.addi %add3A_156, %add3A_612 : vector<16xi32>
        %gather3A_614 = tpu.vector_load_idx %arg7[%add3A_613] : memref<65544xi32, #tpu.memory_space<vmem>>[vector<16xi32>], vector<16xi32>,
        %shift_left3A_615 = arith.constant 16 : i32
        %shift_left3A_616 = vector.broadcast %shift_left3A_615 : i32 to vector<16xi32>
        %shift_left3A_617 = arith.shli %gather3A_614, %shift_left3A_616 : vector<16xi32>
        %bitcast_convert_type3A_618 = tpu.bitcast %shift_left3A_617 : vector<16xi32> -> vector<16xf32>
        %mul3A_619 = arith.mulf %bitcast_convert_type3A_618, %gather3A_581 : vector<16xf32>
        %add3A_620 = arith.addf %add3A_562, %mul3A_619 : vector<16xf32>
        %bitcast_convert_type3A_621 = tpu.bitcast %gather3A_614 : vector<16xi32> -> vector<16xf32>
        %mul3A_622 = arith.mulf %bitcast_convert_type3A_621, %gather3A_584 : vector<16xf32>
        %add3A_623 = arith.addf %add3A_565, %mul3A_622 : vector<16xf32>
        %add3A_624 = arith.constant 7168 : i32
        %add3A_625 = vector.broadcast %add3A_624 : i32 to vector<16xi32>
        %add3A_626 = arith.addi %add3A_157, %add3A_625 : vector<16xi32>
        %gather3A_627 = tpu.vector_load_idx %arg7[%add3A_626] : memref<65544xi32, #tpu.memory_space<vmem>>[vector<16xi32>], vector<16xi32>,
        %shift_left3A_628 = arith.constant 16 : i32
        %shift_left3A_629 = vector.broadcast %shift_left3A_628 : i32 to vector<16xi32>
        %shift_left3A_630 = arith.shli %gather3A_627, %shift_left3A_629 : vector<16xi32>
        %bitcast_convert_type3A_631 = tpu.bitcast %shift_left3A_630 : vector<16xi32> -> vector<16xf32>
        %mul3A_632 = arith.mulf %bitcast_convert_type3A_631, %gather3A_581 : vector<16xf32>
        %add3A_633 = arith.addf %add3A_575, %mul3A_632 : vector<16xf32>
        %bitcast_convert_type3A_634 = tpu.bitcast %gather3A_627 : vector<16xi32> -> vector<16xf32>
        %mul3A_635 = arith.mulf %bitcast_convert_type3A_634, %gather3A_584 : vector<16xf32>
        %add3A_636 = arith.addf %add3A_578, %mul3A_635 : vector<16xf32>
        %broadcast_in_dim3A_637 = vector.shape_cast %broadcast_in_dim3A_7 : vector<16xi32> to vector<16x1xi32>
        %gather3A_638 = vector.shape_cast %broadcast_in_dim3A_637 : vector<16x1xi32> to vector<16xi32>
        %gather3A_639 = tpu.dynamic_gather %get3A_84[%gather3A_638] in [0] : vector<16xf32>, vector<16xi32> -> vector<16xf32>
        %broadcast_in_dim3A_640 = vector.shape_cast %broadcast_in_dim3A_9 : vector<16xi32> to vector<16x1xi32>
        %gather3A_641 = vector.shape_cast %broadcast_in_dim3A_640 : vector<16x1xi32> to vector<16xi32>
        %gather3A_642 = tpu.dynamic_gather %get3A_84[%gather3A_641] in [0] : vector<16xf32>, vector<16xi32> -> vector<16xf32>
        %add3A_643 = arith.constant 8192 : i32
        %add3A_644 = vector.broadcast %add3A_643 : i32 to vector<16xi32>
        %add3A_645 = arith.addi %add3A_154, %add3A_644 : vector<16xi32>
        %gather3A_646 = tpu.vector_load_idx %arg7[%add3A_645] : memref<65544xi32, #tpu.memory_space<vmem>>[vector<16xi32>], vector<16xi32>,
        %shift_left3A_647 = arith.constant 16 : i32
        %shift_left3A_648 = vector.broadcast %shift_left3A_647 : i32 to vector<16xi32>
        %shift_left3A_649 = arith.shli %gather3A_646, %shift_left3A_648 : vector<16xi32>
        %bitcast_convert_type3A_650 = tpu.bitcast %shift_left3A_649 : vector<16xi32> -> vector<16xf32>
        %mul3A_651 = arith.mulf %bitcast_convert_type3A_650, %gather3A_639 : vector<16xf32>
        %add3A_652 = arith.addf %add3A_594, %mul3A_651 : vector<16xf32>
        %bitcast_convert_type3A_653 = tpu.bitcast %gather3A_646 : vector<16xi32> -> vector<16xf32>
        %mul3A_654 = arith.mulf %bitcast_convert_type3A_653, %gather3A_642 : vector<16xf32>
        %add3A_655 = arith.addf %add3A_597, %mul3A_654 : vector<16xf32>
        %add3A_656 = arith.constant 8192 : i32
        %add3A_657 = vector.broadcast %add3A_656 : i32 to vector<16xi32>
        %add3A_658 = arith.addi %add3A_155, %add3A_657 : vector<16xi32>
        %gather3A_659 = tpu.vector_load_idx %arg7[%add3A_658] : memref<65544xi32, #tpu.memory_space<vmem>>[vector<16xi32>], vector<16xi32>,
        %shift_left3A_660 = arith.constant 16 : i32
        %shift_left3A_661 = vector.broadcast %shift_left3A_660 : i32 to vector<16xi32>
        %shift_left3A_662 = arith.shli %gather3A_659, %shift_left3A_661 : vector<16xi32>
        %bitcast_convert_type3A_663 = tpu.bitcast %shift_left3A_662 : vector<16xi32> -> vector<16xf32>
        %mul3A_664 = arith.mulf %bitcast_convert_type3A_663, %gather3A_639 : vector<16xf32>
        %add3A_665 = arith.addf %add3A_607, %mul3A_664 : vector<16xf32>
        %bitcast_convert_type3A_666 = tpu.bitcast %gather3A_659 : vector<16xi32> -> vector<16xf32>
        %mul3A_667 = arith.mulf %bitcast_convert_type3A_666, %gather3A_642 : vector<16xf32>
        %add3A_668 = arith.addf %add3A_610, %mul3A_667 : vector<16xf32>
        %add3A_669 = arith.constant 8192 : i32
        %add3A_670 = vector.broadcast %add3A_669 : i32 to vector<16xi32>
        %add3A_671 = arith.addi %add3A_156, %add3A_670 : vector<16xi32>
        %gather3A_672 = tpu.vector_load_idx %arg7[%add3A_671] : memref<65544xi32, #tpu.memory_space<vmem>>[vector<16xi32>], vector<16xi32>,
        %shift_left3A_673 = arith.constant 16 : i32
        %shift_left3A_674 = vector.broadcast %shift_left3A_673 : i32 to vector<16xi32>
        %shift_left3A_675 = arith.shli %gather3A_672, %shift_left3A_674 : vector<16xi32>
        %bitcast_convert_type3A_676 = tpu.bitcast %shift_left3A_675 : vector<16xi32> -> vector<16xf32>
        %mul3A_677 = arith.mulf %bitcast_convert_type3A_676, %gather3A_639 : vector<16xf32>
        %add3A_678 = arith.addf %add3A_620, %mul3A_677 : vector<16xf32>
        %bitcast_convert_type3A_679 = tpu.bitcast %gather3A_672 : vector<16xi32> -> vector<16xf32>
        %mul3A_680 = arith.mulf %bitcast_convert_type3A_679, %gather3A_642 : vector<16xf32>
        %add3A_681 = arith.addf %add3A_623, %mul3A_680 : vector<16xf32>
        %add3A_682 = arith.constant 8192 : i32
        %add3A_683 = vector.broadcast %add3A_682 : i32 to vector<16xi32>
        %add3A_684 = arith.addi %add3A_157, %add3A_683 : vector<16xi32>
        %gather3A_685 = tpu.vector_load_idx %arg7[%add3A_684] : memref<65544xi32, #tpu.memory_space<vmem>>[vector<16xi32>], vector<16xi32>,
        %shift_left3A_686 = arith.constant 16 : i32
        %shift_left3A_687 = vector.broadcast %shift_left3A_686 : i32 to vector<16xi32>
        %shift_left3A_688 = arith.shli %gather3A_685, %shift_left3A_687 : vector<16xi32>
        %bitcast_convert_type3A_689 = tpu.bitcast %shift_left3A_688 : vector<16xi32> -> vector<16xf32>
        %mul3A_690 = arith.mulf %bitcast_convert_type3A_689, %gather3A_639 : vector<16xf32>
        %add3A_691 = arith.addf %add3A_633, %mul3A_690 : vector<16xf32>
        %bitcast_convert_type3A_692 = tpu.bitcast %gather3A_685 : vector<16xi32> -> vector<16xf32>
        %mul3A_693 = arith.mulf %bitcast_convert_type3A_692, %gather3A_642 : vector<16xf32>
        %add3A_694 = arith.addf %add3A_636, %mul3A_693 : vector<16xf32>
        %broadcast_in_dim3A_695 = vector.shape_cast %broadcast_in_dim3A_11 : vector<16xi32> to vector<16x1xi32>
        %gather3A_696 = vector.shape_cast %broadcast_in_dim3A_695 : vector<16x1xi32> to vector<16xi32>
        %gather3A_697 = tpu.dynamic_gather %get3A_84[%gather3A_696] in [0] : vector<16xf32>, vector<16xi32> -> vector<16xf32>
        %broadcast_in_dim3A_698 = vector.shape_cast %broadcast_in_dim3A_13 : vector<16xi32> to vector<16x1xi32>
        %gather3A_699 = vector.shape_cast %broadcast_in_dim3A_698 : vector<16x1xi32> to vector<16xi32>
        %gather3A_700 = tpu.dynamic_gather %get3A_84[%gather3A_699] in [0] : vector<16xf32>, vector<16xi32> -> vector<16xf32>
        %add3A_701 = arith.constant 9216 : i32
        %add3A_702 = vector.broadcast %add3A_701 : i32 to vector<16xi32>
        %add3A_703 = arith.addi %add3A_154, %add3A_702 : vector<16xi32>
        %gather3A_704 = tpu.vector_load_idx %arg7[%add3A_703] : memref<65544xi32, #tpu.memory_space<vmem>>[vector<16xi32>], vector<16xi32>,
        %shift_left3A_705 = arith.constant 16 : i32
        %shift_left3A_706 = vector.broadcast %shift_left3A_705 : i32 to vector<16xi32>
        %shift_left3A_707 = arith.shli %gather3A_704, %shift_left3A_706 : vector<16xi32>
        %bitcast_convert_type3A_708 = tpu.bitcast %shift_left3A_707 : vector<16xi32> -> vector<16xf32>
        %mul3A_709 = arith.mulf %bitcast_convert_type3A_708, %gather3A_697 : vector<16xf32>
        %add3A_710 = arith.addf %add3A_652, %mul3A_709 : vector<16xf32>
        %bitcast_convert_type3A_711 = tpu.bitcast %gather3A_704 : vector<16xi32> -> vector<16xf32>
        %mul3A_712 = arith.mulf %bitcast_convert_type3A_711, %gather3A_700 : vector<16xf32>
        %add3A_713 = arith.addf %add3A_655, %mul3A_712 : vector<16xf32>
        %add3A_714 = arith.constant 9216 : i32
        %add3A_715 = vector.broadcast %add3A_714 : i32 to vector<16xi32>
        %add3A_716 = arith.addi %add3A_155, %add3A_715 : vector<16xi32>
        %gather3A_717 = tpu.vector_load_idx %arg7[%add3A_716] : memref<65544xi32, #tpu.memory_space<vmem>>[vector<16xi32>], vector<16xi32>,
        %shift_left3A_718 = arith.constant 16 : i32
        %shift_left3A_719 = vector.broadcast %shift_left3A_718 : i32 to vector<16xi32>
        %shift_left3A_720 = arith.shli %gather3A_717, %shift_left3A_719 : vector<16xi32>
        %bitcast_convert_type3A_721 = tpu.bitcast %shift_left3A_720 : vector<16xi32> -> vector<16xf32>
        %mul3A_722 = arith.mulf %bitcast_convert_type3A_721, %gather3A_697 : vector<16xf32>
        %add3A_723 = arith.addf %add3A_665, %mul3A_722 : vector<16xf32>
        %bitcast_convert_type3A_724 = tpu.bitcast %gather3A_717 : vector<16xi32> -> vector<16xf32>
        %mul3A_725 = arith.mulf %bitcast_convert_type3A_724, %gather3A_700 : vector<16xf32>
        %add3A_726 = arith.addf %add3A_668, %mul3A_725 : vector<16xf32>
        %add3A_727 = arith.constant 9216 : i32
        %add3A_728 = vector.broadcast %add3A_727 : i32 to vector<16xi32>
        %add3A_729 = arith.addi %add3A_156, %add3A_728 : vector<16xi32>
        %gather3A_730 = tpu.vector_load_idx %arg7[%add3A_729] : memref<65544xi32, #tpu.memory_space<vmem>>[vector<16xi32>], vector<16xi32>,
        %shift_left3A_731 = arith.constant 16 : i32
        %shift_left3A_732 = vector.broadcast %shift_left3A_731 : i32 to vector<16xi32>
        %shift_left3A_733 = arith.shli %gather3A_730, %shift_left3A_732 : vector<16xi32>
        %bitcast_convert_type3A_734 = tpu.bitcast %shift_left3A_733 : vector<16xi32> -> vector<16xf32>
        %mul3A_735 = arith.mulf %bitcast_convert_type3A_734, %gather3A_697 : vector<16xf32>
        %add3A_736 = arith.addf %add3A_678, %mul3A_735 : vector<16xf32>
        %bitcast_convert_type3A_737 = tpu.bitcast %gather3A_730 : vector<16xi32> -> vector<16xf32>
        %mul3A_738 = arith.mulf %bitcast_convert_type3A_737, %gather3A_700 : vector<16xf32>
        %add3A_739 = arith.addf %add3A_681, %mul3A_738 : vector<16xf32>
        %add3A_740 = arith.constant 9216 : i32
        %add3A_741 = vector.broadcast %add3A_740 : i32 to vector<16xi32>
        %add3A_742 = arith.addi %add3A_157, %add3A_741 : vector<16xi32>
        %gather3A_743 = tpu.vector_load_idx %arg7[%add3A_742] : memref<65544xi32, #tpu.memory_space<vmem>>[vector<16xi32>], vector<16xi32>,
        %shift_left3A_744 = arith.constant 16 : i32
        %shift_left3A_745 = vector.broadcast %shift_left3A_744 : i32 to vector<16xi32>
        %shift_left3A_746 = arith.shli %gather3A_743, %shift_left3A_745 : vector<16xi32>
        %bitcast_convert_type3A_747 = tpu.bitcast %shift_left3A_746 : vector<16xi32> -> vector<16xf32>
        %mul3A_748 = arith.mulf %bitcast_convert_type3A_747, %gather3A_697 : vector<16xf32>
        %add3A_749 = arith.addf %add3A_691, %mul3A_748 : vector<16xf32>
        %bitcast_convert_type3A_750 = tpu.bitcast %gather3A_743 : vector<16xi32> -> vector<16xf32>
        %mul3A_751 = arith.mulf %bitcast_convert_type3A_750, %gather3A_700 : vector<16xf32>
        %add3A_752 = arith.addf %add3A_694, %mul3A_751 : vector<16xf32>
        %broadcast_in_dim3A_753 = vector.shape_cast %broadcast_in_dim3A_15 : vector<16xi32> to vector<16x1xi32>
        %gather3A_754 = vector.shape_cast %broadcast_in_dim3A_753 : vector<16x1xi32> to vector<16xi32>
        %gather3A_755 = tpu.dynamic_gather %get3A_84[%gather3A_754] in [0] : vector<16xf32>, vector<16xi32> -> vector<16xf32>
        %broadcast_in_dim3A_756 = vector.shape_cast %broadcast_in_dim3A_17 : vector<16xi32> to vector<16x1xi32>
        %gather3A_757 = vector.shape_cast %broadcast_in_dim3A_756 : vector<16x1xi32> to vector<16xi32>
        %gather3A_758 = tpu.dynamic_gather %get3A_84[%gather3A_757] in [0] : vector<16xf32>, vector<16xi32> -> vector<16xf32>
        %add3A_759 = arith.constant 10240 : i32
        %add3A_760 = vector.broadcast %add3A_759 : i32 to vector<16xi32>
        %add3A_761 = arith.addi %add3A_154, %add3A_760 : vector<16xi32>
        %gather3A_762 = tpu.vector_load_idx %arg7[%add3A_761] : memref<65544xi32, #tpu.memory_space<vmem>>[vector<16xi32>], vector<16xi32>,
        %shift_left3A_763 = arith.constant 16 : i32
        %shift_left3A_764 = vector.broadcast %shift_left3A_763 : i32 to vector<16xi32>
        %shift_left3A_765 = arith.shli %gather3A_762, %shift_left3A_764 : vector<16xi32>
        %bitcast_convert_type3A_766 = tpu.bitcast %shift_left3A_765 : vector<16xi32> -> vector<16xf32>
        %mul3A_767 = arith.mulf %bitcast_convert_type3A_766, %gather3A_755 : vector<16xf32>
        %add3A_768 = arith.addf %add3A_710, %mul3A_767 : vector<16xf32>
        %bitcast_convert_type3A_769 = tpu.bitcast %gather3A_762 : vector<16xi32> -> vector<16xf32>
        %mul3A_770 = arith.mulf %bitcast_convert_type3A_769, %gather3A_758 : vector<16xf32>
        %add3A_771 = arith.addf %add3A_713, %mul3A_770 : vector<16xf32>
        %add3A_772 = arith.constant 10240 : i32
        %add3A_773 = vector.broadcast %add3A_772 : i32 to vector<16xi32>
        %add3A_774 = arith.addi %add3A_155, %add3A_773 : vector<16xi32>
        %gather3A_775 = tpu.vector_load_idx %arg7[%add3A_774] : memref<65544xi32, #tpu.memory_space<vmem>>[vector<16xi32>], vector<16xi32>,
        %shift_left3A_776 = arith.constant 16 : i32
        %shift_left3A_777 = vector.broadcast %shift_left3A_776 : i32 to vector<16xi32>
        %shift_left3A_778 = arith.shli %gather3A_775, %shift_left3A_777 : vector<16xi32>
        %bitcast_convert_type3A_779 = tpu.bitcast %shift_left3A_778 : vector<16xi32> -> vector<16xf32>
        %mul3A_780 = arith.mulf %bitcast_convert_type3A_779, %gather3A_755 : vector<16xf32>
        %add3A_781 = arith.addf %add3A_723, %mul3A_780 : vector<16xf32>
        %bitcast_convert_type3A_782 = tpu.bitcast %gather3A_775 : vector<16xi32> -> vector<16xf32>
        %mul3A_783 = arith.mulf %bitcast_convert_type3A_782, %gather3A_758 : vector<16xf32>
        %add3A_784 = arith.addf %add3A_726, %mul3A_783 : vector<16xf32>
        %add3A_785 = arith.constant 10240 : i32
        %add3A_786 = vector.broadcast %add3A_785 : i32 to vector<16xi32>
        %add3A_787 = arith.addi %add3A_156, %add3A_786 : vector<16xi32>
        %gather3A_788 = tpu.vector_load_idx %arg7[%add3A_787] : memref<65544xi32, #tpu.memory_space<vmem>>[vector<16xi32>], vector<16xi32>,
        %shift_left3A_789 = arith.constant 16 : i32
        %shift_left3A_790 = vector.broadcast %shift_left3A_789 : i32 to vector<16xi32>
        %shift_left3A_791 = arith.shli %gather3A_788, %shift_left3A_790 : vector<16xi32>
        %bitcast_convert_type3A_792 = tpu.bitcast %shift_left3A_791 : vector<16xi32> -> vector<16xf32>
        %mul3A_793 = arith.mulf %bitcast_convert_type3A_792, %gather3A_755 : vector<16xf32>
        %add3A_794 = arith.addf %add3A_736, %mul3A_793 : vector<16xf32>
        %bitcast_convert_type3A_795 = tpu.bitcast %gather3A_788 : vector<16xi32> -> vector<16xf32>
        %mul3A_796 = arith.mulf %bitcast_convert_type3A_795, %gather3A_758 : vector<16xf32>
        %add3A_797 = arith.addf %add3A_739, %mul3A_796 : vector<16xf32>
        %add3A_798 = arith.constant 10240 : i32
        %add3A_799 = vector.broadcast %add3A_798 : i32 to vector<16xi32>
        %add3A_800 = arith.addi %add3A_157, %add3A_799 : vector<16xi32>
        %gather3A_801 = tpu.vector_load_idx %arg7[%add3A_800] : memref<65544xi32, #tpu.memory_space<vmem>>[vector<16xi32>], vector<16xi32>,
        %shift_left3A_802 = arith.constant 16 : i32
        %shift_left3A_803 = vector.broadcast %shift_left3A_802 : i32 to vector<16xi32>
        %shift_left3A_804 = arith.shli %gather3A_801, %shift_left3A_803 : vector<16xi32>
        %bitcast_convert_type3A_805 = tpu.bitcast %shift_left3A_804 : vector<16xi32> -> vector<16xf32>
        %mul3A_806 = arith.mulf %bitcast_convert_type3A_805, %gather3A_755 : vector<16xf32>
        %add3A_807 = arith.addf %add3A_749, %mul3A_806 : vector<16xf32>
        %bitcast_convert_type3A_808 = tpu.bitcast %gather3A_801 : vector<16xi32> -> vector<16xf32>
        %mul3A_809 = arith.mulf %bitcast_convert_type3A_808, %gather3A_758 : vector<16xf32>
        %add3A_810 = arith.addf %add3A_752, %mul3A_809 : vector<16xf32>
        %broadcast_in_dim3A_811 = vector.shape_cast %broadcast_in_dim3A_19 : vector<16xi32> to vector<16x1xi32>
        %gather3A_812 = vector.shape_cast %broadcast_in_dim3A_811 : vector<16x1xi32> to vector<16xi32>
        %gather3A_813 = tpu.dynamic_gather %get3A_84[%gather3A_812] in [0] : vector<16xf32>, vector<16xi32> -> vector<16xf32>
        %broadcast_in_dim3A_814 = vector.shape_cast %broadcast_in_dim3A_21 : vector<16xi32> to vector<16x1xi32>
        %gather3A_815 = vector.shape_cast %broadcast_in_dim3A_814 : vector<16x1xi32> to vector<16xi32>
        %gather3A_816 = tpu.dynamic_gather %get3A_84[%gather3A_815] in [0] : vector<16xf32>, vector<16xi32> -> vector<16xf32>
        %add3A_817 = arith.constant 11264 : i32
        %add3A_818 = vector.broadcast %add3A_817 : i32 to vector<16xi32>
        %add3A_819 = arith.addi %add3A_154, %add3A_818 : vector<16xi32>
        %gather3A_820 = tpu.vector_load_idx %arg7[%add3A_819] : memref<65544xi32, #tpu.memory_space<vmem>>[vector<16xi32>], vector<16xi32>,
        %shift_left3A_821 = arith.constant 16 : i32
        %shift_left3A_822 = vector.broadcast %shift_left3A_821 : i32 to vector<16xi32>
        %shift_left3A_823 = arith.shli %gather3A_820, %shift_left3A_822 : vector<16xi32>
        %bitcast_convert_type3A_824 = tpu.bitcast %shift_left3A_823 : vector<16xi32> -> vector<16xf32>
        %mul3A_825 = arith.mulf %bitcast_convert_type3A_824, %gather3A_813 : vector<16xf32>
        %add3A_826 = arith.addf %add3A_768, %mul3A_825 : vector<16xf32>
        %bitcast_convert_type3A_827 = tpu.bitcast %gather3A_820 : vector<16xi32> -> vector<16xf32>
        %mul3A_828 = arith.mulf %bitcast_convert_type3A_827, %gather3A_816 : vector<16xf32>
        %add3A_829 = arith.addf %add3A_771, %mul3A_828 : vector<16xf32>
        %add3A_830 = arith.constant 11264 : i32
        %add3A_831 = vector.broadcast %add3A_830 : i32 to vector<16xi32>
        %add3A_832 = arith.addi %add3A_155, %add3A_831 : vector<16xi32>
        %gather3A_833 = tpu.vector_load_idx %arg7[%add3A_832] : memref<65544xi32, #tpu.memory_space<vmem>>[vector<16xi32>], vector<16xi32>,
        %shift_left3A_834 = arith.constant 16 : i32
        %shift_left3A_835 = vector.broadcast %shift_left3A_834 : i32 to vector<16xi32>
        %shift_left3A_836 = arith.shli %gather3A_833, %shift_left3A_835 : vector<16xi32>
        %bitcast_convert_type3A_837 = tpu.bitcast %shift_left3A_836 : vector<16xi32> -> vector<16xf32>
        %mul3A_838 = arith.mulf %bitcast_convert_type3A_837, %gather3A_813 : vector<16xf32>
        %add3A_839 = arith.addf %add3A_781, %mul3A_838 : vector<16xf32>
        %bitcast_convert_type3A_840 = tpu.bitcast %gather3A_833 : vector<16xi32> -> vector<16xf32>
        %mul3A_841 = arith.mulf %bitcast_convert_type3A_840, %gather3A_816 : vector<16xf32>
        %add3A_842 = arith.addf %add3A_784, %mul3A_841 : vector<16xf32>
        %add3A_843 = arith.constant 11264 : i32
        %add3A_844 = vector.broadcast %add3A_843 : i32 to vector<16xi32>
        %add3A_845 = arith.addi %add3A_156, %add3A_844 : vector<16xi32>
        %gather3A_846 = tpu.vector_load_idx %arg7[%add3A_845] : memref<65544xi32, #tpu.memory_space<vmem>>[vector<16xi32>], vector<16xi32>,
        %shift_left3A_847 = arith.constant 16 : i32
        %shift_left3A_848 = vector.broadcast %shift_left3A_847 : i32 to vector<16xi32>
        %shift_left3A_849 = arith.shli %gather3A_846, %shift_left3A_848 : vector<16xi32>
        %bitcast_convert_type3A_850 = tpu.bitcast %shift_left3A_849 : vector<16xi32> -> vector<16xf32>
        %mul3A_851 = arith.mulf %bitcast_convert_type3A_850, %gather3A_813 : vector<16xf32>
        %add3A_852 = arith.addf %add3A_794, %mul3A_851 : vector<16xf32>
        %bitcast_convert_type3A_853 = tpu.bitcast %gather3A_846 : vector<16xi32> -> vector<16xf32>
        %mul3A_854 = arith.mulf %bitcast_convert_type3A_853, %gather3A_816 : vector<16xf32>
        %add3A_855 = arith.addf %add3A_797, %mul3A_854 : vector<16xf32>
        %add3A_856 = arith.constant 11264 : i32
        %add3A_857 = vector.broadcast %add3A_856 : i32 to vector<16xi32>
        %add3A_858 = arith.addi %add3A_157, %add3A_857 : vector<16xi32>
        %gather3A_859 = tpu.vector_load_idx %arg7[%add3A_858] : memref<65544xi32, #tpu.memory_space<vmem>>[vector<16xi32>], vector<16xi32>,
        %shift_left3A_860 = arith.constant 16 : i32
        %shift_left3A_861 = vector.broadcast %shift_left3A_860 : i32 to vector<16xi32>
        %shift_left3A_862 = arith.shli %gather3A_859, %shift_left3A_861 : vector<16xi32>
        %bitcast_convert_type3A_863 = tpu.bitcast %shift_left3A_862 : vector<16xi32> -> vector<16xf32>
        %mul3A_864 = arith.mulf %bitcast_convert_type3A_863, %gather3A_813 : vector<16xf32>
        %add3A_865 = arith.addf %add3A_807, %mul3A_864 : vector<16xf32>
        %bitcast_convert_type3A_866 = tpu.bitcast %gather3A_859 : vector<16xi32> -> vector<16xf32>
        %mul3A_867 = arith.mulf %bitcast_convert_type3A_866, %gather3A_816 : vector<16xf32>
        %add3A_868 = arith.addf %add3A_810, %mul3A_867 : vector<16xf32>
        %broadcast_in_dim3A_869 = vector.shape_cast %broadcast_in_dim3A_23 : vector<16xi32> to vector<16x1xi32>
        %gather3A_870 = vector.shape_cast %broadcast_in_dim3A_869 : vector<16x1xi32> to vector<16xi32>
        %gather3A_871 = tpu.dynamic_gather %get3A_84[%gather3A_870] in [0] : vector<16xf32>, vector<16xi32> -> vector<16xf32>
        %broadcast_in_dim3A_872 = vector.shape_cast %broadcast_in_dim3A_25 : vector<16xi32> to vector<16x1xi32>
        %gather3A_873 = vector.shape_cast %broadcast_in_dim3A_872 : vector<16x1xi32> to vector<16xi32>
        %gather3A_874 = tpu.dynamic_gather %get3A_84[%gather3A_873] in [0] : vector<16xf32>, vector<16xi32> -> vector<16xf32>
        %add3A_875 = arith.constant 12288 : i32
        %add3A_876 = vector.broadcast %add3A_875 : i32 to vector<16xi32>
        %add3A_877 = arith.addi %add3A_154, %add3A_876 : vector<16xi32>
        %gather3A_878 = tpu.vector_load_idx %arg7[%add3A_877] : memref<65544xi32, #tpu.memory_space<vmem>>[vector<16xi32>], vector<16xi32>,
        %shift_left3A_879 = arith.constant 16 : i32
        %shift_left3A_880 = vector.broadcast %shift_left3A_879 : i32 to vector<16xi32>
        %shift_left3A_881 = arith.shli %gather3A_878, %shift_left3A_880 : vector<16xi32>
        %bitcast_convert_type3A_882 = tpu.bitcast %shift_left3A_881 : vector<16xi32> -> vector<16xf32>
        %mul3A_883 = arith.mulf %bitcast_convert_type3A_882, %gather3A_871 : vector<16xf32>
        %add3A_884 = arith.addf %add3A_826, %mul3A_883 : vector<16xf32>
        %bitcast_convert_type3A_885 = tpu.bitcast %gather3A_878 : vector<16xi32> -> vector<16xf32>
        %mul3A_886 = arith.mulf %bitcast_convert_type3A_885, %gather3A_874 : vector<16xf32>
        %add3A_887 = arith.addf %add3A_829, %mul3A_886 : vector<16xf32>
        %add3A_888 = arith.constant 12288 : i32
        %add3A_889 = vector.broadcast %add3A_888 : i32 to vector<16xi32>
        %add3A_890 = arith.addi %add3A_155, %add3A_889 : vector<16xi32>
        %gather3A_891 = tpu.vector_load_idx %arg7[%add3A_890] : memref<65544xi32, #tpu.memory_space<vmem>>[vector<16xi32>], vector<16xi32>,
        %shift_left3A_892 = arith.constant 16 : i32
        %shift_left3A_893 = vector.broadcast %shift_left3A_892 : i32 to vector<16xi32>
        %shift_left3A_894 = arith.shli %gather3A_891, %shift_left3A_893 : vector<16xi32>
        %bitcast_convert_type3A_895 = tpu.bitcast %shift_left3A_894 : vector<16xi32> -> vector<16xf32>
        %mul3A_896 = arith.mulf %bitcast_convert_type3A_895, %gather3A_871 : vector<16xf32>
        %add3A_897 = arith.addf %add3A_839, %mul3A_896 : vector<16xf32>
        %bitcast_convert_type3A_898 = tpu.bitcast %gather3A_891 : vector<16xi32> -> vector<16xf32>
        %mul3A_899 = arith.mulf %bitcast_convert_type3A_898, %gather3A_874 : vector<16xf32>
        %add3A_900 = arith.addf %add3A_842, %mul3A_899 : vector<16xf32>
        %add3A_901 = arith.constant 12288 : i32
        %add3A_902 = vector.broadcast %add3A_901 : i32 to vector<16xi32>
        %add3A_903 = arith.addi %add3A_156, %add3A_902 : vector<16xi32>
        %gather3A_904 = tpu.vector_load_idx %arg7[%add3A_903] : memref<65544xi32, #tpu.memory_space<vmem>>[vector<16xi32>], vector<16xi32>,
        %shift_left3A_905 = arith.constant 16 : i32
        %shift_left3A_906 = vector.broadcast %shift_left3A_905 : i32 to vector<16xi32>
        %shift_left3A_907 = arith.shli %gather3A_904, %shift_left3A_906 : vector<16xi32>
        %bitcast_convert_type3A_908 = tpu.bitcast %shift_left3A_907 : vector<16xi32> -> vector<16xf32>
        %mul3A_909 = arith.mulf %bitcast_convert_type3A_908, %gather3A_871 : vector<16xf32>
        %add3A_910 = arith.addf %add3A_852, %mul3A_909 : vector<16xf32>
        %bitcast_convert_type3A_911 = tpu.bitcast %gather3A_904 : vector<16xi32> -> vector<16xf32>
        %mul3A_912 = arith.mulf %bitcast_convert_type3A_911, %gather3A_874 : vector<16xf32>
        %add3A_913 = arith.addf %add3A_855, %mul3A_912 : vector<16xf32>
        %add3A_914 = arith.constant 12288 : i32
        %add3A_915 = vector.broadcast %add3A_914 : i32 to vector<16xi32>
        %add3A_916 = arith.addi %add3A_157, %add3A_915 : vector<16xi32>
        %gather3A_917 = tpu.vector_load_idx %arg7[%add3A_916] : memref<65544xi32, #tpu.memory_space<vmem>>[vector<16xi32>], vector<16xi32>,
        %shift_left3A_918 = arith.constant 16 : i32
        %shift_left3A_919 = vector.broadcast %shift_left3A_918 : i32 to vector<16xi32>
        %shift_left3A_920 = arith.shli %gather3A_917, %shift_left3A_919 : vector<16xi32>
        %bitcast_convert_type3A_921 = tpu.bitcast %shift_left3A_920 : vector<16xi32> -> vector<16xf32>
        %mul3A_922 = arith.mulf %bitcast_convert_type3A_921, %gather3A_871 : vector<16xf32>
        %add3A_923 = arith.addf %add3A_865, %mul3A_922 : vector<16xf32>
        %bitcast_convert_type3A_924 = tpu.bitcast %gather3A_917 : vector<16xi32> -> vector<16xf32>
        %mul3A_925 = arith.mulf %bitcast_convert_type3A_924, %gather3A_874 : vector<16xf32>
        %add3A_926 = arith.addf %add3A_868, %mul3A_925 : vector<16xf32>
        %broadcast_in_dim3A_927 = vector.shape_cast %broadcast_in_dim3A_27 : vector<16xi32> to vector<16x1xi32>
        %gather3A_928 = vector.shape_cast %broadcast_in_dim3A_927 : vector<16x1xi32> to vector<16xi32>
        %gather3A_929 = tpu.dynamic_gather %get3A_84[%gather3A_928] in [0] : vector<16xf32>, vector<16xi32> -> vector<16xf32>
        %broadcast_in_dim3A_930 = vector.shape_cast %broadcast_in_dim3A_29 : vector<16xi32> to vector<16x1xi32>
        %gather3A_931 = vector.shape_cast %broadcast_in_dim3A_930 : vector<16x1xi32> to vector<16xi32>
        %gather3A_932 = tpu.dynamic_gather %get3A_84[%gather3A_931] in [0] : vector<16xf32>, vector<16xi32> -> vector<16xf32>
        %add3A_933 = arith.constant 13312 : i32
        %add3A_934 = vector.broadcast %add3A_933 : i32 to vector<16xi32>
        %add3A_935 = arith.addi %add3A_154, %add3A_934 : vector<16xi32>
        %gather3A_936 = tpu.vector_load_idx %arg7[%add3A_935] : memref<65544xi32, #tpu.memory_space<vmem>>[vector<16xi32>], vector<16xi32>,
        %shift_left3A_937 = arith.constant 16 : i32
        %shift_left3A_938 = vector.broadcast %shift_left3A_937 : i32 to vector<16xi32>
        %shift_left3A_939 = arith.shli %gather3A_936, %shift_left3A_938 : vector<16xi32>
        %bitcast_convert_type3A_940 = tpu.bitcast %shift_left3A_939 : vector<16xi32> -> vector<16xf32>
        %mul3A_941 = arith.mulf %bitcast_convert_type3A_940, %gather3A_929 : vector<16xf32>
        %add3A_942 = arith.addf %add3A_884, %mul3A_941 : vector<16xf32>
        %bitcast_convert_type3A_943 = tpu.bitcast %gather3A_936 : vector<16xi32> -> vector<16xf32>
        %mul3A_944 = arith.mulf %bitcast_convert_type3A_943, %gather3A_932 : vector<16xf32>
        %add3A_945 = arith.addf %add3A_887, %mul3A_944 : vector<16xf32>
        %add3A_946 = arith.constant 13312 : i32
        %add3A_947 = vector.broadcast %add3A_946 : i32 to vector<16xi32>
        %add3A_948 = arith.addi %add3A_155, %add3A_947 : vector<16xi32>
        %gather3A_949 = tpu.vector_load_idx %arg7[%add3A_948] : memref<65544xi32, #tpu.memory_space<vmem>>[vector<16xi32>], vector<16xi32>,
        %shift_left3A_950 = arith.constant 16 : i32
        %shift_left3A_951 = vector.broadcast %shift_left3A_950 : i32 to vector<16xi32>
        %shift_left3A_952 = arith.shli %gather3A_949, %shift_left3A_951 : vector<16xi32>
        %bitcast_convert_type3A_953 = tpu.bitcast %shift_left3A_952 : vector<16xi32> -> vector<16xf32>
        %mul3A_954 = arith.mulf %bitcast_convert_type3A_953, %gather3A_929 : vector<16xf32>
        %add3A_955 = arith.addf %add3A_897, %mul3A_954 : vector<16xf32>
        %bitcast_convert_type3A_956 = tpu.bitcast %gather3A_949 : vector<16xi32> -> vector<16xf32>
        %mul3A_957 = arith.mulf %bitcast_convert_type3A_956, %gather3A_932 : vector<16xf32>
        %add3A_958 = arith.addf %add3A_900, %mul3A_957 : vector<16xf32>
        %add3A_959 = arith.constant 13312 : i32
        %add3A_960 = vector.broadcast %add3A_959 : i32 to vector<16xi32>
        %add3A_961 = arith.addi %add3A_156, %add3A_960 : vector<16xi32>
        %gather3A_962 = tpu.vector_load_idx %arg7[%add3A_961] : memref<65544xi32, #tpu.memory_space<vmem>>[vector<16xi32>], vector<16xi32>,
        %shift_left3A_963 = arith.constant 16 : i32
        %shift_left3A_964 = vector.broadcast %shift_left3A_963 : i32 to vector<16xi32>
        %shift_left3A_965 = arith.shli %gather3A_962, %shift_left3A_964 : vector<16xi32>
        %bitcast_convert_type3A_966 = tpu.bitcast %shift_left3A_965 : vector<16xi32> -> vector<16xf32>
        %mul3A_967 = arith.mulf %bitcast_convert_type3A_966, %gather3A_929 : vector<16xf32>
        %add3A_968 = arith.addf %add3A_910, %mul3A_967 : vector<16xf32>
        %bitcast_convert_type3A_969 = tpu.bitcast %gather3A_962 : vector<16xi32> -> vector<16xf32>
        %mul3A_970 = arith.mulf %bitcast_convert_type3A_969, %gather3A_932 : vector<16xf32>
        %add3A_971 = arith.addf %add3A_913, %mul3A_970 : vector<16xf32>
        %add3A_972 = arith.constant 13312 : i32
        %add3A_973 = vector.broadcast %add3A_972 : i32 to vector<16xi32>
        %add3A_974 = arith.addi %add3A_157, %add3A_973 : vector<16xi32>
        %gather3A_975 = tpu.vector_load_idx %arg7[%add3A_974] : memref<65544xi32, #tpu.memory_space<vmem>>[vector<16xi32>], vector<16xi32>,
        %shift_left3A_976 = arith.constant 16 : i32
        %shift_left3A_977 = vector.broadcast %shift_left3A_976 : i32 to vector<16xi32>
        %shift_left3A_978 = arith.shli %gather3A_975, %shift_left3A_977 : vector<16xi32>
        %bitcast_convert_type3A_979 = tpu.bitcast %shift_left3A_978 : vector<16xi32> -> vector<16xf32>
        %mul3A_980 = arith.mulf %bitcast_convert_type3A_979, %gather3A_929 : vector<16xf32>
        %add3A_981 = arith.addf %add3A_923, %mul3A_980 : vector<16xf32>
        %bitcast_convert_type3A_982 = tpu.bitcast %gather3A_975 : vector<16xi32> -> vector<16xf32>
        %mul3A_983 = arith.mulf %bitcast_convert_type3A_982, %gather3A_932 : vector<16xf32>
        %add3A_984 = arith.addf %add3A_926, %mul3A_983 : vector<16xf32>
        %broadcast_in_dim3A_985 = vector.shape_cast %broadcast_in_dim3A_31 : vector<16xi32> to vector<16x1xi32>
        %gather3A_986 = vector.shape_cast %broadcast_in_dim3A_985 : vector<16x1xi32> to vector<16xi32>
        %gather3A_987 = tpu.dynamic_gather %get3A_84[%gather3A_986] in [0] : vector<16xf32>, vector<16xi32> -> vector<16xf32>
        %broadcast_in_dim3A_988 = vector.shape_cast %broadcast_in_dim3A_33 : vector<16xi32> to vector<16x1xi32>
        %gather3A_989 = vector.shape_cast %broadcast_in_dim3A_988 : vector<16x1xi32> to vector<16xi32>
        %gather3A_990 = tpu.dynamic_gather %get3A_84[%gather3A_989] in [0] : vector<16xf32>, vector<16xi32> -> vector<16xf32>
        %add3A_991 = arith.constant 14336 : i32
        %add3A_992 = vector.broadcast %add3A_991 : i32 to vector<16xi32>
        %add3A_993 = arith.addi %add3A_154, %add3A_992 : vector<16xi32>
        %gather3A_994 = tpu.vector_load_idx %arg7[%add3A_993] : memref<65544xi32, #tpu.memory_space<vmem>>[vector<16xi32>], vector<16xi32>,
        %shift_left3A_995 = arith.constant 16 : i32
        %shift_left3A_996 = vector.broadcast %shift_left3A_995 : i32 to vector<16xi32>
        %shift_left3A_997 = arith.shli %gather3A_994, %shift_left3A_996 : vector<16xi32>
        %bitcast_convert_type3A_998 = tpu.bitcast %shift_left3A_997 : vector<16xi32> -> vector<16xf32>
        %mul3A_999 = arith.mulf %bitcast_convert_type3A_998, %gather3A_987 : vector<16xf32>
        %add3A_1000 = arith.addf %add3A_942, %mul3A_999 : vector<16xf32>
        %bitcast_convert_type3A_1001 = tpu.bitcast %gather3A_994 : vector<16xi32> -> vector<16xf32>
        %mul3A_1002 = arith.mulf %bitcast_convert_type3A_1001, %gather3A_990 : vector<16xf32>
        %add3A_1003 = arith.addf %add3A_945, %mul3A_1002 : vector<16xf32>
        %add3A_1004 = arith.constant 14336 : i32
        %add3A_1005 = vector.broadcast %add3A_1004 : i32 to vector<16xi32>
        %add3A_1006 = arith.addi %add3A_155, %add3A_1005 : vector<16xi32>
        %gather3A_1007 = tpu.vector_load_idx %arg7[%add3A_1006] : memref<65544xi32, #tpu.memory_space<vmem>>[vector<16xi32>], vector<16xi32>,
        %shift_left3A_1008 = arith.constant 16 : i32
        %shift_left3A_1009 = vector.broadcast %shift_left3A_1008 : i32 to vector<16xi32>
        %shift_left3A_1010 = arith.shli %gather3A_1007, %shift_left3A_1009 : vector<16xi32>
        %bitcast_convert_type3A_1011 = tpu.bitcast %shift_left3A_1010 : vector<16xi32> -> vector<16xf32>
        %mul3A_1012 = arith.mulf %bitcast_convert_type3A_1011, %gather3A_987 : vector<16xf32>
        %add3A_1013 = arith.addf %add3A_955, %mul3A_1012 : vector<16xf32>
        %bitcast_convert_type3A_1014 = tpu.bitcast %gather3A_1007 : vector<16xi32> -> vector<16xf32>
        %mul3A_1015 = arith.mulf %bitcast_convert_type3A_1014, %gather3A_990 : vector<16xf32>
        %add3A_1016 = arith.addf %add3A_958, %mul3A_1015 : vector<16xf32>
        %add3A_1017 = arith.constant 14336 : i32
        %add3A_1018 = vector.broadcast %add3A_1017 : i32 to vector<16xi32>
        %add3A_1019 = arith.addi %add3A_156, %add3A_1018 : vector<16xi32>
        %gather3A_1020 = tpu.vector_load_idx %arg7[%add3A_1019] : memref<65544xi32, #tpu.memory_space<vmem>>[vector<16xi32>], vector<16xi32>,
        %shift_left3A_1021 = arith.constant 16 : i32
        %shift_left3A_1022 = vector.broadcast %shift_left3A_1021 : i32 to vector<16xi32>
        %shift_left3A_1023 = arith.shli %gather3A_1020, %shift_left3A_1022 : vector<16xi32>
        %bitcast_convert_type3A_1024 = tpu.bitcast %shift_left3A_1023 : vector<16xi32> -> vector<16xf32>
        %mul3A_1025 = arith.mulf %bitcast_convert_type3A_1024, %gather3A_987 : vector<16xf32>
        %add3A_1026 = arith.addf %add3A_968, %mul3A_1025 : vector<16xf32>
        %bitcast_convert_type3A_1027 = tpu.bitcast %gather3A_1020 : vector<16xi32> -> vector<16xf32>
        %mul3A_1028 = arith.mulf %bitcast_convert_type3A_1027, %gather3A_990 : vector<16xf32>
        %add3A_1029 = arith.addf %add3A_971, %mul3A_1028 : vector<16xf32>
        %add3A_1030 = arith.constant 14336 : i32
        %add3A_1031 = vector.broadcast %add3A_1030 : i32 to vector<16xi32>
        %add3A_1032 = arith.addi %add3A_157, %add3A_1031 : vector<16xi32>
        %gather3A_1033 = tpu.vector_load_idx %arg7[%add3A_1032] : memref<65544xi32, #tpu.memory_space<vmem>>[vector<16xi32>], vector<16xi32>,
        %shift_left3A_1034 = arith.constant 16 : i32
        %shift_left3A_1035 = vector.broadcast %shift_left3A_1034 : i32 to vector<16xi32>
        %shift_left3A_1036 = arith.shli %gather3A_1033, %shift_left3A_1035 : vector<16xi32>
        %bitcast_convert_type3A_1037 = tpu.bitcast %shift_left3A_1036 : vector<16xi32> -> vector<16xf32>
        %mul3A_1038 = arith.mulf %bitcast_convert_type3A_1037, %gather3A_987 : vector<16xf32>
        %add3A_1039 = arith.addf %add3A_981, %mul3A_1038 : vector<16xf32>
        %bitcast_convert_type3A_1040 = tpu.bitcast %gather3A_1033 : vector<16xi32> -> vector<16xf32>
        %mul3A_1041 = arith.mulf %bitcast_convert_type3A_1040, %gather3A_990 : vector<16xf32>
        %add3A_1042 = arith.addf %add3A_984, %mul3A_1041 : vector<16xf32>
        %broadcast_in_dim3A_1043 = vector.shape_cast %broadcast_in_dim3A_35 : vector<16xi32> to vector<16x1xi32>
        %gather3A_1044 = vector.shape_cast %broadcast_in_dim3A_1043 : vector<16x1xi32> to vector<16xi32>
        %gather3A_1045 = tpu.dynamic_gather %get3A_84[%gather3A_1044] in [0] : vector<16xf32>, vector<16xi32> -> vector<16xf32>
        %broadcast_in_dim3A_1046 = vector.shape_cast %broadcast_in_dim3A_37 : vector<16xi32> to vector<16x1xi32>
        %gather3A_1047 = vector.shape_cast %broadcast_in_dim3A_1046 : vector<16x1xi32> to vector<16xi32>
        %gather3A_1048 = tpu.dynamic_gather %get3A_84[%gather3A_1047] in [0] : vector<16xf32>, vector<16xi32> -> vector<16xf32>
        %add3A_1049 = arith.constant 15360 : i32
        %add3A_1050 = vector.broadcast %add3A_1049 : i32 to vector<16xi32>
        %add3A_1051 = arith.addi %add3A_154, %add3A_1050 : vector<16xi32>
        %gather3A_1052 = tpu.vector_load_idx %arg7[%add3A_1051] : memref<65544xi32, #tpu.memory_space<vmem>>[vector<16xi32>], vector<16xi32>,
        %shift_left3A_1053 = arith.constant 16 : i32
        %shift_left3A_1054 = vector.broadcast %shift_left3A_1053 : i32 to vector<16xi32>
        %shift_left3A_1055 = arith.shli %gather3A_1052, %shift_left3A_1054 : vector<16xi32>
        %bitcast_convert_type3A_1056 = tpu.bitcast %shift_left3A_1055 : vector<16xi32> -> vector<16xf32>
        %mul3A_1057 = arith.mulf %bitcast_convert_type3A_1056, %gather3A_1045 : vector<16xf32>
        %add3A_1058 = arith.addf %add3A_1000, %mul3A_1057 : vector<16xf32>
        %bitcast_convert_type3A_1059 = tpu.bitcast %gather3A_1052 : vector<16xi32> -> vector<16xf32>
        %mul3A_1060 = arith.mulf %bitcast_convert_type3A_1059, %gather3A_1048 : vector<16xf32>
        %add3A_1061 = arith.addf %add3A_1003, %mul3A_1060 : vector<16xf32>
        %add3A_1062 = arith.constant 15360 : i32
        %add3A_1063 = vector.broadcast %add3A_1062 : i32 to vector<16xi32>
        %add3A_1064 = arith.addi %add3A_155, %add3A_1063 : vector<16xi32>
        %gather3A_1065 = tpu.vector_load_idx %arg7[%add3A_1064] : memref<65544xi32, #tpu.memory_space<vmem>>[vector<16xi32>], vector<16xi32>,
        %shift_left3A_1066 = arith.constant 16 : i32
        %shift_left3A_1067 = vector.broadcast %shift_left3A_1066 : i32 to vector<16xi32>
        %shift_left3A_1068 = arith.shli %gather3A_1065, %shift_left3A_1067 : vector<16xi32>
        %bitcast_convert_type3A_1069 = tpu.bitcast %shift_left3A_1068 : vector<16xi32> -> vector<16xf32>
        %mul3A_1070 = arith.mulf %bitcast_convert_type3A_1069, %gather3A_1045 : vector<16xf32>
        %add3A_1071 = arith.addf %add3A_1013, %mul3A_1070 : vector<16xf32>
        %bitcast_convert_type3A_1072 = tpu.bitcast %gather3A_1065 : vector<16xi32> -> vector<16xf32>
        %mul3A_1073 = arith.mulf %bitcast_convert_type3A_1072, %gather3A_1048 : vector<16xf32>
        %add3A_1074 = arith.addf %add3A_1016, %mul3A_1073 : vector<16xf32>
        %add3A_1075 = arith.constant 15360 : i32
        %add3A_1076 = vector.broadcast %add3A_1075 : i32 to vector<16xi32>
        %add3A_1077 = arith.addi %add3A_156, %add3A_1076 : vector<16xi32>
        %gather3A_1078 = tpu.vector_load_idx %arg7[%add3A_1077] : memref<65544xi32, #tpu.memory_space<vmem>>[vector<16xi32>], vector<16xi32>,
        %shift_left3A_1079 = arith.constant 16 : i32
        %shift_left3A_1080 = vector.broadcast %shift_left3A_1079 : i32 to vector<16xi32>
        %shift_left3A_1081 = arith.shli %gather3A_1078, %shift_left3A_1080 : vector<16xi32>
        %bitcast_convert_type3A_1082 = tpu.bitcast %shift_left3A_1081 : vector<16xi32> -> vector<16xf32>
        %mul3A_1083 = arith.mulf %bitcast_convert_type3A_1082, %gather3A_1045 : vector<16xf32>
        %add3A_1084 = arith.addf %add3A_1026, %mul3A_1083 : vector<16xf32>
        %bitcast_convert_type3A_1085 = tpu.bitcast %gather3A_1078 : vector<16xi32> -> vector<16xf32>
        %mul3A_1086 = arith.mulf %bitcast_convert_type3A_1085, %gather3A_1048 : vector<16xf32>
        %add3A_1087 = arith.addf %add3A_1029, %mul3A_1086 : vector<16xf32>
        %add3A_1088 = arith.constant 15360 : i32
        %add3A_1089 = vector.broadcast %add3A_1088 : i32 to vector<16xi32>
        %add3A_1090 = arith.addi %add3A_157, %add3A_1089 : vector<16xi32>
        %gather3A_1091 = tpu.vector_load_idx %arg7[%add3A_1090] : memref<65544xi32, #tpu.memory_space<vmem>>[vector<16xi32>], vector<16xi32>,
        %shift_left3A_1092 = arith.constant 16 : i32
        %shift_left3A_1093 = vector.broadcast %shift_left3A_1092 : i32 to vector<16xi32>
        %shift_left3A_1094 = arith.shli %gather3A_1091, %shift_left3A_1093 : vector<16xi32>
        %bitcast_convert_type3A_1095 = tpu.bitcast %shift_left3A_1094 : vector<16xi32> -> vector<16xf32>
        %mul3A_1096 = arith.mulf %bitcast_convert_type3A_1095, %gather3A_1045 : vector<16xf32>
        %add3A_1097 = arith.addf %add3A_1039, %mul3A_1096 : vector<16xf32>
        %bitcast_convert_type3A_1098 = tpu.bitcast %gather3A_1091 : vector<16xi32> -> vector<16xf32>
        %mul3A_1099 = arith.mulf %bitcast_convert_type3A_1098, %gather3A_1048 : vector<16xf32>
        %add3A_1100 = arith.addf %add3A_1042, %mul3A_1099 : vector<16xf32>
        %broadcast_in_dim3A_1101 = vector.shape_cast %broadcast_in_dim3A_7 : vector<16xi32> to vector<16x1xi32>
        %gather3A_1102 = vector.shape_cast %broadcast_in_dim3A_1101 : vector<16x1xi32> to vector<16xi32>
        %gather3A_1103 = tpu.dynamic_gather %get3A_87[%gather3A_1102] in [0] : vector<16xf32>, vector<16xi32> -> vector<16xf32>
        %broadcast_in_dim3A_1104 = vector.shape_cast %broadcast_in_dim3A_9 : vector<16xi32> to vector<16x1xi32>
        %gather3A_1105 = vector.shape_cast %broadcast_in_dim3A_1104 : vector<16x1xi32> to vector<16xi32>
        %gather3A_1106 = tpu.dynamic_gather %get3A_87[%gather3A_1105] in [0] : vector<16xf32>, vector<16xi32> -> vector<16xf32>
        %add3A_1107 = arith.constant 16384 : i32
        %add3A_1108 = vector.broadcast %add3A_1107 : i32 to vector<16xi32>
        %add3A_1109 = arith.addi %add3A_154, %add3A_1108 : vector<16xi32>
        %gather3A_1110 = tpu.vector_load_idx %arg7[%add3A_1109] : memref<65544xi32, #tpu.memory_space<vmem>>[vector<16xi32>], vector<16xi32>,
        %shift_left3A_1111 = arith.constant 16 : i32
        %shift_left3A_1112 = vector.broadcast %shift_left3A_1111 : i32 to vector<16xi32>
        %shift_left3A_1113 = arith.shli %gather3A_1110, %shift_left3A_1112 : vector<16xi32>
        %bitcast_convert_type3A_1114 = tpu.bitcast %shift_left3A_1113 : vector<16xi32> -> vector<16xf32>
        %mul3A_1115 = arith.mulf %bitcast_convert_type3A_1114, %gather3A_1103 : vector<16xf32>
        %add3A_1116 = arith.addf %add3A_1058, %mul3A_1115 : vector<16xf32>
        %bitcast_convert_type3A_1117 = tpu.bitcast %gather3A_1110 : vector<16xi32> -> vector<16xf32>
        %mul3A_1118 = arith.mulf %bitcast_convert_type3A_1117, %gather3A_1106 : vector<16xf32>
        %add3A_1119 = arith.addf %add3A_1061, %mul3A_1118 : vector<16xf32>
        %add3A_1120 = arith.constant 16384 : i32
        %add3A_1121 = vector.broadcast %add3A_1120 : i32 to vector<16xi32>
        %add3A_1122 = arith.addi %add3A_155, %add3A_1121 : vector<16xi32>
        %gather3A_1123 = tpu.vector_load_idx %arg7[%add3A_1122] : memref<65544xi32, #tpu.memory_space<vmem>>[vector<16xi32>], vector<16xi32>,
        %shift_left3A_1124 = arith.constant 16 : i32
        %shift_left3A_1125 = vector.broadcast %shift_left3A_1124 : i32 to vector<16xi32>
        %shift_left3A_1126 = arith.shli %gather3A_1123, %shift_left3A_1125 : vector<16xi32>
        %bitcast_convert_type3A_1127 = tpu.bitcast %shift_left3A_1126 : vector<16xi32> -> vector<16xf32>
        %mul3A_1128 = arith.mulf %bitcast_convert_type3A_1127, %gather3A_1103 : vector<16xf32>
        %add3A_1129 = arith.addf %add3A_1071, %mul3A_1128 : vector<16xf32>
        %bitcast_convert_type3A_1130 = tpu.bitcast %gather3A_1123 : vector<16xi32> -> vector<16xf32>
        %mul3A_1131 = arith.mulf %bitcast_convert_type3A_1130, %gather3A_1106 : vector<16xf32>
        %add3A_1132 = arith.addf %add3A_1074, %mul3A_1131 : vector<16xf32>
        %add3A_1133 = arith.constant 16384 : i32
        %add3A_1134 = vector.broadcast %add3A_1133 : i32 to vector<16xi32>
        %add3A_1135 = arith.addi %add3A_156, %add3A_1134 : vector<16xi32>
        %gather3A_1136 = tpu.vector_load_idx %arg7[%add3A_1135] : memref<65544xi32, #tpu.memory_space<vmem>>[vector<16xi32>], vector<16xi32>,
        %shift_left3A_1137 = arith.constant 16 : i32
        %shift_left3A_1138 = vector.broadcast %shift_left3A_1137 : i32 to vector<16xi32>
        %shift_left3A_1139 = arith.shli %gather3A_1136, %shift_left3A_1138 : vector<16xi32>
        %bitcast_convert_type3A_1140 = tpu.bitcast %shift_left3A_1139 : vector<16xi32> -> vector<16xf32>
        %mul3A_1141 = arith.mulf %bitcast_convert_type3A_1140, %gather3A_1103 : vector<16xf32>
        %add3A_1142 = arith.addf %add3A_1084, %mul3A_1141 : vector<16xf32>
        %bitcast_convert_type3A_1143 = tpu.bitcast %gather3A_1136 : vector<16xi32> -> vector<16xf32>
        %mul3A_1144 = arith.mulf %bitcast_convert_type3A_1143, %gather3A_1106 : vector<16xf32>
        %add3A_1145 = arith.addf %add3A_1087, %mul3A_1144 : vector<16xf32>
        %add3A_1146 = arith.constant 16384 : i32
        %add3A_1147 = vector.broadcast %add3A_1146 : i32 to vector<16xi32>
        %add3A_1148 = arith.addi %add3A_157, %add3A_1147 : vector<16xi32>
        %gather3A_1149 = tpu.vector_load_idx %arg7[%add3A_1148] : memref<65544xi32, #tpu.memory_space<vmem>>[vector<16xi32>], vector<16xi32>,
        %shift_left3A_1150 = arith.constant 16 : i32
        %shift_left3A_1151 = vector.broadcast %shift_left3A_1150 : i32 to vector<16xi32>
        %shift_left3A_1152 = arith.shli %gather3A_1149, %shift_left3A_1151 : vector<16xi32>
        %bitcast_convert_type3A_1153 = tpu.bitcast %shift_left3A_1152 : vector<16xi32> -> vector<16xf32>
        %mul3A_1154 = arith.mulf %bitcast_convert_type3A_1153, %gather3A_1103 : vector<16xf32>
        %add3A_1155 = arith.addf %add3A_1097, %mul3A_1154 : vector<16xf32>
        %bitcast_convert_type3A_1156 = tpu.bitcast %gather3A_1149 : vector<16xi32> -> vector<16xf32>
        %mul3A_1157 = arith.mulf %bitcast_convert_type3A_1156, %gather3A_1106 : vector<16xf32>
        %add3A_1158 = arith.addf %add3A_1100, %mul3A_1157 : vector<16xf32>
        %broadcast_in_dim3A_1159 = vector.shape_cast %broadcast_in_dim3A_11 : vector<16xi32> to vector<16x1xi32>
        %gather3A_1160 = vector.shape_cast %broadcast_in_dim3A_1159 : vector<16x1xi32> to vector<16xi32>
        %gather3A_1161 = tpu.dynamic_gather %get3A_87[%gather3A_1160] in [0] : vector<16xf32>, vector<16xi32> -> vector<16xf32>
        %broadcast_in_dim3A_1162 = vector.shape_cast %broadcast_in_dim3A_13 : vector<16xi32> to vector<16x1xi32>
        %gather3A_1163 = vector.shape_cast %broadcast_in_dim3A_1162 : vector<16x1xi32> to vector<16xi32>
        %gather3A_1164 = tpu.dynamic_gather %get3A_87[%gather3A_1163] in [0] : vector<16xf32>, vector<16xi32> -> vector<16xf32>
        %add3A_1165 = arith.constant 17408 : i32
        %add3A_1166 = vector.broadcast %add3A_1165 : i32 to vector<16xi32>
        %add3A_1167 = arith.addi %add3A_154, %add3A_1166 : vector<16xi32>
        %gather3A_1168 = tpu.vector_load_idx %arg7[%add3A_1167] : memref<65544xi32, #tpu.memory_space<vmem>>[vector<16xi32>], vector<16xi32>,
        %shift_left3A_1169 = arith.constant 16 : i32
        %shift_left3A_1170 = vector.broadcast %shift_left3A_1169 : i32 to vector<16xi32>
        %shift_left3A_1171 = arith.shli %gather3A_1168, %shift_left3A_1170 : vector<16xi32>
        %bitcast_convert_type3A_1172 = tpu.bitcast %shift_left3A_1171 : vector<16xi32> -> vector<16xf32>
        %mul3A_1173 = arith.mulf %bitcast_convert_type3A_1172, %gather3A_1161 : vector<16xf32>
        %add3A_1174 = arith.addf %add3A_1116, %mul3A_1173 : vector<16xf32>
        %bitcast_convert_type3A_1175 = tpu.bitcast %gather3A_1168 : vector<16xi32> -> vector<16xf32>
        %mul3A_1176 = arith.mulf %bitcast_convert_type3A_1175, %gather3A_1164 : vector<16xf32>
        %add3A_1177 = arith.addf %add3A_1119, %mul3A_1176 : vector<16xf32>
        %add3A_1178 = arith.constant 17408 : i32
        %add3A_1179 = vector.broadcast %add3A_1178 : i32 to vector<16xi32>
        %add3A_1180 = arith.addi %add3A_155, %add3A_1179 : vector<16xi32>
        %gather3A_1181 = tpu.vector_load_idx %arg7[%add3A_1180] : memref<65544xi32, #tpu.memory_space<vmem>>[vector<16xi32>], vector<16xi32>,
        %shift_left3A_1182 = arith.constant 16 : i32
        %shift_left3A_1183 = vector.broadcast %shift_left3A_1182 : i32 to vector<16xi32>
        %shift_left3A_1184 = arith.shli %gather3A_1181, %shift_left3A_1183 : vector<16xi32>
        %bitcast_convert_type3A_1185 = tpu.bitcast %shift_left3A_1184 : vector<16xi32> -> vector<16xf32>
        %mul3A_1186 = arith.mulf %bitcast_convert_type3A_1185, %gather3A_1161 : vector<16xf32>
        %add3A_1187 = arith.addf %add3A_1129, %mul3A_1186 : vector<16xf32>
        %bitcast_convert_type3A_1188 = tpu.bitcast %gather3A_1181 : vector<16xi32> -> vector<16xf32>
        %mul3A_1189 = arith.mulf %bitcast_convert_type3A_1188, %gather3A_1164 : vector<16xf32>
        %add3A_1190 = arith.addf %add3A_1132, %mul3A_1189 : vector<16xf32>
        %add3A_1191 = arith.constant 17408 : i32
        %add3A_1192 = vector.broadcast %add3A_1191 : i32 to vector<16xi32>
        %add3A_1193 = arith.addi %add3A_156, %add3A_1192 : vector<16xi32>
        %gather3A_1194 = tpu.vector_load_idx %arg7[%add3A_1193] : memref<65544xi32, #tpu.memory_space<vmem>>[vector<16xi32>], vector<16xi32>,
        %shift_left3A_1195 = arith.constant 16 : i32
        %shift_left3A_1196 = vector.broadcast %shift_left3A_1195 : i32 to vector<16xi32>
        %shift_left3A_1197 = arith.shli %gather3A_1194, %shift_left3A_1196 : vector<16xi32>
        %bitcast_convert_type3A_1198 = tpu.bitcast %shift_left3A_1197 : vector<16xi32> -> vector<16xf32>
        %mul3A_1199 = arith.mulf %bitcast_convert_type3A_1198, %gather3A_1161 : vector<16xf32>
        %add3A_1200 = arith.addf %add3A_1142, %mul3A_1199 : vector<16xf32>
        %bitcast_convert_type3A_1201 = tpu.bitcast %gather3A_1194 : vector<16xi32> -> vector<16xf32>
        %mul3A_1202 = arith.mulf %bitcast_convert_type3A_1201, %gather3A_1164 : vector<16xf32>
        %add3A_1203 = arith.addf %add3A_1145, %mul3A_1202 : vector<16xf32>
        %add3A_1204 = arith.constant 17408 : i32
        %add3A_1205 = vector.broadcast %add3A_1204 : i32 to vector<16xi32>
        %add3A_1206 = arith.addi %add3A_157, %add3A_1205 : vector<16xi32>
        %gather3A_1207 = tpu.vector_load_idx %arg7[%add3A_1206] : memref<65544xi32, #tpu.memory_space<vmem>>[vector<16xi32>], vector<16xi32>,
        %shift_left3A_1208 = arith.constant 16 : i32
        %shift_left3A_1209 = vector.broadcast %shift_left3A_1208 : i32 to vector<16xi32>
        %shift_left3A_1210 = arith.shli %gather3A_1207, %shift_left3A_1209 : vector<16xi32>
        %bitcast_convert_type3A_1211 = tpu.bitcast %shift_left3A_1210 : vector<16xi32> -> vector<16xf32>
        %mul3A_1212 = arith.mulf %bitcast_convert_type3A_1211, %gather3A_1161 : vector<16xf32>
        %add3A_1213 = arith.addf %add3A_1155, %mul3A_1212 : vector<16xf32>
        %bitcast_convert_type3A_1214 = tpu.bitcast %gather3A_1207 : vector<16xi32> -> vector<16xf32>
        %mul3A_1215 = arith.mulf %bitcast_convert_type3A_1214, %gather3A_1164 : vector<16xf32>
        %add3A_1216 = arith.addf %add3A_1158, %mul3A_1215 : vector<16xf32>
        %broadcast_in_dim3A_1217 = vector.shape_cast %broadcast_in_dim3A_15 : vector<16xi32> to vector<16x1xi32>
        %gather3A_1218 = vector.shape_cast %broadcast_in_dim3A_1217 : vector<16x1xi32> to vector<16xi32>
        %gather3A_1219 = tpu.dynamic_gather %get3A_87[%gather3A_1218] in [0] : vector<16xf32>, vector<16xi32> -> vector<16xf32>
        %broadcast_in_dim3A_1220 = vector.shape_cast %broadcast_in_dim3A_17 : vector<16xi32> to vector<16x1xi32>
        %gather3A_1221 = vector.shape_cast %broadcast_in_dim3A_1220 : vector<16x1xi32> to vector<16xi32>
        %gather3A_1222 = tpu.dynamic_gather %get3A_87[%gather3A_1221] in [0] : vector<16xf32>, vector<16xi32> -> vector<16xf32>
        %add3A_1223 = arith.constant 18432 : i32
        %add3A_1224 = vector.broadcast %add3A_1223 : i32 to vector<16xi32>
        %add3A_1225 = arith.addi %add3A_154, %add3A_1224 : vector<16xi32>
        %gather3A_1226 = tpu.vector_load_idx %arg7[%add3A_1225] : memref<65544xi32, #tpu.memory_space<vmem>>[vector<16xi32>], vector<16xi32>,
        %shift_left3A_1227 = arith.constant 16 : i32
        %shift_left3A_1228 = vector.broadcast %shift_left3A_1227 : i32 to vector<16xi32>
        %shift_left3A_1229 = arith.shli %gather3A_1226, %shift_left3A_1228 : vector<16xi32>
        %bitcast_convert_type3A_1230 = tpu.bitcast %shift_left3A_1229 : vector<16xi32> -> vector<16xf32>
        %mul3A_1231 = arith.mulf %bitcast_convert_type3A_1230, %gather3A_1219 : vector<16xf32>
        %add3A_1232 = arith.addf %add3A_1174, %mul3A_1231 : vector<16xf32>
        %bitcast_convert_type3A_1233 = tpu.bitcast %gather3A_1226 : vector<16xi32> -> vector<16xf32>
        %mul3A_1234 = arith.mulf %bitcast_convert_type3A_1233, %gather3A_1222 : vector<16xf32>
        %add3A_1235 = arith.addf %add3A_1177, %mul3A_1234 : vector<16xf32>
        %add3A_1236 = arith.constant 18432 : i32
        %add3A_1237 = vector.broadcast %add3A_1236 : i32 to vector<16xi32>
        %add3A_1238 = arith.addi %add3A_155, %add3A_1237 : vector<16xi32>
        %gather3A_1239 = tpu.vector_load_idx %arg7[%add3A_1238] : memref<65544xi32, #tpu.memory_space<vmem>>[vector<16xi32>], vector<16xi32>,
        %shift_left3A_1240 = arith.constant 16 : i32
        %shift_left3A_1241 = vector.broadcast %shift_left3A_1240 : i32 to vector<16xi32>
        %shift_left3A_1242 = arith.shli %gather3A_1239, %shift_left3A_1241 : vector<16xi32>
        %bitcast_convert_type3A_1243 = tpu.bitcast %shift_left3A_1242 : vector<16xi32> -> vector<16xf32>
        %mul3A_1244 = arith.mulf %bitcast_convert_type3A_1243, %gather3A_1219 : vector<16xf32>
        %add3A_1245 = arith.addf %add3A_1187, %mul3A_1244 : vector<16xf32>
        %bitcast_convert_type3A_1246 = tpu.bitcast %gather3A_1239 : vector<16xi32> -> vector<16xf32>
        %mul3A_1247 = arith.mulf %bitcast_convert_type3A_1246, %gather3A_1222 : vector<16xf32>
        %add3A_1248 = arith.addf %add3A_1190, %mul3A_1247 : vector<16xf32>
        %add3A_1249 = arith.constant 18432 : i32
        %add3A_1250 = vector.broadcast %add3A_1249 : i32 to vector<16xi32>
        %add3A_1251 = arith.addi %add3A_156, %add3A_1250 : vector<16xi32>
        %gather3A_1252 = tpu.vector_load_idx %arg7[%add3A_1251] : memref<65544xi32, #tpu.memory_space<vmem>>[vector<16xi32>], vector<16xi32>,
        %shift_left3A_1253 = arith.constant 16 : i32
        %shift_left3A_1254 = vector.broadcast %shift_left3A_1253 : i32 to vector<16xi32>
        %shift_left3A_1255 = arith.shli %gather3A_1252, %shift_left3A_1254 : vector<16xi32>
        %bitcast_convert_type3A_1256 = tpu.bitcast %shift_left3A_1255 : vector<16xi32> -> vector<16xf32>
        %mul3A_1257 = arith.mulf %bitcast_convert_type3A_1256, %gather3A_1219 : vector<16xf32>
        %add3A_1258 = arith.addf %add3A_1200, %mul3A_1257 : vector<16xf32>
        %bitcast_convert_type3A_1259 = tpu.bitcast %gather3A_1252 : vector<16xi32> -> vector<16xf32>
        %mul3A_1260 = arith.mulf %bitcast_convert_type3A_1259, %gather3A_1222 : vector<16xf32>
        %add3A_1261 = arith.addf %add3A_1203, %mul3A_1260 : vector<16xf32>
        %add3A_1262 = arith.constant 18432 : i32
        %add3A_1263 = vector.broadcast %add3A_1262 : i32 to vector<16xi32>
        %add3A_1264 = arith.addi %add3A_157, %add3A_1263 : vector<16xi32>
        %gather3A_1265 = tpu.vector_load_idx %arg7[%add3A_1264] : memref<65544xi32, #tpu.memory_space<vmem>>[vector<16xi32>], vector<16xi32>,
        %shift_left3A_1266 = arith.constant 16 : i32
        %shift_left3A_1267 = vector.broadcast %shift_left3A_1266 : i32 to vector<16xi32>
        %shift_left3A_1268 = arith.shli %gather3A_1265, %shift_left3A_1267 : vector<16xi32>
        %bitcast_convert_type3A_1269 = tpu.bitcast %shift_left3A_1268 : vector<16xi32> -> vector<16xf32>
        %mul3A_1270 = arith.mulf %bitcast_convert_type3A_1269, %gather3A_1219 : vector<16xf32>
        %add3A_1271 = arith.addf %add3A_1213, %mul3A_1270 : vector<16xf32>
        %bitcast_convert_type3A_1272 = tpu.bitcast %gather3A_1265 : vector<16xi32> -> vector<16xf32>
        %mul3A_1273 = arith.mulf %bitcast_convert_type3A_1272, %gather3A_1222 : vector<16xf32>
        %add3A_1274 = arith.addf %add3A_1216, %mul3A_1273 : vector<16xf32>
        %broadcast_in_dim3A_1275 = vector.shape_cast %broadcast_in_dim3A_19 : vector<16xi32> to vector<16x1xi32>
        %gather3A_1276 = vector.shape_cast %broadcast_in_dim3A_1275 : vector<16x1xi32> to vector<16xi32>
        %gather3A_1277 = tpu.dynamic_gather %get3A_87[%gather3A_1276] in [0] : vector<16xf32>, vector<16xi32> -> vector<16xf32>
        %broadcast_in_dim3A_1278 = vector.shape_cast %broadcast_in_dim3A_21 : vector<16xi32> to vector<16x1xi32>
        %gather3A_1279 = vector.shape_cast %broadcast_in_dim3A_1278 : vector<16x1xi32> to vector<16xi32>
        %gather3A_1280 = tpu.dynamic_gather %get3A_87[%gather3A_1279] in [0] : vector<16xf32>, vector<16xi32> -> vector<16xf32>
        %add3A_1281 = arith.constant 19456 : i32
        %add3A_1282 = vector.broadcast %add3A_1281 : i32 to vector<16xi32>
        %add3A_1283 = arith.addi %add3A_154, %add3A_1282 : vector<16xi32>
        %gather3A_1284 = tpu.vector_load_idx %arg7[%add3A_1283] : memref<65544xi32, #tpu.memory_space<vmem>>[vector<16xi32>], vector<16xi32>,
        %shift_left3A_1285 = arith.constant 16 : i32
        %shift_left3A_1286 = vector.broadcast %shift_left3A_1285 : i32 to vector<16xi32>
        %shift_left3A_1287 = arith.shli %gather3A_1284, %shift_left3A_1286 : vector<16xi32>
        %bitcast_convert_type3A_1288 = tpu.bitcast %shift_left3A_1287 : vector<16xi32> -> vector<16xf32>
        %mul3A_1289 = arith.mulf %bitcast_convert_type3A_1288, %gather3A_1277 : vector<16xf32>
        %add3A_1290 = arith.addf %add3A_1232, %mul3A_1289 : vector<16xf32>
        %bitcast_convert_type3A_1291 = tpu.bitcast %gather3A_1284 : vector<16xi32> -> vector<16xf32>
        %mul3A_1292 = arith.mulf %bitcast_convert_type3A_1291, %gather3A_1280 : vector<16xf32>
        %add3A_1293 = arith.addf %add3A_1235, %mul3A_1292 : vector<16xf32>
        %add3A_1294 = arith.constant 19456 : i32
        %add3A_1295 = vector.broadcast %add3A_1294 : i32 to vector<16xi32>
        %add3A_1296 = arith.addi %add3A_155, %add3A_1295 : vector<16xi32>
        %gather3A_1297 = tpu.vector_load_idx %arg7[%add3A_1296] : memref<65544xi32, #tpu.memory_space<vmem>>[vector<16xi32>], vector<16xi32>,
        %shift_left3A_1298 = arith.constant 16 : i32
        %shift_left3A_1299 = vector.broadcast %shift_left3A_1298 : i32 to vector<16xi32>
        %shift_left3A_1300 = arith.shli %gather3A_1297, %shift_left3A_1299 : vector<16xi32>
        %bitcast_convert_type3A_1301 = tpu.bitcast %shift_left3A_1300 : vector<16xi32> -> vector<16xf32>
        %mul3A_1302 = arith.mulf %bitcast_convert_type3A_1301, %gather3A_1277 : vector<16xf32>
        %add3A_1303 = arith.addf %add3A_1245, %mul3A_1302 : vector<16xf32>
        %bitcast_convert_type3A_1304 = tpu.bitcast %gather3A_1297 : vector<16xi32> -> vector<16xf32>
        %mul3A_1305 = arith.mulf %bitcast_convert_type3A_1304, %gather3A_1280 : vector<16xf32>
        %add3A_1306 = arith.addf %add3A_1248, %mul3A_1305 : vector<16xf32>
        %add3A_1307 = arith.constant 19456 : i32
        %add3A_1308 = vector.broadcast %add3A_1307 : i32 to vector<16xi32>
        %add3A_1309 = arith.addi %add3A_156, %add3A_1308 : vector<16xi32>
        %gather3A_1310 = tpu.vector_load_idx %arg7[%add3A_1309] : memref<65544xi32, #tpu.memory_space<vmem>>[vector<16xi32>], vector<16xi32>,
        %shift_left3A_1311 = arith.constant 16 : i32
        %shift_left3A_1312 = vector.broadcast %shift_left3A_1311 : i32 to vector<16xi32>
        %shift_left3A_1313 = arith.shli %gather3A_1310, %shift_left3A_1312 : vector<16xi32>
        %bitcast_convert_type3A_1314 = tpu.bitcast %shift_left3A_1313 : vector<16xi32> -> vector<16xf32>
        %mul3A_1315 = arith.mulf %bitcast_convert_type3A_1314, %gather3A_1277 : vector<16xf32>
        %add3A_1316 = arith.addf %add3A_1258, %mul3A_1315 : vector<16xf32>
        %bitcast_convert_type3A_1317 = tpu.bitcast %gather3A_1310 : vector<16xi32> -> vector<16xf32>
        %mul3A_1318 = arith.mulf %bitcast_convert_type3A_1317, %gather3A_1280 : vector<16xf32>
        %add3A_1319 = arith.addf %add3A_1261, %mul3A_1318 : vector<16xf32>
        %add3A_1320 = arith.constant 19456 : i32
        %add3A_1321 = vector.broadcast %add3A_1320 : i32 to vector<16xi32>
        %add3A_1322 = arith.addi %add3A_157, %add3A_1321 : vector<16xi32>
        %gather3A_1323 = tpu.vector_load_idx %arg7[%add3A_1322] : memref<65544xi32, #tpu.memory_space<vmem>>[vector<16xi32>], vector<16xi32>,
        %shift_left3A_1324 = arith.constant 16 : i32
        %shift_left3A_1325 = vector.broadcast %shift_left3A_1324 : i32 to vector<16xi32>
        %shift_left3A_1326 = arith.shli %gather3A_1323, %shift_left3A_1325 : vector<16xi32>
        %bitcast_convert_type3A_1327 = tpu.bitcast %shift_left3A_1326 : vector<16xi32> -> vector<16xf32>
        %mul3A_1328 = arith.mulf %bitcast_convert_type3A_1327, %gather3A_1277 : vector<16xf32>
        %add3A_1329 = arith.addf %add3A_1271, %mul3A_1328 : vector<16xf32>
        %bitcast_convert_type3A_1330 = tpu.bitcast %gather3A_1323 : vector<16xi32> -> vector<16xf32>
        %mul3A_1331 = arith.mulf %bitcast_convert_type3A_1330, %gather3A_1280 : vector<16xf32>
        %add3A_1332 = arith.addf %add3A_1274, %mul3A_1331 : vector<16xf32>
        %broadcast_in_dim3A_1333 = vector.shape_cast %broadcast_in_dim3A_23 : vector<16xi32> to vector<16x1xi32>
        %gather3A_1334 = vector.shape_cast %broadcast_in_dim3A_1333 : vector<16x1xi32> to vector<16xi32>
        %gather3A_1335 = tpu.dynamic_gather %get3A_87[%gather3A_1334] in [0] : vector<16xf32>, vector<16xi32> -> vector<16xf32>
        %broadcast_in_dim3A_1336 = vector.shape_cast %broadcast_in_dim3A_25 : vector<16xi32> to vector<16x1xi32>
        %gather3A_1337 = vector.shape_cast %broadcast_in_dim3A_1336 : vector<16x1xi32> to vector<16xi32>
        %gather3A_1338 = tpu.dynamic_gather %get3A_87[%gather3A_1337] in [0] : vector<16xf32>, vector<16xi32> -> vector<16xf32>
        %add3A_1339 = arith.constant 20480 : i32
        %add3A_1340 = vector.broadcast %add3A_1339 : i32 to vector<16xi32>
        %add3A_1341 = arith.addi %add3A_154, %add3A_1340 : vector<16xi32>
        %gather3A_1342 = tpu.vector_load_idx %arg7[%add3A_1341] : memref<65544xi32, #tpu.memory_space<vmem>>[vector<16xi32>], vector<16xi32>,
        %shift_left3A_1343 = arith.constant 16 : i32
        %shift_left3A_1344 = vector.broadcast %shift_left3A_1343 : i32 to vector<16xi32>
        %shift_left3A_1345 = arith.shli %gather3A_1342, %shift_left3A_1344 : vector<16xi32>
        %bitcast_convert_type3A_1346 = tpu.bitcast %shift_left3A_1345 : vector<16xi32> -> vector<16xf32>
        %mul3A_1347 = arith.mulf %bitcast_convert_type3A_1346, %gather3A_1335 : vector<16xf32>
        %add3A_1348 = arith.addf %add3A_1290, %mul3A_1347 : vector<16xf32>
        %bitcast_convert_type3A_1349 = tpu.bitcast %gather3A_1342 : vector<16xi32> -> vector<16xf32>
        %mul3A_1350 = arith.mulf %bitcast_convert_type3A_1349, %gather3A_1338 : vector<16xf32>
        %add3A_1351 = arith.addf %add3A_1293, %mul3A_1350 : vector<16xf32>
        %add3A_1352 = arith.constant 20480 : i32
        %add3A_1353 = vector.broadcast %add3A_1352 : i32 to vector<16xi32>
        %add3A_1354 = arith.addi %add3A_155, %add3A_1353 : vector<16xi32>
        %gather3A_1355 = tpu.vector_load_idx %arg7[%add3A_1354] : memref<65544xi32, #tpu.memory_space<vmem>>[vector<16xi32>], vector<16xi32>,
        %shift_left3A_1356 = arith.constant 16 : i32
        %shift_left3A_1357 = vector.broadcast %shift_left3A_1356 : i32 to vector<16xi32>
        %shift_left3A_1358 = arith.shli %gather3A_1355, %shift_left3A_1357 : vector<16xi32>
        %bitcast_convert_type3A_1359 = tpu.bitcast %shift_left3A_1358 : vector<16xi32> -> vector<16xf32>
        %mul3A_1360 = arith.mulf %bitcast_convert_type3A_1359, %gather3A_1335 : vector<16xf32>
        %add3A_1361 = arith.addf %add3A_1303, %mul3A_1360 : vector<16xf32>
        %bitcast_convert_type3A_1362 = tpu.bitcast %gather3A_1355 : vector<16xi32> -> vector<16xf32>
        %mul3A_1363 = arith.mulf %bitcast_convert_type3A_1362, %gather3A_1338 : vector<16xf32>
        %add3A_1364 = arith.addf %add3A_1306, %mul3A_1363 : vector<16xf32>
        %add3A_1365 = arith.constant 20480 : i32
        %add3A_1366 = vector.broadcast %add3A_1365 : i32 to vector<16xi32>
        %add3A_1367 = arith.addi %add3A_156, %add3A_1366 : vector<16xi32>
        %gather3A_1368 = tpu.vector_load_idx %arg7[%add3A_1367] : memref<65544xi32, #tpu.memory_space<vmem>>[vector<16xi32>], vector<16xi32>,
        %shift_left3A_1369 = arith.constant 16 : i32
        %shift_left3A_1370 = vector.broadcast %shift_left3A_1369 : i32 to vector<16xi32>
        %shift_left3A_1371 = arith.shli %gather3A_1368, %shift_left3A_1370 : vector<16xi32>
        %bitcast_convert_type3A_1372 = tpu.bitcast %shift_left3A_1371 : vector<16xi32> -> vector<16xf32>
        %mul3A_1373 = arith.mulf %bitcast_convert_type3A_1372, %gather3A_1335 : vector<16xf32>
        %add3A_1374 = arith.addf %add3A_1316, %mul3A_1373 : vector<16xf32>
        %bitcast_convert_type3A_1375 = tpu.bitcast %gather3A_1368 : vector<16xi32> -> vector<16xf32>
        %mul3A_1376 = arith.mulf %bitcast_convert_type3A_1375, %gather3A_1338 : vector<16xf32>
        %add3A_1377 = arith.addf %add3A_1319, %mul3A_1376 : vector<16xf32>
        %add3A_1378 = arith.constant 20480 : i32
        %add3A_1379 = vector.broadcast %add3A_1378 : i32 to vector<16xi32>
        %add3A_1380 = arith.addi %add3A_157, %add3A_1379 : vector<16xi32>
        %gather3A_1381 = tpu.vector_load_idx %arg7[%add3A_1380] : memref<65544xi32, #tpu.memory_space<vmem>>[vector<16xi32>], vector<16xi32>,
        %shift_left3A_1382 = arith.constant 16 : i32
        %shift_left3A_1383 = vector.broadcast %shift_left3A_1382 : i32 to vector<16xi32>
        %shift_left3A_1384 = arith.shli %gather3A_1381, %shift_left3A_1383 : vector<16xi32>
        %bitcast_convert_type3A_1385 = tpu.bitcast %shift_left3A_1384 : vector<16xi32> -> vector<16xf32>
        %mul3A_1386 = arith.mulf %bitcast_convert_type3A_1385, %gather3A_1335 : vector<16xf32>
        %add3A_1387 = arith.addf %add3A_1329, %mul3A_1386 : vector<16xf32>
        %bitcast_convert_type3A_1388 = tpu.bitcast %gather3A_1381 : vector<16xi32> -> vector<16xf32>
        %mul3A_1389 = arith.mulf %bitcast_convert_type3A_1388, %gather3A_1338 : vector<16xf32>
        %add3A_1390 = arith.addf %add3A_1332, %mul3A_1389 : vector<16xf32>
        %broadcast_in_dim3A_1391 = vector.shape_cast %broadcast_in_dim3A_27 : vector<16xi32> to vector<16x1xi32>
        %gather3A_1392 = vector.shape_cast %broadcast_in_dim3A_1391 : vector<16x1xi32> to vector<16xi32>
        %gather3A_1393 = tpu.dynamic_gather %get3A_87[%gather3A_1392] in [0] : vector<16xf32>, vector<16xi32> -> vector<16xf32>
        %broadcast_in_dim3A_1394 = vector.shape_cast %broadcast_in_dim3A_29 : vector<16xi32> to vector<16x1xi32>
        %gather3A_1395 = vector.shape_cast %broadcast_in_dim3A_1394 : vector<16x1xi32> to vector<16xi32>
        %gather3A_1396 = tpu.dynamic_gather %get3A_87[%gather3A_1395] in [0] : vector<16xf32>, vector<16xi32> -> vector<16xf32>
        %add3A_1397 = arith.constant 21504 : i32
        %add3A_1398 = vector.broadcast %add3A_1397 : i32 to vector<16xi32>
        %add3A_1399 = arith.addi %add3A_154, %add3A_1398 : vector<16xi32>
        %gather3A_1400 = tpu.vector_load_idx %arg7[%add3A_1399] : memref<65544xi32, #tpu.memory_space<vmem>>[vector<16xi32>], vector<16xi32>,
        %shift_left3A_1401 = arith.constant 16 : i32
        %shift_left3A_1402 = vector.broadcast %shift_left3A_1401 : i32 to vector<16xi32>
        %shift_left3A_1403 = arith.shli %gather3A_1400, %shift_left3A_1402 : vector<16xi32>
        %bitcast_convert_type3A_1404 = tpu.bitcast %shift_left3A_1403 : vector<16xi32> -> vector<16xf32>
        %mul3A_1405 = arith.mulf %bitcast_convert_type3A_1404, %gather3A_1393 : vector<16xf32>
        %add3A_1406 = arith.addf %add3A_1348, %mul3A_1405 : vector<16xf32>
        %bitcast_convert_type3A_1407 = tpu.bitcast %gather3A_1400 : vector<16xi32> -> vector<16xf32>
        %mul3A_1408 = arith.mulf %bitcast_convert_type3A_1407, %gather3A_1396 : vector<16xf32>
        %add3A_1409 = arith.addf %add3A_1351, %mul3A_1408 : vector<16xf32>
        %add3A_1410 = arith.constant 21504 : i32
        %add3A_1411 = vector.broadcast %add3A_1410 : i32 to vector<16xi32>
        %add3A_1412 = arith.addi %add3A_155, %add3A_1411 : vector<16xi32>
        %gather3A_1413 = tpu.vector_load_idx %arg7[%add3A_1412] : memref<65544xi32, #tpu.memory_space<vmem>>[vector<16xi32>], vector<16xi32>,
        %shift_left3A_1414 = arith.constant 16 : i32
        %shift_left3A_1415 = vector.broadcast %shift_left3A_1414 : i32 to vector<16xi32>
        %shift_left3A_1416 = arith.shli %gather3A_1413, %shift_left3A_1415 : vector<16xi32>
        %bitcast_convert_type3A_1417 = tpu.bitcast %shift_left3A_1416 : vector<16xi32> -> vector<16xf32>
        %mul3A_1418 = arith.mulf %bitcast_convert_type3A_1417, %gather3A_1393 : vector<16xf32>
        %add3A_1419 = arith.addf %add3A_1361, %mul3A_1418 : vector<16xf32>
        %bitcast_convert_type3A_1420 = tpu.bitcast %gather3A_1413 : vector<16xi32> -> vector<16xf32>
        %mul3A_1421 = arith.mulf %bitcast_convert_type3A_1420, %gather3A_1396 : vector<16xf32>
        %add3A_1422 = arith.addf %add3A_1364, %mul3A_1421 : vector<16xf32>
        %add3A_1423 = arith.constant 21504 : i32
        %add3A_1424 = vector.broadcast %add3A_1423 : i32 to vector<16xi32>
        %add3A_1425 = arith.addi %add3A_156, %add3A_1424 : vector<16xi32>
        %gather3A_1426 = tpu.vector_load_idx %arg7[%add3A_1425] : memref<65544xi32, #tpu.memory_space<vmem>>[vector<16xi32>], vector<16xi32>,
        %shift_left3A_1427 = arith.constant 16 : i32
        %shift_left3A_1428 = vector.broadcast %shift_left3A_1427 : i32 to vector<16xi32>
        %shift_left3A_1429 = arith.shli %gather3A_1426, %shift_left3A_1428 : vector<16xi32>
        %bitcast_convert_type3A_1430 = tpu.bitcast %shift_left3A_1429 : vector<16xi32> -> vector<16xf32>
        %mul3A_1431 = arith.mulf %bitcast_convert_type3A_1430, %gather3A_1393 : vector<16xf32>
        %add3A_1432 = arith.addf %add3A_1374, %mul3A_1431 : vector<16xf32>
        %bitcast_convert_type3A_1433 = tpu.bitcast %gather3A_1426 : vector<16xi32> -> vector<16xf32>
        %mul3A_1434 = arith.mulf %bitcast_convert_type3A_1433, %gather3A_1396 : vector<16xf32>
        %add3A_1435 = arith.addf %add3A_1377, %mul3A_1434 : vector<16xf32>
        %add3A_1436 = arith.constant 21504 : i32
        %add3A_1437 = vector.broadcast %add3A_1436 : i32 to vector<16xi32>
        %add3A_1438 = arith.addi %add3A_157, %add3A_1437 : vector<16xi32>
        %gather3A_1439 = tpu.vector_load_idx %arg7[%add3A_1438] : memref<65544xi32, #tpu.memory_space<vmem>>[vector<16xi32>], vector<16xi32>,
        %shift_left3A_1440 = arith.constant 16 : i32
        %shift_left3A_1441 = vector.broadcast %shift_left3A_1440 : i32 to vector<16xi32>
        %shift_left3A_1442 = arith.shli %gather3A_1439, %shift_left3A_1441 : vector<16xi32>
        %bitcast_convert_type3A_1443 = tpu.bitcast %shift_left3A_1442 : vector<16xi32> -> vector<16xf32>
        %mul3A_1444 = arith.mulf %bitcast_convert_type3A_1443, %gather3A_1393 : vector<16xf32>
        %add3A_1445 = arith.addf %add3A_1387, %mul3A_1444 : vector<16xf32>
        %bitcast_convert_type3A_1446 = tpu.bitcast %gather3A_1439 : vector<16xi32> -> vector<16xf32>
        %mul3A_1447 = arith.mulf %bitcast_convert_type3A_1446, %gather3A_1396 : vector<16xf32>
        %add3A_1448 = arith.addf %add3A_1390, %mul3A_1447 : vector<16xf32>
        %broadcast_in_dim3A_1449 = vector.shape_cast %broadcast_in_dim3A_31 : vector<16xi32> to vector<16x1xi32>
        %gather3A_1450 = vector.shape_cast %broadcast_in_dim3A_1449 : vector<16x1xi32> to vector<16xi32>
        %gather3A_1451 = tpu.dynamic_gather %get3A_87[%gather3A_1450] in [0] : vector<16xf32>, vector<16xi32> -> vector<16xf32>
        %broadcast_in_dim3A_1452 = vector.shape_cast %broadcast_in_dim3A_33 : vector<16xi32> to vector<16x1xi32>
        %gather3A_1453 = vector.shape_cast %broadcast_in_dim3A_1452 : vector<16x1xi32> to vector<16xi32>
        %gather3A_1454 = tpu.dynamic_gather %get3A_87[%gather3A_1453] in [0] : vector<16xf32>, vector<16xi32> -> vector<16xf32>
        %add3A_1455 = arith.constant 22528 : i32
        %add3A_1456 = vector.broadcast %add3A_1455 : i32 to vector<16xi32>
        %add3A_1457 = arith.addi %add3A_154, %add3A_1456 : vector<16xi32>
        %gather3A_1458 = tpu.vector_load_idx %arg7[%add3A_1457] : memref<65544xi32, #tpu.memory_space<vmem>>[vector<16xi32>], vector<16xi32>,
        %shift_left3A_1459 = arith.constant 16 : i32
        %shift_left3A_1460 = vector.broadcast %shift_left3A_1459 : i32 to vector<16xi32>
        %shift_left3A_1461 = arith.shli %gather3A_1458, %shift_left3A_1460 : vector<16xi32>
        %bitcast_convert_type3A_1462 = tpu.bitcast %shift_left3A_1461 : vector<16xi32> -> vector<16xf32>
        %mul3A_1463 = arith.mulf %bitcast_convert_type3A_1462, %gather3A_1451 : vector<16xf32>
        %add3A_1464 = arith.addf %add3A_1406, %mul3A_1463 : vector<16xf32>
        %bitcast_convert_type3A_1465 = tpu.bitcast %gather3A_1458 : vector<16xi32> -> vector<16xf32>
        %mul3A_1466 = arith.mulf %bitcast_convert_type3A_1465, %gather3A_1454 : vector<16xf32>
        %add3A_1467 = arith.addf %add3A_1409, %mul3A_1466 : vector<16xf32>
        %add3A_1468 = arith.constant 22528 : i32
        %add3A_1469 = vector.broadcast %add3A_1468 : i32 to vector<16xi32>
        %add3A_1470 = arith.addi %add3A_155, %add3A_1469 : vector<16xi32>
        %gather3A_1471 = tpu.vector_load_idx %arg7[%add3A_1470] : memref<65544xi32, #tpu.memory_space<vmem>>[vector<16xi32>], vector<16xi32>,
        %shift_left3A_1472 = arith.constant 16 : i32
        %shift_left3A_1473 = vector.broadcast %shift_left3A_1472 : i32 to vector<16xi32>
        %shift_left3A_1474 = arith.shli %gather3A_1471, %shift_left3A_1473 : vector<16xi32>
        %bitcast_convert_type3A_1475 = tpu.bitcast %shift_left3A_1474 : vector<16xi32> -> vector<16xf32>
        %mul3A_1476 = arith.mulf %bitcast_convert_type3A_1475, %gather3A_1451 : vector<16xf32>
        %add3A_1477 = arith.addf %add3A_1419, %mul3A_1476 : vector<16xf32>
        %bitcast_convert_type3A_1478 = tpu.bitcast %gather3A_1471 : vector<16xi32> -> vector<16xf32>
        %mul3A_1479 = arith.mulf %bitcast_convert_type3A_1478, %gather3A_1454 : vector<16xf32>
        %add3A_1480 = arith.addf %add3A_1422, %mul3A_1479 : vector<16xf32>
        %add3A_1481 = arith.constant 22528 : i32
        %add3A_1482 = vector.broadcast %add3A_1481 : i32 to vector<16xi32>
        %add3A_1483 = arith.addi %add3A_156, %add3A_1482 : vector<16xi32>
        %gather3A_1484 = tpu.vector_load_idx %arg7[%add3A_1483] : memref<65544xi32, #tpu.memory_space<vmem>>[vector<16xi32>], vector<16xi32>,
        %shift_left3A_1485 = arith.constant 16 : i32
        %shift_left3A_1486 = vector.broadcast %shift_left3A_1485 : i32 to vector<16xi32>
        %shift_left3A_1487 = arith.shli %gather3A_1484, %shift_left3A_1486 : vector<16xi32>
        %bitcast_convert_type3A_1488 = tpu.bitcast %shift_left3A_1487 : vector<16xi32> -> vector<16xf32>
        %mul3A_1489 = arith.mulf %bitcast_convert_type3A_1488, %gather3A_1451 : vector<16xf32>
        %add3A_1490 = arith.addf %add3A_1432, %mul3A_1489 : vector<16xf32>
        %bitcast_convert_type3A_1491 = tpu.bitcast %gather3A_1484 : vector<16xi32> -> vector<16xf32>
        %mul3A_1492 = arith.mulf %bitcast_convert_type3A_1491, %gather3A_1454 : vector<16xf32>
        %add3A_1493 = arith.addf %add3A_1435, %mul3A_1492 : vector<16xf32>
        %add3A_1494 = arith.constant 22528 : i32
        %add3A_1495 = vector.broadcast %add3A_1494 : i32 to vector<16xi32>
        %add3A_1496 = arith.addi %add3A_157, %add3A_1495 : vector<16xi32>
        %gather3A_1497 = tpu.vector_load_idx %arg7[%add3A_1496] : memref<65544xi32, #tpu.memory_space<vmem>>[vector<16xi32>], vector<16xi32>,
        %shift_left3A_1498 = arith.constant 16 : i32
        %shift_left3A_1499 = vector.broadcast %shift_left3A_1498 : i32 to vector<16xi32>
        %shift_left3A_1500 = arith.shli %gather3A_1497, %shift_left3A_1499 : vector<16xi32>
        %bitcast_convert_type3A_1501 = tpu.bitcast %shift_left3A_1500 : vector<16xi32> -> vector<16xf32>
        %mul3A_1502 = arith.mulf %bitcast_convert_type3A_1501, %gather3A_1451 : vector<16xf32>
        %add3A_1503 = arith.addf %add3A_1445, %mul3A_1502 : vector<16xf32>
        %bitcast_convert_type3A_1504 = tpu.bitcast %gather3A_1497 : vector<16xi32> -> vector<16xf32>
        %mul3A_1505 = arith.mulf %bitcast_convert_type3A_1504, %gather3A_1454 : vector<16xf32>
        %add3A_1506 = arith.addf %add3A_1448, %mul3A_1505 : vector<16xf32>
        %broadcast_in_dim3A_1507 = vector.shape_cast %broadcast_in_dim3A_35 : vector<16xi32> to vector<16x1xi32>
        %gather3A_1508 = vector.shape_cast %broadcast_in_dim3A_1507 : vector<16x1xi32> to vector<16xi32>
        %gather3A_1509 = tpu.dynamic_gather %get3A_87[%gather3A_1508] in [0] : vector<16xf32>, vector<16xi32> -> vector<16xf32>
        %broadcast_in_dim3A_1510 = vector.shape_cast %broadcast_in_dim3A_37 : vector<16xi32> to vector<16x1xi32>
        %gather3A_1511 = vector.shape_cast %broadcast_in_dim3A_1510 : vector<16x1xi32> to vector<16xi32>
        %gather3A_1512 = tpu.dynamic_gather %get3A_87[%gather3A_1511] in [0] : vector<16xf32>, vector<16xi32> -> vector<16xf32>
        %add3A_1513 = arith.constant 23552 : i32
        %add3A_1514 = vector.broadcast %add3A_1513 : i32 to vector<16xi32>
        %add3A_1515 = arith.addi %add3A_154, %add3A_1514 : vector<16xi32>
        %gather3A_1516 = tpu.vector_load_idx %arg7[%add3A_1515] : memref<65544xi32, #tpu.memory_space<vmem>>[vector<16xi32>], vector<16xi32>,
        %shift_left3A_1517 = arith.constant 16 : i32
        %shift_left3A_1518 = vector.broadcast %shift_left3A_1517 : i32 to vector<16xi32>
        %shift_left3A_1519 = arith.shli %gather3A_1516, %shift_left3A_1518 : vector<16xi32>
        %bitcast_convert_type3A_1520 = tpu.bitcast %shift_left3A_1519 : vector<16xi32> -> vector<16xf32>
        %mul3A_1521 = arith.mulf %bitcast_convert_type3A_1520, %gather3A_1509 : vector<16xf32>
        %add3A_1522 = arith.addf %add3A_1464, %mul3A_1521 : vector<16xf32>
        %bitcast_convert_type3A_1523 = tpu.bitcast %gather3A_1516 : vector<16xi32> -> vector<16xf32>
        %mul3A_1524 = arith.mulf %bitcast_convert_type3A_1523, %gather3A_1512 : vector<16xf32>
        %add3A_1525 = arith.addf %add3A_1467, %mul3A_1524 : vector<16xf32>
        %add3A_1526 = arith.constant 23552 : i32
        %add3A_1527 = vector.broadcast %add3A_1526 : i32 to vector<16xi32>
        %add3A_1528 = arith.addi %add3A_155, %add3A_1527 : vector<16xi32>
        %gather3A_1529 = tpu.vector_load_idx %arg7[%add3A_1528] : memref<65544xi32, #tpu.memory_space<vmem>>[vector<16xi32>], vector<16xi32>,
        %shift_left3A_1530 = arith.constant 16 : i32
        %shift_left3A_1531 = vector.broadcast %shift_left3A_1530 : i32 to vector<16xi32>
        %shift_left3A_1532 = arith.shli %gather3A_1529, %shift_left3A_1531 : vector<16xi32>
        %bitcast_convert_type3A_1533 = tpu.bitcast %shift_left3A_1532 : vector<16xi32> -> vector<16xf32>
        %mul3A_1534 = arith.mulf %bitcast_convert_type3A_1533, %gather3A_1509 : vector<16xf32>
        %add3A_1535 = arith.addf %add3A_1477, %mul3A_1534 : vector<16xf32>
        %bitcast_convert_type3A_1536 = tpu.bitcast %gather3A_1529 : vector<16xi32> -> vector<16xf32>
        %mul3A_1537 = arith.mulf %bitcast_convert_type3A_1536, %gather3A_1512 : vector<16xf32>
        %add3A_1538 = arith.addf %add3A_1480, %mul3A_1537 : vector<16xf32>
        %add3A_1539 = arith.constant 23552 : i32
        %add3A_1540 = vector.broadcast %add3A_1539 : i32 to vector<16xi32>
        %add3A_1541 = arith.addi %add3A_156, %add3A_1540 : vector<16xi32>
        %gather3A_1542 = tpu.vector_load_idx %arg7[%add3A_1541] : memref<65544xi32, #tpu.memory_space<vmem>>[vector<16xi32>], vector<16xi32>,
        %shift_left3A_1543 = arith.constant 16 : i32
        %shift_left3A_1544 = vector.broadcast %shift_left3A_1543 : i32 to vector<16xi32>
        %shift_left3A_1545 = arith.shli %gather3A_1542, %shift_left3A_1544 : vector<16xi32>
        %bitcast_convert_type3A_1546 = tpu.bitcast %shift_left3A_1545 : vector<16xi32> -> vector<16xf32>
        %mul3A_1547 = arith.mulf %bitcast_convert_type3A_1546, %gather3A_1509 : vector<16xf32>
        %add3A_1548 = arith.addf %add3A_1490, %mul3A_1547 : vector<16xf32>
        %bitcast_convert_type3A_1549 = tpu.bitcast %gather3A_1542 : vector<16xi32> -> vector<16xf32>
        %mul3A_1550 = arith.mulf %bitcast_convert_type3A_1549, %gather3A_1512 : vector<16xf32>
        %add3A_1551 = arith.addf %add3A_1493, %mul3A_1550 : vector<16xf32>
        %add3A_1552 = arith.constant 23552 : i32
        %add3A_1553 = vector.broadcast %add3A_1552 : i32 to vector<16xi32>
        %add3A_1554 = arith.addi %add3A_157, %add3A_1553 : vector<16xi32>
        %gather3A_1555 = tpu.vector_load_idx %arg7[%add3A_1554] : memref<65544xi32, #tpu.memory_space<vmem>>[vector<16xi32>], vector<16xi32>,
        %shift_left3A_1556 = arith.constant 16 : i32
        %shift_left3A_1557 = vector.broadcast %shift_left3A_1556 : i32 to vector<16xi32>
        %shift_left3A_1558 = arith.shli %gather3A_1555, %shift_left3A_1557 : vector<16xi32>
        %bitcast_convert_type3A_1559 = tpu.bitcast %shift_left3A_1558 : vector<16xi32> -> vector<16xf32>
        %mul3A_1560 = arith.mulf %bitcast_convert_type3A_1559, %gather3A_1509 : vector<16xf32>
        %add3A_1561 = arith.addf %add3A_1503, %mul3A_1560 : vector<16xf32>
        %bitcast_convert_type3A_1562 = tpu.bitcast %gather3A_1555 : vector<16xi32> -> vector<16xf32>
        %mul3A_1563 = arith.mulf %bitcast_convert_type3A_1562, %gather3A_1512 : vector<16xf32>
        %add3A_1564 = arith.addf %add3A_1506, %mul3A_1563 : vector<16xf32>
        %broadcast_in_dim3A_1565 = vector.shape_cast %broadcast_in_dim3A_7 : vector<16xi32> to vector<16x1xi32>
        %gather3A_1566 = vector.shape_cast %broadcast_in_dim3A_1565 : vector<16x1xi32> to vector<16xi32>
        %gather3A_1567 = tpu.dynamic_gather %get3A_90[%gather3A_1566] in [0] : vector<16xf32>, vector<16xi32> -> vector<16xf32>
        %broadcast_in_dim3A_1568 = vector.shape_cast %broadcast_in_dim3A_9 : vector<16xi32> to vector<16x1xi32>
        %gather3A_1569 = vector.shape_cast %broadcast_in_dim3A_1568 : vector<16x1xi32> to vector<16xi32>
        %gather3A_1570 = tpu.dynamic_gather %get3A_90[%gather3A_1569] in [0] : vector<16xf32>, vector<16xi32> -> vector<16xf32>
        %add3A_1571 = arith.constant 24576 : i32
        %add3A_1572 = vector.broadcast %add3A_1571 : i32 to vector<16xi32>
        %add3A_1573 = arith.addi %add3A_154, %add3A_1572 : vector<16xi32>
        %gather3A_1574 = tpu.vector_load_idx %arg7[%add3A_1573] : memref<65544xi32, #tpu.memory_space<vmem>>[vector<16xi32>], vector<16xi32>,
        %shift_left3A_1575 = arith.constant 16 : i32
        %shift_left3A_1576 = vector.broadcast %shift_left3A_1575 : i32 to vector<16xi32>
        %shift_left3A_1577 = arith.shli %gather3A_1574, %shift_left3A_1576 : vector<16xi32>
        %bitcast_convert_type3A_1578 = tpu.bitcast %shift_left3A_1577 : vector<16xi32> -> vector<16xf32>
        %mul3A_1579 = arith.mulf %bitcast_convert_type3A_1578, %gather3A_1567 : vector<16xf32>
        %add3A_1580 = arith.addf %add3A_1522, %mul3A_1579 : vector<16xf32>
        %bitcast_convert_type3A_1581 = tpu.bitcast %gather3A_1574 : vector<16xi32> -> vector<16xf32>
        %mul3A_1582 = arith.mulf %bitcast_convert_type3A_1581, %gather3A_1570 : vector<16xf32>
        %add3A_1583 = arith.addf %add3A_1525, %mul3A_1582 : vector<16xf32>
        %add3A_1584 = arith.constant 24576 : i32
        %add3A_1585 = vector.broadcast %add3A_1584 : i32 to vector<16xi32>
        %add3A_1586 = arith.addi %add3A_155, %add3A_1585 : vector<16xi32>
        %gather3A_1587 = tpu.vector_load_idx %arg7[%add3A_1586] : memref<65544xi32, #tpu.memory_space<vmem>>[vector<16xi32>], vector<16xi32>,
        %shift_left3A_1588 = arith.constant 16 : i32
        %shift_left3A_1589 = vector.broadcast %shift_left3A_1588 : i32 to vector<16xi32>
        %shift_left3A_1590 = arith.shli %gather3A_1587, %shift_left3A_1589 : vector<16xi32>
        %bitcast_convert_type3A_1591 = tpu.bitcast %shift_left3A_1590 : vector<16xi32> -> vector<16xf32>
        %mul3A_1592 = arith.mulf %bitcast_convert_type3A_1591, %gather3A_1567 : vector<16xf32>
        %add3A_1593 = arith.addf %add3A_1535, %mul3A_1592 : vector<16xf32>
        %bitcast_convert_type3A_1594 = tpu.bitcast %gather3A_1587 : vector<16xi32> -> vector<16xf32>
        %mul3A_1595 = arith.mulf %bitcast_convert_type3A_1594, %gather3A_1570 : vector<16xf32>
        %add3A_1596 = arith.addf %add3A_1538, %mul3A_1595 : vector<16xf32>
        %add3A_1597 = arith.constant 24576 : i32
        %add3A_1598 = vector.broadcast %add3A_1597 : i32 to vector<16xi32>
        %add3A_1599 = arith.addi %add3A_156, %add3A_1598 : vector<16xi32>
        %gather3A_1600 = tpu.vector_load_idx %arg7[%add3A_1599] : memref<65544xi32, #tpu.memory_space<vmem>>[vector<16xi32>], vector<16xi32>,
        %shift_left3A_1601 = arith.constant 16 : i32
        %shift_left3A_1602 = vector.broadcast %shift_left3A_1601 : i32 to vector<16xi32>
        %shift_left3A_1603 = arith.shli %gather3A_1600, %shift_left3A_1602 : vector<16xi32>
        %bitcast_convert_type3A_1604 = tpu.bitcast %shift_left3A_1603 : vector<16xi32> -> vector<16xf32>
        %mul3A_1605 = arith.mulf %bitcast_convert_type3A_1604, %gather3A_1567 : vector<16xf32>
        %add3A_1606 = arith.addf %add3A_1548, %mul3A_1605 : vector<16xf32>
        %bitcast_convert_type3A_1607 = tpu.bitcast %gather3A_1600 : vector<16xi32> -> vector<16xf32>
        %mul3A_1608 = arith.mulf %bitcast_convert_type3A_1607, %gather3A_1570 : vector<16xf32>
        %add3A_1609 = arith.addf %add3A_1551, %mul3A_1608 : vector<16xf32>
        %add3A_1610 = arith.constant 24576 : i32
        %add3A_1611 = vector.broadcast %add3A_1610 : i32 to vector<16xi32>
        %add3A_1612 = arith.addi %add3A_157, %add3A_1611 : vector<16xi32>
        %gather3A_1613 = tpu.vector_load_idx %arg7[%add3A_1612] : memref<65544xi32, #tpu.memory_space<vmem>>[vector<16xi32>], vector<16xi32>,
        %shift_left3A_1614 = arith.constant 16 : i32
        %shift_left3A_1615 = vector.broadcast %shift_left3A_1614 : i32 to vector<16xi32>
        %shift_left3A_1616 = arith.shli %gather3A_1613, %shift_left3A_1615 : vector<16xi32>
        %bitcast_convert_type3A_1617 = tpu.bitcast %shift_left3A_1616 : vector<16xi32> -> vector<16xf32>
        %mul3A_1618 = arith.mulf %bitcast_convert_type3A_1617, %gather3A_1567 : vector<16xf32>
        %add3A_1619 = arith.addf %add3A_1561, %mul3A_1618 : vector<16xf32>
        %bitcast_convert_type3A_1620 = tpu.bitcast %gather3A_1613 : vector<16xi32> -> vector<16xf32>
        %mul3A_1621 = arith.mulf %bitcast_convert_type3A_1620, %gather3A_1570 : vector<16xf32>
        %add3A_1622 = arith.addf %add3A_1564, %mul3A_1621 : vector<16xf32>
        %broadcast_in_dim3A_1623 = vector.shape_cast %broadcast_in_dim3A_11 : vector<16xi32> to vector<16x1xi32>
        %gather3A_1624 = vector.shape_cast %broadcast_in_dim3A_1623 : vector<16x1xi32> to vector<16xi32>
        %gather3A_1625 = tpu.dynamic_gather %get3A_90[%gather3A_1624] in [0] : vector<16xf32>, vector<16xi32> -> vector<16xf32>
        %broadcast_in_dim3A_1626 = vector.shape_cast %broadcast_in_dim3A_13 : vector<16xi32> to vector<16x1xi32>
        %gather3A_1627 = vector.shape_cast %broadcast_in_dim3A_1626 : vector<16x1xi32> to vector<16xi32>
        %gather3A_1628 = tpu.dynamic_gather %get3A_90[%gather3A_1627] in [0] : vector<16xf32>, vector<16xi32> -> vector<16xf32>
        %add3A_1629 = arith.constant 25600 : i32
        %add3A_1630 = vector.broadcast %add3A_1629 : i32 to vector<16xi32>
        %add3A_1631 = arith.addi %add3A_154, %add3A_1630 : vector<16xi32>
        %gather3A_1632 = tpu.vector_load_idx %arg7[%add3A_1631] : memref<65544xi32, #tpu.memory_space<vmem>>[vector<16xi32>], vector<16xi32>,
        %shift_left3A_1633 = arith.constant 16 : i32
        %shift_left3A_1634 = vector.broadcast %shift_left3A_1633 : i32 to vector<16xi32>
        %shift_left3A_1635 = arith.shli %gather3A_1632, %shift_left3A_1634 : vector<16xi32>
        %bitcast_convert_type3A_1636 = tpu.bitcast %shift_left3A_1635 : vector<16xi32> -> vector<16xf32>
        %mul3A_1637 = arith.mulf %bitcast_convert_type3A_1636, %gather3A_1625 : vector<16xf32>
        %add3A_1638 = arith.addf %add3A_1580, %mul3A_1637 : vector<16xf32>
        %bitcast_convert_type3A_1639 = tpu.bitcast %gather3A_1632 : vector<16xi32> -> vector<16xf32>
        %mul3A_1640 = arith.mulf %bitcast_convert_type3A_1639, %gather3A_1628 : vector<16xf32>
        %add3A_1641 = arith.addf %add3A_1583, %mul3A_1640 : vector<16xf32>
        %add3A_1642 = arith.constant 25600 : i32
        %add3A_1643 = vector.broadcast %add3A_1642 : i32 to vector<16xi32>
        %add3A_1644 = arith.addi %add3A_155, %add3A_1643 : vector<16xi32>
        %gather3A_1645 = tpu.vector_load_idx %arg7[%add3A_1644] : memref<65544xi32, #tpu.memory_space<vmem>>[vector<16xi32>], vector<16xi32>,
        %shift_left3A_1646 = arith.constant 16 : i32
        %shift_left3A_1647 = vector.broadcast %shift_left3A_1646 : i32 to vector<16xi32>
        %shift_left3A_1648 = arith.shli %gather3A_1645, %shift_left3A_1647 : vector<16xi32>
        %bitcast_convert_type3A_1649 = tpu.bitcast %shift_left3A_1648 : vector<16xi32> -> vector<16xf32>
        %mul3A_1650 = arith.mulf %bitcast_convert_type3A_1649, %gather3A_1625 : vector<16xf32>
        %add3A_1651 = arith.addf %add3A_1593, %mul3A_1650 : vector<16xf32>
        %bitcast_convert_type3A_1652 = tpu.bitcast %gather3A_1645 : vector<16xi32> -> vector<16xf32>
        %mul3A_1653 = arith.mulf %bitcast_convert_type3A_1652, %gather3A_1628 : vector<16xf32>
        %add3A_1654 = arith.addf %add3A_1596, %mul3A_1653 : vector<16xf32>
        %add3A_1655 = arith.constant 25600 : i32
        %add3A_1656 = vector.broadcast %add3A_1655 : i32 to vector<16xi32>
        %add3A_1657 = arith.addi %add3A_156, %add3A_1656 : vector<16xi32>
        %gather3A_1658 = tpu.vector_load_idx %arg7[%add3A_1657] : memref<65544xi32, #tpu.memory_space<vmem>>[vector<16xi32>], vector<16xi32>,
        %shift_left3A_1659 = arith.constant 16 : i32
        %shift_left3A_1660 = vector.broadcast %shift_left3A_1659 : i32 to vector<16xi32>
        %shift_left3A_1661 = arith.shli %gather3A_1658, %shift_left3A_1660 : vector<16xi32>
        %bitcast_convert_type3A_1662 = tpu.bitcast %shift_left3A_1661 : vector<16xi32> -> vector<16xf32>
        %mul3A_1663 = arith.mulf %bitcast_convert_type3A_1662, %gather3A_1625 : vector<16xf32>
        %add3A_1664 = arith.addf %add3A_1606, %mul3A_1663 : vector<16xf32>
        %bitcast_convert_type3A_1665 = tpu.bitcast %gather3A_1658 : vector<16xi32> -> vector<16xf32>
        %mul3A_1666 = arith.mulf %bitcast_convert_type3A_1665, %gather3A_1628 : vector<16xf32>
        %add3A_1667 = arith.addf %add3A_1609, %mul3A_1666 : vector<16xf32>
        %add3A_1668 = arith.constant 25600 : i32
        %add3A_1669 = vector.broadcast %add3A_1668 : i32 to vector<16xi32>
        %add3A_1670 = arith.addi %add3A_157, %add3A_1669 : vector<16xi32>
        %gather3A_1671 = tpu.vector_load_idx %arg7[%add3A_1670] : memref<65544xi32, #tpu.memory_space<vmem>>[vector<16xi32>], vector<16xi32>,
        %shift_left3A_1672 = arith.constant 16 : i32
        %shift_left3A_1673 = vector.broadcast %shift_left3A_1672 : i32 to vector<16xi32>
        %shift_left3A_1674 = arith.shli %gather3A_1671, %shift_left3A_1673 : vector<16xi32>
        %bitcast_convert_type3A_1675 = tpu.bitcast %shift_left3A_1674 : vector<16xi32> -> vector<16xf32>
        %mul3A_1676 = arith.mulf %bitcast_convert_type3A_1675, %gather3A_1625 : vector<16xf32>
        %add3A_1677 = arith.addf %add3A_1619, %mul3A_1676 : vector<16xf32>
        %bitcast_convert_type3A_1678 = tpu.bitcast %gather3A_1671 : vector<16xi32> -> vector<16xf32>
        %mul3A_1679 = arith.mulf %bitcast_convert_type3A_1678, %gather3A_1628 : vector<16xf32>
        %add3A_1680 = arith.addf %add3A_1622, %mul3A_1679 : vector<16xf32>
        %broadcast_in_dim3A_1681 = vector.shape_cast %broadcast_in_dim3A_15 : vector<16xi32> to vector<16x1xi32>
        %gather3A_1682 = vector.shape_cast %broadcast_in_dim3A_1681 : vector<16x1xi32> to vector<16xi32>
        %gather3A_1683 = tpu.dynamic_gather %get3A_90[%gather3A_1682] in [0] : vector<16xf32>, vector<16xi32> -> vector<16xf32>
        %broadcast_in_dim3A_1684 = vector.shape_cast %broadcast_in_dim3A_17 : vector<16xi32> to vector<16x1xi32>
        %gather3A_1685 = vector.shape_cast %broadcast_in_dim3A_1684 : vector<16x1xi32> to vector<16xi32>
        %gather3A_1686 = tpu.dynamic_gather %get3A_90[%gather3A_1685] in [0] : vector<16xf32>, vector<16xi32> -> vector<16xf32>
        %add3A_1687 = arith.constant 26624 : i32
        %add3A_1688 = vector.broadcast %add3A_1687 : i32 to vector<16xi32>
        %add3A_1689 = arith.addi %add3A_154, %add3A_1688 : vector<16xi32>
        %gather3A_1690 = tpu.vector_load_idx %arg7[%add3A_1689] : memref<65544xi32, #tpu.memory_space<vmem>>[vector<16xi32>], vector<16xi32>,
        %shift_left3A_1691 = arith.constant 16 : i32
        %shift_left3A_1692 = vector.broadcast %shift_left3A_1691 : i32 to vector<16xi32>
        %shift_left3A_1693 = arith.shli %gather3A_1690, %shift_left3A_1692 : vector<16xi32>
        %bitcast_convert_type3A_1694 = tpu.bitcast %shift_left3A_1693 : vector<16xi32> -> vector<16xf32>
        %mul3A_1695 = arith.mulf %bitcast_convert_type3A_1694, %gather3A_1683 : vector<16xf32>
        %add3A_1696 = arith.addf %add3A_1638, %mul3A_1695 : vector<16xf32>
        %bitcast_convert_type3A_1697 = tpu.bitcast %gather3A_1690 : vector<16xi32> -> vector<16xf32>
        %mul3A_1698 = arith.mulf %bitcast_convert_type3A_1697, %gather3A_1686 : vector<16xf32>
        %add3A_1699 = arith.addf %add3A_1641, %mul3A_1698 : vector<16xf32>
        %add3A_1700 = arith.constant 26624 : i32
        %add3A_1701 = vector.broadcast %add3A_1700 : i32 to vector<16xi32>
        %add3A_1702 = arith.addi %add3A_155, %add3A_1701 : vector<16xi32>
        %gather3A_1703 = tpu.vector_load_idx %arg7[%add3A_1702] : memref<65544xi32, #tpu.memory_space<vmem>>[vector<16xi32>], vector<16xi32>,
        %shift_left3A_1704 = arith.constant 16 : i32
        %shift_left3A_1705 = vector.broadcast %shift_left3A_1704 : i32 to vector<16xi32>
        %shift_left3A_1706 = arith.shli %gather3A_1703, %shift_left3A_1705 : vector<16xi32>
        %bitcast_convert_type3A_1707 = tpu.bitcast %shift_left3A_1706 : vector<16xi32> -> vector<16xf32>
        %mul3A_1708 = arith.mulf %bitcast_convert_type3A_1707, %gather3A_1683 : vector<16xf32>
        %add3A_1709 = arith.addf %add3A_1651, %mul3A_1708 : vector<16xf32>
        %bitcast_convert_type3A_1710 = tpu.bitcast %gather3A_1703 : vector<16xi32> -> vector<16xf32>
        %mul3A_1711 = arith.mulf %bitcast_convert_type3A_1710, %gather3A_1686 : vector<16xf32>
        %add3A_1712 = arith.addf %add3A_1654, %mul3A_1711 : vector<16xf32>
        %add3A_1713 = arith.constant 26624 : i32
        %add3A_1714 = vector.broadcast %add3A_1713 : i32 to vector<16xi32>
        %add3A_1715 = arith.addi %add3A_156, %add3A_1714 : vector<16xi32>
        %gather3A_1716 = tpu.vector_load_idx %arg7[%add3A_1715] : memref<65544xi32, #tpu.memory_space<vmem>>[vector<16xi32>], vector<16xi32>,
        %shift_left3A_1717 = arith.constant 16 : i32
        %shift_left3A_1718 = vector.broadcast %shift_left3A_1717 : i32 to vector<16xi32>
        %shift_left3A_1719 = arith.shli %gather3A_1716, %shift_left3A_1718 : vector<16xi32>
        %bitcast_convert_type3A_1720 = tpu.bitcast %shift_left3A_1719 : vector<16xi32> -> vector<16xf32>
        %mul3A_1721 = arith.mulf %bitcast_convert_type3A_1720, %gather3A_1683 : vector<16xf32>
        %add3A_1722 = arith.addf %add3A_1664, %mul3A_1721 : vector<16xf32>
        %bitcast_convert_type3A_1723 = tpu.bitcast %gather3A_1716 : vector<16xi32> -> vector<16xf32>
        %mul3A_1724 = arith.mulf %bitcast_convert_type3A_1723, %gather3A_1686 : vector<16xf32>
        %add3A_1725 = arith.addf %add3A_1667, %mul3A_1724 : vector<16xf32>
        %add3A_1726 = arith.constant 26624 : i32
        %add3A_1727 = vector.broadcast %add3A_1726 : i32 to vector<16xi32>
        %add3A_1728 = arith.addi %add3A_157, %add3A_1727 : vector<16xi32>
        %gather3A_1729 = tpu.vector_load_idx %arg7[%add3A_1728] : memref<65544xi32, #tpu.memory_space<vmem>>[vector<16xi32>], vector<16xi32>,
        %shift_left3A_1730 = arith.constant 16 : i32
        %shift_left3A_1731 = vector.broadcast %shift_left3A_1730 : i32 to vector<16xi32>
        %shift_left3A_1732 = arith.shli %gather3A_1729, %shift_left3A_1731 : vector<16xi32>
        %bitcast_convert_type3A_1733 = tpu.bitcast %shift_left3A_1732 : vector<16xi32> -> vector<16xf32>
        %mul3A_1734 = arith.mulf %bitcast_convert_type3A_1733, %gather3A_1683 : vector<16xf32>
        %add3A_1735 = arith.addf %add3A_1677, %mul3A_1734 : vector<16xf32>
        %bitcast_convert_type3A_1736 = tpu.bitcast %gather3A_1729 : vector<16xi32> -> vector<16xf32>
        %mul3A_1737 = arith.mulf %bitcast_convert_type3A_1736, %gather3A_1686 : vector<16xf32>
        %add3A_1738 = arith.addf %add3A_1680, %mul3A_1737 : vector<16xf32>
        %broadcast_in_dim3A_1739 = vector.shape_cast %broadcast_in_dim3A_19 : vector<16xi32> to vector<16x1xi32>
        %gather3A_1740 = vector.shape_cast %broadcast_in_dim3A_1739 : vector<16x1xi32> to vector<16xi32>
        %gather3A_1741 = tpu.dynamic_gather %get3A_90[%gather3A_1740] in [0] : vector<16xf32>, vector<16xi32> -> vector<16xf32>
        %broadcast_in_dim3A_1742 = vector.shape_cast %broadcast_in_dim3A_21 : vector<16xi32> to vector<16x1xi32>
        %gather3A_1743 = vector.shape_cast %broadcast_in_dim3A_1742 : vector<16x1xi32> to vector<16xi32>
        %gather3A_1744 = tpu.dynamic_gather %get3A_90[%gather3A_1743] in [0] : vector<16xf32>, vector<16xi32> -> vector<16xf32>
        %add3A_1745 = arith.constant 27648 : i32
        %add3A_1746 = vector.broadcast %add3A_1745 : i32 to vector<16xi32>
        %add3A_1747 = arith.addi %add3A_154, %add3A_1746 : vector<16xi32>
        %gather3A_1748 = tpu.vector_load_idx %arg7[%add3A_1747] : memref<65544xi32, #tpu.memory_space<vmem>>[vector<16xi32>], vector<16xi32>,
        %shift_left3A_1749 = arith.constant 16 : i32
        %shift_left3A_1750 = vector.broadcast %shift_left3A_1749 : i32 to vector<16xi32>
        %shift_left3A_1751 = arith.shli %gather3A_1748, %shift_left3A_1750 : vector<16xi32>
        %bitcast_convert_type3A_1752 = tpu.bitcast %shift_left3A_1751 : vector<16xi32> -> vector<16xf32>
        %mul3A_1753 = arith.mulf %bitcast_convert_type3A_1752, %gather3A_1741 : vector<16xf32>
        %add3A_1754 = arith.addf %add3A_1696, %mul3A_1753 : vector<16xf32>
        %bitcast_convert_type3A_1755 = tpu.bitcast %gather3A_1748 : vector<16xi32> -> vector<16xf32>
        %mul3A_1756 = arith.mulf %bitcast_convert_type3A_1755, %gather3A_1744 : vector<16xf32>
        %add3A_1757 = arith.addf %add3A_1699, %mul3A_1756 : vector<16xf32>
        %add3A_1758 = arith.constant 27648 : i32
        %add3A_1759 = vector.broadcast %add3A_1758 : i32 to vector<16xi32>
        %add3A_1760 = arith.addi %add3A_155, %add3A_1759 : vector<16xi32>
        %gather3A_1761 = tpu.vector_load_idx %arg7[%add3A_1760] : memref<65544xi32, #tpu.memory_space<vmem>>[vector<16xi32>], vector<16xi32>,
        %shift_left3A_1762 = arith.constant 16 : i32
        %shift_left3A_1763 = vector.broadcast %shift_left3A_1762 : i32 to vector<16xi32>
        %shift_left3A_1764 = arith.shli %gather3A_1761, %shift_left3A_1763 : vector<16xi32>
        %bitcast_convert_type3A_1765 = tpu.bitcast %shift_left3A_1764 : vector<16xi32> -> vector<16xf32>
        %mul3A_1766 = arith.mulf %bitcast_convert_type3A_1765, %gather3A_1741 : vector<16xf32>
        %add3A_1767 = arith.addf %add3A_1709, %mul3A_1766 : vector<16xf32>
        %bitcast_convert_type3A_1768 = tpu.bitcast %gather3A_1761 : vector<16xi32> -> vector<16xf32>
        %mul3A_1769 = arith.mulf %bitcast_convert_type3A_1768, %gather3A_1744 : vector<16xf32>
        %add3A_1770 = arith.addf %add3A_1712, %mul3A_1769 : vector<16xf32>
        %add3A_1771 = arith.constant 27648 : i32
        %add3A_1772 = vector.broadcast %add3A_1771 : i32 to vector<16xi32>
        %add3A_1773 = arith.addi %add3A_156, %add3A_1772 : vector<16xi32>
        %gather3A_1774 = tpu.vector_load_idx %arg7[%add3A_1773] : memref<65544xi32, #tpu.memory_space<vmem>>[vector<16xi32>], vector<16xi32>,
        %shift_left3A_1775 = arith.constant 16 : i32
        %shift_left3A_1776 = vector.broadcast %shift_left3A_1775 : i32 to vector<16xi32>
        %shift_left3A_1777 = arith.shli %gather3A_1774, %shift_left3A_1776 : vector<16xi32>
        %bitcast_convert_type3A_1778 = tpu.bitcast %shift_left3A_1777 : vector<16xi32> -> vector<16xf32>
        %mul3A_1779 = arith.mulf %bitcast_convert_type3A_1778, %gather3A_1741 : vector<16xf32>
        %add3A_1780 = arith.addf %add3A_1722, %mul3A_1779 : vector<16xf32>
        %bitcast_convert_type3A_1781 = tpu.bitcast %gather3A_1774 : vector<16xi32> -> vector<16xf32>
        %mul3A_1782 = arith.mulf %bitcast_convert_type3A_1781, %gather3A_1744 : vector<16xf32>
        %add3A_1783 = arith.addf %add3A_1725, %mul3A_1782 : vector<16xf32>
        %add3A_1784 = arith.constant 27648 : i32
        %add3A_1785 = vector.broadcast %add3A_1784 : i32 to vector<16xi32>
        %add3A_1786 = arith.addi %add3A_157, %add3A_1785 : vector<16xi32>
        %gather3A_1787 = tpu.vector_load_idx %arg7[%add3A_1786] : memref<65544xi32, #tpu.memory_space<vmem>>[vector<16xi32>], vector<16xi32>,
        %shift_left3A_1788 = arith.constant 16 : i32
        %shift_left3A_1789 = vector.broadcast %shift_left3A_1788 : i32 to vector<16xi32>
        %shift_left3A_1790 = arith.shli %gather3A_1787, %shift_left3A_1789 : vector<16xi32>
        %bitcast_convert_type3A_1791 = tpu.bitcast %shift_left3A_1790 : vector<16xi32> -> vector<16xf32>
        %mul3A_1792 = arith.mulf %bitcast_convert_type3A_1791, %gather3A_1741 : vector<16xf32>
        %add3A_1793 = arith.addf %add3A_1735, %mul3A_1792 : vector<16xf32>
        %bitcast_convert_type3A_1794 = tpu.bitcast %gather3A_1787 : vector<16xi32> -> vector<16xf32>
        %mul3A_1795 = arith.mulf %bitcast_convert_type3A_1794, %gather3A_1744 : vector<16xf32>
        %add3A_1796 = arith.addf %add3A_1738, %mul3A_1795 : vector<16xf32>
        %broadcast_in_dim3A_1797 = vector.shape_cast %broadcast_in_dim3A_23 : vector<16xi32> to vector<16x1xi32>
        %gather3A_1798 = vector.shape_cast %broadcast_in_dim3A_1797 : vector<16x1xi32> to vector<16xi32>
        %gather3A_1799 = tpu.dynamic_gather %get3A_90[%gather3A_1798] in [0] : vector<16xf32>, vector<16xi32> -> vector<16xf32>
        %broadcast_in_dim3A_1800 = vector.shape_cast %broadcast_in_dim3A_25 : vector<16xi32> to vector<16x1xi32>
        %gather3A_1801 = vector.shape_cast %broadcast_in_dim3A_1800 : vector<16x1xi32> to vector<16xi32>
        %gather3A_1802 = tpu.dynamic_gather %get3A_90[%gather3A_1801] in [0] : vector<16xf32>, vector<16xi32> -> vector<16xf32>
        %add3A_1803 = arith.constant 28672 : i32
        %add3A_1804 = vector.broadcast %add3A_1803 : i32 to vector<16xi32>
        %add3A_1805 = arith.addi %add3A_154, %add3A_1804 : vector<16xi32>
        %gather3A_1806 = tpu.vector_load_idx %arg7[%add3A_1805] : memref<65544xi32, #tpu.memory_space<vmem>>[vector<16xi32>], vector<16xi32>,
        %shift_left3A_1807 = arith.constant 16 : i32
        %shift_left3A_1808 = vector.broadcast %shift_left3A_1807 : i32 to vector<16xi32>
        %shift_left3A_1809 = arith.shli %gather3A_1806, %shift_left3A_1808 : vector<16xi32>
        %bitcast_convert_type3A_1810 = tpu.bitcast %shift_left3A_1809 : vector<16xi32> -> vector<16xf32>
        %mul3A_1811 = arith.mulf %bitcast_convert_type3A_1810, %gather3A_1799 : vector<16xf32>
        %add3A_1812 = arith.addf %add3A_1754, %mul3A_1811 : vector<16xf32>
        %bitcast_convert_type3A_1813 = tpu.bitcast %gather3A_1806 : vector<16xi32> -> vector<16xf32>
        %mul3A_1814 = arith.mulf %bitcast_convert_type3A_1813, %gather3A_1802 : vector<16xf32>
        %add3A_1815 = arith.addf %add3A_1757, %mul3A_1814 : vector<16xf32>
        %add3A_1816 = arith.constant 28672 : i32
        %add3A_1817 = vector.broadcast %add3A_1816 : i32 to vector<16xi32>
        %add3A_1818 = arith.addi %add3A_155, %add3A_1817 : vector<16xi32>
        %gather3A_1819 = tpu.vector_load_idx %arg7[%add3A_1818] : memref<65544xi32, #tpu.memory_space<vmem>>[vector<16xi32>], vector<16xi32>,
        %shift_left3A_1820 = arith.constant 16 : i32
        %shift_left3A_1821 = vector.broadcast %shift_left3A_1820 : i32 to vector<16xi32>
        %shift_left3A_1822 = arith.shli %gather3A_1819, %shift_left3A_1821 : vector<16xi32>
        %bitcast_convert_type3A_1823 = tpu.bitcast %shift_left3A_1822 : vector<16xi32> -> vector<16xf32>
        %mul3A_1824 = arith.mulf %bitcast_convert_type3A_1823, %gather3A_1799 : vector<16xf32>
        %add3A_1825 = arith.addf %add3A_1767, %mul3A_1824 : vector<16xf32>
        %bitcast_convert_type3A_1826 = tpu.bitcast %gather3A_1819 : vector<16xi32> -> vector<16xf32>
        %mul3A_1827 = arith.mulf %bitcast_convert_type3A_1826, %gather3A_1802 : vector<16xf32>
        %add3A_1828 = arith.addf %add3A_1770, %mul3A_1827 : vector<16xf32>
        %add3A_1829 = arith.constant 28672 : i32
        %add3A_1830 = vector.broadcast %add3A_1829 : i32 to vector<16xi32>
        %add3A_1831 = arith.addi %add3A_156, %add3A_1830 : vector<16xi32>
        %gather3A_1832 = tpu.vector_load_idx %arg7[%add3A_1831] : memref<65544xi32, #tpu.memory_space<vmem>>[vector<16xi32>], vector<16xi32>,
        %shift_left3A_1833 = arith.constant 16 : i32
        %shift_left3A_1834 = vector.broadcast %shift_left3A_1833 : i32 to vector<16xi32>
        %shift_left3A_1835 = arith.shli %gather3A_1832, %shift_left3A_1834 : vector<16xi32>
        %bitcast_convert_type3A_1836 = tpu.bitcast %shift_left3A_1835 : vector<16xi32> -> vector<16xf32>
        %mul3A_1837 = arith.mulf %bitcast_convert_type3A_1836, %gather3A_1799 : vector<16xf32>
        %add3A_1838 = arith.addf %add3A_1780, %mul3A_1837 : vector<16xf32>
        %bitcast_convert_type3A_1839 = tpu.bitcast %gather3A_1832 : vector<16xi32> -> vector<16xf32>
        %mul3A_1840 = arith.mulf %bitcast_convert_type3A_1839, %gather3A_1802 : vector<16xf32>
        %add3A_1841 = arith.addf %add3A_1783, %mul3A_1840 : vector<16xf32>
        %add3A_1842 = arith.constant 28672 : i32
        %add3A_1843 = vector.broadcast %add3A_1842 : i32 to vector<16xi32>
        %add3A_1844 = arith.addi %add3A_157, %add3A_1843 : vector<16xi32>
        %gather3A_1845 = tpu.vector_load_idx %arg7[%add3A_1844] : memref<65544xi32, #tpu.memory_space<vmem>>[vector<16xi32>], vector<16xi32>,
        %shift_left3A_1846 = arith.constant 16 : i32
        %shift_left3A_1847 = vector.broadcast %shift_left3A_1846 : i32 to vector<16xi32>
        %shift_left3A_1848 = arith.shli %gather3A_1845, %shift_left3A_1847 : vector<16xi32>
        %bitcast_convert_type3A_1849 = tpu.bitcast %shift_left3A_1848 : vector<16xi32> -> vector<16xf32>
        %mul3A_1850 = arith.mulf %bitcast_convert_type3A_1849, %gather3A_1799 : vector<16xf32>
        %add3A_1851 = arith.addf %add3A_1793, %mul3A_1850 : vector<16xf32>
        %bitcast_convert_type3A_1852 = tpu.bitcast %gather3A_1845 : vector<16xi32> -> vector<16xf32>
        %mul3A_1853 = arith.mulf %bitcast_convert_type3A_1852, %gather3A_1802 : vector<16xf32>
        %add3A_1854 = arith.addf %add3A_1796, %mul3A_1853 : vector<16xf32>
        %broadcast_in_dim3A_1855 = vector.shape_cast %broadcast_in_dim3A_27 : vector<16xi32> to vector<16x1xi32>
        %gather3A_1856 = vector.shape_cast %broadcast_in_dim3A_1855 : vector<16x1xi32> to vector<16xi32>
        %gather3A_1857 = tpu.dynamic_gather %get3A_90[%gather3A_1856] in [0] : vector<16xf32>, vector<16xi32> -> vector<16xf32>
        %broadcast_in_dim3A_1858 = vector.shape_cast %broadcast_in_dim3A_29 : vector<16xi32> to vector<16x1xi32>
        %gather3A_1859 = vector.shape_cast %broadcast_in_dim3A_1858 : vector<16x1xi32> to vector<16xi32>
        %gather3A_1860 = tpu.dynamic_gather %get3A_90[%gather3A_1859] in [0] : vector<16xf32>, vector<16xi32> -> vector<16xf32>
        %add3A_1861 = arith.constant 29696 : i32
        %add3A_1862 = vector.broadcast %add3A_1861 : i32 to vector<16xi32>
        %add3A_1863 = arith.addi %add3A_154, %add3A_1862 : vector<16xi32>
        %gather3A_1864 = tpu.vector_load_idx %arg7[%add3A_1863] : memref<65544xi32, #tpu.memory_space<vmem>>[vector<16xi32>], vector<16xi32>,
        %shift_left3A_1865 = arith.constant 16 : i32
        %shift_left3A_1866 = vector.broadcast %shift_left3A_1865 : i32 to vector<16xi32>
        %shift_left3A_1867 = arith.shli %gather3A_1864, %shift_left3A_1866 : vector<16xi32>
        %bitcast_convert_type3A_1868 = tpu.bitcast %shift_left3A_1867 : vector<16xi32> -> vector<16xf32>
        %mul3A_1869 = arith.mulf %bitcast_convert_type3A_1868, %gather3A_1857 : vector<16xf32>
        %add3A_1870 = arith.addf %add3A_1812, %mul3A_1869 : vector<16xf32>
        %bitcast_convert_type3A_1871 = tpu.bitcast %gather3A_1864 : vector<16xi32> -> vector<16xf32>
        %mul3A_1872 = arith.mulf %bitcast_convert_type3A_1871, %gather3A_1860 : vector<16xf32>
        %add3A_1873 = arith.addf %add3A_1815, %mul3A_1872 : vector<16xf32>
        %add3A_1874 = arith.constant 29696 : i32
        %add3A_1875 = vector.broadcast %add3A_1874 : i32 to vector<16xi32>
        %add3A_1876 = arith.addi %add3A_155, %add3A_1875 : vector<16xi32>
        %gather3A_1877 = tpu.vector_load_idx %arg7[%add3A_1876] : memref<65544xi32, #tpu.memory_space<vmem>>[vector<16xi32>], vector<16xi32>,
        %shift_left3A_1878 = arith.constant 16 : i32
        %shift_left3A_1879 = vector.broadcast %shift_left3A_1878 : i32 to vector<16xi32>
        %shift_left3A_1880 = arith.shli %gather3A_1877, %shift_left3A_1879 : vector<16xi32>
        %bitcast_convert_type3A_1881 = tpu.bitcast %shift_left3A_1880 : vector<16xi32> -> vector<16xf32>
        %mul3A_1882 = arith.mulf %bitcast_convert_type3A_1881, %gather3A_1857 : vector<16xf32>
        %add3A_1883 = arith.addf %add3A_1825, %mul3A_1882 : vector<16xf32>
        %bitcast_convert_type3A_1884 = tpu.bitcast %gather3A_1877 : vector<16xi32> -> vector<16xf32>
        %mul3A_1885 = arith.mulf %bitcast_convert_type3A_1884, %gather3A_1860 : vector<16xf32>
        %add3A_1886 = arith.addf %add3A_1828, %mul3A_1885 : vector<16xf32>
        %add3A_1887 = arith.constant 29696 : i32
        %add3A_1888 = vector.broadcast %add3A_1887 : i32 to vector<16xi32>
        %add3A_1889 = arith.addi %add3A_156, %add3A_1888 : vector<16xi32>
        %gather3A_1890 = tpu.vector_load_idx %arg7[%add3A_1889] : memref<65544xi32, #tpu.memory_space<vmem>>[vector<16xi32>], vector<16xi32>,
        %shift_left3A_1891 = arith.constant 16 : i32
        %shift_left3A_1892 = vector.broadcast %shift_left3A_1891 : i32 to vector<16xi32>
        %shift_left3A_1893 = arith.shli %gather3A_1890, %shift_left3A_1892 : vector<16xi32>
        %bitcast_convert_type3A_1894 = tpu.bitcast %shift_left3A_1893 : vector<16xi32> -> vector<16xf32>
        %mul3A_1895 = arith.mulf %bitcast_convert_type3A_1894, %gather3A_1857 : vector<16xf32>
        %add3A_1896 = arith.addf %add3A_1838, %mul3A_1895 : vector<16xf32>
        %bitcast_convert_type3A_1897 = tpu.bitcast %gather3A_1890 : vector<16xi32> -> vector<16xf32>
        %mul3A_1898 = arith.mulf %bitcast_convert_type3A_1897, %gather3A_1860 : vector<16xf32>
        %add3A_1899 = arith.addf %add3A_1841, %mul3A_1898 : vector<16xf32>
        %add3A_1900 = arith.constant 29696 : i32
        %add3A_1901 = vector.broadcast %add3A_1900 : i32 to vector<16xi32>
        %add3A_1902 = arith.addi %add3A_157, %add3A_1901 : vector<16xi32>
        %gather3A_1903 = tpu.vector_load_idx %arg7[%add3A_1902] : memref<65544xi32, #tpu.memory_space<vmem>>[vector<16xi32>], vector<16xi32>,
        %shift_left3A_1904 = arith.constant 16 : i32
        %shift_left3A_1905 = vector.broadcast %shift_left3A_1904 : i32 to vector<16xi32>
        %shift_left3A_1906 = arith.shli %gather3A_1903, %shift_left3A_1905 : vector<16xi32>
        %bitcast_convert_type3A_1907 = tpu.bitcast %shift_left3A_1906 : vector<16xi32> -> vector<16xf32>
        %mul3A_1908 = arith.mulf %bitcast_convert_type3A_1907, %gather3A_1857 : vector<16xf32>
        %add3A_1909 = arith.addf %add3A_1851, %mul3A_1908 : vector<16xf32>
        %bitcast_convert_type3A_1910 = tpu.bitcast %gather3A_1903 : vector<16xi32> -> vector<16xf32>
        %mul3A_1911 = arith.mulf %bitcast_convert_type3A_1910, %gather3A_1860 : vector<16xf32>
        %add3A_1912 = arith.addf %add3A_1854, %mul3A_1911 : vector<16xf32>
        %broadcast_in_dim3A_1913 = vector.shape_cast %broadcast_in_dim3A_31 : vector<16xi32> to vector<16x1xi32>
        %gather3A_1914 = vector.shape_cast %broadcast_in_dim3A_1913 : vector<16x1xi32> to vector<16xi32>
        %gather3A_1915 = tpu.dynamic_gather %get3A_90[%gather3A_1914] in [0] : vector<16xf32>, vector<16xi32> -> vector<16xf32>
        %broadcast_in_dim3A_1916 = vector.shape_cast %broadcast_in_dim3A_33 : vector<16xi32> to vector<16x1xi32>
        %gather3A_1917 = vector.shape_cast %broadcast_in_dim3A_1916 : vector<16x1xi32> to vector<16xi32>
        %gather3A_1918 = tpu.dynamic_gather %get3A_90[%gather3A_1917] in [0] : vector<16xf32>, vector<16xi32> -> vector<16xf32>
        %add3A_1919 = arith.constant 30720 : i32
        %add3A_1920 = vector.broadcast %add3A_1919 : i32 to vector<16xi32>
        %add3A_1921 = arith.addi %add3A_154, %add3A_1920 : vector<16xi32>
        %gather3A_1922 = tpu.vector_load_idx %arg7[%add3A_1921] : memref<65544xi32, #tpu.memory_space<vmem>>[vector<16xi32>], vector<16xi32>,
        %shift_left3A_1923 = arith.constant 16 : i32
        %shift_left3A_1924 = vector.broadcast %shift_left3A_1923 : i32 to vector<16xi32>
        %shift_left3A_1925 = arith.shli %gather3A_1922, %shift_left3A_1924 : vector<16xi32>
        %bitcast_convert_type3A_1926 = tpu.bitcast %shift_left3A_1925 : vector<16xi32> -> vector<16xf32>
        %mul3A_1927 = arith.mulf %bitcast_convert_type3A_1926, %gather3A_1915 : vector<16xf32>
        %add3A_1928 = arith.addf %add3A_1870, %mul3A_1927 : vector<16xf32>
        %bitcast_convert_type3A_1929 = tpu.bitcast %gather3A_1922 : vector<16xi32> -> vector<16xf32>
        %mul3A_1930 = arith.mulf %bitcast_convert_type3A_1929, %gather3A_1918 : vector<16xf32>
        %add3A_1931 = arith.addf %add3A_1873, %mul3A_1930 : vector<16xf32>
        %add3A_1932 = arith.constant 30720 : i32
        %add3A_1933 = vector.broadcast %add3A_1932 : i32 to vector<16xi32>
        %add3A_1934 = arith.addi %add3A_155, %add3A_1933 : vector<16xi32>
        %gather3A_1935 = tpu.vector_load_idx %arg7[%add3A_1934] : memref<65544xi32, #tpu.memory_space<vmem>>[vector<16xi32>], vector<16xi32>,
        %shift_left3A_1936 = arith.constant 16 : i32
        %shift_left3A_1937 = vector.broadcast %shift_left3A_1936 : i32 to vector<16xi32>
        %shift_left3A_1938 = arith.shli %gather3A_1935, %shift_left3A_1937 : vector<16xi32>
        %bitcast_convert_type3A_1939 = tpu.bitcast %shift_left3A_1938 : vector<16xi32> -> vector<16xf32>
        %mul3A_1940 = arith.mulf %bitcast_convert_type3A_1939, %gather3A_1915 : vector<16xf32>
        %add3A_1941 = arith.addf %add3A_1883, %mul3A_1940 : vector<16xf32>
        %bitcast_convert_type3A_1942 = tpu.bitcast %gather3A_1935 : vector<16xi32> -> vector<16xf32>
        %mul3A_1943 = arith.mulf %bitcast_convert_type3A_1942, %gather3A_1918 : vector<16xf32>
        %add3A_1944 = arith.addf %add3A_1886, %mul3A_1943 : vector<16xf32>
        %add3A_1945 = arith.constant 30720 : i32
        %add3A_1946 = vector.broadcast %add3A_1945 : i32 to vector<16xi32>
        %add3A_1947 = arith.addi %add3A_156, %add3A_1946 : vector<16xi32>
        %gather3A_1948 = tpu.vector_load_idx %arg7[%add3A_1947] : memref<65544xi32, #tpu.memory_space<vmem>>[vector<16xi32>], vector<16xi32>,
        %shift_left3A_1949 = arith.constant 16 : i32
        %shift_left3A_1950 = vector.broadcast %shift_left3A_1949 : i32 to vector<16xi32>
        %shift_left3A_1951 = arith.shli %gather3A_1948, %shift_left3A_1950 : vector<16xi32>
        %bitcast_convert_type3A_1952 = tpu.bitcast %shift_left3A_1951 : vector<16xi32> -> vector<16xf32>
        %mul3A_1953 = arith.mulf %bitcast_convert_type3A_1952, %gather3A_1915 : vector<16xf32>
        %add3A_1954 = arith.addf %add3A_1896, %mul3A_1953 : vector<16xf32>
        %bitcast_convert_type3A_1955 = tpu.bitcast %gather3A_1948 : vector<16xi32> -> vector<16xf32>
        %mul3A_1956 = arith.mulf %bitcast_convert_type3A_1955, %gather3A_1918 : vector<16xf32>
        %add3A_1957 = arith.addf %add3A_1899, %mul3A_1956 : vector<16xf32>
        %add3A_1958 = arith.constant 30720 : i32
        %add3A_1959 = vector.broadcast %add3A_1958 : i32 to vector<16xi32>
        %add3A_1960 = arith.addi %add3A_157, %add3A_1959 : vector<16xi32>
        %gather3A_1961 = tpu.vector_load_idx %arg7[%add3A_1960] : memref<65544xi32, #tpu.memory_space<vmem>>[vector<16xi32>], vector<16xi32>,
        %shift_left3A_1962 = arith.constant 16 : i32
        %shift_left3A_1963 = vector.broadcast %shift_left3A_1962 : i32 to vector<16xi32>
        %shift_left3A_1964 = arith.shli %gather3A_1961, %shift_left3A_1963 : vector<16xi32>
        %bitcast_convert_type3A_1965 = tpu.bitcast %shift_left3A_1964 : vector<16xi32> -> vector<16xf32>
        %mul3A_1966 = arith.mulf %bitcast_convert_type3A_1965, %gather3A_1915 : vector<16xf32>
        %add3A_1967 = arith.addf %add3A_1909, %mul3A_1966 : vector<16xf32>
        %bitcast_convert_type3A_1968 = tpu.bitcast %gather3A_1961 : vector<16xi32> -> vector<16xf32>
        %mul3A_1969 = arith.mulf %bitcast_convert_type3A_1968, %gather3A_1918 : vector<16xf32>
        %add3A_1970 = arith.addf %add3A_1912, %mul3A_1969 : vector<16xf32>
        %broadcast_in_dim3A_1971 = vector.shape_cast %broadcast_in_dim3A_35 : vector<16xi32> to vector<16x1xi32>
        %gather3A_1972 = vector.shape_cast %broadcast_in_dim3A_1971 : vector<16x1xi32> to vector<16xi32>
        %gather3A_1973 = tpu.dynamic_gather %get3A_90[%gather3A_1972] in [0] : vector<16xf32>, vector<16xi32> -> vector<16xf32>
        %broadcast_in_dim3A_1974 = vector.shape_cast %broadcast_in_dim3A_37 : vector<16xi32> to vector<16x1xi32>
        %gather3A_1975 = vector.shape_cast %broadcast_in_dim3A_1974 : vector<16x1xi32> to vector<16xi32>
        %gather3A_1976 = tpu.dynamic_gather %get3A_90[%gather3A_1975] in [0] : vector<16xf32>, vector<16xi32> -> vector<16xf32>
        %add3A_1977 = arith.constant 31744 : i32
        %add3A_1978 = vector.broadcast %add3A_1977 : i32 to vector<16xi32>
        %add3A_1979 = arith.addi %add3A_154, %add3A_1978 : vector<16xi32>
        %gather3A_1980 = tpu.vector_load_idx %arg7[%add3A_1979] : memref<65544xi32, #tpu.memory_space<vmem>>[vector<16xi32>], vector<16xi32>,
        %shift_left3A_1981 = arith.constant 16 : i32
        %shift_left3A_1982 = vector.broadcast %shift_left3A_1981 : i32 to vector<16xi32>
        %shift_left3A_1983 = arith.shli %gather3A_1980, %shift_left3A_1982 : vector<16xi32>
        %bitcast_convert_type3A_1984 = tpu.bitcast %shift_left3A_1983 : vector<16xi32> -> vector<16xf32>
        %mul3A_1985 = arith.mulf %bitcast_convert_type3A_1984, %gather3A_1973 : vector<16xf32>
        %add3A_1986 = arith.addf %add3A_1928, %mul3A_1985 : vector<16xf32>
        %bitcast_convert_type3A_1987 = tpu.bitcast %gather3A_1980 : vector<16xi32> -> vector<16xf32>
        %mul3A_1988 = arith.mulf %bitcast_convert_type3A_1987, %gather3A_1976 : vector<16xf32>
        %add3A_1989 = arith.addf %add3A_1931, %mul3A_1988 : vector<16xf32>
        %add3A_1990 = arith.constant 31744 : i32
        %add3A_1991 = vector.broadcast %add3A_1990 : i32 to vector<16xi32>
        %add3A_1992 = arith.addi %add3A_155, %add3A_1991 : vector<16xi32>
        %gather3A_1993 = tpu.vector_load_idx %arg7[%add3A_1992] : memref<65544xi32, #tpu.memory_space<vmem>>[vector<16xi32>], vector<16xi32>,
        %shift_left3A_1994 = arith.constant 16 : i32
        %shift_left3A_1995 = vector.broadcast %shift_left3A_1994 : i32 to vector<16xi32>
        %shift_left3A_1996 = arith.shli %gather3A_1993, %shift_left3A_1995 : vector<16xi32>
        %bitcast_convert_type3A_1997 = tpu.bitcast %shift_left3A_1996 : vector<16xi32> -> vector<16xf32>
        %mul3A_1998 = arith.mulf %bitcast_convert_type3A_1997, %gather3A_1973 : vector<16xf32>
        %add3A_1999 = arith.addf %add3A_1941, %mul3A_1998 : vector<16xf32>
        %bitcast_convert_type3A_2000 = tpu.bitcast %gather3A_1993 : vector<16xi32> -> vector<16xf32>
        %mul3A_2001 = arith.mulf %bitcast_convert_type3A_2000, %gather3A_1976 : vector<16xf32>
        %add3A_2002 = arith.addf %add3A_1944, %mul3A_2001 : vector<16xf32>
        %add3A_2003 = arith.constant 31744 : i32
        %add3A_2004 = vector.broadcast %add3A_2003 : i32 to vector<16xi32>
        %add3A_2005 = arith.addi %add3A_156, %add3A_2004 : vector<16xi32>
        %gather3A_2006 = tpu.vector_load_idx %arg7[%add3A_2005] : memref<65544xi32, #tpu.memory_space<vmem>>[vector<16xi32>], vector<16xi32>,
        %shift_left3A_2007 = arith.constant 16 : i32
        %shift_left3A_2008 = vector.broadcast %shift_left3A_2007 : i32 to vector<16xi32>
        %shift_left3A_2009 = arith.shli %gather3A_2006, %shift_left3A_2008 : vector<16xi32>
        %bitcast_convert_type3A_2010 = tpu.bitcast %shift_left3A_2009 : vector<16xi32> -> vector<16xf32>
        %mul3A_2011 = arith.mulf %bitcast_convert_type3A_2010, %gather3A_1973 : vector<16xf32>
        %add3A_2012 = arith.addf %add3A_1954, %mul3A_2011 : vector<16xf32>
        %bitcast_convert_type3A_2013 = tpu.bitcast %gather3A_2006 : vector<16xi32> -> vector<16xf32>
        %mul3A_2014 = arith.mulf %bitcast_convert_type3A_2013, %gather3A_1976 : vector<16xf32>
        %add3A_2015 = arith.addf %add3A_1957, %mul3A_2014 : vector<16xf32>
        %add3A_2016 = arith.constant 31744 : i32
        %add3A_2017 = vector.broadcast %add3A_2016 : i32 to vector<16xi32>
        %add3A_2018 = arith.addi %add3A_157, %add3A_2017 : vector<16xi32>
        %gather3A_2019 = tpu.vector_load_idx %arg7[%add3A_2018] : memref<65544xi32, #tpu.memory_space<vmem>>[vector<16xi32>], vector<16xi32>,
        %shift_left3A_2020 = arith.constant 16 : i32
        %shift_left3A_2021 = vector.broadcast %shift_left3A_2020 : i32 to vector<16xi32>
        %shift_left3A_2022 = arith.shli %gather3A_2019, %shift_left3A_2021 : vector<16xi32>
        %bitcast_convert_type3A_2023 = tpu.bitcast %shift_left3A_2022 : vector<16xi32> -> vector<16xf32>
        %mul3A_2024 = arith.mulf %bitcast_convert_type3A_2023, %gather3A_1973 : vector<16xf32>
        %add3A_2025 = arith.addf %add3A_1967, %mul3A_2024 : vector<16xf32>
        %bitcast_convert_type3A_2026 = tpu.bitcast %gather3A_2019 : vector<16xi32> -> vector<16xf32>
        %mul3A_2027 = arith.mulf %bitcast_convert_type3A_2026, %gather3A_1976 : vector<16xf32>
        %add3A_2028 = arith.addf %add3A_1970, %mul3A_2027 : vector<16xf32>
        %gather3A_2029 = tpu.vector_load_idx %arg8[%get3A_141] : memref<1024xf32, #tpu.memory_space<vmem>>[vector<16xi32>], vector<16xf32>,
        %add3A_2030 = arith.addf %add3A_1986, %add3A_1989 : vector<16xf32>
        %mul3A_2031 = arith.mulf %add3A_2030, %gather3A_2029 : vector<16xf32>
        %mul3A_2032 = arith.mulf %mul3A_2031, %mul3A_135 : vector<16xf32>
        %mul3A_2033 = arith.constant 2.000000e+00 : f32
        %mul3A_2034 = vector.broadcast %mul3A_2033 : f32 to vector<16xf32>
        %mul3A_2035 = arith.mulf %mul3A_2034, %mul3A_2032 : vector<16xf32>
        %sub3A_2036 = arith.constant 2.000000e+00 : f32
        %sub3A_2037 = vector.broadcast %sub3A_2036 : f32 to vector<16xf32>
        %sub3A_2038 = arith.subf %sub3A_2037, %mul3A_2035 : vector<16xf32>
        %max3A_2039 = arith.constant 0.000000e+00 : f32
        %max3A_2040 = vector.broadcast %max3A_2039 : f32 to vector<16xf32>
        %max3A_2041 = arith.maximumf %sub3A_2038, %max3A_2040 : vector<16xf32>
        %max3A_2042 = arith.constant 1.000000e-30 : f32
        %max3A_2043 = vector.broadcast %max3A_2042 : f32 to vector<16xf32>
        %max3A_2044 = arith.maximumf %max3A_2041, %max3A_2043 : vector<16xf32>
        %bitcast_convert_type3A_2045 = tpu.bitcast %max3A_2044 : vector<16xf32> -> vector<16xi32>
        %shift_right_logical3A_2046 = arith.constant 1 : i32
        %shift_right_logical3A_2047 = vector.broadcast %shift_right_logical3A_2046 : i32 to vector<16xi32>
        %shift_right_logical3A_2048 = arith.shrui %bitcast_convert_type3A_2045, %shift_right_logical3A_2047 : vector<16xi32>
        %sub3A_2049 = arith.constant 1597463007 : i32
        %sub3A_2050 = vector.broadcast %sub3A_2049 : i32 to vector<16xi32>
        %sub3A_2051 = arith.subi %sub3A_2050, %shift_right_logical3A_2048 : vector<16xi32>
        %bitcast_convert_type3A_2052 = tpu.bitcast %sub3A_2051 : vector<16xi32> -> vector<16xf32>
        %mul3A_2053 = arith.constant 5.000000e-01 : f32
        %mul3A_2054 = vector.broadcast %mul3A_2053 : f32 to vector<16xf32>
        %mul3A_2055 = arith.mulf %mul3A_2054, %max3A_2044 : vector<16xf32>
        %mul3A_2056 = arith.mulf %mul3A_2055, %bitcast_convert_type3A_2052 : vector<16xf32>
        %mul3A_2057 = arith.mulf %mul3A_2056, %bitcast_convert_type3A_2052 : vector<16xf32>
        %sub3A_2058 = arith.constant 1.500000e+00 : f32
        %sub3A_2059 = vector.broadcast %sub3A_2058 : f32 to vector<16xf32>
        %sub3A_2060 = arith.subf %sub3A_2059, %mul3A_2057 : vector<16xf32>
        %mul3A_2061 = arith.mulf %bitcast_convert_type3A_2052, %sub3A_2060 : vector<16xf32>
        %mul3A_2062 = arith.constant 5.000000e-01 : f32
        %mul3A_2063 = vector.broadcast %mul3A_2062 : f32 to vector<16xf32>
        %mul3A_2064 = arith.mulf %mul3A_2063, %max3A_2044 : vector<16xf32>
        %mul3A_2065 = arith.mulf %mul3A_2064, %mul3A_2061 : vector<16xf32>
        %mul3A_2066 = arith.mulf %mul3A_2065, %mul3A_2061 : vector<16xf32>
        %sub3A_2067 = arith.constant 1.500000e+00 : f32
        %sub3A_2068 = vector.broadcast %sub3A_2067 : f32 to vector<16xf32>
        %sub3A_2069 = arith.subf %sub3A_2068, %mul3A_2066 : vector<16xf32>
        %mul3A_2070 = arith.mulf %mul3A_2061, %sub3A_2069 : vector<16xf32>
        %mul3A_2071 = arith.mulf %max3A_2041, %mul3A_2070 : vector<16xf32>
        %add3A_2072 = arith.constant 0 : i32
        %add3A_2073 = arith.addi %mul3A_137, %add3A_2072 : i32
        %swap3A_2074 = arith.index_cast %add3A_2073 : i32 to index
        %swap3A_2075 = tpu.vector_load %arg12[%swap3A_2074] {strides = array<i32>} : memref<6416xf32, #tpu.memory_space<vmem>>, vector<16xf32>,
        tpu.vector_store %arg12[%swap3A_2074], %mul3A_2071 {strides = array<i32>} : memref<6416xf32, #tpu.memory_space<vmem>>, vector<16xf32>,
        %gather3A_2076 = tpu.vector_load_idx %arg8[%get3A_145] : memref<1024xf32, #tpu.memory_space<vmem>>[vector<16xi32>], vector<16xf32>,
        %add3A_2077 = arith.addf %add3A_1999, %add3A_2002 : vector<16xf32>
        %mul3A_2078 = arith.mulf %add3A_2077, %gather3A_2076 : vector<16xf32>
        %mul3A_2079 = arith.mulf %mul3A_2078, %mul3A_135 : vector<16xf32>
        %mul3A_2080 = arith.constant 2.000000e+00 : f32
        %mul3A_2081 = vector.broadcast %mul3A_2080 : f32 to vector<16xf32>
        %mul3A_2082 = arith.mulf %mul3A_2081, %mul3A_2079 : vector<16xf32>
        %sub3A_2083 = arith.constant 2.000000e+00 : f32
        %sub3A_2084 = vector.broadcast %sub3A_2083 : f32 to vector<16xf32>
        %sub3A_2085 = arith.subf %sub3A_2084, %mul3A_2082 : vector<16xf32>
        %max3A_2086 = arith.constant 0.000000e+00 : f32
        %max3A_2087 = vector.broadcast %max3A_2086 : f32 to vector<16xf32>
        %max3A_2088 = arith.maximumf %sub3A_2085, %max3A_2087 : vector<16xf32>
        %max3A_2089 = arith.constant 1.000000e-30 : f32
        %max3A_2090 = vector.broadcast %max3A_2089 : f32 to vector<16xf32>
        %max3A_2091 = arith.maximumf %max3A_2088, %max3A_2090 : vector<16xf32>
        %bitcast_convert_type3A_2092 = tpu.bitcast %max3A_2091 : vector<16xf32> -> vector<16xi32>
        %shift_right_logical3A_2093 = arith.constant 1 : i32
        %shift_right_logical3A_2094 = vector.broadcast %shift_right_logical3A_2093 : i32 to vector<16xi32>
        %shift_right_logical3A_2095 = arith.shrui %bitcast_convert_type3A_2092, %shift_right_logical3A_2094 : vector<16xi32>
        %sub3A_2096 = arith.constant 1597463007 : i32
        %sub3A_2097 = vector.broadcast %sub3A_2096 : i32 to vector<16xi32>
        %sub3A_2098 = arith.subi %sub3A_2097, %shift_right_logical3A_2095 : vector<16xi32>
        %bitcast_convert_type3A_2099 = tpu.bitcast %sub3A_2098 : vector<16xi32> -> vector<16xf32>
        %mul3A_2100 = arith.constant 5.000000e-01 : f32
        %mul3A_2101 = vector.broadcast %mul3A_2100 : f32 to vector<16xf32>
        %mul3A_2102 = arith.mulf %mul3A_2101, %max3A_2091 : vector<16xf32>
        %mul3A_2103 = arith.mulf %mul3A_2102, %bitcast_convert_type3A_2099 : vector<16xf32>
        %mul3A_2104 = arith.mulf %mul3A_2103, %bitcast_convert_type3A_2099 : vector<16xf32>
        %sub3A_2105 = arith.constant 1.500000e+00 : f32
        %sub3A_2106 = vector.broadcast %sub3A_2105 : f32 to vector<16xf32>
        %sub3A_2107 = arith.subf %sub3A_2106, %mul3A_2104 : vector<16xf32>
        %mul3A_2108 = arith.mulf %bitcast_convert_type3A_2099, %sub3A_2107 : vector<16xf32>
        %mul3A_2109 = arith.constant 5.000000e-01 : f32
        %mul3A_2110 = vector.broadcast %mul3A_2109 : f32 to vector<16xf32>
        %mul3A_2111 = arith.mulf %mul3A_2110, %max3A_2091 : vector<16xf32>
        %mul3A_2112 = arith.mulf %mul3A_2111, %mul3A_2108 : vector<16xf32>
        %mul3A_2113 = arith.mulf %mul3A_2112, %mul3A_2108 : vector<16xf32>
        %sub3A_2114 = arith.constant 1.500000e+00 : f32
        %sub3A_2115 = vector.broadcast %sub3A_2114 : f32 to vector<16xf32>
        %sub3A_2116 = arith.subf %sub3A_2115, %mul3A_2113 : vector<16xf32>
        %mul3A_2117 = arith.mulf %mul3A_2108, %sub3A_2116 : vector<16xf32>
        %mul3A_2118 = arith.mulf %max3A_2088, %mul3A_2117 : vector<16xf32>
        %add3A_2119 = arith.constant 16 : i32
        %add3A_2120 = arith.addi %mul3A_137, %add3A_2119 : i32
        %swap3A_2121 = arith.index_cast %add3A_2120 : i32 to index
        %swap3A_2122 = tpu.vector_load %arg12[%swap3A_2121] {strides = array<i32>} : memref<6416xf32, #tpu.memory_space<vmem>>, vector<16xf32>,
        tpu.vector_store %arg12[%swap3A_2121], %mul3A_2118 {strides = array<i32>} : memref<6416xf32, #tpu.memory_space<vmem>>, vector<16xf32>,
        %gather3A_2123 = tpu.vector_load_idx %arg8[%get3A_149] : memref<1024xf32, #tpu.memory_space<vmem>>[vector<16xi32>], vector<16xf32>,
        %add3A_2124 = arith.addf %add3A_2012, %add3A_2015 : vector<16xf32>
        %mul3A_2125 = arith.mulf %add3A_2124, %gather3A_2123 : vector<16xf32>
        %mul3A_2126 = arith.mulf %mul3A_2125, %mul3A_135 : vector<16xf32>
        %mul3A_2127 = arith.constant 2.000000e+00 : f32
        %mul3A_2128 = vector.broadcast %mul3A_2127 : f32 to vector<16xf32>
        %mul3A_2129 = arith.mulf %mul3A_2128, %mul3A_2126 : vector<16xf32>
        %sub3A_2130 = arith.constant 2.000000e+00 : f32
        %sub3A_2131 = vector.broadcast %sub3A_2130 : f32 to vector<16xf32>
        %sub3A_2132 = arith.subf %sub3A_2131, %mul3A_2129 : vector<16xf32>
        %max3A_2133 = arith.constant 0.000000e+00 : f32
        %max3A_2134 = vector.broadcast %max3A_2133 : f32 to vector<16xf32>
        %max3A_2135 = arith.maximumf %sub3A_2132, %max3A_2134 : vector<16xf32>
        %max3A_2136 = arith.constant 1.000000e-30 : f32
        %max3A_2137 = vector.broadcast %max3A_2136 : f32 to vector<16xf32>
        %max3A_2138 = arith.maximumf %max3A_2135, %max3A_2137 : vector<16xf32>
        %bitcast_convert_type3A_2139 = tpu.bitcast %max3A_2138 : vector<16xf32> -> vector<16xi32>
        %shift_right_logical3A_2140 = arith.constant 1 : i32
        %shift_right_logical3A_2141 = vector.broadcast %shift_right_logical3A_2140 : i32 to vector<16xi32>
        %shift_right_logical3A_2142 = arith.shrui %bitcast_convert_type3A_2139, %shift_right_logical3A_2141 : vector<16xi32>
        %sub3A_2143 = arith.constant 1597463007 : i32
        %sub3A_2144 = vector.broadcast %sub3A_2143 : i32 to vector<16xi32>
        %sub3A_2145 = arith.subi %sub3A_2144, %shift_right_logical3A_2142 : vector<16xi32>
        %bitcast_convert_type3A_2146 = tpu.bitcast %sub3A_2145 : vector<16xi32> -> vector<16xf32>
        %mul3A_2147 = arith.constant 5.000000e-01 : f32
        %mul3A_2148 = vector.broadcast %mul3A_2147 : f32 to vector<16xf32>
        %mul3A_2149 = arith.mulf %mul3A_2148, %max3A_2138 : vector<16xf32>
        %mul3A_2150 = arith.mulf %mul3A_2149, %bitcast_convert_type3A_2146 : vector<16xf32>
        %mul3A_2151 = arith.mulf %mul3A_2150, %bitcast_convert_type3A_2146 : vector<16xf32>
        %sub3A_2152 = arith.constant 1.500000e+00 : f32
        %sub3A_2153 = vector.broadcast %sub3A_2152 : f32 to vector<16xf32>
        %sub3A_2154 = arith.subf %sub3A_2153, %mul3A_2151 : vector<16xf32>
        %mul3A_2155 = arith.mulf %bitcast_convert_type3A_2146, %sub3A_2154 : vector<16xf32>
        %mul3A_2156 = arith.constant 5.000000e-01 : f32
        %mul3A_2157 = vector.broadcast %mul3A_2156 : f32 to vector<16xf32>
        %mul3A_2158 = arith.mulf %mul3A_2157, %max3A_2138 : vector<16xf32>
        %mul3A_2159 = arith.mulf %mul3A_2158, %mul3A_2155 : vector<16xf32>
        %mul3A_2160 = arith.mulf %mul3A_2159, %mul3A_2155 : vector<16xf32>
        %sub3A_2161 = arith.constant 1.500000e+00 : f32
        %sub3A_2162 = vector.broadcast %sub3A_2161 : f32 to vector<16xf32>
        %sub3A_2163 = arith.subf %sub3A_2162, %mul3A_2160 : vector<16xf32>
        %mul3A_2164 = arith.mulf %mul3A_2155, %sub3A_2163 : vector<16xf32>
        %mul3A_2165 = arith.mulf %max3A_2135, %mul3A_2164 : vector<16xf32>
        %add3A_2166 = arith.constant 32 : i32
        %add3A_2167 = arith.addi %mul3A_137, %add3A_2166 : i32
        %swap3A_2168 = arith.index_cast %add3A_2167 : i32 to index
        %swap3A_2169 = tpu.vector_load %arg12[%swap3A_2168] {strides = array<i32>} : memref<6416xf32, #tpu.memory_space<vmem>>, vector<16xf32>,
        tpu.vector_store %arg12[%swap3A_2168], %mul3A_2165 {strides = array<i32>} : memref<6416xf32, #tpu.memory_space<vmem>>, vector<16xf32>,
        %gather3A_2170 = tpu.vector_load_idx %arg8[%get3A_153] : memref<1024xf32, #tpu.memory_space<vmem>>[vector<16xi32>], vector<16xf32>,
        %add3A_2171 = arith.addf %add3A_2025, %add3A_2028 : vector<16xf32>
        %mul3A_2172 = arith.mulf %add3A_2171, %gather3A_2170 : vector<16xf32>
        %mul3A_2173 = arith.mulf %mul3A_2172, %mul3A_135 : vector<16xf32>
        %mul3A_2174 = arith.constant 2.000000e+00 : f32
        %mul3A_2175 = vector.broadcast %mul3A_2174 : f32 to vector<16xf32>
        %mul3A_2176 = arith.mulf %mul3A_2175, %mul3A_2173 : vector<16xf32>
        %sub3A_2177 = arith.constant 2.000000e+00 : f32
        %sub3A_2178 = vector.broadcast %sub3A_2177 : f32 to vector<16xf32>
        %sub3A_2179 = arith.subf %sub3A_2178, %mul3A_2176 : vector<16xf32>
        %max3A_2180 = arith.constant 0.000000e+00 : f32
        %max3A_2181 = vector.broadcast %max3A_2180 : f32 to vector<16xf32>
        %max3A_2182 = arith.maximumf %sub3A_2179, %max3A_2181 : vector<16xf32>
        %max3A_2183 = arith.constant 1.000000e-30 : f32
        %max3A_2184 = vector.broadcast %max3A_2183 : f32 to vector<16xf32>
        %max3A_2185 = arith.maximumf %max3A_2182, %max3A_2184 : vector<16xf32>
        %bitcast_convert_type3A_2186 = tpu.bitcast %max3A_2185 : vector<16xf32> -> vector<16xi32>
        %shift_right_logical3A_2187 = arith.constant 1 : i32
        %shift_right_logical3A_2188 = vector.broadcast %shift_right_logical3A_2187 : i32 to vector<16xi32>
        %shift_right_logical3A_2189 = arith.shrui %bitcast_convert_type3A_2186, %shift_right_logical3A_2188 : vector<16xi32>
        %sub3A_2190 = arith.constant 1597463007 : i32
        %sub3A_2191 = vector.broadcast %sub3A_2190 : i32 to vector<16xi32>
        %sub3A_2192 = arith.subi %sub3A_2191, %shift_right_logical3A_2189 : vector<16xi32>
        %bitcast_convert_type3A_2193 = tpu.bitcast %sub3A_2192 : vector<16xi32> -> vector<16xf32>
        %mul3A_2194 = arith.constant 5.000000e-01 : f32
        %mul3A_2195 = vector.broadcast %mul3A_2194 : f32 to vector<16xf32>
        %mul3A_2196 = arith.mulf %mul3A_2195, %max3A_2185 : vector<16xf32>
        %mul3A_2197 = arith.mulf %mul3A_2196, %bitcast_convert_type3A_2193 : vector<16xf32>
        %mul3A_2198 = arith.mulf %mul3A_2197, %bitcast_convert_type3A_2193 : vector<16xf32>
        %sub3A_2199 = arith.constant 1.500000e+00 : f32
        %sub3A_2200 = vector.broadcast %sub3A_2199 : f32 to vector<16xf32>
        %sub3A_2201 = arith.subf %sub3A_2200, %mul3A_2198 : vector<16xf32>
        %mul3A_2202 = arith.mulf %bitcast_convert_type3A_2193, %sub3A_2201 : vector<16xf32>
        %mul3A_2203 = arith.constant 5.000000e-01 : f32
        %mul3A_2204 = vector.broadcast %mul3A_2203 : f32 to vector<16xf32>
        %mul3A_2205 = arith.mulf %mul3A_2204, %max3A_2185 : vector<16xf32>
        %mul3A_2206 = arith.mulf %mul3A_2205, %mul3A_2202 : vector<16xf32>
        %mul3A_2207 = arith.mulf %mul3A_2206, %mul3A_2202 : vector<16xf32>
        %sub3A_2208 = arith.constant 1.500000e+00 : f32
        %sub3A_2209 = vector.broadcast %sub3A_2208 : f32 to vector<16xf32>
        %sub3A_2210 = arith.subf %sub3A_2209, %mul3A_2207 : vector<16xf32>
        %mul3A_2211 = arith.mulf %mul3A_2202, %sub3A_2210 : vector<16xf32>
        %mul3A_2212 = arith.mulf %max3A_2182, %mul3A_2211 : vector<16xf32>
        %add3A_2213 = arith.constant 48 : i32
        %add3A_2214 = arith.addi %mul3A_137, %add3A_2213 : i32
        %swap3A_2215 = arith.index_cast %add3A_2214 : i32 to index
        %swap3A_2216 = tpu.vector_load %arg12[%swap3A_2215] {strides = array<i32>} : memref<6416xf32, #tpu.memory_space<vmem>>, vector<16xf32>,
        tpu.vector_store %arg12[%swap3A_2215], %mul3A_2212 {strides = array<i32>} : memref<6416xf32, #tpu.memory_space<vmem>>, vector<16xf32>,
        %scan3A_2217 = arith.constant 0 : i32
        scf.yield %scan3A_2217 : i32
      }
      %scan3A_74 = arith.constant 128 : i32
      %mul3A_75 = arith.constant 50 : i32
      %mul3A_76 = arith.muli %add3A_58, %mul3A_75 : i32
      "tpu.region"() ({
        %run_scoped3A = tpu.sem_alloc : memref<!tpu.dma_semaphore, #tpu.memory_space<semaphore_mem>>
        %dma_start3A_78 = arith.constant 0 : i32
        %dma_start3A_79 = tpu.memref_slice %arg12[%dma_start3A_78] : memref<6416xf32, #tpu.memory_space<vmem>> -> memref<6400xf32, #tpu.memory_space<vmem>>
        %dma_start3A_80 = tpu.memref_slice %arg6[%mul3A_76] : memref<819200xf32, #tpu.memory_space<hbm>> -> memref<6400xf32, #tpu.memory_space<hbm>>
        %dma_start3A_81 = tpu.memref_slice %arg6[%mul3A_76] : memref<819200xf32, #tpu.memory_space<hbm>> -> memref<6400xf32, #tpu.memory_space<hbm>>
        %dma_start3A_82 = arith.constant 0 : i32
        %dma_start3A_83 = tpu.memref_slice %arg12[%dma_start3A_82] : memref<6416xf32, #tpu.memory_space<vmem>> -> memref<6400xf32, #tpu.memory_space<vmem>>
        tpu.enqueue_dma source(%dma_start3A_83 : memref<6400xf32, #tpu.memory_space<vmem>>) target(%dma_start3A_81 : memref<6400xf32, #tpu.memory_space<hbm>>) target_semaphore(%run_scoped3A : memref<!tpu.dma_semaphore, #tpu.memory_space<semaphore_mem>>)
        %dma_wait3A_84 = arith.constant 0 : i32
        %dma_wait3A_85 = tpu.memref_slice %arg12[%dma_wait3A_84] : memref<6416xf32, #tpu.memory_space<vmem>> -> memref<6400xf32, #tpu.memory_space<vmem>>
        %dma_wait3A_86 = tpu.memref_slice %arg6[%mul3A_76] : memref<819200xf32, #tpu.memory_space<hbm>> -> memref<6400xf32, #tpu.memory_space<hbm>>
        %dma_wait3A_87 = tpu.memref_slice %arg6[%mul3A_76] : memref<819200xf32, #tpu.memory_space<hbm>> -> memref<6400xf32, #tpu.memory_space<hbm>>
        %dma_wait3A_88 = arith.constant 0 : i32
        %dma_wait3A_89 = tpu.memref_slice %arg12[%dma_wait3A_88] : memref<6416xf32, #tpu.memory_space<vmem>> -> memref<6400xf32, #tpu.memory_space<vmem>>
        tpu.wait_dma2 semaphore(%run_scoped3A : memref<!tpu.dma_semaphore, #tpu.memory_space<semaphore_mem>>) src(%dma_wait3A_89 : memref<6400xf32, #tpu.memory_space<vmem>>) dst(%dma_wait3A_87 : memref<6400xf32, #tpu.memory_space<hbm>>)
        tpu.yield
      }) : () -> ()
      %scan3A_77 = arith.constant 0 : i32
      scf.yield %scan3A_77 : i32
    }
    %scan3A_51 = arith.constant 4 : i32
    return
  }
}

</mosaic_0001>

<sc_bundles>
// kernel: kernel.3.cloned.1.call-start
scs
__scs_entry_jumppad:
0x0: {  	(pc) =	sbr.rel $0x88, $3  }
0x1: {  	(tag) =	ssettag $0x0;
	lr =	simm.s32 $0x1  }
0x2: {  	[smem:$0x3F9D] =	sst lr;
	_ =	strace $0xD0000000  }
0x3: {  	_ = 	snop  }
0x4: {  	_ = 	snop  }
0x5: {  	_ = 	snop  }
0x6: {  	_ = 	snop  }
0x7: {  	_ = 	snop  }
__scs_overlays_trampoline_lowered:
0x8: {  	[smem:$0x3FAC] =	sst s0  }
0x9: {  	[smem:$0x3FAD] =	sst s1  }
0xa: {  	[smem:$0x3FAE] =	sst s2  }
0xb: {  	[smem:$0x3FAF] =	sst s3  }
0xc: {  	[smem:$0x3FB0] =	sst s4  }
0xd: {  	[smem:$0x3FB1] =	sst s5  }
0xe: {  	[smem:$0x3FB2] =	sst s6  }
0xf: {  	[smem:$0x3FB3] =	sst s7  }
0x10: {  	[smem:$0x3FB4] =	sst s8  }
0x11: {  	[smem:$0x3FB5] =	sst s9;
	s0 =	simm.s32 @!p0 $0x0  }
0x12: {  	s1 =	sld [smem:$0x3F9B];
	s0 =	simm.s32 @p0 $0x1  }
0x13: {  	[smem:$0x3FB6] =	sst s0;
	s0 =	simm.s32 @!p1 $0x0  }
0x14: {  	s2 =	sld [smem:$0x3F9A];
	s0 =	simm.s32 @p1 $0x1  }
0x15: {  	[smem:$0x3FB7] =	sst s0;
	s0 =	simm.s32 @!p2 $0x0  }
0x16: {  	s3 =	sld [smem:$0x3FDB];
	s0 =	simm.s32 @p2 $0x1  }
0x17: {  	s4 =	simm.s32 $0x1BF5;
	[smem:$0x3FB9] =	sst s0  }
0x18: {  	s0 =	sld [smem:$0x3F9C];
	_ =	swait.ge [sflag:s4], $0x0  }
0x19: {  	s7 =	sld [smem:$0x3F9D]  }
0x1a: {  	s8 =	sadd.s32 $0xFFFFE003, lr  }
0x1b: {  	s9 =	sadd.s32 $0xFFFFFEF7, lr;
	s5 =	simm.s32 $0xFFFFFFFF;
	p2 =	slt.u32 s8, $0xFFFFF086  }
0x1c: {  	p1 =	slt.u32 s9, $0xF7A;
	s5 =	simm.s32 @!p2 $0x0  }
0x1d: {  	s5 =	simm.s32 @p1 $0x1;
	p0 =	seq.s32 s7, s2  }
0x1e: {  	s7 =	smul.u32 @!p0 $0xF7A, s2;
	p2 =	seq.s32 @!p0 s5, $0x0  }
0x1f: {  	s9 =	smul.u32 $0xF7A, s1;
	s8 =	simm.s32 @!p0 $0x1BF5;
	p2 =	por !p2, p0  }
0x20: {  	[sflag:s8] =	ssyncset.s32 @!p0 $0xFFFFF086;
	s6 =	sadd.s32 @!p0 s3, s7;
	s7 =	simm.s32 @!p0 $0x108  }
0x21: {  	s3 =	sadd.s32 s3, s9;
	s6 =	sadd.s32 @!p0 $0x88, s6;
	s7 =	simm.s32 @p2 $0x1082  }
0x22: {  	[simem:s7], [sflag:s8] =	dma.local @!p0 [hbm:s6], $0xF7A  }
0x23: {  	s9 =	sor.u32 $0xD0000000, s2;
	s6 =	simm.s32 $0x108;
	_ =	swait.ge @!p0 [sflag:s8], $0x0  }
0x24: {  	s3 =	sadd.s32 $0x88, s3;
	s6 =	simm.s32 @!p1 $0x1082;
	[sflag:s4] =	ssyncset.s32 $0xFFFFF086  }
0x25: {  	[simem:s6], [sflag:s4] =	dma.local [hbm:s3], $0xF7A  }
0x26: {  	[smem:$0x3F9D] =	sst s1;
	(tag) =	ssettag s2;
	_ =	strace s9  }
0x27: {  	s1 =	sld [smem:$0x3FAD]  }
0x28: {  	s2 =	sld [smem:$0x3FAE]  }
0x29: {  	s4 =	sld [smem:$0x3FB0]  }
0x2a: {  	p0 =	seq.s32 s5, $0x0;
	s5 =	sld [smem:$0x3FB1]  }
0x2b: {  	s6 =	sld [smem:$0x3FB2]  }
0x2c: {  	s7 =	sld [smem:$0x3FB3]  }
0x2d: {  	s3 =	simm.s32 $0x108;
	s8 =	sld [smem:$0x3FB4]  }
0x2e: {  	s3 =	simm.s32 @!p0 $0x1082;
	s9 =	sld [smem:$0x3FB5]  }
0x2f: {  	lr =	sadd.s32 s0, s3;
	s0 =	sld [smem:$0x3FAC]  }
0x30: {  	s3 =	sld [smem:$0x3FAF]  }
0x31: {  	[smem:$0x3FB8] =	sst s10  }
0x32: {  	s10 =	sld [smem:$0x3FB6];
	_ =	sdelay $0x3  }
0x33: {  	p0 =	seq.s32 s10, $0x1;
	s10 =	sld [smem:$0x3FB8];
	_ =	sdelay $0x3  }
0x34: {  	[smem:$0x3FB8] =	sst s10  }
0x35: {  	s10 =	sld [smem:$0x3FB7];
	_ =	sdelay $0x3  }
0x36: {  	p1 =	seq.s32 s10, $0x1;
	s10 =	sld [smem:$0x3FB8];
	_ =	sdelay $0x3  }
0x37: {  	[smem:$0x3FB8] =	sst s10  }
0x38: {  	s10 =	sld [smem:$0x3FB9]  }
0x39: {  	_ = 	snop;
	(pc) =	sbr.ind lr, $3  }
0x3a: {  	_ = 	snop  }
0x3b: {  	_ = 	snop  }
0x3c: {  	p2 =	seq.s32 s10, $0x1;
	s10 =	sld [smem:$0x3FB8]  }
0x3d: {  	_ =	shalt  }
0x3e: {  	_ =	shalt  }
0x3f: {  	_ =	shalt  }
0x40: {  	_ =	shalt  }
0x41: {  	_ =	shalt  }
0x42: {  	_ =	shalt  }
0x43: {  	_ =	shalt  }
0x44: {  	_ =	shalt  }
0x45: {  	_ =	shalt  }
0x46: {  	_ =	shalt  }
0x47: {  	_ =	shalt  }
0x48: {  	_ =	shalt  }
0x49: {  	_ =	shalt  }
0x4a: {  	_ =	shalt  }
0x4b: {  	_ =	shalt  }
0x4c: {  	_ =	shalt  }
0x4d: {  	_ =	shalt  }
0x4e: {  	_ =	shalt  }
0x4f: {  	_ =	shalt  }
0x50: {  	_ =	shalt  }
0x51: {  	_ =	shalt  }
0x52: {  	_ =	shalt  }
0x53: {  	_ =	shalt  }
0x54: {  	_ =	shalt  }
0x55: {  	_ =	shalt  }
0x56: {  	_ =	shalt  }
0x57: {  	_ =	shalt  }
0x58: {  	_ =	shalt  }
0x59: {  	_ =	shalt  }
0x5a: {  	_ =	shalt  }
0x5b: {  	_ =	shalt  }
0x5c: {  	_ =	shalt  }
0x5d: {  	_ =	shalt  }
0x5e: {  	_ =	shalt  }
0x5f: {  	_ =	shalt  }
0x60: {  	_ =	shalt  }
0x61: {  	_ =	shalt  }
0x62: {  	_ =	shalt  }
0x63: {  	_ =	shalt  }
0x64: {  	_ =	shalt  }
0x65: {  	_ =	shalt  }
0x66: {  	_ =	shalt  }
0x67: {  	_ =	shalt  }
0x68: {  	_ =	shalt  }
0x69: {  	_ =	shalt  }
0x6a: {  	_ =	shalt  }
0x6b: {  	_ =	shalt  }
0x6c: {  	_ =	shalt  }
0x6d: {  	_ =	shalt  }
0x6e: {  	_ =	shalt  }
0x6f: {  	_ =	shalt  }
0x70: {  	_ =	shalt  }
0x71: {  	_ =	shalt  }
0x72: {  	_ =	shalt  }
0x73: {  	_ =	shalt  }
0x74: {  	_ =	shalt  }
0x75: {  	_ =	shalt  }
0x76: {  	_ =	shalt  }
0x77: {  	_ =	shalt  }
0x78: {  	_ =	shalt  }
0x79: {  	_ =	shalt  }
0x7a: {  	_ =	shalt  }
0x7b: {  	_ =	shalt  }
0x7c: {  	_ =	shalt  }
0x7d: {  	_ =	shalt  }
0x7e: {  	_ =	shalt  }
0x7f: {  	_ =	shalt  }
0x80: {  	_ =	shalt  }
0x81: {  	_ =	shalt  }
0x82: {  	_ =	shalt  }
0x83: {  	_ =	shalt  }
0x84: {  	_ =	shalt  }
0x85: {  	_ =	shalt  }
0x86: {  	_ =	shalt  }
0x87: {  	_ =	shalt  }
.Lfunc_end0:
.L_simem_size_0:
called_computation_lowered:
.L_overlay_start_0:
0x88: {  	s2 =	sld [smem:$0x3FD9]  }
0x89: {  	s3 =	sld [smem:$0x3FFE];
	_ =	sdelay $0x1  }
0x8a: {  	s1 =	srdreg.scid  }
0x8b: {  	s0 =	sand.u32 $0x1, s1  }
0x8c: {  	s17 =	sshll.u32 s0, $0xA;
	s2 =	sadd.s32 s3, s2  }
0x8d: {  	s2 =	sadd.s32 s2, s17  }
0x8e: {  	[smem:$0x3FC4] =	sst s2  }
0x8f: {  	_ = 	snop  }
0x90: {  	s2 =	sld [smem:$0x3FC9]  }
0x91: {  	s18 =	sld [smem:$0x3FD0];
	(tm) =	ssettm $0x1  }
0x92: {  	s4 =	sld [smem:$0x3FFB];
	_ =	sdelay $0x3  }
0x93: {  	_ =	strace s4  }
0x94: {  	s4 =	sld [smem:$0x3FFC];
	_ =	sdelay $0x3  }
0x95: {  	_ =	strace s4  }
0x96: {  	s4 =	sld [smem:$0x3FFD];
	_ =	sdelay $0x3  }
0x97: {  	_ =	strace s4  }
0x98: {  	_ =	strace $0x8FFFFFFF  }
0x99: {  	s19 =	sld [smem:$0x3FDB];
	_ =	sdelay $0x1  }
0x9a: {  	s5 =	simm.s32 $_scs_section_size  }
0x9b: {  	s6 =	simm.s32 $_size__tile_overlayer_lowered;
	s7 =	simm.s32 $_tile_overlayer_lowered  }
0x9c: {  	s22 =	simm.s32 $0x1BFF;
	s21 =	sshll.u32 s7, $0x1;
	s4 =	sadd.s32 s5, s19  }
0x9d: {  	s8 =	simm.s32 $0x0;
	s20 =	sshll.u32 s6, $0x1;
	s6 =	sadd.s32 s21, s4  }
0x9e: {  	[timem:s8], [sflag:s22] =	dma.local [hbm:s6], s20  }
0x9f: {  	_ =	swait.ge [sflag:s22], s20  }
0xa0: {  	s5 =	ssub.s32 $0x0, s20;
	[sflag:s22] =	ssyncset.done $0x0  }
0xa1: {  	[sflag:s22] =	ssyncadd.s32 s5;
	_ =	sdelay $0x1  }
0xa2: {  	s23 =	simm.s32 $0x1B8B  }
0xa3: {  	_ =	swait.ge [sflag:s23], $0x1  }
0xa4: {  	[sflag:s23] =	ssyncset.done $0x0  }
0xa5: {  	s25 =	simm.s32 $0x1B8E;
	s24 =	sld [smem:$0x3FFE];
	[sflag:s23] =	ssyncadd.s32 $0xFFFFFFFF  }
0xa6: {  	s26 =	simm.s32 $execute0_lowered;
	[smem:$0x3FD2] =	sst s25  }
0xa7: {  	s6 =	sshll.u32 s26, $0x1;
	_ =	strace $0x80000046;
	[dreg:$0x1] =	wrdreg $0xFFFFFFFF  }
0xa8: {  	s28 =	simm.s32 $_size_execute0_lowered;
	s4 =	sadd.s32 s4, s6;
	[dreg:$0x0] =	wrdreg $0x0  }
0xa9: {  	s6 =	sshll.u32 s28, $0x1;
	[dreg:$0x2] =	wrdreg s4  }
0xaa: {  	[dreg:$0x3] =	wrdreg s6  }
0xab: {  	[dreg:$0x4] =	wrdreg $0xC0  }
0xac: {  	_ =	task [dreg:s8], $0x5FFFF  }
0xad: {  	[dreg:$0x1] =	wrdreg $0xFFFFFFFF  }
0xae: {  	[dreg:$0x0] =	wrdreg $0x60  }
0xaf: {  	[dreg:$0x2] =	wrdreg s24  }
0xb0: {  	[dreg:$0x3] =	wrdreg s2  }
0xb1: {  	[dreg:$0x4] =	wrdreg s18  }
0xb2: {  	[dreg:$0x5] =	wrdreg $0x9  }
0xb3: {  	_ =	task.clear_ibuf [dreg:s8], $0x6FFFF;
	_ =	strace $0x90000046  }
0xb4: {  	s29 =	simm.s32 $0x9;
	_ =	strace $0x80000048  }
0xb5: {  	_ =	swait.ge [sflag:s29], $0x1  }
0xb6: {  	[sflag:s29] =	ssyncadd.s32 $0xFFFFFFFF  }
0xb7: {  	_ =	strace $0x90000048  }
0xb8: {  	_ =	sfence  }
0xb9: {  	s30 =	sld [smem:$0x0];
	_ =	sdelay $0x2  }
0xba: {  	s31 =	sshll.u32 s1, $0xD;
	s1 =	sshrl.u32 s1, $0x2  }
0xbb: {  	s3 =	sand.u32 $0x4000, s31;
	s1 =	sadd.s32 s1, s30  }
0xbc: {  	s0 =	sor.u32 s3, s0;
	s1 =	sshll.u32 s1, $0x11  }
0xbd: {  	s0 =	sor.u32 s1, s0  }
0xbe: {  	s0 =	sadd.s32 $0x8F2B, s0  }
0xbf: {  	[sflag:s0] =	ssyncadd.remote.s32 $0x1  }
0xc0: {  	_ =	sfence.sel $0xFFFF  }
0xc1: {  	[dreg:$0x0] =	wrdreg $0xFFFFFFFF;
	(pc) =	sbr.abs _section_cstart, $3  }
0xc2: {  	[dreg:$0x1] =	wrdreg $0xFFFFFFFF  }
0xc3: {  	_ =	task.clear_ibuf [dreg:s8], $0x2FFFF;
	_ =	strace $0x9FFFFFFF  }
0xc4: {  	(tm) =	ssettm $0x7FFFFFFF  }
0xc5: {  	_ =	shalt  }
tec
execute0_lowered:
.L_overlay_start_1:
0x0: {  	(tag) =	ssettag $0x1  }
0x1: {  	s7 =	rddreg [dreg:$0x0]  }
0x2: {  	s1 =	rddreg [dreg:$0x1]  }
0x3: {  	s2 =	rddreg [dreg:$0x2]  }
0x4: {  	s0 =	rddreg [dreg:$0x3]  }
0x5: {  	s3 =	simm.s32 $0x0;
	s4 =	srdreg.scid;
	s12 =	simm.s32 $0x80  }
0x6: {  	s13 =	simm.s32 $0x10488;
	s14 =	simm.s32 $0x1;
	s15 =	simm.s32 $0x10008  }
0x7: {  	s16 =	simm.s32 $0x13D98;
	s17 =	simm.s32 $0x0;
	[smem:$0x7FF] =	sst s3  }
0x8: {  	v0 =	vlaneseq.u32;
	s5 =	sadd.s32 $0x400, s7;
	s8 =	sand.u32 $0x1, s4;
	s6 =	sadd.s32 $0xF42800, s7  }
0x9: {  	s4 =	stileid.u32;
	v0 =	vand.u32 $0x1, v0;
	s7 =	sadd.s32 $0x2600, s7;
	s9 =	ssub.s32 $0x2, s8  }
0xa: {  	s11 =	sshll.u32 s4, $0xA;
	s8 =	sshll.u32 s8, $0x9;
	v60 =	vmul.u32 $0x8008, v0;
	s10 =	sshrl.u32 s9, $0x1  }
0xb: {  	v24 =	vimm.s32 $0xB;
	_ =	strace $0x80000047;
	s8 =	sor.u32 s8, s11;
	s9 =	ssub.s32 s9, s10  }
0xc: {  	v43 =	vimm.s32 $0xC;
	v59 =	vimm.s32 $0xD;
	v58 =	vimm.s32 $0xE;
	s11 =	simm.s32 $0x10408;
	s10 =	simm.s32 $0x2;
	[tilespmem:$0x1FFF0] =	vst v60;
	s9 =	smax.u32 s9, $0x1  }
.LBB2_1:
0xd: {  	[tilespmem:s3], [sflag:$0x2] =	stream.linear.gather [hbm4b:s5+s3], $0x10008, $0x38;
	[tilespmem:$0x156A8] =	vst v63  }
0xe: {  	_ =	swait.ge [sflag:s10], $0x10008  }
0xf: {  	[sflag:s10] =	ssyncset.done $0x0  }
0x10: {  	s19 =	simm.s32 $0x0;
	[sflag:s10] =	ssyncadd.s32 $0xFFFEFFF8  }
0x11: {  	v0 =	vld [tilespmem:s19+$0x0];
	_ =	sdelay $0x1  }
0x12: {  	v1 =	vld [tilespmem:s19+$0x400];
	_ =	sdelay $0x2  }
0x13: {  	v2 =	vshll.u32 v0, $0x10  }
0x14: {  	v3 =	vld [tilespmem:s19+$0x800];
	v0 =	vmul.f32 v0, v0;
	v2 =	vmul.f32 v2, v2  }
0x15: {  	v4 =	vshll.u32 v1, $0x10  }
0x16: {  	v0 =	vadd.f32 v2, v0;
	v2 =	vmul.f32 v4, v4;
	_ =	sdelay $0x1  }
0x17: {  	v1 =	vmul.f32 v1, v1;
	v0 =	vadd.f32 v2, v0;
	v2 =	vld [tilespmem:s19+$0xC00]  }
0x18: {  	v4 =	vshll.u32 v3, $0x10  }
0x19: {  	v0 =	vadd.f32 v0, v1;
	v1 =	vmul.f32 v4, v4;
	_ =	sdelay $0x1  }
0x1a: {  	v0 =	vadd.f32 v0, v1;
	v1 =	vmul.f32 v3, v3;
	v3 =	vld [tilespmem:s19+$0x1000]  }
0x1b: {  	v4 =	vshll.u32 v2, $0x10  }
0x1c: {  	v0 =	vadd.f32 v0, v1;
	v1 =	vmul.f32 v4, v4;
	_ =	sdelay $0x1  }
0x1d: {  	v0 =	vadd.f32 v0, v1;
	v1 =	vmul.f32 v2, v2;
	v2 =	vld [tilespmem:s19+$0x1400]  }
0x1e: {  	v4 =	vshll.u32 v3, $0x10  }
0x1f: {  	v0 =	vadd.f32 v0, v1;
	v1 =	vmul.f32 v4, v4;
	_ =	sdelay $0x1  }
0x20: {  	v0 =	vadd.f32 v0, v1;
	v1 =	vmul.f32 v3, v3;
	v3 =	vld [tilespmem:s19+$0x1800]  }
0x21: {  	v4 =	vshll.u32 v2, $0x10  }
0x22: {  	v0 =	vadd.f32 v0, v1;
	v1 =	vmul.f32 v4, v4;
	_ =	sdelay $0x1  }
0x23: {  	v0 =	vadd.f32 v0, v1;
	v1 =	vmul.f32 v2, v2;
	v2 =	vld [tilespmem:s19+$0x1C00]  }
0x24: {  	v4 =	vshll.u32 v3, $0x10  }
0x25: {  	v0 =	vadd.f32 v0, v1;
	v1 =	vmul.f32 v4, v4;
	_ =	sdelay $0x1  }
0x26: {  	v0 =	vadd.f32 v0, v1;
	v1 =	vmul.f32 v3, v3;
	v3 =	vld [tilespmem:s19+$0x2000]  }
0x27: {  	v4 =	vshll.u32 v2, $0x10  }
0x28: {  	v0 =	vadd.f32 v0, v1;
	v1 =	vmul.f32 v4, v4;
	_ =	sdelay $0x1  }
0x29: {  	v0 =	vadd.f32 v0, v1;
	v1 =	vmul.f32 v2, v2;
	v2 =	vld [tilespmem:s19+$0x2400]  }
0x2a: {  	v4 =	vshll.u32 v3, $0x10  }
0x2b: {  	v0 =	vadd.f32 v0, v1;
	v1 =	vmul.f32 v4, v4;
	_ =	sdelay $0x1  }
0x2c: {  	v0 =	vadd.f32 v0, v1;
	v1 =	vmul.f32 v3, v3;
	v3 =	vld [tilespmem:s19+$0x2800]  }
0x2d: {  	v4 =	vshll.u32 v2, $0x10  }
0x2e: {  	v0 =	vadd.f32 v0, v1;
	v1 =	vmul.f32 v4, v4;
	_ =	sdelay $0x1  }
0x2f: {  	v0 =	vadd.f32 v0, v1;
	v1 =	vmul.f32 v2, v2;
	v2 =	vld [tilespmem:s19+$0x2C00]  }
0x30: {  	v4 =	vshll.u32 v3, $0x10  }
0x31: {  	v0 =	vadd.f32 v0, v1;
	v1 =	vmul.f32 v4, v4;
	_ =	sdelay $0x1  }
0x32: {  	v0 =	vadd.f32 v0, v1;
	v1 =	vmul.f32 v3, v3;
	v3 =	vld [tilespmem:s19+$0x3000]  }
0x33: {  	v4 =	vshll.u32 v2, $0x10  }
0x34: {  	v0 =	vadd.f32 v0, v1;
	v1 =	vmul.f32 v4, v4;
	_ =	sdelay $0x1  }
0x35: {  	v0 =	vadd.f32 v0, v1;
	v1 =	vmul.f32 v2, v2;
	v2 =	vld [tilespmem:s19+$0x3400]  }
0x36: {  	v4 =	vshll.u32 v3, $0x10  }
0x37: {  	v0 =	vadd.f32 v0, v1;
	v1 =	vmul.f32 v4, v4;
	_ =	sdelay $0x1  }
0x38: {  	v0 =	vadd.f32 v0, v1;
	v1 =	vmul.f32 v3, v3;
	v3 =	vld [tilespmem:s19+$0x3800]  }
0x39: {  	v4 =	vshll.u32 v2, $0x10  }
0x3a: {  	v0 =	vadd.f32 v0, v1;
	v1 =	vmul.f32 v4, v4;
	_ =	sdelay $0x1  }
0x3b: {  	s18 =	simm.s32 $0x10;
	v4 =	vld [tilespmem:s19+$0x3C00];
	v0 =	vadd.f32 v0, v1;
	v1 =	vmul.f32 v2, v2  }
0x3c: {  	v2 =	vld [tilespmem:s18+$0x0];
	v5 =	vshll.u32 v3, $0x10  }
0x3d: {  	v0 =	vadd.f32 v0, v1;
	v1 =	vmul.f32 v5, v5  }
0x3e: {  	v5 =	vld [tilespmem:s18+$0x400]  }
0x3f: {  	v6 =	vld [tilespmem:s19+$0x4000];
	v0 =	vadd.f32 v0, v1;
	v1 =	vmul.f32 v3, v3  }
0x40: {  	v3 =	vshll.u32 v4, $0x10  }
0x41: {  	v7 =	vshll.u32 v2, $0x10;
	v0 =	vadd.f32 v0, v1;
	v1 =	vmul.f32 v3, v3  }
0x42: {  	v2 =	vmul.f32 v2, v2;
	v3 =	vmul.f32 v7, v7;
	v7 =	vld [tilespmem:s18+$0x800]  }
0x43: {  	v8 =	vld [tilespmem:s19+$0x4400];
	v9 =	vshll.u32 v5, $0x10;
	v0 =	vadd.f32 v0, v1;
	v1 =	vmul.f32 v4, v4  }
0x44: {  	v4 =	vshll.u32 v6, $0x10;
	v2 =	vadd.f32 v3, v2;
	v3 =	vmul.f32 v9, v9  }
0x45: {  	v0 =	vadd.f32 v0, v1;
	v1 =	vmul.f32 v4, v4  }
0x46: {  	v4 =	vmul.f32 v5, v5;
	v2 =	vadd.f32 v3, v2;
	v3 =	vld [tilespmem:s18+$0xC00]  }
0x47: {  	v5 =	vld [tilespmem:s19+$0x4800];
	v9 =	vshll.u32 v7, $0x10;
	v0 =	vadd.f32 v0, v1;
	v1 =	vmul.f32 v6, v6  }
0x48: {  	v6 =	vshll.u32 v8, $0x10;
	v2 =	vadd.f32 v2, v4;
	v4 =	vmul.f32 v9, v9  }
0x49: {  	v0 =	vadd.f32 v0, v1;
	v1 =	vmul.f32 v6, v6  }
0x4a: {  	v2 =	vadd.f32 v2, v4;
	v4 =	vmul.f32 v7, v7;
	v6 =	vld [tilespmem:s18+$0x1000]  }
0x4b: {  	v7 =	vmul.f32 v8, v8;
	v8 =	vshll.u32 v3, $0x10;
	v0 =	vadd.f32 v0, v1;
	v1 =	vld [tilespmem:s19+$0x4C00]  }
0x4c: {  	v9 =	vshll.u32 v5, $0x10;
	v2 =	vadd.f32 v2, v4;
	v4 =	vmul.f32 v8, v8  }
0x4d: {  	v8 =	vmul.f32 v9, v9;
	v0 =	vadd.f32 v0, v7  }
0x4e: {  	v3 =	vmul.f32 v3, v3;
	v2 =	vadd.f32 v2, v4;
	v4 =	vld [tilespmem:s18+$0x1400]  }
0x4f: {  	v5 =	vmul.f32 v5, v5;
	v7 =	vshll.u32 v6, $0x10;
	v0 =	vadd.f32 v0, v8;
	v8 =	vld [tilespmem:s19+$0x5000]  }
0x50: {  	v2 =	vadd.f32 v2, v3;
	v3 =	vmul.f32 v7, v7;
	v7 =	vshll.u32 v1, $0x10  }
0x51: {  	v0 =	vadd.f32 v0, v5;
	v5 =	vmul.f32 v7, v7  }
0x52: {  	v2 =	vadd.f32 v2, v3;
	v3 =	vmul.f32 v6, v6;
	v6 =	vld [tilespmem:s18+$0x1800]  }
0x53: {  	v1 =	vmul.f32 v1, v1;
	v7 =	vshll.u32 v4, $0x10;
	v0 =	vadd.f32 v0, v5;
	v5 =	vld [tilespmem:s19+$0x5400]  }
0x54: {  	v2 =	vadd.f32 v2, v3;
	v3 =	vmul.f32 v7, v7;
	v7 =	vshll.u32 v8, $0x10  }
0x55: {  	v0 =	vadd.f32 v0, v1;
	v1 =	vmul.f32 v7, v7  }
0x56: {  	v2 =	vadd.f32 v2, v3;
	v3 =	vmul.f32 v4, v4;
	v4 =	vld [tilespmem:s18+$0x1C00]  }
0x57: {  	v7 =	vmul.f32 v8, v8;
	v8 =	vshll.u32 v6, $0x10;
	v0 =	vadd.f32 v0, v1;
	v1 =	vld [tilespmem:s19+$0x5800]  }
0x58: {  	v2 =	vadd.f32 v2, v3;
	v3 =	vmul.f32 v8, v8;
	v8 =	vshll.u32 v5, $0x10  }
0x59: {  	v0 =	vadd.f32 v0, v7;
	v7 =	vmul.f32 v8, v8  }
0x5a: {  	v2 =	vadd.f32 v2, v3;
	v3 =	vmul.f32 v6, v6;
	v6 =	vld [tilespmem:s18+$0x2000]  }
0x5b: {  	v5 =	vmul.f32 v5, v5;
	v8 =	vshll.u32 v4, $0x10;
	v0 =	vadd.f32 v0, v7;
	v7 =	vld [tilespmem:s19+$0x5C00]  }
0x5c: {  	v2 =	vadd.f32 v2, v3;
	v3 =	vmul.f32 v8, v8;
	v8 =	vshll.u32 v1, $0x10  }
0x5d: {  	v0 =	vadd.f32 v0, v5;
	v5 =	vmul.f32 v8, v8  }
0x5e: {  	v2 =	vadd.f32 v2, v3;
	v3 =	vmul.f32 v4, v4;
	v4 =	vld [tilespmem:s18+$0x2400]  }
0x5f: {  	v1 =	vmul.f32 v1, v1;
	v8 =	vshll.u32 v6, $0x10;
	v0 =	vadd.f32 v0, v5;
	v5 =	vld [tilespmem:s19+$0x6000]  }
0x60: {  	v2 =	vadd.f32 v2, v3;
	v3 =	vmul.f32 v8, v8;
	v8 =	vshll.u32 v7, $0x10  }
0x61: {  	v0 =	vadd.f32 v0, v1;
	v1 =	vmul.f32 v8, v8  }
0x62: {  	v2 =	vadd.f32 v2, v3;
	v3 =	vmul.f32 v6, v6;
	v6 =	vld [tilespmem:s18+$0x2800]  }
0x63: {  	v7 =	vmul.f32 v7, v7;
	v8 =	vshll.u32 v4, $0x10;
	v0 =	vadd.f32 v0, v1;
	v1 =	vld [tilespmem:s19+$0x6400]  }
0x64: {  	v2 =	vadd.f32 v2, v3;
	v3 =	vmul.f32 v8, v8;
	v8 =	vshll.u32 v5, $0x10  }
0x65: {  	v13 =	vld [tilespmem:s18+$0x3400];
	v0 =	vadd.f32 v0, v7;
	v7 =	vmul.f32 v8, v8  }
0x66: {  	v2 =	vadd.f32 v2, v3;
	v3 =	vmul.f32 v4, v4;
	v4 =	vld [tilespmem:s18+$0x2C00]  }
0x67: {  	v5 =	vmul.f32 v5, v5;
	v9 =	vshll.u32 v6, $0x10;
	v0 =	vadd.f32 v0, v7;
	v7 =	vld [tilespmem:s19+$0x6800]  }
0x68: {  	v8 =	vld [tilespmem:s19+$0x7C00];
	v2 =	vadd.f32 v2, v3;
	v3 =	vmul.f32 v9, v9;
	v9 =	vshll.u32 v1, $0x10  }
0x69: {  	v5 =	vadd.f32 v0, v5;
	v9 =	vmul.f32 v9, v9  }
0x6a: {  	v15 =	vshll.u32 v13, $0x10;
	v2 =	vadd.f32 v2, v3;
	v3 =	vmul.f32 v6, v6;
	v6 =	vld [tilespmem:s18+$0x3000]  }
0x6b: {  	v12 =	vld [tilespmem:s19+$0x6C00];
	v1 =	vmul.f32 v1, v1;
	v11 =	vshll.u32 v4, $0x10;
	v5 =	vadd.f32 v5, v9  }
0x6c: {  	v10 =	vld [tilespmem:s19+$0x7800];
	v2 =	vadd.f32 v2, v3;
	v3 =	vmul.f32 v11, v11;
	v9 =	vshll.u32 v7, $0x10  }
0x6d: {  	v0 =	vmul.f32 v8, v8;
	v5 =	vadd.f32 v5, v1;
	v9 =	vmul.f32 v9, v9  }
0x6e: {  	v17 =	vld [tilespmem:s19+$0x7000];
	v4 =	vmul.f32 v4, v4;
	v7 =	vmul.f32 v7, v7;
	v3 =	vadd.f32 v2, v3  }
0x6f: {  	v11 =	vld [tilespmem:s19+$0x7400];
	v1 =	vshll.u32 v8, $0x10;
	v8 =	vshll.u32 v6, $0x10;
	v5 =	vadd.f32 v5, v9  }
0x70: {  	v3 =	vadd.f32 v3, v4;
	v4 =	vmul.f32 v8, v8;
	v8 =	vshll.u32 v12, $0x10  }
0x71: {  	v2 =	vmul.f32 v10, v10;
	v9 =	vld [tilespmem:s18+$0x4800];
	v14 =	vmul.f32 v8, v8;
	v7 =	vadd.f32 v5, v7  }
0x72: {  	v8 =	vld [tilespmem:s18+$0x3800];
	v5 =	vshll.u32 v10, $0x10;
	v4 =	vadd.f32 v3, v4;
	v10 =	vmul.f32 v6, v6  }
0x73: {  	v15 =	vmul.f32 v15, v15;
	v12 =	vmul.f32 v12, v12;
	v3 =	vld [tilespmem:s18+$0x4400];
	v14 =	vadd.f32 v7, v14  }
0x74: {  	v6 =	vmul.f32 v11, v11;
	v16 =	vadd.f32 v4, v10;
	v4 =	vld [tilespmem:s18+$0x4000];
	v10 =	vshll.u32 v17, $0x10  }
0x75: {  	s20 =	simm.s32 $0x20;
	v11 =	vshll.u32 v11, $0x10;
	v7 =	vld [tilespmem:s18+$0x3C00];
	v12 =	vadd.f32 v14, v12;
	v14 =	vmul.f32 v10, v10  }
0x76: {  	s21 =	simm.s32 $0xC0;
	v10 =	vld [tilespmem:s20+$0x0];
	v15 =	vadd.f32 v16, v15;
	v16 =	vmul.f32 v13, v13;
	v13 =	vmul.f32 v17, v17  }
.LBB2_2:
0x77: {  	p0 =	sne.s32 s21, $0xFC0;
	v17 =	vshll.u32 v8, $0x10;
	v18 =	vmul.f32 v9, v9;
	v12 =	vadd.f32 v12, v14  }
0x78: {  	v9 =	vshll.u32 v9, $0x10;
	v14 =	vadd.f32 v15, v16;
	v15 =	vmul.f32 v17, v17  }
0x79: {  	v11 =	vmul.f32 v11, v11;
	v17 =	vshll.u32 v3, $0x10;
	v16 =	vld [tilespmem:s20+$0x400];
	v12 =	vadd.f32 v12, v13  }
0x7a: {  	v8 =	vmul.f32 v8, v8;
	v13 =	vadd.f32 v14, v15;
	v14 =	vshll.u32 v4, $0x10  }
0x7b: {  	v19 =	vshll.u32 v7, $0x10;
	v15 =	vmul.f32 v10, v10;
	v11 =	vadd.f32 v12, v11  }
0x7c: {  	v10 =	vshll.u32 v10, $0x10;
	v12 =	vmul.f32 v19, v19;
	v8 =	vadd.f32 v13, v8  }
0x7d: {  	v5 =	vmul.f32 v5, v5;
	v10 =	vmul.f32 v10, v10;
	v13 =	vld [tilespmem:s20+$0x800];
	v6 =	vadd.f32 v11, v6  }
0x7e: {  	v7 =	vmul.f32 v7, v7;
	v11 =	vshll.u32 v16, $0x10;
	v8 =	vadd.f32 v8, v12  }
0x7f: {  	v10 =	vadd.f32 v10, v15;
	v11 =	vmul.f32 v11, v11;
	v5 =	vadd.f32 v6, v5  }
0x80: {  	v6 =	vmul.f32 v16, v16;
	v7 =	vadd.f32 v8, v7;
	v8 =	vmul.f32 v14, v14  }
0x81: {  	v1 =	vmul.f32 v1, v1;
	v10 =	vadd.f32 v11, v10;
	v11 =	vld [tilespmem:s20+$0xC00];
	v2 =	vadd.f32 v5, v2  }
0x82: {  	v4 =	vmul.f32 v4, v4;
	v5 =	vshll.u32 v13, $0x10;
	v7 =	vadd.f32 v7, v8  }
0x83: {  	v6 =	vadd.f32 v10, v6;
	v5 =	vmul.f32 v5, v5;
	v1 =	vadd.f32 v2, v1  }
0x84: {  	v3 =	vmul.f32 v3, v3;
	v2 =	vadd.f32 v7, v4;
	v4 =	vmul.f32 v17, v17  }
0x85: {  	v5 =	vadd.f32 v6, v5;
	v6 =	vmul.f32 v13, v13;
	v7 =	vld [tilespmem:s20+$0x1000];
	v0 =	vadd.f32 v1, v0  }
0x86: {  	v1 =	vshll.u32 v11, $0x10;
	v2 =	vadd.f32 v2, v4;
	v4 =	vmul.f32 v9, v9;
	v8 =	vld [tilespmem:s18+$0x4C00]  }
0x87: {  	v5 =	vadd.f32 v5, v6;
	v1 =	vmul.f32 v1, v1;
	v0 =	vmax.f32 v0, $1.000000020e-24  }
0x88: {  	v2 =	vadd.f32 v2, v3;
	v3 =	vshrl.u32 v0, $0x1;
	v0 =	vmul.f32 $5.000000000e-01, v0  }
0x89: {  	v1 =	vadd.f32 v5, v1;
	v5 =	vmul.f32 v11, v11;
	v6 =	vld [tilespmem:s20+$0x1400];
	v3 =	vsub.s32 $0x5F3759DF, v3  }
0x8a: {  	v9 =	vshll.u32 v7, $0x10;
	v2 =	vadd.f32 v2, v4;
	v4 =	vld [tilespmem:s18+$0x5000];
	v10 =	vmul.f32 v3, v0  }
0x8b: {  	v1 =	vadd.f32 v1, v5;
	v5 =	vmul.f32 v9, v9;
	v9 =	vshll.u32 v8, $0x10  }
0x8c: {  	v2 =	vadd.f32 v2, v18;
	v9 =	vmul.f32 v9, v9;
	v10 =	vmul.f32 v3, v10  }
0x8d: {  	v8 =	vmul.f32 v8, v8;
	v1 =	vadd.f32 v1, v5;
	v5 =	vmul.f32 v7, v7;
	v7 =	vld [tilespmem:s20+$0x1800]  }
0x8e: {  	v11 =	vshll.u32 v6, $0x10;
	v2 =	vadd.f32 v2, v9;
	v9 =	vld [tilespmem:s18+$0x5400];
	v10 =	vsub.f32 $1.500000000e+00, v10  }
0x8f: {  	v1 =	vadd.f32 v1, v5;
	v5 =	vmul.f32 v11, v11;
	v11 =	vshll.u32 v4, $0x10  }
0x90: {  	v2 =	vadd.f32 v2, v8;
	v8 =	vmul.f32 v11, v11;
	v3 =	vmul.f32 v3, v10  }
0x91: {  	v4 =	vmul.f32 v4, v4;
	v1 =	vadd.f32 v1, v5;
	v5 =	vmul.f32 v6, v6;
	v6 =	vld [tilespmem:s20+$0x1C00]  }
0x92: {  	v10 =	vshll.u32 v7, $0x10;
	v2 =	vadd.f32 v2, v8;
	v8 =	vld [tilespmem:s18+$0x5800];
	v11 =	vmul.f32 v3, v0  }
0x93: {  	v1 =	vadd.f32 v1, v5;
	v5 =	vmul.f32 v10, v10;
	v10 =	vshll.u32 v9, $0x10  }
0x94: {  	v2 =	vadd.f32 v2, v4;
	v4 =	vmul.f32 v10, v10;
	v10 =	vmul.f32 v11, v3  }
0x95: {  	v9 =	vmul.f32 v9, v9;
	v1 =	vadd.f32 v1, v5;
	v5 =	vmul.f32 v7, v7;
	v7 =	vld [tilespmem:s20+$0x2000]  }
0x96: {  	v11 =	vshll.u32 v6, $0x10;
	v2 =	vadd.f32 v2, v4;
	v4 =	vld [tilespmem:s18+$0x5C00];
	v10 =	vsub.f32 $1.500000000e+00, v10  }
0x97: {  	v1 =	vadd.f32 v1, v5;
	v5 =	vmul.f32 v11, v11;
	v11 =	vshll.u32 v8, $0x10  }
0x98: {  	v2 =	vadd.f32 v2, v9;
	v9 =	vmul.f32 v11, v11;
	v3 =	vmul.f32 v10, v3  }
0x99: {  	v8 =	vmul.f32 v8, v8;
	v1 =	vadd.f32 v1, v5;
	v5 =	vmul.f32 v6, v6;
	v6 =	vld [tilespmem:s20+$0x2400]  }
0x9a: {  	v10 =	vshll.u32 v7, $0x10;
	v2 =	vadd.f32 v2, v9;
	v9 =	vld [tilespmem:s18+$0x6000];
	v0 =	vmul.f32 v3, v0  }
0x9b: {  	v1 =	vadd.f32 v1, v5;
	v5 =	vmul.f32 v10, v10;
	v10 =	vshll.u32 v4, $0x10  }
0x9c: {  	v2 =	vadd.f32 v2, v8;
	v8 =	vmul.f32 v10, v10;
	v0 =	vmul.f32 v0, v3  }
0x9d: {  	v4 =	vmul.f32 v4, v4;
	v1 =	vadd.f32 v1, v5;
	v5 =	vmul.f32 v7, v7;
	v7 =	vld [tilespmem:s20+$0x2800]  }
0x9e: {  	v10 =	vshll.u32 v6, $0x10;
	v2 =	vadd.f32 v2, v8;
	v8 =	vld [tilespmem:s18+$0x6400];
	v0 =	vsub.f32 $1.500000000e+00, v0  }
0x9f: {  	v1 =	vadd.f32 v1, v5;
	v5 =	vmul.f32 v10, v10;
	v10 =	vshll.u32 v9, $0x10  }
0xa0: {  	v2 =	vadd.f32 v2, v4;
	v4 =	vmul.f32 v10, v10;
	v10 =	vld [tilespmem:s18+$0x7C00];
	v0 =	vmul.f32 v0, v3  }
0xa1: {  	v3 =	vmul.f32 v6, v6;
	v1 =	vadd.f32 v1, v5;
	v5 =	vld [tilespmem:s20+$0x2C00]  }
0xa2: {  	v6 =	vshll.u32 v7, $0x10;
	v2 =	vadd.f32 v2, v4;
	v4 =	vmul.f32 v9, v9;
	v9 =	vld [tilespmem:s18+$0x6800];
	[tilespmem:s19+$0x10008] =	vst v0;
	s19 =	smov.u32 s18;
	s18 =	smov.u32 s20  }
0xa3: {  	v0 =	vadd.f32 v1, v3;
	v1 =	vmul.f32 v6, v6;
	v3 =	vshll.u32 v8, $0x10  }
0xa4: {  	v2 =	vadd.f32 v2, v4;
	v3 =	vmul.f32 v3, v3;
	v4 =	vld [tilespmem:s19+$0x7800]  }
0xa5: {  	v6 =	vmul.f32 v7, v7;
	v1 =	vadd.f32 v0, v1;
	v7 =	vld [tilespmem:s18+$0x3000];
	v0 =	vmul.f32 v10, v10  }
0xa6: {  	v11 =	vshll.u32 v5, $0x10;
	v2 =	vadd.f32 v2, v3;
	v3 =	vmul.f32 v8, v8;
	v12 =	vld [tilespmem:s19+$0x6C00]  }
0xa7: {  	v6 =	vadd.f32 v1, v6;
	v8 =	vmul.f32 v11, v11;
	v1 =	vshll.u32 v9, $0x10  }
0xa8: {  	v3 =	vadd.f32 v2, v3;
	v11 =	vmul.f32 v1, v1;
	v13 =	vld [tilespmem:s19+$0x7400];
	v1 =	vshll.u32 v10, $0x10  }
0xa9: {  	v5 =	vmul.f32 v5, v5;
	v6 =	vadd.f32 v6, v8;
	v16 =	vld [tilespmem:s18+$0x3400];
	v2 =	vmul.f32 v4, v4  }
0xaa: {  	v10 =	vmul.f32 v9, v9;
	v8 =	vshll.u32 v7, $0x10;
	v3 =	vadd.f32 v3, v11;
	v17 =	vld [tilespmem:s19+$0x7000]  }
0xab: {  	v6 =	vadd.f32 v6, v5;
	v8 =	vmul.f32 v8, v8;
	v5 =	vshll.u32 v12, $0x10  }
0xac: {  	v9 =	vld [tilespmem:s18+$0x4800];
	v10 =	vadd.f32 v3, v10;
	v11 =	vmul.f32 v5, v5;
	v5 =	vshll.u32 v4, $0x10  }
.Ltmp0:
0xad: {  	v7 =	vmul.f32 v7, v7;
	v4 =	vadd.f32 v6, v8;
	v8 =	vld [tilespmem:s18+$0x3800];
	v6 =	vmul.f32 v13, v13;
	(pc) =	sbr.rel @p0 .LBB2_2-.Ltmp0, $4  }
0xae: {  	v14 =	vshll.u32 v16, $0x10;
	v3 =	vld [tilespmem:s18+$0x4400];
	v10 =	vadd.f32 v10, v11;
	v11 =	vmul.f32 v12, v12  }
0xaf: {  	v15 =	vadd.f32 v4, v7;
	v18 =	vmul.f32 v14, v14;
	v4 =	vld [tilespmem:s18+$0x4000];
	v14 =	vshll.u32 v17, $0x10  }
0xb0: {  	s20 =	sshra.s32 s21, $0x2;
	v7 =	vld [tilespmem:s18+$0x3C00];
	v12 =	vadd.f32 v10, v11;
	v14 =	vmul.f32 v14, v14;
	v11 =	vshll.u32 v13, $0x10  }
0xb1: {  	s21 =	sadd.s32 $0x40, s21;
	v16 =	vmul.f32 v16, v16;
	v13 =	vmul.f32 v17, v17;
	v10 =	vld [tilespmem:s20+$0x0];
	v15 =	vadd.f32 v15, v18  }
0xb2: {  	v17 =	vshll.u32 v8, $0x10;
	v18 =	vmul.f32 v9, v9;
	v12 =	vadd.f32 v12, v14  }
0xb3: {  	v55 =	vshll.u32 v9, $0x10;
	v56 =	vld [tilespmem:s20+$0x400];
	v11 =	vmul.f32 v11, v11;
	v62 =	vmul.f32 v8, v8  }
0xb4: {  	v5 =	vmul.f32 v5, v5;
	v53 =	vadd.f32 v15, v16;
	v54 =	vmul.f32 v17, v17  }
0xb5: {  	v1 =	vmul.f32 v1, v1;
	v57 =	vshll.u32 v3, $0x10;
	v12 =	vadd.f32 v12, v13  }
0xb6: {  	v61 =	vadd.f32 v53, v54;
	v19 =	vshll.u32 v7, $0x10;
	v22 =	vshll.u32 v10, $0x10  }
0xb7: {  	v28 =	vld [tilespmem:s20+$0x800];
	v21 =	vmul.f32 v10, v10;
	v11 =	vadd.f32 v12, v11;
	v10 =	vmul.f32 v22, v22  }
0xb8: {  	v23 =	vmul.f32 v19, v19;
	v8 =	vadd.f32 v61, v62;
	v29 =	vshll.u32 v56, $0x10  }
0xb9: {  	v6 =	vadd.f32 v11, v6;
	v11 =	vmul.f32 v29, v29;
	v10 =	vadd.f32 v10, v21  }
0xba: {  	v63 =	vshll.u32 v4, $0x10;
	v30 =	vmul.f32 v7, v7;
	v8 =	vadd.f32 v8, v23  }
0xbb: {  	v33 =	vld [tilespmem:s20+$0xC00];
	v31 =	vmul.f32 v56, v56;
	v5 =	vadd.f32 v6, v5;
	v10 =	vadd.f32 v11, v10  }
0xbc: {  	v32 =	vmul.f32 v63, v63;
	v34 =	vshll.u32 v28, $0x10;
	v7 =	vadd.f32 v8, v30  }
0xbd: {  	v40 =	vld [tilespmem:s20+$0x1000];
	v2 =	vadd.f32 v5, v2;
	v5 =	vmul.f32 v34, v34;
	v6 =	vadd.f32 v10, v31  }
0xbe: {  	v38 =	vmul.f32 v3, v3;
	v35 =	vmul.f32 v4, v4;
	v7 =	vadd.f32 v7, v32  }
0xbf: {  	v39 =	vmul.f32 v28, v28;
	v1 =	vadd.f32 v2, v1;
	v5 =	vadd.f32 v6, v5  }
0xc0: {  	v37 =	vmul.f32 v57, v57;
	v41 =	vshll.u32 v33, $0x10;
	v36 =	vadd.f32 v7, v35  }
0xc1: {  	v44 =	vld [tilespmem:s18+$0x4C00];
	v0 =	vadd.f32 v1, v0;
	v1 =	vmul.f32 v41, v41;
	v5 =	vadd.f32 v5, v39  }
0xc2: {  	v47 =	vld [tilespmem:s20+$0x1400];
	v42 =	vmul.f32 v55, v55;
	v46 =	vmul.f32 v33, v33;
	v48 =	vshll.u32 v40, $0x10  }
0xc3: {  	v49 =	vld [tilespmem:s18+$0x5000];
	v2 =	vadd.f32 v36, v37;
	v0 =	vmax.f32 v0, $1.000000020e-24;
	v1 =	vadd.f32 v5, v1  }
0xc4: {  	v51 =	vmul.f32 v48, v48;
	v45 =	vshrl.u32 v0, $0x1;
	v0 =	vmul.f32 $5.000000000e-01, v0  }
0xc5: {  	v2 =	vadd.f32 v2, v38;
	v3 =	vsub.s32 $0x5F3759DF, v45;
	v1 =	vadd.f32 v1, v46  }
0xc6: {  	v52 =	vshll.u32 v44, $0x10;
	v53 =	vmul.f32 v40, v40;
	v50 =	vmul.f32 v3, v0  }
0xc7: {  	v54 =	vld [tilespmem:s20+$0x1800];
	v55 =	vshll.u32 v47, $0x10;
	v2 =	vadd.f32 v2, v42;
	v1 =	vadd.f32 v1, v51  }
0xc8: {  	v61 =	vshll.u32 v49, $0x10;
	v9 =	vmul.f32 v52, v52;
	v10 =	vmul.f32 v3, v50  }
0xc9: {  	v12 =	vld [tilespmem:s20+$0x1C00];
	v57 =	vmul.f32 v55, v55;
	v2 =	vadd.f32 v2, v18;
	v1 =	vadd.f32 v1, v53  }
0xca: {  	v14 =	vld [tilespmem:s18+$0x5800];
	v63 =	vmul.f32 v47, v47;
	v4 =	vmul.f32 v49, v49;
	v10 =	vsub.f32 $1.500000000e+00, v10  }
0xcb: {  	v56 =	vld [tilespmem:s18+$0x5400];
	v8 =	vmul.f32 v44, v44;
	v2 =	vadd.f32 v2, v9;
	v1 =	vadd.f32 v1, v57  }
0xcc: {  	v62 =	vmul.f32 v61, v61;
	v13 =	vshll.u32 v54, $0x10;
	v3 =	vmul.f32 v3, v10  }
0xcd: {  	v16 =	vmul.f32 v13, v13;
	v2 =	vadd.f32 v2, v8;
	v1 =	vadd.f32 v1, v63  }
0xce: {  	v20 =	vmul.f32 v54, v54;
	v22 =	vshll.u32 v12, $0x10;
	v15 =	vmul.f32 v3, v0  }
0xcf: {  	v21 =	vld [tilespmem:s20+$0x2000];
	v30 =	vshll.u32 v14, $0x10;
	v2 =	vadd.f32 v2, v62;
	v1 =	vadd.f32 v1, v16  }
0xd0: {  	v17 =	vshll.u32 v56, $0x10;
	v29 =	vmul.f32 v22, v22;
	v19 =	vmul.f32 v15, v3  }
0xd1: {  	v18 =	vmul.f32 v17, v17;
	v2 =	vadd.f32 v2, v4;
	v1 =	vadd.f32 v1, v20  }
0xd2: {  	v28 =	vld [tilespmem:s18+$0x5C00];
	v34 =	vmul.f32 v14, v14;
	v32 =	vmul.f32 v12, v12;
	v23 =	vsub.f32 $1.500000000e+00, v19  }
0xd3: {  	v33 =	vld [tilespmem:s20+$0x2400];
	v9 =	vmul.f32 v56, v56;
	v2 =	vadd.f32 v2, v18;
	v1 =	vadd.f32 v1, v29  }
0xd4: {  	v31 =	vmul.f32 v30, v30;
	v35 =	vshll.u32 v21, $0x10;
	v3 =	vmul.f32 v23, v3  }
0xd5: {  	v37 =	vmul.f32 v35, v35;
	v2 =	vadd.f32 v2, v9;
	v1 =	vadd.f32 v1, v32  }
0xd6: {  	v40 =	vmul.f32 v21, v21;
	v36 =	vld [tilespmem:s18+$0x6000];
	v0 =	vmul.f32 v3, v0  }
0xd7: {  	v41 =	vld [tilespmem:s20+$0x2800];
	v38 =	vshll.u32 v28, $0x10;
	v2 =	vadd.f32 v2, v31;
	v1 =	vadd.f32 v1, v37  }
0xd8: {  	v44 =	vshll.u32 v33, $0x10;
	v39 =	vmul.f32 v38, v38;
	v0 =	vmul.f32 v0, v3  }
0xd9: {  	v45 =	vmul.f32 v44, v44;
	v2 =	vadd.f32 v2, v34;
	v1 =	vadd.f32 v1, v40  }
0xda: {  	v49 =	vld [tilespmem:s20+$0x2C00];
	v48 =	vmul.f32 v33, v33;
	v42 =	vmul.f32 v28, v28;
	v0 =	vsub.f32 $1.500000000e+00, v0  }
0xdb: {  	v46 =	vld [tilespmem:s18+$0x6400];
	v47 =	vshll.u32 v36, $0x10;
	v2 =	vadd.f32 v2, v39;
	v1 =	vadd.f32 v1, v45  }
0xdc: {  	v50 =	vmul.f32 v47, v47;
	v51 =	vshll.u32 v41, $0x10;
	v0 =	vmul.f32 v0, v3  }
0xdd: {  	v52 =	vld [tilespmem:s18+$0x6800];
	v2 =	vadd.f32 v2, v42;
	v3 =	vmul.f32 v51, v51;
	v1 =	vadd.f32 v1, v48  }
0xde: {  	v55 =	vmul.f32 v41, v41;
	v53 =	vmul.f32 v36, v36;
	v10 =	vld [tilespmem:s18+$0x7C00];
	[tilespmem:s19+$0x10008] =	vst v0  }
0xdf: {  	v57 =	vshll.u32 v49, $0x10;
	v2 =	vadd.f32 v2, v50;
	v56 =	vld [tilespmem:s20+$0x3000];
	v1 =	vadd.f32 v1, v3  }
0xe0: {  	v54 =	vshll.u32 v46, $0x10;
	v61 =	vmul.f32 v57, v57  }
0xe1: {  	v0 =	vmul.f32 v54, v54;
	v63 =	vld [tilespmem:s18+$0x6C00];
	v2 =	vadd.f32 v2, v53;
	v1 =	vadd.f32 v1, v55  }
0xe2: {  	v13 =	vmul.f32 v49, v49;
	v12 =	vshll.u32 v52, $0x10  }
0xe3: {  	v62 =	vmul.f32 v46, v46;
	v14 =	vld [tilespmem:s20+$0x3400];
	v0 =	vadd.f32 v2, v0;
	v1 =	vadd.f32 v1, v61  }
0xe4: {  	v15 =	vmul.f32 v12, v12;
	v16 =	vshll.u32 v56, $0x10  }
0xe5: {  	v19 =	vld [tilespmem:s18+$0x7000];
	v0 =	vadd.f32 v0, v62;
	v17 =	vmul.f32 v16, v16;
	v1 =	vadd.f32 v1, v13  }
0xe6: {  	v18 =	vmul.f32 v52, v52;
	v20 =	vshll.u32 v63, $0x10  }
0xe7: {  	v22 =	vld [tilespmem:s20+$0x3800];
	v21 =	vmul.f32 v56, v56;
	v0 =	vadd.f32 v0, v15;
	v1 =	vadd.f32 v1, v17  }
0xe8: {  	v28 =	vshll.u32 v14, $0x10;
	v23 =	vmul.f32 v20, v20  }
0xe9: {  	v30 =	vld [tilespmem:s18+$0x7400];
	v29 =	vmul.f32 v28, v28;
	v0 =	vadd.f32 v0, v18;
	v1 =	vadd.f32 v1, v21  }
0xea: {  	v31 =	vmul.f32 v63, v63;
	v32 =	vshll.u32 v19, $0x10  }
0xeb: {  	v33 =	vld [tilespmem:s20+$0x3C00];
	v34 =	vmul.f32 v14, v14;
	v0 =	vadd.f32 v0, v23;
	v1 =	vadd.f32 v1, v29  }
0xec: {  	v36 =	vshll.u32 v22, $0x10;
	v35 =	vmul.f32 v32, v32  }
0xed: {  	v38 =	vld [tilespmem:s18+$0x7800];
	v37 =	vmul.f32 v36, v36;
	v0 =	vadd.f32 v0, v31;
	v1 =	vadd.f32 v1, v34  }
0xee: {  	v39 =	vmul.f32 v19, v19;
	v41 =	vshll.u32 v30, $0x10  }
0xef: {  	v40 =	vld [tilespmem:s20+$0x4000];
	v42 =	vmul.f32 v22, v22;
	v0 =	vadd.f32 v0, v35;
	v1 =	vadd.f32 v1, v37  }
0xf0: {  	v45 =	vshll.u32 v33, $0x10;
	v44 =	vmul.f32 v41, v41  }
0xf1: {  	v46 =	vmul.f32 v45, v45;
	v0 =	vadd.f32 v0, v39;
	v1 =	vadd.f32 v1, v42  }
0xf2: {  	v47 =	vmul.f32 v30, v30;
	v48 =	vshll.u32 v38, $0x10  }
0xf3: {  	v49 =	vld [tilespmem:s20+$0x4400];
	v50 =	vmul.f32 v33, v33;
	v0 =	vadd.f32 v0, v44;
	v1 =	vadd.f32 v1, v46  }
0xf4: {  	v51 =	vshll.u32 v40, $0x10;
	v5 =	vmul.f32 v48, v48  }
0xf5: {  	v52 =	vmul.f32 v51, v51;
	v0 =	vadd.f32 v0, v47;
	v1 =	vadd.f32 v1, v50  }
0xf6: {  	v54 =	vshll.u32 v10, $0x10;
	v4 =	vmul.f32 v38, v38  }
0xf7: {  	v53 =	vld [tilespmem:s20+$0x4800];
	v2 =	vmul.f32 v40, v40;
	v0 =	vadd.f32 v0, v5;
	v1 =	vadd.f32 v1, v52  }
0xf8: {  	v3 =	vmul.f32 v54, v54;
	v55 =	vshll.u32 v49, $0x10  }
0xf9: {  	v56 =	vmul.f32 v55, v55;
	v0 =	vadd.f32 v0, v4;
	v1 =	vadd.f32 v1, v2  }
0xfa: {  	v57 =	vmul.f32 v10, v10  }
0xfb: {  	v61 =	vmul.f32 v49, v49;
	v62 =	vld [tilespmem:s20+$0x4C00];
	v0 =	vadd.f32 v0, v3;
	v1 =	vadd.f32 v1, v56  }
0xfc: {  	v63 =	vshll.u32 v53, $0x10  }
0xfd: {  	v8 =	vmul.f32 v63, v63;
	v0 =	vadd.f32 v0, v57;
	v1 =	vadd.f32 v1, v61;
	_ =	sdelay $0x1  }
0xfe: {  	v10 =	vld [tilespmem:s20+$0x5000];
	v9 =	vmul.f32 v53, v53;
	v0 =	vmax.f32 v0, $1.000000020e-24;
	v1 =	vadd.f32 v1, v8  }
0xff: {  	v12 =	vshll.u32 v62, $0x10;
	v11 =	vshrl.u32 v0, $0x1;
	v0 =	vmul.f32 $5.000000000e-01, v0  }
0x100: {  	v13 =	vmul.f32 v12, v12;
	v5 =	vsub.s32 $0x5F3759DF, v11;
	v1 =	vadd.f32 v1, v9  }
0x101: {  	v14 =	vmul.f32 v5, v0  }
0x102: {  	v15 =	vld [tilespmem:s20+$0x5400];
	v2 =	vmul.f32 v62, v62;
	v1 =	vadd.f32 v1, v13  }
0x103: {  	v16 =	vshll.u32 v10, $0x10;
	v6 =	vmul.f32 v5, v14  }
0x104: {  	v17 =	vmul.f32 v16, v16;
	v1 =	vadd.f32 v1, v2  }
0x105: {  	v6 =	vsub.f32 $1.500000000e+00, v6  }
0x106: {  	v18 =	vld [tilespmem:s20+$0x5800];
	v4 =	vmul.f32 v10, v10;
	v1 =	vadd.f32 v1, v17  }
0x107: {  	v19 =	vshll.u32 v15, $0x10;
	v5 =	vmul.f32 v5, v6  }
0x108: {  	v20 =	vmul.f32 v19, v19;
	v1 =	vadd.f32 v1, v4  }
0x109: {  	v21 =	vmul.f32 v5, v0  }
0x10a: {  	v22 =	vld [tilespmem:s20+$0x5C00];
	v3 =	vmul.f32 v15, v15;
	v1 =	vadd.f32 v1, v20  }
0x10b: {  	v23 =	vshll.u32 v18, $0x10;
	v6 =	vmul.f32 v21, v5  }
0x10c: {  	v28 =	vmul.f32 v23, v23;
	v1 =	vadd.f32 v1, v3  }
0x10d: {  	v6 =	vsub.f32 $1.500000000e+00, v6  }
0x10e: {  	v29 =	vld [tilespmem:s20+$0x6000];
	v2 =	vmul.f32 v18, v18;
	v1 =	vadd.f32 v1, v28  }
0x10f: {  	v30 =	vshll.u32 v22, $0x10;
	v5 =	vmul.f32 v6, v5  }
0x110: {  	v31 =	vmul.f32 v30, v30;
	v1 =	vadd.f32 v1, v2  }
0x111: {  	v0 =	vmul.f32 v5, v0  }
0x112: {  	v32 =	vld [tilespmem:s20+$0x6400];
	v4 =	vmul.f32 v22, v22;
	v1 =	vadd.f32 v1, v31  }
0x113: {  	v33 =	vshll.u32 v29, $0x10;
	v0 =	vmul.f32 v0, v5  }
0x114: {  	v34 =	vmul.f32 v33, v33;
	v1 =	vadd.f32 v1, v4  }
0x115: {  	v0 =	vsub.f32 $1.500000000e+00, v0  }
0x116: {  	v35 =	vld [tilespmem:s20+$0x6800];
	v3 =	vmul.f32 v29, v29;
	v1 =	vadd.f32 v1, v34  }
0x117: {  	v36 =	vshll.u32 v32, $0x10;
	v0 =	vmul.f32 v0, v5  }
0x118: {  	v38 =	vmul.f32 v36, v36;
	v1 =	vadd.f32 v1, v3  }
0x119: {  	v37 =	vld [tilespmem:s20+$0x7C00];
	[tilespmem:s18+$0x10008] =	vst v0  }
0x11a: {  	v40 =	vmul.f32 v32, v32;
	v41 =	vld [tilespmem:s20+$0x6C00];
	v39 =	vadd.f32 v1, v38  }
0x11b: {  	v42 =	vshll.u32 v35, $0x10  }
0x11c: {  	v44 =	vmul.f32 v42, v42;
	v0 =	vadd.f32 v39, v40;
	_ =	sdelay $0x1  }
0x11d: {  	v45 =	vmul.f32 v35, v35;
	v46 =	vld [tilespmem:s20+$0x7000];
	v0 =	vadd.f32 v0, v44  }
0x11e: {  	v47 =	vshll.u32 v41, $0x10  }
0x11f: {  	v48 =	vmul.f32 v47, v47;
	v0 =	vadd.f32 v0, v45;
	_ =	sdelay $0x1  }
0x120: {  	v49 =	vld [tilespmem:s20+$0x7400];
	v50 =	vmul.f32 v41, v41;
	v0 =	vadd.f32 v0, v48  }
0x121: {  	v51 =	vshll.u32 v46, $0x10  }
0x122: {  	v52 =	vmul.f32 v51, v51;
	v0 =	vadd.f32 v0, v50;
	_ =	sdelay $0x1  }
0x123: {  	v53 =	vld [tilespmem:s20+$0x7800];
	v3 =	vmul.f32 v46, v46;
	v0 =	vadd.f32 v0, v52  }
0x124: {  	v54 =	vshll.u32 v49, $0x10  }
0x125: {  	v1 =	vmul.f32 v54, v54;
	v0 =	vadd.f32 v0, v3;
	_ =	sdelay $0x1  }
0x126: {  	v55 =	vmul.f32 v49, v49;
	v0 =	vadd.f32 v0, v1  }
0x127: {  	v56 =	vshll.u32 v53, $0x10  }
0x128: {  	v1 =	vmul.f32 v56, v56;
	v0 =	vadd.f32 v0, v55;
	_ =	sdelay $0x1  }
0x129: {  	v2 =	vmul.f32 v53, v53;
	v0 =	vadd.f32 v0, v1  }
0x12a: {  	v57 =	vshll.u32 v37, $0x10  }
0x12b: {  	v1 =	vmul.f32 v57, v57;
	v0 =	vadd.f32 v0, v2;
	_ =	sdelay $0x1  }
0x12c: {  	v61 =	vmul.f32 v37, v37;
	v0 =	vadd.f32 v0, v1;
	_ =	sdelay $0x1  }
0x12d: {  	v0 =	vadd.f32 v0, v61;
	_ =	sdelay $0x1  }
0x12e: {  	v0 =	vmax.f32 v0, $1.000000020e-24  }
0x12f: {  	v62 =	vshrl.u32 v0, $0x1;
	v0 =	vmul.f32 $5.000000000e-01, v0  }
0x130: {  	v1 =	vsub.s32 $0x5F3759DF, v62  }
0x131: {  	v63 =	vmul.f32 v1, v0;
	_ =	sdelay $0x1  }
0x132: {  	v2 =	vmul.f32 v1, v63;
	_ =	sdelay $0x1  }
0x133: {  	v2 =	vsub.f32 $1.500000000e+00, v2;
	_ =	sdelay $0x1  }
0x134: {  	v1 =	vmul.f32 v1, v2;
	_ =	sdelay $0x1  }
0x135: {  	v2 =	vmul.f32 v1, v0;
	_ =	sdelay $0x1  }
0x136: {  	v2 =	vmul.f32 v2, v1;
	_ =	sdelay $0x1  }
0x137: {  	v2 =	vsub.f32 $1.500000000e+00, v2;
	_ =	sdelay $0x1  }
0x138: {  	v1 =	vmul.f32 v2, v1;
	_ =	sdelay $0x1  }
0x139: {  	v0 =	vmul.f32 v1, v0;
	_ =	sdelay $0x1  }
0x13a: {  	v0 =	vmul.f32 v0, v1;
	_ =	sdelay $0x1  }
0x13b: {  	v0 =	vsub.f32 $1.500000000e+00, v0;
	_ =	sdelay $0x1  }
0x13c: {  	v0 =	vmul.f32 v0, v1;
	_ =	sdelay $0x1  }
0x13d: {  	s19 =	simm.s32 $0x0;
	s18 =	simm.s32 $0x0;
	[tilespmem:s20+$0x10008] =	vst v0  }
.LBB2_4:
0x13e: {  	s20 =	sshll.u32 s19, $0x7  }
0x13f: {  	s20 =	sadd.s32 s8, s20  }
0x140: {  	s21 =	sshrl.u32 s20, $0x3  }
0x141: {  	s20 =	smul.u32 $0x32, s20;
	s21 =	sadd.s32 s1, s21  }
0x142: {  	[tilespmem:s11], [sflag:$0x2] =	stream.linear.gather [hbm4b:s21+s18], $0x80, $0x38;
	[tilespmem:$0x156A8] =	vst v63  }
0x143: {  	_ =	swait.ge [sflag:s10], $0x80  }
0x144: {  	s20 =	sshrl.u32 s20, $0x3;
	[sflag:s10] =	ssyncset.done $0x0  }
0x145: {  	s21 =	simm.s32 $0x12488;
	s22 =	sadd.s32 s2, s20;
	[sflag:s10] =	ssyncadd.s32 $0xFFFFFF80  }
0x146: {  	[tilespmem:s21], [sflag:$0x2] =	stream.linear.gather [hbm4b:s22+s18], $0x1900, $0x38;
	[tilespmem:$0x156A8] =	vst v63  }
0x147: {  	_ =	swait.ge [sflag:s10], $0x1900  }
0x148: {  	[sflag:s10] =	ssyncset.done $0x0  }
0x149: {  	[sflag:s10] =	ssyncadd.s32 $0xFFFFE700  }
0x14a: {  	v0 =	vimm.s32 $0x0;
	[tilespmem:s13], [sflag:$0x1] =	stream.indirect.gather [hbm4b:s6+s12], $0x40, s11, s12, $0xb8;
	[tilespmem:$0x156A8] =	vst v63  }
0x14b: {  	[tilespmem:$0x13D88] =	vst v0  }
0x14c: {  	_ =	swait.ge [sflag:s14], $0x2000  }
0x14d: {  	s23 =	simm.s32 $0x104A8;
	[sflag:s14] =	ssyncset.done $0x0  }
0x14e: {  	s24 =	simm.s32 $0x0;
	s22 =	simm.s32 $0x13D98;
	[sflag:s14] =	ssyncadd.s32 $0xFFFFE000  }
.LBB2_5:
0x14f: {  	v3 =	vld [tilespmem:s23+$0xFFFFFFE0]  }
0x150: {  	v26 =	vld [tilespmem:s23+$0xFFFFFFF0];
	_ =	sdelay $0x1  }
0x151: {  	v23 =	vld [tilespmem:s23+$0x0];
	_ =	sdelay $0x1  }
0x152: {  	v21 =	vld [tilespmem:s23+$0x10]  }
0x153: {  	v0 =	vmul.f32 v3, v3;
	v1 =	vmul.f32 v26, v26;
	_ =	sdelay $0x1  }
0x154: {  	s25 =	sand.u32 $0x1FFE, s24;
	v20 =	vmul.f32 v23, v23;
	v0 =	vadd.f32 v1, v0  }
0x155: {  	v19 =	vld [tilespmem:s25+$0x12498]  }
0x156: {  	v18 =	vld [tilespmem:s25+$0x124A8];
	v22 =	vmul.f32 v21, v21;
	v0 =	vadd.f32 v20, v0;
	_ =	sdelay $0x1  }
0x157: {  	v0 =	vadd.f32 v22, v0  }
0x158: {  	v20 =	vld [tilespmem:s21+$0x0]  }
0x159: {  	v4 =	vadd.s32 v60, v19;
	(xrf2) =	vadd.scan.msk.f32 $0xffff, v0  }
0x15a: {  	v34 =	vadd.s32 $0x400, v60;
	v5 =	vadd.s32 v60, v18  }
0x15b: {  	v28 =	vimm.s32 $0xF;
	v40 =	vimm.s32 $0xF;
	v12 =	vadd.s32 v34, v18  }
0x15c: {  	v7 =	vimm.s32 $0x0;
	v36 =	vimm.s32 $0x0;
	v9 =	vimm.s32 $0x1  }
0x15d: {  	v38 =	vimm.s32 $0x1;
	v50 =	vimm.s32 $0x2;
	v17 =	vld [tilespmem:s25+$0x124B8];
	v2 =	vadd.s32 v60, v20  }
0x15e: {  	v16 =	vimm.s32 $0x3;
	v54 =	vimm.s32 $0x4;
	v55 =	vimm.s32 $0x5;
	v4 =	vld.idx.msk [tilespmem:v4+s3+$0x0], $0xffff  }
0x15f: {  	v52 =	vimm.s32 $0x7;
	v7 =	vperm.xlane v3, v7;
	v9 =	vperm.xlane v3, v9;
	v5 =	vld.idx.msk [tilespmem:v5+s3+$0x0], $0xffff  }
0x160: {  	v39 =	vadd.s32 $0x800, v60;
	v41 =	vperm.xlane v3, v50;
	v16 =	vperm.xlane v3, v16;
	v12 =	vld.idx.msk [tilespmem:v12+s3+$0x0], $0xffff  }
0x161: {  	v51 =	vadd.s32 $0xC00, v60;
	v57 =	vperm.xlane v3, v54;
	v61 =	vperm.xlane v3, v55  }
0x162: {  	v25 =	vperm.xlane v26, v59;
	v32 =	vadd.s32 v60, v17;
	v8 =	vadd.s32 v34, v20;
	v31 =	vld.idx.msk [tilespmem:v2+s3+$0x0], $0xffff  }
0x163: {  	v37 =	vadd.s32 v34, v19;
	v22 =	vadd.s32 v51, v19;
	v15 =	vadd.s32 v39, v20;
	v0, _, _ =	vpop (xrf2)  }
0x164: {  	v11 =	vshll.u32 v4, $0x10;
	v13 =	vshll.u32 v5, $0x10;
	v0 =	vperm.xlane v0, v28  }
0x165: {  	v4 =	vmul.f32 v4, v9;
	v5 =	vmul.f32 v5, v9;
	v42 =	vshll.u32 v12, $0x10  }
0x166: {  	v12 =	vmul.f32 v12, v16;
	v11 =	vmul.f32 v11, v7;
	v0 =	vmax.f32 v0, $1.000000020e-24  }
0x167: {  	v8 =	vld.idx.msk [tilespmem:v8+s3+$0x0], $0xffff;
	v10 =	vshll.u32 v31, $0x10;
	v28 =	vadd.s32 v39, v19;
	v29 =	vshrl.u32 v0, $0x1  }
0x168: {  	v15 =	vld.idx.msk [tilespmem:v15+s3+$0x0], $0xffff;
	v6 =	vmul.f32 $5.000000000e-01, v0;
	v0 =	vmul.f32 v31, v9;
	v31 =	vadd.s32 v39, v18  }
0x169: {  	v13 =	vmul.f32 v13, v7;
	v45 =	vmul.f32 v42, v41;
	v30 =	vsub.s32 $0x5F3759DF, v29  }
0x16a: {  	v5 =	vadd.f32 $0.0e+00, v5;
	v35 =	vmul.f32 v10, v7;
	v10 =	vld.idx.msk [tilespmem:v37+s3+$0x0], $0xffff;
	v1 =	vmul.f32 v30, v6  }
0x16b: {  	v42 =	vadd.s32 v51, v17;
	v4 =	vadd.f32 $0.0e+00, v4;
	v11 =	vadd.f32 $0.0e+00, v11  }
0x16c: {  	v13 =	vadd.f32 $0.0e+00, v13;
	v5 =	vadd.f32 v12, v5;
	v48 =	vld.idx.msk [tilespmem:v28+s3+$0x0], $0xffff;
	v1 =	vmul.f32 v30, v1  }
0x16d: {  	v27 =	vshll.u32 v8, $0x10;
	v8 =	vmul.f32 v8, v16;
	v62 =	vshll.u32 v15, $0x10;
	v49 =	vld.idx.msk [tilespmem:v31+s3+$0x0], $0xffff  }
0x16e: {  	v15 =	vmul.f32 v15, v61;
	v0 =	vadd.f32 $0.0e+00, v0;
	v1 =	vsub.f32 $1.500000000e+00, v1  }
0x16f: {  	v46 =	vadd.f32 v45, v13;
	v27 =	vmul.f32 v27, v41;
	v44 =	vmul.f32 v10, v16  }
0x170: {  	v63 =	vmul.f32 v62, v57;
	v0 =	vadd.f32 v8, v0;
	v56 =	vmul.f32 v30, v1;
	v1 =	vld.idx.msk [tilespmem:v32+s3+$0x0], $0xffff  }
0x171: {  	v4 =	vadd.f32 v44, v4;
	v13 =	vmul.f32 v48, v61;
	v30 =	vshll.u32 v10, $0x10  }
0x172: {  	[tilespmem:$0x1FDA0] =	vst v6;
	v33 =	vmul.f32 v56, v6;
	v6 =	vadd.s32 v34, v17;
	v10 =	vmul.f32 v49, v61  }
0x173: {  	v0 =	vadd.f32 v15, v0;
	v4 =	vadd.f32 v13, v4;
	v34 =	vadd.s32 v51, v18  }
0x174: {  	v2 =	vmul.f32 v33, v56;
	v33 =	vshll.u32 v48, $0x10;
	v5 =	vadd.f32 v10, v5  }
0x175: {  	v48 =	vadd.s32 $0x1000, v60;
	v10 =	vperm.xlane v3, v52;
	v14 =	vshll.u32 v1, $0x10  }
0x176: {  	v45 =	vld.idx.msk [tilespmem:v22+s3+$0x0], $0xffff;
	v1 =	vmul.f32 v1, v9;
	v37 =	vmul.f32 v33, v57;
	v62 =	vadd.s32 v48, v19  }
0x177: {  	v22 =	vadd.s32 v48, v18;
	v7 =	vmul.f32 v14, v7;
	v14 =	vadd.s32 v39, v17;
	v6 =	vld.idx.msk [tilespmem:v6+s3+$0x0], $0xffff  }
0x178: {  	v15 =	vadd.s32 v48, v17;
	v53 =	vsub.f32 $1.500000000e+00, v2;
	v2 =	vadd.f32 $0.0e+00, v35  }
0x179: {  	v33 =	vimm.s32 $0xA;
	v35 =	vimm.s32 $0x3;
	v39 =	vshll.u32 v49, $0x10  }
0x17a: {  	v49 =	vimm.s32 $0x6;
	v2 =	vadd.f32 v27, v2;
	v27 =	vmul.f32 v30, v41  }
0x17b: {  	v13 =	vmul.f32 v45, v10;
	v1 =	vadd.f32 $0.0e+00, v1;
	v7 =	vadd.f32 $0.0e+00, v7  }
0x17c: {  	v11 =	vadd.f32 v27, v11;
	v27 =	vadd.s32 v51, v20;
	v14 =	vld.idx.msk [tilespmem:v14+s3+$0x0], $0xffff;
	v47 =	vshll.u32 v6, $0x10  }
0x17d: {  	v4 =	vadd.f32 v13, v4;
	v6 =	vmul.f32 v6, v16;
	v9 =	vmul.f32 v47, v41;
	v47 =	vld.idx.msk [tilespmem:v34+s3+$0x0], $0xffff  }
0x17e: {  	v2 =	vadd.f32 v63, v2;
	v51 =	vadd.s32 v48, v20;
	v41 =	vmul.f32 v39, v57;
	v39 =	vld.idx.msk [tilespmem:v62+s3+$0x0], $0xffff  }
0x17f: {  	v53 =	vmul.f32 v53, v56;
	v1 =	vadd.f32 v6, v1;
	v6 =	vadd.f32 v37, v11;
	v11 =	vld.idx.msk [tilespmem:v42+s3+$0x0], $0xffff  }
0x180: {  	v7 =	vadd.f32 v9, v7;
	v8 =	vadd.f32 v41, v46;
	v41 =	vld.idx.msk [tilespmem:v22+s3+$0x0], $0xffff;
	v22 =	vimm.s32 $0x9  }
0x181: {  	v27 =	vld.idx.msk [tilespmem:v27+s3+$0x0], $0xffff;
	v44 =	vshll.u32 v14, $0x10;
	v9 =	vmul.f32 v14, v61;
	v14 =	vperm.xlane v3, v49  }
0x182: {  	v63 =	vshll.u32 v45, $0x10;
	v45 =	vperm.xlane v3, v22;
	v46 =	vmul.f32 v44, v57  }
0x183: {  	v16 =	vld.idx.msk [tilespmem:v51+s3+$0x0], $0xffff;
	v1 =	vadd.f32 v9, v1;
	v30 =	vmul.f32 v63, v14;
	v32 =	vshll.u32 v47, $0x10  }
0x184: {  	v12 =	vmul.f32 v47, v10;
	v63 =	vimm.s32 $0x8;
	v49 =	vshll.u32 v39, $0x10  }
0x185: {  	v15 =	vld.idx.msk [tilespmem:v15+s3+$0x0], $0xffff;
	v7 =	vadd.f32 v46, v7;
	v34 =	vmul.f32 v32, v14;
	v37 =	vshll.u32 v11, $0x10  }
0x186: {  	v42 =	vperm.xlane v3, v63;
	v57 =	vshll.u32 v27, $0x10;
	v27 =	vmul.f32 v27, v10  }
0x187: {  	v6 =	vadd.f32 v30, v6;
	v9 =	vmul.f32 v37, v14;
	v10 =	vmul.f32 v11, v10  }
0x188: {  	v5 =	vadd.f32 v12, v5;
	v46 =	vshll.u32 v16, $0x10;
	v48 =	vmul.f32 v16, v45  }
0x189: {  	v31 =	vshll.u32 v41, $0x10;
	v62 =	vmul.f32 v41, v45;
	v41 =	vperm.xlane v3, v33  }
0x18a: {  	v12 =	vmul.f32 v15, v45;
	v0 =	vadd.f32 v27, v0;
	v27 =	vadd.s32 $0x1400, v60  }
0x18b: {  	v61 =	vmul.f32 v57, v14;
	v8 =	vadd.f32 v34, v8;
	v44 =	vadd.s32 v27, v20  }
0x18c: {  	v47 =	vmul.f32 v46, v42;
	v16 =	vmul.f32 v49, v42;
	v51 =	vadd.s32 v27, v19  }
0x18d: {  	v57 =	vmul.f32 v39, v45;
	v34 =	vshll.u32 v15, $0x10;
	v52 =	vadd.s32 v27, v18  }
0x18e: {  	v7 =	vadd.f32 v9, v7;
	v1 =	vadd.f32 v10, v1;
	v39 =	vadd.s32 v27, v17  }
0x18f: {  	v10 =	vmul.f32 v34, v42;
	v5 =	vadd.f32 v62, v5;
	v27 =	vadd.s32 $0x1800, v60  }
0x190: {  	v2 =	vadd.f32 v61, v2;
	v61 =	vmul.f32 v31, v42;
	v34 =	vadd.s32 v27, v17;
	v28 =	vld.idx.msk [tilespmem:v44+s3+$0x0], $0xffff  }
0x191: {  	v6 =	vadd.f32 v16, v6;
	v4 =	vadd.f32 v57, v4;
	v45 =	vadd.s32 v27, v20;
	v37 =	vld.idx.msk [tilespmem:v51+s3+$0x0], $0xffff  }
0x192: {  	v0 =	vadd.f32 v48, v0;
	v2 =	vadd.f32 v47, v2;
	v47 =	vadd.s32 v27, v19;
	v42 =	vld.idx.msk [tilespmem:v52+s3+$0x0], $0xffff  }
0x193: {  	v46 =	vperm.xlane v3, v24;
	v7 =	vadd.f32 v10, v7;
	v1 =	vadd.f32 v12, v1;
	v14 =	vld.idx.msk [tilespmem:v39+s3+$0x0], $0xffff  }
0x194: {  	v8 =	vadd.f32 v61, v8;
	v52 =	vadd.s32 v27, v18;
	v39 =	vadd.s32 $0x1C00, v60  }
0x195: {  	v27 =	vadd.s32 v39, v20;
	v16 =	vld.idx.msk [tilespmem:v34+s3+$0x0], $0xffff;
	v13 =	vadd.s32 v39, v17;
	v34 =	vperm.xlane v3, v58  }
0x196: {  	v62 =	vld.idx.msk [tilespmem:v45+s3+$0x0], $0xffff;
	v44 =	vshll.u32 v28, $0x10;
	v48 =	vmul.f32 v28, v46;
	v49 =	vshll.u32 v37, $0x10  }
0x197: {  	v10 =	vld.idx.msk [tilespmem:v47+s3+$0x0], $0xffff;
	v51 =	vshll.u32 v42, $0x10;
	v57 =	vmul.f32 v37, v46;
	v32 =	vmul.f32 v42, v46  }
0x198: {  	v37 =	vshll.u32 v14, $0x10;
	v9 =	vmul.f32 v14, v46;
	v46 =	vadd.s32 v39, v19  }
0x199: {  	v42 =	vld.idx.msk [tilespmem:v52+s3+$0x0], $0xffff;
	v52 =	vadd.s32 v39, v18;
	v15 =	vmul.f32 v44, v41;
	v61 =	vmul.f32 v51, v41  }
0x19a: {  	v11 =	vmul.f32 v37, v41;
	v44 =	vperm.xlane v3, v59;
	v0 =	vadd.f32 v48, v0  }
0x19b: {  	v30 =	vshll.u32 v62, $0x10;
	v4 =	vadd.f32 v57, v4;
	v5 =	vadd.f32 v32, v5  }
0x19c: {  	v1 =	vadd.f32 v9, v1;
	v48 =	vshll.u32 v10, $0x10;
	v57 =	vshll.u32 v16, $0x10  }
0x19d: {  	v2 =	vadd.f32 v15, v2;
	v15 =	vmul.f32 v49, v41;
	v8 =	vadd.f32 v61, v8  }
0x19e: {  	v41 =	vperm.xlane v3, v43;
	v7 =	vadd.f32 v11, v7;
	v47 =	vmul.f32 v62, v44  }
0x19f: {  	v27 =	vld.idx.msk [tilespmem:v27+s3+$0x0], $0xffff;
	v10 =	vmul.f32 v10, v44;
	v62 =	vadd.s32 $0x2000, v60;
	v32 =	vmul.f32 v16, v44  }
0x1a0: {  	v13 =	vld.idx.msk [tilespmem:v13+s3+$0x0], $0xffff;
	v3 =	vperm.xlane v3, v40;
	v31 =	vadd.s32 v62, v20;
	v6 =	vadd.f32 v15, v6  }
0x1a1: {  	v45 =	vmul.f32 v30, v41;
	v49 =	vmul.f32 v48, v41;
	v0 =	vadd.f32 v47, v0  }
0x1a2: {  	v51 =	vshll.u32 v42, $0x10;
	v4 =	vadd.f32 v10, v4;
	v15 =	vmul.f32 v42, v44  }
0x1a3: {  	v10 =	vmul.f32 v57, v41;
	v1 =	vadd.f32 v32, v1;
	v44 =	vadd.s32 v62, v18  }
0x1a4: {  	v47 =	vadd.s32 v62, v17;
	v9 =	vmul.f32 v51, v41;
	v37 =	vshll.u32 v27, $0x10  }
0x1a5: {  	v41 =	vmul.f32 v27, v3;
	v27 =	vadd.s32 v62, v19;
	v48 =	vshll.u32 v13, $0x10  }
0x1a6: {  	v61 =	vld.idx.msk [tilespmem:v46+s3+$0x0], $0xffff;
	v51 =	vadd.s32 $0x2400, v60;
	v62 =	vperm.xlane v26, v38;
	v2 =	vadd.f32 v45, v2  }
0x1a7: {  	v39 =	vld.idx.msk [tilespmem:v52+s3+$0x0], $0xffff;
	v38 =	vimm.s32 $0x1;
	v6 =	vadd.f32 v49, v6;
	v5 =	vadd.f32 v15, v5  }
0x1a8: {  	v7 =	vadd.f32 v10, v7;
	v40 =	vmul.f32 v37, v34;
	v49 =	vperm.xlane v26, v36  }
0x1a9: {  	v36 =	vimm.s32 $0x0;
	v14 =	vmul.f32 v48, v34;
	v57 =	vadd.s32 v51, v20  }
0x1aa: {  	v48 =	vperm.xlane v26, v50;
	v8 =	vadd.f32 v9, v8;
	v0 =	vadd.f32 v41, v0  }
0x1ab: {  	v12 =	vld.idx.msk [tilespmem:v31+s3+$0x0], $0xffff;
	v2 =	vadd.f32 v40, v2;
	v7 =	vadd.f32 v14, v7;
	v40 =	vadd.s32 v51, v18  }
0x1ac: {  	v42 =	vshll.u32 v61, $0x10;
	v11 =	vmul.f32 v61, v3;
	v46 =	vmul.f32 v39, v3;
	v28 =	vld.idx.msk [tilespmem:v44+s3+$0x0], $0xffff  }
0x1ad: {  	v45 =	vshll.u32 v39, $0x10;
	v3 =	vmul.f32 v13, v3;
	v32 =	vld.idx.msk [tilespmem:v47+s3+$0x0], $0xffff;
	v15 =	vmul.f32 v42, v34  }
0x1ae: {  	v9 =	vmul.f32 v45, v34;
	v27 =	vld.idx.msk [tilespmem:v27+s3+$0x0], $0xffff;
	v34 =	vadd.s32 v51, v19;
	v4 =	vadd.f32 v11, v4  }
0x1af: {  	v45 =	vadd.s32 v51, v17;
	v5 =	vadd.f32 v46, v5;
	v1 =	vadd.f32 v3, v1  }
0x1b0: {  	v6 =	vadd.f32 v15, v6;
	v8 =	vadd.f32 v9, v8;
	v52 =	vshll.u32 v12, $0x10  }
0x1b1: {  	v37 =	vmul.f32 v12, v62;
	v61 =	vmul.f32 v52, v49;
	v42 =	vshll.u32 v28, $0x10  }
0x1b2: {  	v46 =	vmul.f32 v28, v62;
	v47 =	vshll.u32 v32, $0x10;
	v3 =	vmul.f32 v32, v62  }
0x1b3: {  	v52 =	vimm.s32 $0x3;
	v32 =	vimm.s32 $0x7;
	v39 =	vshll.u32 v27, $0x10  }
0x1b4: {  	v41 =	vmul.f32 v27, v62;
	v0 =	vadd.f32 v37, v0;
	v44 =	vmul.f32 v42, v49  }
0x1b5: {  	v13 =	vld.idx.msk [tilespmem:v40+s3+$0x0], $0xffff;
	v62 =	vperm.xlane v26, v35;
	v2 =	vadd.f32 v61, v2;
	v12 =	vmul.f32 v39, v49  }
0x1b6: {  	v27 =	vld.idx.msk [tilespmem:v57+s3+$0x0], $0xffff;
	v5 =	vadd.f32 v46, v5;
	v1 =	vadd.f32 v3, v1;
	v46 =	vadd.s32 $0x2C00, v60  }
0x1b7: {  	v9 =	vld.idx.msk [tilespmem:v34+s3+$0x0], $0xffff;
	v6 =	vadd.f32 v12, v6;
	v12 =	vmul.f32 v47, v49;
	v49 =	vadd.s32 $0x2800, v60  }
0x1b8: {  	v15 =	vld.idx.msk [tilespmem:v45+s3+$0x0], $0xffff;
	v4 =	vadd.f32 v41, v4;
	v8 =	vadd.f32 v44, v8;
	v61 =	vadd.s32 v49, v20  }
0x1b9: {  	v44 =	vperm.xlane v26, v54;
	v47 =	vperm.xlane v26, v55;
	v34 =	vadd.s32 v49, v19  }
0x1ba: {  	v39 =	vadd.s32 v49, v18;
	v16 =	vadd.s32 v49, v17;
	v49 =	vadd.s32 v46, v20  }
0x1bb: {  	v57 =	vshll.u32 v27, $0x10;
	v7 =	vadd.f32 v12, v7;
	v35 =	vmul.f32 v27, v62  }
0x1bc: {  	v37 =	vshll.u32 v9, $0x10;
	v27 =	vshll.u32 v13, $0x10;
	v9 =	vmul.f32 v9, v62  }
0x1bd: {  	v13 =	vmul.f32 v13, v62;
	v41 =	vshll.u32 v15, $0x10;
	v40 =	vmul.f32 v27, v48;
	v27 =	vld.idx.msk [tilespmem:v61+s3+$0x0], $0xffff  }
0x1be: {  	v11 =	vmul.f32 v15, v62;
	v62 =	vadd.s32 v46, v18;
	v10 =	vmul.f32 v57, v48;
	v3 =	vld.idx.msk [tilespmem:v34+s3+$0x0], $0xffff  }
0x1bf: {  	v12 =	vmul.f32 v37, v48;
	v0 =	vadd.f32 v35, v0;
	v4 =	vadd.f32 v9, v4;
	v45 =	vld.idx.msk [tilespmem:v39+s3+$0x0], $0xffff  }
0x1c0: {  	v42 =	vmul.f32 v41, v48;
	v5 =	vadd.f32 v13, v5;
	v1 =	vadd.f32 v11, v1;
	v51 =	vld.idx.msk [tilespmem:v16+s3+$0x0], $0xffff  }
0x1c1: {  	v57 =	vadd.s32 v46, v19;
	v2 =	vadd.f32 v10, v2;
	v6 =	vadd.f32 v12, v6;
	v39 =	vld.idx.msk [tilespmem:v49+s3+$0x0], $0xffff  }
0x1c2: {  	v8 =	vadd.f32 v40, v8;
	v7 =	vadd.f32 v42, v7;
	v12 =	vadd.s32 v46, v17  }
0x1c3: {  	v42 =	vld.idx.msk [tilespmem:v62+s3+$0x0], $0xffff;
	v48 =	vshll.u32 v27, $0x10;
	v27 =	vmul.f32 v27, v47;
	v61 =	vshll.u32 v3, $0x10  }
0x1c4: {  	v3 =	vmul.f32 v3, v47;
	v35 =	vshll.u32 v45, $0x10;
	v40 =	vmul.f32 v45, v47  }
0x1c5: {  	v41 =	vshll.u32 v51, $0x10;
	v45 =	vmul.f32 v51, v47;
	v14 =	vmul.f32 v48, v44  }
0x1c6: {  	v16 =	vld.idx.msk [tilespmem:v57+s3+$0x0], $0xffff;
	v49 =	vshll.u32 v39, $0x10;
	v34 =	vmul.f32 v61, v44;
	v37 =	vmul.f32 v35, v44  }
0x1c7: {  	v9 =	vmul.f32 v41, v44;
	v44 =	vadd.s32 $0x3000, v60;
	v35 =	vimm.s32 $0x6  }
0x1c8: {  	v48 =	vperm.xlane v26, v32;
	v57 =	vshll.u32 v42, $0x10;
	v0 =	vadd.f32 v27, v0  }
0x1c9: {  	v3 =	vadd.f32 v3, v4;
	v4 =	vadd.f32 v40, v5;
	v46 =	vadd.s32 v44, v20  }
0x1ca: {  	v47 =	vperm.xlane v26, v35;
	v1 =	vadd.f32 v45, v1;
	v27 =	vadd.s32 v44, v19  }
0x1cb: {  	v12 =	vld.idx.msk [tilespmem:v12+s3+$0x0], $0xffff;
	v51 =	vshll.u32 v16, $0x10;
	v61 =	vadd.s32 v44, v18;
	v11 =	vadd.s32 v44, v17  }
0x1cc: {  	v2 =	vadd.f32 v14, v2;
	v6 =	vadd.f32 v34, v6;
	v14 =	vmul.f32 v39, v48  }
0x1cd: {  	v8 =	vadd.f32 v37, v8;
	v62 =	vmul.f32 v16, v48;
	v10 =	vmul.f32 v42, v48  }
0x1ce: {  	v7 =	vadd.f32 v9, v7;
	v39 =	vperm.xlane v26, v63;
	v5 =	vmul.f32 v49, v47  }
0x1cf: {  	v37 =	vadd.s32 $0x3400, v60;
	v28 =	vmul.f32 v51, v47;
	v29 =	vmul.f32 v57, v47;
	v13 =	vld.idx.msk [tilespmem:v46+s3+$0x0], $0xffff  }
0x1d0: {  	v30 =	vshll.u32 v12, $0x10;
	v41 =	vadd.s32 v37, v20;
	v12 =	vmul.f32 v12, v48;
	v34 =	vld.idx.msk [tilespmem:v27+s3+$0x0], $0xffff  }
0x1d1: {  	v44 =	vadd.s32 v37, v19;
	v51 =	vadd.s32 v37, v18;
	v9 =	vadd.s32 v37, v17;
	v40 =	vld.idx.msk [tilespmem:v61+s3+$0x0], $0xffff  }
0x1d2: {  	v37 =	vperm.xlane v26, v24;
	v0 =	vadd.f32 v14, v0;
	v3 =	vadd.f32 v62, v3;
	v11 =	vld.idx.msk [tilespmem:v11+s3+$0x0], $0xffff  }
0x1d3: {  	v24 =	vperm.xlane v26, v58;
	v4 =	vadd.f32 v10, v4;
	v2 =	vadd.f32 v5, v2  }
0x1d4: {  	v6 =	vadd.f32 v28, v6;
	v5 =	vadd.f32 v29, v8;
	v27 =	vperm.xlane v26, v22  }
0x1d5: {  	v8 =	vmul.f32 v30, v47;
	v1 =	vadd.f32 v12, v1;
	v49 =	vld.idx.msk [tilespmem:v41+s3+$0x0], $0xffff;
	v42 =	vshll.u32 v13, $0x10  }
0x1d6: {  	v61 =	vld.idx.msk [tilespmem:v44+s3+$0x0], $0xffff;
	v13 =	vmul.f32 v13, v27;
	v46 =	vshll.u32 v34, $0x10;
	v47 =	vmul.f32 v34, v27  }
0x1d7: {  	v14 =	vld.idx.msk [tilespmem:v51+s3+$0x0], $0xffff;
	v57 =	vmul.f32 v40, v27;
	v10 =	vshll.u32 v11, $0x10;
	v11 =	vmul.f32 v11, v27  }
0x1d8: {  	v9 =	vld.idx.msk [tilespmem:v9+s3+$0x0], $0xffff;
	v48 =	vshll.u32 v40, $0x10;
	v34 =	vperm.xlane v26, v33;
	v45 =	vmul.f32 v42, v39  }
0x1d9: {  	v7 =	vadd.f32 v8, v7;
	v8 =	vmul.f32 v46, v39;
	v12 =	vmul.f32 v48, v39  }
0x1da: {  	v22 =	vmul.f32 v10, v39;
	v0 =	vadd.f32 v13, v0;
	v62 =	vadd.f32 v47, v3  }
0x1db: {  	v4 =	vadd.f32 v57, v4;
	v3 =	vadd.s32 $0x3800, v60;
	v39 =	vshll.u32 v49, $0x10  }
0x1dc: {  	v40 =	vshll.u32 v61, $0x10;
	v42 =	vmul.f32 v49, v37;
	v1 =	vadd.f32 v11, v1  }
0x1dd: {  	v46 =	vshll.u32 v14, $0x10;
	v49 =	vshll.u32 v9, $0x10;
	v14 =	vmul.f32 v14, v37  }
0x1de: {  	v57 =	vperm.xlane v26, v43;
	v31 =	vmul.f32 v9, v37;
	v2 =	vadd.f32 v45, v2  }
0x1df: {  	v6 =	vadd.f32 v8, v6;
	v5 =	vadd.f32 v12, v5;
	v27 =	vadd.s32 v3, v20  }
0x1e0: {  	v16 =	vmul.f32 v39, v34;
	v41 =	vadd.s32 v3, v19;
	v7 =	vadd.f32 v22, v7  }
0x1e1: {  	v44 =	vmul.f32 v40, v34;
	v45 =	vmul.f32 v61, v37;
	v48 =	vadd.s32 v3, v18  }
0x1e2: {  	v12 =	vmul.f32 v49, v34;
	v10 =	vadd.f32 v42, v0;
	v0 =	vadd.s32 $0x3C00, v60  }
0x1e3: {  	v37 =	vimm.s32 $0x9;
	v22 =	vadd.s32 $0x4000, v60;
	v61 =	vadd.s32 v0, v20  }
0x1e4: {  	v49 =	vimm.s32 $0xF;
	v8 =	vadd.f32 v45, v62;
	v62 =	vadd.s32 v0, v19;
	v47 =	vld.idx.msk [tilespmem:v27+s3+$0x0], $0xffff  }
0x1e5: {  	v14 =	vadd.f32 v14, v4;
	v1 =	vadd.f32 v31, v1;
	v59 =	vperm.xlane v26, v49;
	v51 =	vld.idx.msk [tilespmem:v41+s3+$0x0], $0xffff  }
0x1e6: {  	v2 =	vadd.f32 v16, v2;
	v6 =	vadd.f32 v44, v6;
	v27 =	vmul.f32 v46, v34;
	v34 =	vld.idx.msk [tilespmem:v48+s3+$0x0], $0xffff  }
0x1e7: {  	v29 =	vadd.f32 v12, v7;
	v7 =	vadd.s32 $0x5000, v60;
	v46 =	vadd.s32 v22, v19  }
0x1e8: {  	v11 =	vadd.f32 v27, v5;
	v42 =	vld.idx.msk [tilespmem:v61+s3+$0x0], $0xffff;
	v27 =	vadd.s32 v22, v20;
	v5 =	vadd.s32 $0x4400, v60  }
0x1e9: {  	v45 =	vld.idx.msk [tilespmem:v62+s3+$0x0], $0xffff;
	v61 =	vadd.s32 v5, v20;
	v30 =	vadd.s32 v5, v19;
	v33 =	vshll.u32 v47, $0x10  }
0x1ea: {  	v41 =	vshll.u32 v51, $0x10;
	v13 =	vmul.f32 v47, v25;
	v44 =	vmul.f32 v51, v25  }
0x1eb: {  	v47 =	vshll.u32 v34, $0x10;
	v9 =	vmul.f32 v34, v25;
	v51 =	vimm.s32 $0x0  }
0x1ec: {  	[tilespmem:$0x1FDD0] =	vst v25;
	v34 =	vimm.s32 $0x1;
	v25 =	vimm.s32 $0x7;
	v40 =	vmul.f32 v33, v57  }
0x1ed: {  	v15 =	vmul.f32 v41, v57;
	v10 =	vadd.f32 v13, v10;
	v62 =	vshll.u32 v42, $0x10  }
0x1ee: {  	v26 =	vld.idx.msk [tilespmem:v27+s3+$0x0], $0xffff;
	v16 =	vmul.f32 v42, v59;
	v27 =	vshll.u32 v45, $0x10;
	v14 =	vadd.f32 v9, v14  }
0x1ef: {  	[tilespmem:$0x1FDB0] =	vst v29;
	v31 =	vmul.f32 v45, v59;
	v43 =	vadd.f32 v40, v2;
	v6 =	vadd.f32 v15, v6  }
0x1f0: {  	v29 =	vld.idx.msk [tilespmem:v46+s3+$0x0], $0xffff;
	v2 =	vadd.f32 v44, v8;
	v8 =	vmul.f32 v47, v57;
	v15 =	vmul.f32 v62, v24  }
0x1f1: {  	[tilespmem:$0x1FDE0] =	vst v24;
	v9 =	vadd.s32 $0x4800, v60;
	v28 =	vmul.f32 v27, v24;
	v24 =	vperm.xlane v23, v36  }
0x1f2: {  	v40 =	vperm.xlane v23, v38;
	v42 =	vadd.s32 v9, v20;
	v45 =	vadd.s32 v9, v19  }
0x1f3: {  	[tilespmem:$0x1FEA0] =	vst v1;
	v47 =	vperm.xlane v23, v52;
	v10 =	vadd.f32 v16, v10;
	v8 =	vadd.f32 v8, v11  }
0x1f4: {  	v39 =	vld.idx.msk [tilespmem:v61+s3+$0x0], $0xffff;
	v62 =	vperm.xlane v23, v55;
	v1 =	vadd.f32 v15, v43;
	v2 =	vadd.f32 v31, v2  }
0x1f5: {  	v12 =	vld.idx.msk [tilespmem:v30+s3+$0x0], $0xffff;
	v44 =	vshll.u32 v29, $0x10;
	v11 =	vmul.f32 v29, v40;
	v29 =	vimm.s32 $0x6  }
0x1f6: {  	[tilespmem:$0x1FE00] =	vst v8;
	v8 =	vadd.f32 v28, v6;
	v41 =	vshll.u32 v26, $0x10;
	v43 =	vmul.f32 v26, v40  }
0x1f7: {  	v26 =	vmul.f32 v44, v24;
	v6 =	vadd.s32 $0x4C00, v60;
	v2 =	vadd.f32 v11, v2  }
0x1f8: {  	[tilespmem:$0x1FE40] =	vst v40;
	v40 =	vadd.s32 v7, v19;
	v11 =	vadd.s32 $0x5400, v60;
	v44 =	vperm.xlane v23, v32  }
0x1f9: {  	[tilespmem:$0x1FE30] =	vst v24;
	v13 =	vmul.f32 v41, v24;
	v24 =	vperm.xlane v23, v50;
	v27 =	vshll.u32 v39, $0x10  }
0x1fa: {  	[tilespmem:$0x1FE10] =	vst v59;
	v46 =	vadd.s32 v6, v20;
	v58 =	vmul.f32 v39, v47;
	v59 =	vshll.u32 v12, $0x10  }
0x1fb: {  	[tilespmem:$0x1FE20] =	vst v14;
	v61 =	vadd.s32 v6, v19;
	v12 =	vmul.f32 v12, v47;
	v10 =	vadd.f32 v43, v10  }
0x1fc: {  	v14 =	vld.idx.msk [tilespmem:v42+s3+$0x0], $0xffff;
	v42 =	vadd.s32 v11, v20;
	v8 =	vadd.f32 v26, v8;
	v1 =	vadd.f32 v13, v1  }
0x1fd: {  	v48 =	vmul.f32 v27, v24;
	v15 =	vmul.f32 v59, v24;
	v27 =	vadd.s32 v7, v20  }
0x1fe: {  	[tilespmem:$0x1FE50] =	vst v24;
	v13 =	vld.idx.msk [tilespmem:v45+s3+$0x0], $0xffff;
	v24 =	vperm.xlane v23, v54;
	v2 =	vadd.f32 v12, v2;
	v12 =	vadd.s32 $0x5C00, v60  }
0x1ff: {  	v59 =	vimm.s32 $0xC;
	v10 =	vadd.f32 v58, v10;
	v4 =	vadd.s32 v12, v20  }
0x200: {  	v30 =	vperm.xlane v23, v59;
	v1 =	vadd.f32 v48, v1;
	v48 =	vperm.xlane v23, v35  }
0x201: {  	v35 =	vimm.s32 $0xA;
	v28 =	vld.idx.msk [tilespmem:v40+s3+$0x0], $0xffff;
	v45 =	vshll.u32 v14, $0x10;
	v14 =	vmul.f32 v14, v62  }
0x202: {  	v8 =	vadd.f32 v15, v8;
	v16 =	vld.idx.msk [tilespmem:v61+s3+$0x0], $0xffff;
	v61 =	vimm.s32 $0xD;
	v38 =	vperm.xlane v23, v35  }
0x203: {  	[tilespmem:$0x1FE60] =	vst v47;
	v26 =	vld.idx.msk [tilespmem:v46+s3+$0x0], $0xffff;
	v46 =	vmul.f32 v45, v24;
	v47 =	vshll.u32 v13, $0x10;
	v14 =	vadd.f32 v14, v10  }
0x204: {  	[tilespmem:$0x1FE80] =	vst v62;
	v40 =	vld.idx.msk [tilespmem:v42+s3+$0x0], $0xffff;
	v10 =	vadd.s32 $0x5800, v60;
	v13 =	vmul.f32 v13, v62;
	v62 =	vperm.xlane v23, v37  }
0x205: {  	[tilespmem:$0x1FE70] =	vst v24;
	v27 =	vld.idx.msk [tilespmem:v27+s3+$0x0], $0xffff;
	v15 =	vmul.f32 v47, v24;
	v24 =	vimm.s32 $0xB;
	v1 =	vadd.f32 v46, v1  }
0x206: {  	v45 =	vadd.s32 v10, v20;
	v47 =	vperm.xlane v23, v63;
	v2 =	vadd.f32 v13, v2  }
0x207: {  	v36 =	vshll.u32 v28, $0x10;
	v42 =	vperm.xlane v23, v24;
	v28 =	vmul.f32 v28, v62  }
0x208: {  	v41 =	vshll.u32 v26, $0x10;
	v26 =	vmul.f32 v26, v44;
	v46 =	vshll.u32 v16, $0x10  }
0x209: {  	[tilespmem:$0x1FE90] =	vst v48;
	v8 =	vadd.f32 v15, v8;
	v43 =	vmul.f32 v41, v48;
	v48 =	vmul.f32 v46, v48  }
0x20a: {  	v41 =	vmul.f32 v40, v42;
	v39 =	vshll.u32 v27, $0x10;
	v31 =	vadd.f32 v26, v14  }
0x20b: {  	v32 =	vmul.f32 v27, v62;
	v1 =	vadd.f32 v43, v1;
	v58 =	vmul.f32 v39, v47  }
0x20c: {  	v26 =	vmul.f32 v16, v44;
	v27 =	vshll.u32 v40, $0x10;
	v16 =	vadd.s32 $0x6400, v60;
	v15 =	vld.idx.msk [tilespmem:v45+s3+$0x0], $0xffff  }
0x20d: {  	v40 =	vimm.s32 $0xE;
	v1 =	vadd.f32 v58, v1;
	v58 =	vadd.s32 $0x6000, v60  }
0x20e: {  	[tilespmem:$0x1FEB0] =	vst v44;
	v43 =	vmul.f32 v36, v47;
	v13 =	vadd.f32 v32, v31;
	v45 =	vadd.s32 v58, v20  }
0x20f: {  	v44 =	vld.idx.msk [tilespmem:v4+s3+$0x0], $0xffff;
	v8 =	vadd.f32 v48, v8;
	v27 =	vmul.f32 v27, v38;
	v31 =	vperm.xlane v23, v61  }
0x210: {  	[tilespmem:$0x1FEC0] =	vst v47;
	v47 =	vadd.s32 v16, v20;
	v32 =	vperm.xlane v23, v49;
	v13 =	vadd.f32 v41, v13  }
0x211: {  	v1 =	vadd.f32 v27, v1;
	v46 =	vshll.u32 v15, $0x10;
	v48 =	vmul.f32 v15, v31  }
0x212: {  	v33 =	vmovc v38;
	[tilespmem:$0x1FEE0] =	vst v38;
	v15 =	vadd.s32 $0x6800, v60;
	v27 =	vmul.f32 v46, v30;
	v46 =	vadd.s32 v11, v19  }
0x213: {  	v39 =	vperm.xlane v23, v40;
	v38 =	vperm.xlane v21, v51;
	v49 =	vadd.s32 v15, v20;
	v45 =	vld.idx.msk [tilespmem:v45+s3+$0x0], $0xffff  }
0x214: {  	v36 =	vperm.xlane v21, v34;
	v23 =	vmul.f32 v44, v32;
	v4 =	vadd.f32 v48, v13  }
0x215: {  	v40 =	vperm.xlane v21, v52;
	v26 =	vadd.f32 v26, v2;
	v8 =	vadd.f32 v43, v8;
	v47 =	vld.idx.msk [tilespmem:v47+s3+$0x0], $0xffff  }
0x216: {  	v41 =	vshll.u32 v44, $0x10;
	v2 =	vadd.f32 v23, v4;
	v4 =	vadd.s32 $0x6C00, v60  }
0x217: {  	v1 =	vadd.f32 v27, v1;
	v27 =	vmul.f32 v41, v39;
	v43 =	vadd.s32 v4, v20;
	v56 =	vld.idx.msk [tilespmem:v46+s3+$0x0], $0xffff  }
0x218: {  	v44 =	vperm.xlane v21, v50;
	v23 =	vadd.s32 $0x7000, v60;
	v48 =	vld.idx.msk [tilespmem:v49+s3+$0x0], $0xffff;
	v34 =	vshll.u32 v45, $0x10  }
0x219: {  	v27 =	vadd.f32 v27, v1;
	v51 =	vadd.s32 v23, v20;
	v41 =	vmul.f32 v34, v38  }
0x21a: {  	[tilespmem:$0x1FED0] =	vst v62;
	v62 =	vperm.xlane v21, v54;
	v13 =	vshll.u32 v47, $0x10;
	v1 =	vmul.f32 v45, v36  }
0x21b: {  	v52 =	vmul.f32 v47, v40;
	v14 =	vmul.f32 v13, v44;
	v27 =	vadd.f32 v41, v27  }
0x21c: {  	v45 =	vperm.xlane v21, v55;
	v49 =	vadd.f32 v1, v2;
	v54 =	vld.idx.msk [tilespmem:v43+s3+$0x0], $0xffff;
	v34 =	vshll.u32 v56, $0x10  }
0x21d: {  	[tilespmem:$0x1FF60] =	vst v62;
	v46 =	vshll.u32 v48, $0x10;
	v27 =	vadd.f32 v14, v27;
	v14 =	vadd.s32 $0x7400, v60  }
0x21e: {  	v55 =	vld.idx.msk [tilespmem:v51+s3+$0x0], $0xffff;
	v48 =	vmul.f32 v48, v45;
	v50 =	vmul.f32 v34, v33;
	v47 =	vadd.s32 v14, v20  }
0x21f: {  	v26 =	vadd.f32 v28, v26;
	[tilespmem:$0x1FDC0] =	vst v45;
	v45 =	vperm.xlane v21, v63;
	v43 =	vmul.f32 v46, v62  }
0x220: {  	v33 =	vmovc v62;
	v13 =	vadd.f32 v52, v49;
	v62 =	vadd.f32 v50, v8;
	v50 =	vperm.xlane v21, v29  }
0x221: {  	v49 =	vperm.xlane v21, v25;
	v34 =	vadd.f32 v43, v27;
	v43 =	vshll.u32 v54, $0x10  }
0x222: {  	v41 =	vld [tilespmem:$0x1FDA0];
	v52 =	vadd.s32 v0, v18;
	v27 =	vadd.f32 v48, v13;
	v28 =	vmul.f32 v43, v50  }
0x223: {  	v46 =	vmul.f32 v54, v49;
	v43 =	vadd.s32 $0x7800, v60;
	v54 =	vld.idx.msk [tilespmem:v47+s3+$0x0], $0xffff;
	v47 =	vshll.u32 v55, $0x10  }
0x224: {  	v13 =	vadd.s32 v43, v20;
	v8 =	vadd.f32 v28, v34;
	v34 =	vmul.f32 v47, v45  }
0x225: {  	v3 =	vadd.s32 v3, v17;
	v48 =	vperm.xlane v21, v35;
	v35 =	vadd.s32 v10, v19  }
0x226: {  	v51 =	vperm.xlane v21, v37;
	v8 =	vadd.f32 v34, v8;
	v34 =	vadd.s32 v22, v18  }
0x227: {  	v56 =	vmul.f32 v56, v42;
	v25 =	vadd.s32 v12, v19;
	[tilespmem:$0x1FDF0] =	vst v45;
	v27 =	vadd.f32 v46, v27  }
0x228: {  	v46 =	vadd.s32 v0, v17;
	v0 =	vadd.s32 v22, v17;
	v45 =	vmul.f32 v53, v41;
	v41 =	vld.idx.msk [tilespmem:v52+s3+$0x0], $0xffff  }
0x229: {  	v29 =	vadd.s32 v5, v18;
	v55 =	vmul.f32 v55, v51;
	v63 =	vld.idx.msk [tilespmem:v13+s3+$0x0], $0xffff;
	v13 =	vadd.s32 $0x7C00, v60  }
0x22a: {  	v52 =	vperm.xlane v21, v24;
	v24 =	vld.idx.msk [tilespmem:v35+s3+$0x0], $0xffff;
	v28 =	vmul.f32 v45, v53;
	v60 =	vadd.s32 v13, v20  }
0x22b: {  	v27 =	vadd.f32 v55, v27;
	v55 =	vadd.s32 v9, v17;
	v45 =	vld.idx.msk [tilespmem:v34+s3+$0x0], $0xffff;
	v34 =	vadd.s32 v5, v17  }
0x22c: {  	v2 =	vld.idx.msk [tilespmem:v3+s3+$0x0], $0xffff;
	v47 =	vshll.u32 v54, $0x10;
	v28 =	vsub.f32 $1.500000000e+00, v28;
	v1 =	vmul.f32 v54, v52  }
0x22d: {  	v35 =	vld.idx.msk [tilespmem:v0+s3+$0x0], $0xffff;
	v54 =	vperm.xlane v21, v59;
	v59 =	vadd.s32 v9, v18;
	v37 =	vmul.f32 v47, v48  }
0x22e: {  	v47 =	vld.idx.msk [tilespmem:v46+s3+$0x0], $0xffff;
	v46 =	vperm.xlane v21, v61;
	v27 =	vadd.f32 v1, v27;
	v53 =	vmul.f32 v28, v53  }
0x22f: {  	v28 =	vadd.f32 v56, v26;
	v26 =	vshll.u32 v24, $0x10;
	v24 =	vmul.f32 v24, v31;
	v60 =	vld.idx.msk [tilespmem:v60+s3+$0x0], $0xffff  }
0x230: {  	[tilespmem:$0x1FEF0] =	vst v42;
	v37 =	vadd.f32 v37, v8;
	v8 =	vshll.u32 v63, $0x10;
	v42 =	vmul.f32 v63, v46;
	v56 =	vld.idx.msk [tilespmem:v34+s3+$0x0], $0xffff  }
0x231: {  	v63 =	vimm.s32 $0xF;
	v22 =	vmul.f32 v8, v54;
	v8 =	vld.idx.msk [tilespmem:v29+s3+$0x0], $0xffff;
	v29 =	vadd.s32 v6, v18  }
0x232: {  	v61 =	vimm.s32 $0xE;
	[tilespmem:$0x1FF70] =	vst v35;
	v35 =	vperm.xlane v21, v63;
	v9 =	vld.idx.msk [tilespmem:v59+s3+$0x0], $0xffff;
	v59 =	vadd.s32 v15, v19  }
0x233: {  	v25 =	vld.idx.msk [tilespmem:v25+s3+$0x0], $0xffff;
	v22 =	vadd.f32 v22, v37;
	v37 =	vadd.s32 v6, v17;
	v6 =	vmul.f32 v26, v30  }
0x234: {  	v28 =	vadd.f32 v24, v28;
	v24 =	vld [tilespmem:$0x1FDF0];
	v27 =	vadd.f32 v42, v27;
	v34 =	vadd.s32 v58, v19  }
0x235: {  	v63 =	vadd.f32 v6, v62;
	v62 =	vld.idx.msk [tilespmem:v20+s15+$0x0], $0xffff;
	[tilespmem:$0x1FF80] =	vst v56;
	v56 =	vperm.xlane v21, v61  }
0x236: {  	[tilespmem:$0x1FF00] =	vst v30;
	v5 =	vshll.u32 v60, $0x10;
	v42 =	vmul.f32 v60, v35;
	v60 =	vadd.s32 v16, v19;
	v6 =	vld.idx.msk [tilespmem:v29+s3+$0x0], $0xffff  }
0x237: {  	v59 =	vld.idx.msk [tilespmem:v59+s3+$0x0], $0xffff;
	v61 =	vadd.s32 v7, v18;
	v7 =	vadd.s32 v7, v17;
	v30 =	vmul.f32 v5, v56  }
0x238: {  	v27 =	vadd.f32 v42, v27;
	v42 =	vadd.s32 v11, v18;
	v21 =	vld.idx.msk [tilespmem:v55+s3+$0x0], $0xffff  }
0x239: {  	[tilespmem:$0x1FF20] =	vst v39;
	v20 =	vadd.s32 v10, v18;
	v29 =	vld.idx.msk [tilespmem:v34+s3+$0x0], $0xffff;
	v22 =	vadd.f32 v30, v22  }
0x23a: {  	[tilespmem:$0x1FF40] =	vst v38;
	v5 =	vshll.u32 v25, $0x10;
	v25 =	vmul.f32 v25, v32;
	v30 =	vld.idx.msk [tilespmem:v37+s3+$0x0], $0xffff  }
0x23b: {  	[tilespmem:$0x1FF10] =	vst v31;
	v31 =	vshll.u32 v2, $0x10;
	v11 =	vadd.s32 v11, v17;
	v37 =	vld.idx.msk [tilespmem:v60+s3+$0x0], $0xffff;
	v22 =	vadd.f32 v22, v27  }
0x23c: {  	[tilespmem:$0x1FF30] =	vst v32;
	v55 =	vmul.f32 v31, v57;
	v25 =	vadd.f32 v25, v28;
	v32 =	vld.idx.msk [tilespmem:v7+s3+$0x0], $0xffff  }
0x23d: {  	[tilespmem:$0x1FF90] =	vst v21;
	v21 =	vld.idx.msk [tilespmem:v42+s3+$0x0], $0xffff;
	v42 =	vadd.s32 v12, v18;
	v22 =	vmul.f32 v22, v62  }
0x23e: {  	v28 =	vadd.s32 v10, v17;
	v60 =	vadd.s32 v12, v17;
	v10 =	vld.idx.msk [tilespmem:v20+s3+$0x0], $0xffff;
	v27 =	vmul.f32 v5, v39  }
0x23f: {  	[tilespmem:$0x1FF50] =	vst v36;
	v57 =	vshll.u32 v29, $0x10;
	v29 =	vmul.f32 v29, v36;
	v62 =	vld.idx.msk [tilespmem:v61+s3+$0x0], $0xffff;
	v39 =	vmul.f32 v22, v53  }
0x240: {  	v5 =	vadd.s32 v4, v19;
	v27 =	vadd.f32 v27, v63;
	v63 =	vld.idx.msk [tilespmem:v11+s3+$0x0], $0xffff;
	[tilespmem:$0x1FFA0] =	vst v30  }
0x241: {  	v3 =	vmul.f32 v57, v38;
	v38 =	vmovc v44;
	v30 =	vld [tilespmem:$0x1FDB0];
	[tilespmem:$0x1FFB0] =	vst v32;
	v32 =	vshll.u32 v37, $0x10;
	v7 =	vadd.f32 v39, v39  }
0x242: {  	v25 =	vadd.f32 v29, v25;
	v12 =	vld.idx.msk [tilespmem:v42+s3+$0x0], $0xffff;
	v36 =	vmul.f32 v32, v44;
	v44 =	vadd.s32 v23, v19  }
0x243: {  	v27 =	vadd.f32 v3, v27;
	v32 =	vld [tilespmem:$0x1FDD0];
	v29 =	vsub.f32 $2.000000000e+00, v7  }
0x244: {  	v42 =	vadd.s32 v16, v17;
	v39 =	vld.idx.msk [tilespmem:v28+s3+$0x0], $0xffff;
	v28 =	vadd.s32 v58, v17  }
0x245: {  	[tilespmem:$0x1FFC0] =	vst v63;
	v20 =	vadd.f32 v36, v27;
	v27 =	vadd.s32 v16, v18;
	v16 =	vld.idx.msk [tilespmem:v5+s3+$0x0], $0xffff;
	v63 =	vmax.f32 v29, $1.000000000e-30  }
0x246: {  	v5 =	vld.idx.msk [tilespmem:v60+s3+$0x0], $0xffff;
	v7 =	vshrl.u32 v63, $0x1;
	v61 =	vmul.f32 $5.000000000e-01, v63  }
0x247: {  	v57 =	vadd.s32 v58, v18;
	v34 =	vld.idx.msk [tilespmem:v44+s3+$0x0], $0xffff;
	v58 =	vsub.s32 $0x5F3759DF, v7  }
0x248: {  	v0 =	vadd.s32 v15, v18;
	v11 =	vshll.u32 v59, $0x10;
	v44 =	vld [tilespmem:$0x1FDC0];
	v31 =	vmul.f32 v58, v61  }
0x249: {  	v22 =	vmul.f32 v37, v40;
	v63 =	vmul.f32 v11, v33;
	v11 =	vadd.f32 v55, v30;
	v55 =	vld.idx.msk [tilespmem:v28+s3+$0x0], $0xffff  }
0x24a: {  	[tilespmem:$0x1FFD0] =	vst v39;
	v28 =	vadd.s32 v15, v17;
	v39 =	vld.idx.msk [tilespmem:v42+s3+$0x0], $0xffff;
	v33 =	vmul.f32 v58, v31  }
0x24b: {  	v22 =	vadd.f32 v22, v25;
	v25 =	vadd.s32 v4, v18;
	v7 =	vld [tilespmem:$0x1FDE0]  }
0x24c: {  	v1 =	vadd.s32 v14, v19;
	[tilespmem:$0x1FFE0] =	vst v5;
	v5 =	vld [tilespmem:$0x1FE10];
	v31 =	vshll.u32 v16, $0x10;
	v33 =	vsub.f32 $1.500000000e+00, v33  }
0x24d: {  	v36 =	vadd.s32 v43, v19;
	v15 =	vmul.f32 v31, v50;
	v31 =	vld.idx.msk [tilespmem:v0+s3+$0x0], $0xffff  }
0x24e: {  	v0 =	vmul.f32 v58, v33;
	v33 =	vld [tilespmem:$0x1FE00]  }
0x24f: {  	v20 =	vadd.f32 v63, v20;
	v63 =	vadd.s32 v23, v18;
	v23 =	vadd.s32 v23, v17;
	v37 =	vld.idx.msk [tilespmem:v28+s3+$0x0], $0xffff  }
0x250: {  	v3 =	vadd.s32 v13, v19;
	v59 =	vmul.f32 v59, v44;
	v28 =	vld.idx.msk [tilespmem:v25+s3+$0x0], $0xffff;
	v25 =	vshll.u32 v41, $0x10  }
0x251: {  	v42 =	vmul.f32 v2, v32;
	v2 =	vadd.s32 v14, v18;
	v25 =	vmul.f32 v25, v7;
	v58 =	vld.idx.msk [tilespmem:v1+s3+$0x0], $0xffff  }
0x252: {  	v32 =	vshll.u32 v34, $0x10;
	v22 =	vadd.f32 v59, v22;
	v59 =	vld.idx.msk [tilespmem:v36+s3+$0x0], $0xffff;
	v61 =	vmul.f32 v0, v61  }
0x253: {  	v15 =	vadd.f32 v15, v20;
	v1 =	vmul.f32 v32, v24;
	v25 =	vadd.f32 v25, v33;
	v33 =	vld [tilespmem:$0x1FE20]  }
0x254: {  	v4 =	vadd.s32 v4, v17;
	v36 =	vmul.f32 v41, v5;
	v41 =	vld.idx.msk [tilespmem:v23+s3+$0x0], $0xffff;
	v23 =	vmul.f32 v61, v0  }
0x255: {  	v30 =	vadd.s32 v43, v17;
	v16 =	vmul.f32 v16, v49;
	v15 =	vadd.f32 v1, v15  }
0x256: {  	v1 =	vadd.s32 v43, v18;
	v32 =	vshll.u32 v58, $0x10;
	v43 =	vsub.f32 $1.500000000e+00, v23  }
0x257: {  	v14 =	vadd.s32 v14, v17;
	v16 =	vadd.f32 v16, v22;
	v61 =	vld.idx.msk [tilespmem:v2+s3+$0x0], $0xffff;
	v2 =	vmul.f32 v32, v48  }
0x258: {  	v3 =	vld.idx.msk [tilespmem:v3+s3+$0x0], $0xffff;
	v22 =	vadd.f32 v36, v33;
	v36 =	vmul.f32 v58, v52;
	v58 =	vmul.f32 v43, v0  }
0x259: {  	v29 =	vmax.f32 v29, $0.0e+00;
	v26 =	vld.idx.msk [tilespmem:v4+s3+$0x0], $0xffff;
	v4 =	vadd.s32 v13, v18;
	v13 =	vadd.s32 v13, v17  }
0x25a: {  	v34 =	vmul.f32 v34, v51;
	v2 =	vadd.f32 v2, v15;
	v15 =	vmul.f32 v58, v29;
	v58 =	vld [tilespmem:$0x1FE30]  }
0x25b: {  	v57 =	vld.idx.msk [tilespmem:v57+s3+$0x0], $0xffff  }
0x25c: {  	v20 =	vld.idx.msk [tilespmem:v30+s3+$0x0], $0xffff;
	v16 =	vadd.f32 v34, v16  }
0x25d: {  	v60 =	vshll.u32 v59, $0x10;
	v23 =	vld.idx.msk [tilespmem:v14+s3+$0x0], $0xffff  }
0x25e: {  	v14 =	vld.idx.msk [tilespmem:v13+s3+$0x0], $0xffff;
	v0 =	vmul.f32 v60, v54;
	v43 =	vshll.u32 v45, $0x10;
	v16 =	vadd.f32 v36, v16  }
0x25f: {  	v36 =	vmul.f32 v59, v46;
	v59 =	vshll.u32 v3, $0x10;
	v30 =	vmul.f32 v43, v58;
	v43 =	vld [tilespmem:$0x1FE40]  }
0x260: {  	v32 =	vld [tilespmem:$0x1FE50];
	v34 =	vadd.f32 v0, v2;
	v13 =	vmul.f32 v59, v56  }
0x261: {  	v27 =	vld.idx.msk [tilespmem:v27+s3+$0x0], $0xffff  }
0x262: {  	v13 =	vadd.f32 v13, v34;
	v34 =	vld [tilespmem:$0x1FE70]  }
0x263: {  	v4 =	vld.idx.msk [tilespmem:v4+s3+$0x0], $0xffff;
	v16 =	vadd.f32 v36, v16  }
0x264: {  	v63 =	vld.idx.msk [tilespmem:v63+s3+$0x0], $0xffff;
	v36 =	vshll.u32 v8, $0x10;
	v60 =	vadd.f32 v30, v25;
	v25 =	vmul.f32 v45, v43  }
0x265: {  	v1 =	vld.idx.msk [tilespmem:v1+s3+$0x0], $0xffff;
	v3 =	vmul.f32 v3, v35;
	v45 =	vmul.f32 v36, v32  }
0x266: {  	v30 =	vld [tilespmem:$0x1FEA0];
	v22 =	vadd.f32 v25, v22;
	v25 =	vshll.u32 v9, $0x10  }
0x267: {  	v29 =	vld [tilespmem:$0x1FE60];
	[tilespmem:s22+$0x0] =	vst v15;
	v3 =	vadd.f32 v3, v16;
	v15 =	vadd.f32 v45, v60;
	v59 =	vmul.f32 v25, v34  }
0x268: {  	v25 =	vld [tilespmem:$0x1FE80]  }
0x269: {  	v3 =	vadd.f32 v13, v3;
	v13 =	vadd.f32 v59, v15;
	v59 =	vld [tilespmem:$0x1FE90]  }
0x26a: {  	v0 =	vld [tilespmem:$0x1FEC0]  }
0x26b: {  	v16 =	vadd.f32 v42, v30;
	v30 =	vld [tilespmem:$0x1FEB0]  }
0x26c: {  	v8 =	vmul.f32 v8, v29  }
0x26d: {  	v36 =	vshll.u32 v62, $0x10;
	v60 =	vshll.u32 v6, $0x10  }
0x26e: {  	v8 =	vadd.f32 v8, v22;
	v9 =	vmul.f32 v9, v25;
	v22 =	vmul.f32 v60, v59  }
0x26f: {  	v42 =	vmul.f32 v36, v0  }
0x270: {  	v6 =	vmul.f32 v6, v30;
	v8 =	vadd.f32 v9, v8;
	v33 =	vadd.f32 v22, v13;
	_ =	sdelay $0x1  }
0x271: {  	v6 =	vadd.f32 v6, v8;
	v8 =	vadd.f32 v42, v33;
	v42 =	vld [tilespmem:$0x1FEE0];
	_ =	sdelay $0x1  }
0x272: {  	v2 =	vld [tilespmem:$0x1FED0];
	_ =	sdelay $0x1  }
0x273: {  	v19 =	vld.idx.msk [tilespmem:v19+s15+$0x0], $0xffff;
	v22 =	vshll.u32 v21, $0x10  }
0x274: {  	v33 =	vmul.f32 v22, v42;
	v22 =	vld [tilespmem:$0x1FF00];
	_ =	sdelay $0x1  }
0x275: {  	v45 =	vmul.f32 v62, v2;
	v62 =	vshll.u32 v47, $0x10  }
0x276: {  	v15 =	vmul.f32 v62, v7;
	v62 =	vld [tilespmem:$0x1FEF0]  }
0x277: {  	v6 =	vadd.f32 v45, v6;
	v45 =	vshll.u32 v10, $0x10  }
0x278: {  	v3 =	vmul.f32 v19, v3;
	v7 =	vmul.f32 v45, v22;
	v45 =	vld [tilespmem:$0x1FF20];
	_ =	sdelay $0x1  }
0x279: {  	v3 =	vmul.f32 v3, v53  }
0x27a: {  	v36 =	vmul.f32 v21, v62;
	v8 =	vadd.f32 v33, v8  }
0x27b: {  	v3 =	vadd.f32 v3, v3;
	v21 =	vshll.u32 v12, $0x10  }
0x27c: {  	v6 =	vadd.f32 v36, v6;
	v7 =	vadd.f32 v7, v8;
	v36 =	vmul.f32 v21, v45  }
0x27d: {  	v21 =	vld [tilespmem:$0x1FF30]  }
0x27e: {  	v3 =	vsub.f32 $2.000000000e+00, v3;
	v7 =	vadd.f32 v36, v7;
	v36 =	vld [tilespmem:$0x1FF40]  }
0x27f: {  	v33 =	vld [tilespmem:$0x1FF10]  }
0x280: {  	v13 =	vmul.f32 v47, v5;
	v47 =	vmax.f32 v3, $1.000000000e-30  }
0x281: {  	v19 =	vshrl.u32 v47, $0x1  }
0x282: {  	v9 =	vmul.f32 $5.000000000e-01, v47;
	v47 =	vmul.f32 v12, v21;
	v12 =	vshll.u32 v57, $0x10  }
0x283: {  	v8 =	vmul.f32 v12, v36;
	v12 =	vld [tilespmem:$0x1FF50]  }
0x284: {  	v11 =	vadd.f32 v15, v11;
	v15 =	vsub.s32 $0x5F3759DF, v19;
	v10 =	vmul.f32 v10, v33  }
0x285: {  	v19 =	vmul.f32 v15, v9  }
0x286: {  	v6 =	vadd.f32 v10, v6  }
0x287: {  	v10 =	vmul.f32 v15, v19  }
0x288: {  	v5 =	vadd.f32 v47, v6;
	v47 =	vmul.f32 v57, v12  }
0x289: {  	v10 =	vsub.f32 $1.500000000e+00, v10;
	v7 =	vadd.f32 v8, v7;
	v57 =	vshll.u32 v27, $0x10  }
0x28a: {  	v8 =	vmul.f32 v57, v38;
	v5 =	vadd.f32 v47, v5;
	v47 =	vmul.f32 v27, v40;
	v27 =	vld [tilespmem:$0x1FF60];
	_ =	sdelay $0x1  }
0x28b: {  	v7 =	vadd.f32 v8, v7;
	v8 =	vmul.f32 v15, v10;
	_ =	sdelay $0x1  }
0x28c: {  	v57 =	vshll.u32 v31, $0x10;
	v9 =	vmul.f32 v8, v9  }
0x28d: {  	v3 =	vmax.f32 v3, $0.0e+00;
	v5 =	vadd.f32 v47, v5;
	v19 =	vmul.f32 v57, v27  }
0x28e: {  	v47 =	vmul.f32 v31, v44;
	v57 =	vshll.u32 v28, $0x10;
	v9 =	vmul.f32 v9, v8  }
0x28f: {  	v31 =	vmul.f32 v28, v49;
	v7 =	vadd.f32 v19, v7;
	v19 =	vmul.f32 v57, v50  }
0x290: {  	v5 =	vadd.f32 v47, v5;
	v47 =	vshll.u32 v63, $0x10;
	v9 =	vsub.f32 $1.500000000e+00, v9  }
0x291: {  	v57 =	vmul.f32 v47, v24;
	v7 =	vadd.f32 v19, v7;
	v19 =	vmul.f32 v63, v51;
	v63 =	vld [tilespmem:$0x1FF70]  }
0x292: {  	v28 =	vshll.u32 v61, $0x10;
	v5 =	vadd.f32 v31, v5;
	v8 =	vmul.f32 v9, v8  }
0x293: {  	v31 =	vmul.f32 v28, v48;
	v47 =	vmul.f32 v61, v52;
	v7 =	vadd.f32 v57, v7  }
0x294: {  	v5 =	vadd.f32 v19, v5;
	v57 =	vshll.u32 v1, $0x10;
	v3 =	vmul.f32 v8, v3  }
0x295: {  	v1 =	vmul.f32 v1, v46;
	v61 =	vmul.f32 v57, v54  }
0x296: {  	v7 =	vadd.f32 v31, v7;
	v5 =	vadd.f32 v47, v5;
	[tilespmem:s25+$0x13DA8] =	vst v3;
	v31 =	vmul.f32 v63, v43;
	v43 =	vld [tilespmem:$0x1FF80]  }
0x297: {  	v13 =	vadd.f32 v13, v16;
	v16 =	vshll.u32 v4, $0x10;
	v4 =	vmul.f32 v4, v35;
	v57 =	vld.idx.msk [tilespmem:v18+s15+$0x0], $0xffff  }
0x298: {  	v19 =	vmul.f32 v16, v56;
	v18 =	vld [tilespmem:$0x1FFA0];
	v6 =	vadd.f32 v61, v7;
	v1 =	vadd.f32 v1, v5  }
0x299: {  	v15 =	vshll.u32 v63, $0x10;
	v63 =	vld [tilespmem:$0x1FF90]  }
0x29a: {  	v3 =	vadd.f32 v19, v6;
	v1 =	vadd.f32 v4, v1  }
0x29b: {  	v8 =	vmul.f32 v15, v58;
	v58 =	vadd.f32 v31, v13  }
0x29c: {  	v47 =	vshll.u32 v43, $0x10;
	v61 =	vmul.f32 v43, v29;
	v1 =	vadd.f32 v3, v1  }
0x29d: {  	v28 =	vadd.f32 v8, v11;
	v29 =	vmul.f32 v18, v30;
	v30 =	vld [tilespmem:$0x1FFB0];
	v8 =	vmul.f32 v47, v32  }
0x29e: {  	v13 =	vshll.u32 v63, $0x10;
	v16 =	vmul.f32 v63, v25;
	v43 =	vld [tilespmem:$0x1FFC0];
	v1 =	vmul.f32 v57, v1  }
0x29f: {  	v7 =	vmul.f32 v13, v34;
	v15 =	vadd.f32 v61, v58;
	v5 =	vadd.f32 v8, v28  }
0x2a0: {  	v19 =	vshll.u32 v18, $0x10;
	v1 =	vmul.f32 v1, v53  }
0x2a1: {  	v28 =	vmul.f32 v19, v59;
	v59 =	vld [tilespmem:$0x1FFD0];
	v3 =	vadd.f32 v16, v15;
	v5 =	vadd.f32 v7, v5  }
0x2a2: {  	v31 =	vshll.u32 v30, $0x10;
	v34 =	vmul.f32 v30, v2;
	v1 =	vadd.f32 v1, v1  }
0x2a3: {  	v47 =	vshll.u32 v43, $0x10;
	v58 =	vmul.f32 v43, v62;
	v30 =	vmul.f32 v55, v12  }
0x2a4: {  	v3 =	vadd.f32 v29, v3;
	v32 =	vmul.f32 v31, v0;
	v1 =	vsub.f32 $2.000000000e+00, v1  }
0x2a5: {  	v15 =	vld [tilespmem:$0x1FFE0];
	v57 =	vmul.f32 v47, v42;
	v31 =	vshll.u32 v39, $0x10;
	v4 =	vadd.f32 v28, v5  }
0x2a6: {  	v3 =	vadd.f32 v34, v3;
	v61 =	vshll.u32 v59, $0x10;
	v62 =	vmax.f32 v1, $1.000000000e-30  }
0x2a7: {  	v4 =	vadd.f32 v32, v4;
	v63 =	vshrl.u32 v62, $0x1;
	v6 =	vmul.f32 $5.000000000e-01, v62  }
0x2a8: {  	v13 =	vmul.f32 v59, v33;
	v3 =	vadd.f32 v58, v3;
	v7 =	vsub.s32 $0x5F3759DF, v63  }
0x2a9: {  	v5 =	vmul.f32 v61, v22;
	v4 =	vadd.f32 v57, v4;
	v19 =	vmul.f32 v7, v6  }
0x2aa: {  	v16 =	vshll.u32 v15, $0x10;
	v22 =	vmul.f32 v15, v21;
	v3 =	vadd.f32 v13, v3  }
0x2ab: {  	v18 =	vmul.f32 v16, v45;
	v4 =	vadd.f32 v5, v4;
	v9 =	vmul.f32 v7, v19  }
0x2ac: {  	v42 =	vmul.f32 v26, v49;
	v28 =	vshll.u32 v55, $0x10;
	v3 =	vadd.f32 v22, v3  }
0x2ad: {  	v29 =	vmul.f32 v28, v36;
	v4 =	vadd.f32 v18, v4;
	v9 =	vsub.f32 $1.500000000e+00, v9  }
0x2ae: {  	v47 =	vshll.u32 v23, $0x10;
	v33 =	vmul.f32 v39, v40;
	v3 =	vadd.f32 v30, v3  }
0x2af: {  	v32 =	vmul.f32 v31, v38;
	v4 =	vadd.f32 v29, v4;
	v7 =	vmul.f32 v7, v9  }
0x2b0: {  	v34 =	vshll.u32 v37, $0x10;
	v38 =	vmul.f32 v37, v44;
	v3 =	vadd.f32 v33, v3  }
0x2b1: {  	v36 =	vmul.f32 v34, v27;
	v4 =	vadd.f32 v32, v4;
	v6 =	vmul.f32 v7, v6  }
0x2b2: {  	v49 =	vmul.f32 v47, v48;
	v39 =	vshll.u32 v26, $0x10;
	v3 =	vadd.f32 v38, v3  }
0x2b3: {  	v40 =	vmul.f32 v39, v50;
	v4 =	vadd.f32 v36, v4;
	v6 =	vmul.f32 v6, v7  }
0x2b4: {  	v44 =	vshll.u32 v41, $0x10;
	v45 =	vmul.f32 v41, v51;
	v3 =	vadd.f32 v42, v3  }
0x2b5: {  	v5 =	vmul.f32 v44, v24;
	v4 =	vadd.f32 v40, v4;
	v6 =	vsub.f32 $1.500000000e+00, v6  }
0x2b6: {  	v55 =	vshll.u32 v14, $0x10;
	v50 =	vmul.f32 v23, v52;
	v51 =	vshll.u32 v20, $0x10  }
0x2b7: {  	v3 =	vadd.f32 v45, v3;
	v4 =	vadd.f32 v5, v4;
	v6 =	vmul.f32 v6, v7  }
0x2b8: {  	v1 =	vmax.f32 v1, $0.0e+00;
	v52 =	vmul.f32 v51, v54;
	v54 =	vmul.f32 v20, v46  }
0x2b9: {  	v3 =	vadd.f32 v50, v3;
	v4 =	vadd.f32 v49, v4;
	v1 =	vmul.f32 v6, v1  }
0x2ba: {  	v56 =	vmul.f32 v55, v56  }
0x2bb: {  	v57 =	vmul.f32 v14, v35;
	v0 =	vadd.f32 v54, v3;
	v4 =	vadd.f32 v52, v4;
	[tilespmem:s25+$0x13DB8] =	vst v1  }
0x2bc: {  	v1 =	vld.idx.msk [tilespmem:v17+s15+$0x0], $0xffff  }
0x2bd: {  	v0 =	vadd.f32 v57, v0;
	v3 =	vadd.f32 v56, v4;
	_ =	sdelay $0x1  }
0x2be: {  	v0 =	vadd.f32 v3, v0;
	_ =	sdelay $0x1  }
0x2bf: {  	v0 =	vmul.f32 v1, v0;
	_ =	sdelay $0x1  }
0x2c0: {  	v0 =	vmul.f32 v0, v53;
	_ =	sdelay $0x1  }
0x2c1: {  	v0 =	vadd.f32 v0, v0;
	_ =	sdelay $0x1  }
0x2c2: {  	v0 =	vsub.f32 $2.000000000e+00, v0;
	_ =	sdelay $0x1  }
0x2c3: {  	v61 =	vmax.f32 v0, $1.000000000e-30  }
0x2c4: {  	v62 =	vshrl.u32 v61, $0x1;
	v1 =	vmul.f32 $5.000000000e-01, v61  }
0x2c5: {  	v2 =	vsub.s32 $0x5F3759DF, v62  }
0x2c6: {  	v63 =	vmul.f32 v2, v1;
	_ =	sdelay $0x1  }
0x2c7: {  	v3 =	vmul.f32 v2, v63;
	_ =	sdelay $0x1  }
0x2c8: {  	v3 =	vsub.f32 $1.500000000e+00, v3;
	_ =	sdelay $0x1  }
0x2c9: {  	v2 =	vmul.f32 v2, v3;
	_ =	sdelay $0x1  }
0x2ca: {  	v1 =	vmul.f32 v2, v1;
	_ =	sdelay $0x1  }
0x2cb: {  	v1 =	vmul.f32 v1, v2;
	_ =	sdelay $0x1  }
0x2cc: {  	v1 =	vsub.f32 $1.500000000e+00, v1  }
0x2cd: {  	p0 =	sne.s32 s24, $0x18CE  }
.Ltmp1:
0x2ce: {  	v1 =	vmul.f32 v1, v2;
	(pc) =	sbr.rel @p0 .LBB2_5-.Ltmp1, $4  }
0x2cf: {  	v0 =	vmax.f32 v0, $0.0e+00  }
0x2d0: {  	v0 =	vmul.f32 v1, v0  }
0x2d1: {  	s23 =	sadd.s32 $0x40, s23;
	v43 =	vimm.s32 $0xC  }
0x2d2: {  	s24 =	sadd.s32 $0x32, s24;
	s21 =	sadd.s32 $0x32, s21;
	s22 =	sadd.s32 $0x32, s22;
	v60 =	vld [tilespmem:$0x1FFF0];
	v59 =	vimm.s32 $0xD;
	v58 =	vimm.s32 $0xE;
	v24 =	vimm.s32 $0xB;
	[tilespmem:s25+$0x13DC8] =	vst v0  }
0x2d3: {  	s19 =	sadd.s32 $0x1, s19  }
0x2d4: {  	p0 =	sne.s32 s19, $0x4  }
.Ltmp2:
0x2d5: {  	s20 =	sadd.s32 s7, s20;
	(pc) =	sbr.rel @p0 .LBB2_4-.Ltmp2, $4  }
0x2d6: {  	[hbm4b:s20+s3] =	stream.linear.scatter [tilespmem:s16], [sflag:$0x2], $0x1900, $0x38;
	[tilespmem:$0x156A8] =	vst v63  }
0x2d7: {  	_ =	swait.ge [sflag:s10], $0x1900  }
0x2d8: {  	[sflag:s10] =	ssyncset.done $0x0  }
0x2d9: {  	[sflag:s10] =	ssyncadd.s32 $0xFFFFE700  }
0x2da: {  	s17 =	sadd.s32 $0x1, s17  }
0x2db: {  	p0 =	sne.s32 s17, s9  }
.Ltmp3:
0x2dc: {  	_ = 	snop;
	(pc) =	sbr.rel @p0 .LBB2_1-.Ltmp3, $1  }
0x2dd: {  	_ =	sdelay $0x3  }
0x2de: {  	_ =	sfence.sel $0x180000  }
0x2df: {  	[bflag:$0x0] =	sbarrier.arrive $0xFFFF  }
0x2e0: {  	p0 =	sne.s32 s4, $0x0;
	_ =	strace $0x90000047  }
0x2e1: {  	s0 =	sadd.s32 @!p0 $0x100000, s0;
	[bflag:$0x2] =	sbarrier.arrive $0xFFFF  }
0x2e2: {  	[sflag:s0] =	ssyncadd.tile.s32 @!p0 $0x1;
	_ =	shalt  }
.Lfunc_end2:
_tile_overlayer_lowered:
.L_overlay_start_2:
0x2e3: {  	(tag) =	ssettag $0x2  }
0x2e4: {  	s0 =	rddreg [dreg:$0x0];
	s2 =	stileid.u32  }
0x2e5: {  	s1 =	rddreg [dreg:$0x1];
	p0 =	sne.s32 s2, $0x0  }
0x2e6: {  	s3 =	rddreg [dreg:$0x2];
	[bflag:$0x3] =	sbarrier.arrive $0xFFFF;
	s2 =	simm.s32 @!p0 $0x1C02  }
0x2e7: {  	[timem:s3], [sflag:s2] =	dma.local @!p0 [hbm:s0], s1  }
0x2e8: {  	s0 =	simm.s32 @!p0 $0x2  }
0x2e9: {  	_ =	swait.ge @!p0 [sflag:s0], s1  }
0x2ea: {  	s1 =	ssub.s32 @!p0 $0x0, s1;
	[sflag:s0] =	ssyncset.done @!p0 $0x0  }
0x2eb: {  	[sflag:s0] =	ssyncadd.s32 @!p0 s1  }
0x2ec: {  	[bflag:$0x3] =	sbarrier.arrive $0xFFFF  }
0x2ed: {  	_ =	shalt  }

</sc_bundles>
